<compile_context>
chip_gen: v7x
topology: tpu7x:2x2x1
jax: 0.10.2.dev20260603
libtpu: 0.0.44.dev20260713+nightly
codegen_flags: <defaults>
</compile_context>

<pallas_src>
import functools

import jax
import jax.numpy as jnp
from jax import lax
from jax.experimental import pallas as pl
from jax.experimental.pallas import tpu as pltpu
from jax.experimental.pallas import tpu_sc as plsc

N_NODES = 10000
E = 320000
E2 = 2 * E
D = 128

NC = 2
NS = 16
NW = NC * NS
CB = 128


def _pad_to(n, m):
    return ((n + m - 1) // m) * m


STRIPS = 2
STRIPS_CLF = 4
P_EDGE = _pad_to(E2, STRIPS * NW * CB)
P_CLF = _pad_to(E, STRIPS_CLF * NW * CB)
S_EDGE = P_EDGE // STRIPS
S_CLF = P_CLF // STRIPS_CLF


def _dot(a, b):
    return jax.lax.dot_general(
        a.astype(jnp.bfloat16), b.astype(jnp.bfloat16),
        dimension_numbers=(((1,), (0,)), ((), ())),
        preferred_element_type=jnp.float32)


def _rowsum(t, o):
    th = t.astype(jnp.bfloat16)
    tl = (t - th.astype(jnp.float32)).astype(jnp.bfloat16)
    d = functools.partial(
        jax.lax.dot_general,
        dimension_numbers=(((1,), (0,)), ((), ())),
        preferred_element_type=jnp.float32)
    return d(th, o) + d(tl, o)


def _ln_relu(t, g, bt, o):
    mu = _rowsum(t, o)
    q = _rowsum(t * t, o)
    var = q - mu * mu
    rstd = lax.rsqrt(var + 1e-5)
    return jnp.maximum((t - mu) * rstd * g + bt, 0.0)


def _ln(t, g, bt):
    mu = jnp.mean(t, axis=-1, keepdims=True)
    var = jnp.mean((t - mu) ** 2, axis=-1, keepdims=True)
    return (t - mu) * lax.rsqrt(var + 1e-5) * g + bt



def _enc_body(x_ref, w1, b1, w2, b2, wa, wb, h_ref, a_ref, b_ref):
    h = jnp.maximum(_dot(x_ref[...], w1[...]) + b1[...], 0.0)
    h = jnp.maximum(_dot(h, w2[...]) + b2[...], 0.0)
    h_ref[...] = h
    a_ref[...] = _dot(h, wa[...])
    b_ref[...] = _dot(h, wb[...])


def _enc_call(x, W1, b1, W2, b2, Wa, Wb):
    RB = 1000
    wspec = pl.BlockSpec((D, D), lambda i: (0, 0))
    bspec = pl.BlockSpec((1, D), lambda i: (0, 0))
    rspec = pl.BlockSpec((RB, D), lambda i: (i, 0))
    return pl.pallas_call(
        _enc_body,
        grid=(N_NODES // RB,),
        in_specs=[rspec, wspec, bspec, wspec, bspec, wspec, wspec],
        out_specs=[rspec, rspec, rspec],
        out_shape=[jax.ShapeDtypeStruct((N_NODES, D), jnp.float32)] * 3,
    )(x, W1, b1, W2, b2, Wa, Wb)


def _make_edge_body(limit):
    def _edge_body(ag_ref, bg_ref, b1, g1, t1, w2, b2, g2, t2,
                   w3, b3, g3, t3, w4, b4, g4, t4, e_ref):
        RB = ag_ref.shape[0]
        t = ag_ref[...] + bg_ref[...] + b1[...]
        t = jnp.maximum(_ln(t, g1[...], t1[...]), 0.0)
        t = jnp.maximum(_ln(_dot(t, w2[...]) + b2[...], g2[...], t2[...]), 0.0)
        t = jnp.maximum(_ln(_dot(t, w3[...]) + b3[...], g3[...], t3[...]), 0.0)
        t = jnp.maximum(_ln(_dot(t, w4[...]) + b4[...], g4[...], t4[...]), 0.0)
        row = (pl.program_id(0) * RB
               + lax.broadcasted_iota(jnp.int32, (RB, 1), 0))
        e_ref[...] = jnp.where(row < limit, t, 0.0)
    return _edge_body


def _edge_call(ag, bg, ep, base):
    RB = 2048
    P = ag.shape[0]
    wspec = pl.BlockSpec((D, D), lambda i: (0, 0))
    bspec = pl.BlockSpec((1, D), lambda i: (0, 0))
    rspec = pl.BlockSpec((RB, D), lambda i: (i, 0))
    (w1_, b1, g1, t1), (w2, b2, g2, t2), (w3, b3, g3, t3), (w4, b4, g4, t4) = ep
    args = [ag, bg, b1, g1, t1, w2, b2, g2, t2,
            w3, b3, g3, t3, w4, b4, g4, t4]
    specs = [rspec, rspec, bspec, bspec, bspec, wspec, bspec, bspec,
             bspec, wspec, bspec, bspec, bspec, wspec, bspec, bspec, bspec]
    return pl.pallas_call(
        _make_edge_body(E2 - base),
        grid=(P // RB,),
        in_specs=specs,
        out_specs=rspec,
        out_shape=jax.ShapeDtypeStruct((P, D), jnp.float32),
    )(*args)


def _node_body(h_ref, *refs):
    n_parts = 2 * STRIPS
    parts = refs[:n_parts]
    (wt, wb, b1, g1, t1, w2, b2, g2, t2, w3, b3, g3, t3, w4, b4, g4, t4,
     wct, wcb, a2_ref, b2_ref) = refs[n_parts:]
    h = h_ref[...]
    aggr = parts[0][...]
    for p in parts[1:]:
        aggr = aggr + p[...]
    t = _dot(h, wt[...]) + _dot(aggr, wb[...]) + b1[...]
    t = jnp.maximum(_ln(t, g1[...], t1[...]), 0.0)
    t = jnp.maximum(_ln(_dot(t, w2[...]) + b2[...], g2[...], t2[...]), 0.0)
    t = jnp.maximum(_ln(_dot(t, w3[...]) + b3[...], g3[...], t3[...]), 0.0)
    t = jnp.maximum(_ln(_dot(t, w4[...]) + b4[...], g4[...], t4[...]), 0.0)
    h2 = t + h
    a2_ref[...] = _dot(h2, wct[...])
    b2_ref[...] = _dot(h2, wcb[...])


def _node_call(h, parts, np_, Wct, Wcb):
    RB = 1000
    wspec = pl.BlockSpec((D, D), lambda i: (0, 0))
    bspec = pl.BlockSpec((1, D), lambda i: (0, 0))
    rspec = pl.BlockSpec((RB, D), lambda i: (i, 0))
    (w1, b1, g1, t1), (w2, b2, g2, t2), (w3, b3, g3, t3), (w4, b4, g4, t4) = np_
    args = [h, *parts, w1[:D], w1[D:], b1, g1, t1, w2, b2, g2, t2,
            w3, b3, g3, t3, w4, b4, g4, t4, Wct, Wcb]
    specs = ([rspec] * (1 + len(parts)) + [wspec, wspec]
             + [bspec, bspec, bspec]
             + [wspec, bspec, bspec, bspec] * 3
             + [wspec, wspec])
    return pl.pallas_call(
        _node_body,
        grid=(N_NODES // RB,),
        in_specs=specs,
        out_specs=[rspec, rspec],
        out_shape=[jax.ShapeDtypeStruct((N_NODES, D), jnp.float32)] * 2,
    )(*args)


def _clf_body(ag_ref, bg_ref, b1, w2r, b2, o_ref):
    t = jnp.maximum(ag_ref[...] + bg_ref[...] + b1[...], 0.0)
    tb = t.astype(jnp.bfloat16).astype(jnp.float32)
    wb = w2r[...].astype(jnp.bfloat16).astype(jnp.float32)
    y = jnp.sum(tb * wb, axis=1) + b2[0, 0]
    o_ref[...] = y[None, None, :]


def _clf_call(ag, bg, b1, W2, b2):
    RB = 2048
    P = ag.shape[0]
    rspec = pl.BlockSpec((RB, D), lambda i: (i, 0))
    return pl.pallas_call(
        _clf_body,
        grid=(P // RB,),
        in_specs=[rspec, rspec, pl.BlockSpec((1, D), lambda i: (0, 0)),
                  pl.BlockSpec((1, D), lambda i: (0, 0)),
                  pl.BlockSpec((1, 1), lambda i: (0, 0))],
        out_specs=pl.BlockSpec((1, 1, RB), lambda i: (i, 0, 0)),
        out_shape=jax.ShapeDtypeStruct((P // RB, 1, RB), jnp.float32),
    )(ag, bg, b1, W2.reshape(1, -1), b2)



def _gather_pair_call(P, a, b, ia, ib):
    per_w = P // NW
    n_chunks = per_w // CB
    dt = a.dtype
    W = a.shape[1]
    mesh = plsc.VectorSubcoreMesh(core_axis_name="c", subcore_axis_name="s")

    @functools.partial(
        pl.kernel,
        out_type=(jax.ShapeDtypeStruct((P, W), dt),
                  jax.ShapeDtypeStruct((P, W), dt)),
        mesh=mesh,
        scratch_types=[pltpu.VMEM((CB,), jnp.int32),
                       pltpu.VMEM((CB,), jnp.int32),
                       pltpu.VMEM((CB, W), dt),
                       pltpu.VMEM((CB, W), dt),
                       pltpu.SemaphoreType.DMA,
                       pltpu.SemaphoreType.DMA],
    )
    def gather2(a_hbm, b_hbm, ia_hbm, ib_hbm, oa_hbm, ob_hbm,
                ia_v, ib_v, ra_v, rb_v, sa, sb):
        wid = lax.axis_index("s") * NC + lax.axis_index("c")
        base0 = wid * per_w

        @pl.loop(0, n_chunks)
        def _(i):
            base = base0 + i * CB
            pltpu.sync_copy(ia_hbm.at[pl.ds(base, CB)], ia_v)
            pltpu.sync_copy(ib_hbm.at[pl.ds(base, CB)], ib_v)
            ca = pltpu.async_copy(a_hbm.at[ia_v], ra_v, sa)
            cb = pltpu.async_copy(b_hbm.at[ib_v], rb_v, sb)
            ca.wait()
            cb.wait()
            pltpu.sync_copy(ra_v, oa_hbm.at[pl.ds(base, CB)])
            pltpu.sync_copy(rb_v, ob_hbm.at[pl.ds(base, CB)])

    return gather2(a, b, ia, ib)


def _scatter_add_call(e, idx):
    per_core = e.shape[0] // NC
    per_sub = per_core // NS
    n_chunks = per_sub // CB
    RPS = 624
    LAST = N_NODES - (NS - 1) * RPS
    ZR = 16
    mesh = plsc.VectorSubcoreMesh(core_axis_name="c", subcore_axis_name="s")

    @functools.partial(
        pl.kernel,
        out_type=jax.ShapeDtypeStruct((NC, N_NODES, D), jnp.float32),
        mesh=mesh,
        scratch_types=[pltpu.VMEM((CB,), jnp.int32),
                       pltpu.VMEM((CB, D), jnp.float32),
                       pltpu.VMEM((ZR, D), jnp.float32),
                       pltpu.VMEM_SHARED((N_NODES, D), jnp.float32)],
    )
    def scatter_add(e_hbm, idx_hbm, out_hbm, idx_v, rows_v, z_v, acc_sh):
        cid = lax.axis_index("c")
        sid = lax.axis_index("s")

        @pl.loop(0, ZR)
        def _(r):
            @pl.loop(0, D // 16)
            def _(k):
                z_v[r, pl.ds(k * 16, 16)] = jnp.zeros((16,), jnp.float32)

        @pl.loop(0, LAST // ZR)
        def _(j):
            pltpu.sync_copy(z_v, acc_sh.at[pl.ds(sid * RPS + j * ZR, ZR)])

        plsc.subcore_barrier()
        base0 = cid * per_core + sid * per_sub

        @pl.loop(0, n_chunks)
        def _(i):
            base = base0 + i * CB
            pltpu.sync_copy(idx_hbm.at[pl.ds(base, CB)], idx_v)
            pltpu.sync_copy(e_hbm.at[pl.ds(base, CB)], rows_v)
            pltpu.sync_copy(rows_v, acc_sh.at[idx_v], add=True)

        plsc.subcore_barrier()

        @pl.when(sid != NS - 1)
        def _():
            pltpu.sync_copy(acc_sh.at[pl.ds(sid * RPS, RPS)],
                            out_hbm.at[cid].at[pl.ds(sid * RPS, RPS)])

        @pl.when(sid == NS - 1)
        def _():
            pltpu.sync_copy(acc_sh.at[pl.ds((NS - 1) * RPS, LAST)],
                            out_hbm.at[cid].at[pl.ds((NS - 1) * RPS, LAST)])

    return scatter_add(e, idx)



def kernel(x, edge_index, enc_params, edge_params, node_params, clf_params):
    ei0, ei1 = edge_index[0], edge_index[1]
    send = jnp.concatenate([ei0, ei1])
    recv = jnp.concatenate([ei1, ei0])
    send_p = jnp.pad(send, (0, P_EDGE - E2))
    recv_p = jnp.pad(recv, (0, P_EDGE - E2))
    ei0_p = jnp.pad(ei0, (0, P_CLF - E))
    ei1_p = jnp.pad(ei1, (0, P_CLF - E))

    (W1e, b1e, _, _), (W2e, b2e, _, _) = enc_params
    We1 = edge_params[0][0]
    row = lambda v: v.reshape(1, -1)

    ep = [(w, row(b), row(g), row(bt)) for (w, b, g, bt) in edge_params]
    npar = [(w, row(b), row(g), row(bt)) for (w, b, g, bt) in node_params]
    (Wc1, bc1, _, _), (Wc2, bc2, _, _) = clf_params

    h, A, B = _enc_call(x, W1e, row(b1e), W2e, row(b2e), We1[:D], We1[D:])

    parts = []
    for s in range(STRIPS):
        sl = slice(s * S_EDGE, (s + 1) * S_EDGE)
        Ag, Bg = _gather_pair_call(S_EDGE, A, B, send_p[sl], recv_p[sl])
        e = _edge_call(Ag, Bg, ep, s * S_EDGE)
        ps = _scatter_add_call(e, recv_p[sl])
        parts += [ps[0], ps[1]]

    A2, B2 = _node_call(h, parts, npar, Wc1[:D], Wc1[D:])

    outs = []
    for s in range(STRIPS_CLF):
        sl = slice(s * S_CLF, (s + 1) * S_CLF)
        A2g, B2g = _gather_pair_call(S_CLF, A2, B2, ei0_p[sl], ei1_p[sl])
        outs.append(_clf_call(A2g, B2g, row(bc1), Wc2, bc2.reshape(1, 1)))
    out = jnp.concatenate([o.reshape(-1) for o in outs])
    return out[:E]

# --- scband reference (transcript-rebuilt; emitter-appended) ---
"""Pipeline reference for scband-gnn-52682068852837 (READ-ONLY COPY).

The authoritative reference and input builder live on the scoring server;
editing this copy changes nothing except your own understanding.
"""

import jax, jax.numpy as jnp
import numpy as np

N_NODES = 10000
N_EDGES = 320000
D_IN = 128
D_NODE = 128
D_EDGE = 128

def _init_mlp(key, sizes):
    params = []
    ks = jax.random.split(key, len(sizes) - 1)
    for i in range(len(sizes) - 1):
        W = jax.random.normal(ks[i], (sizes[i], sizes[i + 1]), dtype=jnp.float32) / np.sqrt(sizes[i])
        b = jnp.zeros((sizes[i + 1],), dtype=jnp.float32)
        g = jnp.ones((sizes[i + 1],), dtype=jnp.float32)
        bt = jnp.zeros((sizes[i + 1],), dtype=jnp.float32)
        params.append((W, b, g, bt))
    return params

def _apply_mlp(params, x, layer_norm, output_activation):
    n = len(params)
    for i, (W, b, g, bt) in enumerate(params):
        x = x @ W + b
        last = (i == n - 1)
        if (not last) or output_activation:
            if layer_norm:
                mu = jnp.mean(x, axis=-1, keepdims=True)
                var = jnp.var(x, axis=-1, keepdims=True)
                x = (x - mu) / jnp.sqrt(var + 1e-5) * g + bt
            x = jax.nn.relu(x)
    return x

def setup_inputs(seed: int = 0):
    key = jax.random.key(seed)
    kx, ke, k1, k2, k3, k4 = jax.random.split(key, 6)
    x = jax.random.normal(kx, (N_NODES, D_IN), dtype=jnp.float32)
    edge_index = jax.random.randint(ke, (2, N_EDGES), 0, N_NODES, dtype=jnp.int32)
    enc_params = _init_mlp(k1, [D_IN, D_NODE, D_NODE])
    edge_params = _init_mlp(k2, [2 * D_NODE, D_EDGE, D_EDGE, D_EDGE, D_EDGE])
    node_params = _init_mlp(k3, [D_NODE + D_EDGE, D_NODE, D_NODE, D_NODE, D_NODE])
    clf_params = _init_mlp(k4, [2 * D_NODE, D_EDGE, 1])
    return {"x": x, "edge_index": edge_index, "enc_params": enc_params, "edge_params": edge_params, "node_params": node_params, "clf_params": clf_params}

def reference(x, edge_index, enc_params, edge_params, node_params, clf_params):
    send = jnp.concatenate([edge_index[0], edge_index[1]], axis=0)
    recv = jnp.concatenate([edge_index[1], edge_index[0]], axis=0)
    h = _apply_mlp(enc_params, x, False, True)
    for _ in range(1):
        x0 = h
        edge_inputs = jnp.concatenate([h[send], h[recv]], axis=1)
        e = _apply_mlp(edge_params, edge_inputs, True, True)
        aggr = jax.ops.segment_sum(e, recv, num_segments=h.shape[0])
        node_inputs = jnp.concatenate([h, aggr], axis=1)
        h = _apply_mlp(node_params, node_inputs, True, True)
        h = h + x0
    clf_inputs = jnp.concatenate([h[edge_index[0]], h[edge_index[1]]], axis=1)
    return jnp.squeeze(_apply_mlp(clf_params, clf_inputs, False, False), axis=-1)

if __name__ == "__main__":
    import jax
    _d = setup_inputs()
    print(jax.jit(kernel)(*tuple(_d.values())))

</pallas_src>

<mosaic_0001>
#map = affine_map<(d0, d1) -> (0, 0)>
#map1 = affine_map<(d0, d1) -> (0)>
module attributes {stable_mosaic.version = 14 : i64} {
  func.func @gather2(%arg0: i32, %arg1: i32, %arg2: memref<10000x128xf32, #tpu.memory_space<hbm>>, %arg3: memref<10000x128xf32, #tpu.memory_space<hbm>>, %arg4: memref<323584xi32, #tpu.memory_space<hbm>>, %arg5: memref<323584xi32, #tpu.memory_space<hbm>>, %arg6: memref<323584x128xf32, #tpu.memory_space<hbm>>, %arg7: memref<323584x128xf32, #tpu.memory_space<hbm>>, %arg8: memref<128xi32, #tpu.memory_space<vmem>>, %arg9: memref<128xi32, #tpu.memory_space<vmem>>, %arg10: memref<128x128xf32, #tpu.memory_space<vmem>>, %arg11: memref<128x128xf32, #tpu.memory_space<vmem>>, %arg12: memref<!tpu.dma_semaphore, #tpu.memory_space<semaphore_mem>>, %arg13: memref<!tpu.dma_semaphore, #tpu.memory_space<semaphore_mem>>) attributes {dimension_semantics = [#tpu.dimension_semantics<core_parallel>, #tpu.dimension_semantics<subcore_parallel>], iteration_bounds = array<i64: 2, 16>, scalar_prefetch = 0 : i64, scratch_operands = 6 : i64, tpu.core_type = #tpu.core_type<sc_vector_subcore>, window_params = [{transform_indices = #map}, {transform_indices = #map}, {transform_indices = #map1}, {transform_indices = #map1}, {transform_indices = #map}, {transform_indices = #map}]} {
    %mul3A = arith.constant 2 : i32
    %mul3A_0 = arith.muli %arg1, %mul3A : i32
    %add3A = arith.addi %mul3A_0, %arg0 : i32
    %mul3A_1 = arith.constant 10112 : i32
    %mul3A_2 = arith.muli %add3A, %mul3A_1 : i32
    %scan3A = arith.constant 0 : i32
    %scan3A_3 = arith.constant 79 : i32
    %scan3A_4 = arith.addi %scan3A, %scan3A_3 : i32
    %scan3A_5 = arith.constant 1 : i32
    scf.for %scan3A_7 = %scan3A to %scan3A_4 step %scan3A_5  : i32 {
      %mul3A_8 = arith.constant 1 : i32
      %mul3A_9 = arith.muli %scan3A_7, %mul3A_8 : i32
      %add3A_10 = arith.constant 0 : i32
      %add3A_11 = arith.addi %add3A_10, %mul3A_9 : i32
      %mul3A_12 = arith.constant 128 : i32
      %mul3A_13 = arith.muli %add3A_11, %mul3A_12 : i32
      %add3A_14 = arith.addi %mul3A_2, %mul3A_13 : i32
      "tpu.region"() ({
        %run_scoped3A = tpu.sem_alloc : memref<!tpu.dma_semaphore, #tpu.memory_space<semaphore_mem>>
        %dma_start3A_25 = tpu.memref_slice %arg4[%add3A_14] : memref<323584xi32, #tpu.memory_space<hbm>> -> memref<128xi32, #tpu.memory_space<hbm>>
        %dma_start3A_26 = tpu.memref_slice %arg4[%add3A_14] : memref<323584xi32, #tpu.memory_space<hbm>> -> memref<128xi32, #tpu.memory_space<hbm>>
        tpu.enqueue_dma source(%dma_start3A_26 : memref<128xi32, #tpu.memory_space<hbm>>) target(%arg8 : memref<128xi32, #tpu.memory_space<vmem>>) target_semaphore(%run_scoped3A : memref<!tpu.dma_semaphore, #tpu.memory_space<semaphore_mem>>)
        %dma_wait3A_27 = tpu.memref_slice %arg4[%add3A_14] : memref<323584xi32, #tpu.memory_space<hbm>> -> memref<128xi32, #tpu.memory_space<hbm>>
        %dma_wait3A_28 = tpu.memref_slice %arg4[%add3A_14] : memref<323584xi32, #tpu.memory_space<hbm>> -> memref<128xi32, #tpu.memory_space<hbm>>
        tpu.wait_dma2 semaphore(%run_scoped3A : memref<!tpu.dma_semaphore, #tpu.memory_space<semaphore_mem>>) src(%dma_wait3A_28 : memref<128xi32, #tpu.memory_space<hbm>>) dst(%arg8 : memref<128xi32, #tpu.memory_space<vmem>>)
        tpu.yield
      }) : () -> ()
      "tpu.region"() ({
        %run_scoped3A = tpu.sem_alloc : memref<!tpu.dma_semaphore, #tpu.memory_space<semaphore_mem>>
        %dma_start3A_25 = tpu.memref_slice %arg5[%add3A_14] : memref<323584xi32, #tpu.memory_space<hbm>> -> memref<128xi32, #tpu.memory_space<hbm>>
        %dma_start3A_26 = tpu.memref_slice %arg5[%add3A_14] : memref<323584xi32, #tpu.memory_space<hbm>> -> memref<128xi32, #tpu.memory_space<hbm>>
        tpu.enqueue_dma source(%dma_start3A_26 : memref<128xi32, #tpu.memory_space<hbm>>) target(%arg9 : memref<128xi32, #tpu.memory_space<vmem>>) target_semaphore(%run_scoped3A : memref<!tpu.dma_semaphore, #tpu.memory_space<semaphore_mem>>)
        %dma_wait3A_27 = tpu.memref_slice %arg5[%add3A_14] : memref<323584xi32, #tpu.memory_space<hbm>> -> memref<128xi32, #tpu.memory_space<hbm>>
        %dma_wait3A_28 = tpu.memref_slice %arg5[%add3A_14] : memref<323584xi32, #tpu.memory_space<hbm>> -> memref<128xi32, #tpu.memory_space<hbm>>
        tpu.wait_dma2 semaphore(%run_scoped3A : memref<!tpu.dma_semaphore, #tpu.memory_space<semaphore_mem>>) src(%dma_wait3A_28 : memref<128xi32, #tpu.memory_space<hbm>>) dst(%arg9 : memref<128xi32, #tpu.memory_space<vmem>>)
        tpu.yield
      }) : () -> ()
      %dma_start3A = arith.constant 0 : i32
      %dma_start3A_15 = arith.constant 0 : i32
      %dma_start3A_16 = tpu.memref_slice %arg2[%dma_start3A, %dma_start3A_15] : memref<10000x128xf32, #tpu.memory_space<hbm>> -> memref<10000x128xf32, #tpu.memory_space<hbm>>
      tpu.enqueue_indirect_dma source(%dma_start3A_16 : memref<10000x128xf32, #tpu.memory_space<hbm>>) target(%arg10 : memref<128x128xf32, #tpu.memory_space<vmem>>) offsets(%arg8 : memref<128xi32, #tpu.memory_space<vmem>>) semaphore(%arg12 : memref<!tpu.dma_semaphore, #tpu.memory_space<semaphore_mem>>)
      %dma_start3A_17 = arith.constant 0 : i32
      %dma_start3A_18 = arith.constant 0 : i32
      %dma_start3A_19 = tpu.memref_slice %arg3[%dma_start3A_17, %dma_start3A_18] : memref<10000x128xf32, #tpu.memory_space<hbm>> -> memref<10000x128xf32, #tpu.memory_space<hbm>>
      tpu.enqueue_indirect_dma source(%dma_start3A_19 : memref<10000x128xf32, #tpu.memory_space<hbm>>) target(%arg11 : memref<128x128xf32, #tpu.memory_space<vmem>>) offsets(%arg9 : memref<128xi32, #tpu.memory_space<vmem>>) semaphore(%arg13 : memref<!tpu.dma_semaphore, #tpu.memory_space<semaphore_mem>>)
      %dma_wait3A = arith.constant 0 : i32
      %dma_wait3A_20 = arith.constant 0 : i32
      %dma_wait3A_21 = tpu.memref_slice %arg2[%dma_wait3A, %dma_wait3A_20] : memref<10000x128xf32, #tpu.memory_space<hbm>> -> memref<10000x128xf32, #tpu.memory_space<hbm>>
      tpu.wait_indirect_dma semaphore(%arg12 : memref<!tpu.dma_semaphore, #tpu.memory_space<semaphore_mem>>) src(%dma_wait3A_21 : memref<10000x128xf32, #tpu.memory_space<hbm>>) dst(%arg10 : memref<128x128xf32, #tpu.memory_space<vmem>>)
      %dma_wait3A_22 = arith.constant 0 : i32
      %dma_wait3A_23 = arith.constant 0 : i32
      %dma_wait3A_24 = tpu.memref_slice %arg3[%dma_wait3A_22, %dma_wait3A_23] : memref<10000x128xf32, #tpu.memory_space<hbm>> -> memref<10000x128xf32, #tpu.memory_space<hbm>>
      tpu.wait_indirect_dma semaphore(%arg13 : memref<!tpu.dma_semaphore, #tpu.memory_space<semaphore_mem>>) src(%dma_wait3A_24 : memref<10000x128xf32, #tpu.memory_space<hbm>>) dst(%arg11 : memref<128x128xf32, #tpu.memory_space<vmem>>)
      "tpu.region"() ({
        %run_scoped3A = tpu.sem_alloc : memref<!tpu.dma_semaphore, #tpu.memory_space<semaphore_mem>>
        %dma_start3A_25 = arith.constant 0 : i32
        %dma_start3A_26 = tpu.memref_slice %arg6[%add3A_14, %dma_start3A_25] : memref<323584x128xf32, #tpu.memory_space<hbm>> -> memref<128x128xf32, #tpu.memory_space<hbm>>
        %dma_start3A_27 = arith.constant 0 : i32
        %dma_start3A_28 = tpu.memref_slice %arg6[%add3A_14, %dma_start3A_27] : memref<323584x128xf32, #tpu.memory_space<hbm>> -> memref<128x128xf32, #tpu.memory_space<hbm>>
        tpu.enqueue_dma source(%arg10 : memref<128x128xf32, #tpu.memory_space<vmem>>) target(%dma_start3A_28 : memref<128x128xf32, #tpu.memory_space<hbm>>) target_semaphore(%run_scoped3A : memref<!tpu.dma_semaphore, #tpu.memory_space<semaphore_mem>>)
        %dma_wait3A_29 = arith.constant 0 : i32
        %dma_wait3A_30 = tpu.memref_slice %arg6[%add3A_14, %dma_wait3A_29] : memref<323584x128xf32, #tpu.memory_space<hbm>> -> memref<128x128xf32, #tpu.memory_space<hbm>>
        %dma_wait3A_31 = arith.constant 0 : i32
        %dma_wait3A_32 = tpu.memref_slice %arg6[%add3A_14, %dma_wait3A_31] : memref<323584x128xf32, #tpu.memory_space<hbm>> -> memref<128x128xf32, #tpu.memory_space<hbm>>
        tpu.wait_dma2 semaphore(%run_scoped3A : memref<!tpu.dma_semaphore, #tpu.memory_space<semaphore_mem>>) src(%arg10 : memref<128x128xf32, #tpu.memory_space<vmem>>) dst(%dma_wait3A_32 : memref<128x128xf32, #tpu.memory_space<hbm>>)
        tpu.yield
      }) : () -> ()
      "tpu.region"() ({
        %run_scoped3A = tpu.sem_alloc : memref<!tpu.dma_semaphore, #tpu.memory_space<semaphore_mem>>
        %dma_start3A_25 = arith.constant 0 : i32
        %dma_start3A_26 = tpu.memref_slice %arg7[%add3A_14, %dma_start3A_25] : memref<323584x128xf32, #tpu.memory_space<hbm>> -> memref<128x128xf32, #tpu.memory_space<hbm>>
        %dma_start3A_27 = arith.constant 0 : i32
        %dma_start3A_28 = tpu.memref_slice %arg7[%add3A_14, %dma_start3A_27] : memref<323584x128xf32, #tpu.memory_space<hbm>> -> memref<128x128xf32, #tpu.memory_space<hbm>>
        tpu.enqueue_dma source(%arg11 : memref<128x128xf32, #tpu.memory_space<vmem>>) target(%dma_start3A_28 : memref<128x128xf32, #tpu.memory_space<hbm>>) target_semaphore(%run_scoped3A : memref<!tpu.dma_semaphore, #tpu.memory_space<semaphore_mem>>)
        %dma_wait3A_29 = arith.constant 0 : i32
        %dma_wait3A_30 = tpu.memref_slice %arg7[%add3A_14, %dma_wait3A_29] : memref<323584x128xf32, #tpu.memory_space<hbm>> -> memref<128x128xf32, #tpu.memory_space<hbm>>
        %dma_wait3A_31 = arith.constant 0 : i32
        %dma_wait3A_32 = tpu.memref_slice %arg7[%add3A_14, %dma_wait3A_31] : memref<323584x128xf32, #tpu.memory_space<hbm>> -> memref<128x128xf32, #tpu.memory_space<hbm>>
        tpu.wait_dma2 semaphore(%run_scoped3A : memref<!tpu.dma_semaphore, #tpu.memory_space<semaphore_mem>>) src(%arg11 : memref<128x128xf32, #tpu.memory_space<vmem>>) dst(%dma_wait3A_32 : memref<128x128xf32, #tpu.memory_space<hbm>>)
        tpu.yield
      }) : () -> ()
    }
    %scan3A_6 = arith.constant 79 : i32
    return
  }
}

#map = affine_map<(d0, d1) -> (0, 0)>
#map1 = affine_map<(d0, d1) -> (0)>
#map2 = affine_map<(d0, d1) -> (0, 0, 0)>
module attributes {stable_mosaic.version = 14 : i64} {
  func.func @scatter_add(%arg0: i32, %arg1: i32, %arg2: memref<323584x128xf32, #tpu.memory_space<hbm>>, %arg3: memref<323584xi32, #tpu.memory_space<hbm>>, %arg4: memref<2x10000x128xf32, #tpu.memory_space<hbm>>, %arg5: memref<128xi32, #tpu.memory_space<vmem>>, %arg6: memref<128x128xf32, #tpu.memory_space<vmem>>, %arg7: memref<16x128xf32, #tpu.memory_space<vmem>>, %arg8: memref<10000x128xf32, #tpu.memory_space<vmem_shared>>) attributes {dimension_semantics = [#tpu.dimension_semantics<core_parallel>, #tpu.dimension_semantics<subcore_parallel>], iteration_bounds = array<i64: 2, 16>, scalar_prefetch = 0 : i64, scratch_operands = 4 : i64, tpu.core_type = #tpu.core_type<sc_vector_subcore>, window_params = [{transform_indices = #map}, {transform_indices = #map1}, {transform_indices = #map2}]} {
    %scan3A = arith.constant 0 : i32
    %scan3A_0 = arith.constant 16 : i32
    %scan3A_1 = arith.addi %scan3A, %scan3A_0 : i32
    %scan3A_2 = arith.constant 1 : i32
    scf.for %scan3A_24 = %scan3A to %scan3A_1 step %scan3A_2  : i32 {
      %mul3A_25 = arith.constant 1 : i32
      %mul3A_26 = arith.muli %scan3A_24, %mul3A_25 : i32
      %add3A_27 = arith.constant 0 : i32
      %add3A_28 = arith.addi %add3A_27, %mul3A_26 : i32
      %scan3A_29 = arith.constant 0 : i32
      %scan3A_30 = arith.constant 8 : i32
      %scan3A_31 = arith.addi %scan3A_29, %scan3A_30 : i32
      %scan3A_32 = arith.constant 1 : i32
      scf.for %scan3A_34 = %scan3A_29 to %scan3A_31 step %scan3A_32  : i32 {
        %mul3A_35 = arith.constant 1 : i32
        %mul3A_36 = arith.muli %scan3A_34, %mul3A_35 : i32
        %add3A_37 = arith.constant 0 : i32
        %add3A_38 = arith.addi %add3A_37, %mul3A_36 : i32
        %broadcast_in_dim3A = arith.constant 0.000000e+00 : f32
        %broadcast_in_dim3A_39 = vector.broadcast %broadcast_in_dim3A : f32 to vector<16xf32>
        %mul3A_40 = arith.constant 16 : i32
        %mul3A_41 = arith.muli %add3A_38, %mul3A_40 : i32
        %swap3A = arith.index_cast %add3A_28 : i32 to index
        %swap3A_42 = arith.index_cast %mul3A_41 : i32 to index
        %swap3A_43 = tpu.vector_load %arg7[%swap3A, %swap3A_42] {strides = array<i32>} : memref<16x128xf32, #tpu.memory_space<vmem>>, vector<1x16xf32>,
        %swap3A_44 = vector.shape_cast %swap3A_43 : vector<1x16xf32> to vector<16xf32>
        %swap3A_45 = vector.shape_cast %broadcast_in_dim3A_39 : vector<16xf32> to vector<1x16xf32>
        tpu.vector_store %arg7[%swap3A, %swap3A_42], %swap3A_45 {strides = array<i32>} : memref<16x128xf32, #tpu.memory_space<vmem>>, vector<1x16xf32>,
      }
      %scan3A_33 = arith.constant 8 : i32
    }
    %scan3A_3 = arith.constant 16 : i32
    %scan3A_4 = arith.constant 0 : i32
    %scan3A_5 = arith.constant 40 : i32
    %scan3A_6 = arith.addi %scan3A_4, %scan3A_5 : i32
    %scan3A_7 = arith.constant 1 : i32
    scf.for %scan3A_24 = %scan3A_4 to %scan3A_6 step %scan3A_7  : i32 {
      %mul3A_25 = arith.constant 1 : i32
      %mul3A_26 = arith.muli %scan3A_24, %mul3A_25 : i32
      %add3A_27 = arith.constant 0 : i32
      %add3A_28 = arith.addi %add3A_27, %mul3A_26 : i32
      %mul3A_29 = arith.constant 624 : i32
      %mul3A_30 = arith.muli %arg1, %mul3A_29 : i32
      %mul3A_31 = arith.constant 16 : i32
      %mul3A_32 = arith.muli %add3A_28, %mul3A_31 : i32
      %add3A_33 = arith.addi %mul3A_30, %mul3A_32 : i32
      "tpu.region"() ({
        %run_scoped3A = tpu.sem_alloc : memref<!tpu.dma_semaphore, #tpu.memory_space<semaphore_mem>>
        %dma_start3A = arith.constant 0 : i32
        %dma_start3A_34 = tpu.memref_slice %arg8[%add3A_33, %dma_start3A] : memref<10000x128xf32, #tpu.memory_space<vmem_shared>> -> memref<16x128xf32, #tpu.memory_space<vmem_shared>>
        %dma_start3A_35 = arith.constant 0 : i32
        %dma_start3A_36 = tpu.memref_slice %arg8[%add3A_33, %dma_start3A_35] : memref<10000x128xf32, #tpu.memory_space<vmem_shared>> -> memref<16x128xf32, #tpu.memory_space<vmem_shared>>
        tpu.enqueue_dma source(%arg7 : memref<16x128xf32, #tpu.memory_space<vmem>>) target(%dma_start3A_36 : memref<16x128xf32, #tpu.memory_space<vmem_shared>>) target_semaphore(%run_scoped3A : memref<!tpu.dma_semaphore, #tpu.memory_space<semaphore_mem>>)
        %dma_wait3A = arith.constant 0 : i32
        %dma_wait3A_37 = tpu.memref_slice %arg8[%add3A_33, %dma_wait3A] : memref<10000x128xf32, #tpu.memory_space<vmem_shared>> -> memref<16x128xf32, #tpu.memory_space<vmem_shared>>
        %dma_wait3A_38 = arith.constant 0 : i32
        %dma_wait3A_39 = tpu.memref_slice %arg8[%add3A_33, %dma_wait3A_38] : memref<10000x128xf32, #tpu.memory_space<vmem_shared>> -> memref<16x128xf32, #tpu.memory_space<vmem_shared>>
        tpu.wait_dma2 semaphore(%run_scoped3A : memref<!tpu.dma_semaphore, #tpu.memory_space<semaphore_mem>>) src(%arg7 : memref<16x128xf32, #tpu.memory_space<vmem>>) dst(%dma_wait3A_39 : memref<16x128xf32, #tpu.memory_space<vmem_shared>>)
        tpu.yield
      }) : () -> ()
    }
    %scan3A_8 = arith.constant 40 : i32
    %barrier3A = arith.constant 0 : index
    tpu.barrier barrier_id(%barrier3A)
    %mul3A = arith.constant 161792 : i32
    %mul3A_9 = arith.muli %arg0, %mul3A : i32
    %mul3A_10 = arith.constant 10112 : i32
    %mul3A_11 = arith.muli %arg1, %mul3A_10 : i32
    %add3A = arith.addi %mul3A_9, %mul3A_11 : i32
    %scan3A_12 = arith.constant 0 : i32
    %scan3A_13 = arith.constant 79 : i32
    %scan3A_14 = arith.addi %scan3A_12, %scan3A_13 : i32
    %scan3A_15 = arith.constant 1 : i32
    scf.for %scan3A_24 = %scan3A_12 to %scan3A_14 step %scan3A_15  : i32 {
      %mul3A_25 = arith.constant 1 : i32
      %mul3A_26 = arith.muli %scan3A_24, %mul3A_25 : i32
      %add3A_27 = arith.constant 0 : i32
      %add3A_28 = arith.addi %add3A_27, %mul3A_26 : i32
      %mul3A_29 = arith.constant 128 : i32
      %mul3A_30 = arith.muli %add3A_28, %mul3A_29 : i32
      %add3A_31 = arith.addi %add3A, %mul3A_30 : i32
      "tpu.region"() ({
        %run_scoped3A = tpu.sem_alloc : memref<!tpu.dma_semaphore, #tpu.memory_space<semaphore_mem>>
        %dma_start3A = tpu.memref_slice %arg3[%add3A_31] : memref<323584xi32, #tpu.memory_space<hbm>> -> memref<128xi32, #tpu.memory_space<hbm>>
        %dma_start3A_32 = tpu.memref_slice %arg3[%add3A_31] : memref<323584xi32, #tpu.memory_space<hbm>> -> memref<128xi32, #tpu.memory_space<hbm>>
        tpu.enqueue_dma source(%dma_start3A_32 : memref<128xi32, #tpu.memory_space<hbm>>) target(%arg5 : memref<128xi32, #tpu.memory_space<vmem>>) target_semaphore(%run_scoped3A : memref<!tpu.dma_semaphore, #tpu.memory_space<semaphore_mem>>)
        %dma_wait3A = tpu.memref_slice %arg3[%add3A_31] : memref<323584xi32, #tpu.memory_space<hbm>> -> memref<128xi32, #tpu.memory_space<hbm>>
        %dma_wait3A_33 = tpu.memref_slice %arg3[%add3A_31] : memref<323584xi32, #tpu.memory_space<hbm>> -> memref<128xi32, #tpu.memory_space<hbm>>
        tpu.wait_dma2 semaphore(%run_scoped3A : memref<!tpu.dma_semaphore, #tpu.memory_space<semaphore_mem>>) src(%dma_wait3A_33 : memref<128xi32, #tpu.memory_space<hbm>>) dst(%arg5 : memref<128xi32, #tpu.memory_space<vmem>>)
        tpu.yield
      }) : () -> ()
      "tpu.region"() ({
        %run_scoped3A = tpu.sem_alloc : memref<!tpu.dma_semaphore, #tpu.memory_space<semaphore_mem>>
        %dma_start3A = arith.constant 0 : i32
        %dma_start3A_32 = tpu.memref_slice %arg2[%add3A_31, %dma_start3A] : memref<323584x128xf32, #tpu.memory_space<hbm>> -> memref<128x128xf32, #tpu.memory_space<hbm>>
        %dma_start3A_33 = arith.constant 0 : i32
        %dma_start3A_34 = tpu.memref_slice %arg2[%add3A_31, %dma_start3A_33] : memref<323584x128xf32, #tpu.memory_space<hbm>> -> memref<128x128xf32, #tpu.memory_space<hbm>>
        tpu.enqueue_dma source(%dma_start3A_34 : memref<128x128xf32, #tpu.memory_space<hbm>>) target(%arg6 : memref<128x128xf32, #tpu.memory_space<vmem>>) target_semaphore(%run_scoped3A : memref<!tpu.dma_semaphore, #tpu.memory_space<semaphore_mem>>)
        %dma_wait3A = arith.constant 0 : i32
        %dma_wait3A_35 = tpu.memref_slice %arg2[%add3A_31, %dma_wait3A] : memref<323584x128xf32, #tpu.memory_space<hbm>> -> memref<128x128xf32, #tpu.memory_space<hbm>>
        %dma_wait3A_36 = arith.constant 0 : i32
        %dma_wait3A_37 = tpu.memref_slice %arg2[%add3A_31, %dma_wait3A_36] : memref<323584x128xf32, #tpu.memory_space<hbm>> -> memref<128x128xf32, #tpu.memory_space<hbm>>
        tpu.wait_dma2 semaphore(%run_scoped3A : memref<!tpu.dma_semaphore, #tpu.memory_space<semaphore_mem>>) src(%dma_wait3A_37 : memref<128x128xf32, #tpu.memory_space<hbm>>) dst(%arg6 : memref<128x128xf32, #tpu.memory_space<vmem>>)
        tpu.yield
      }) : () -> ()
      "tpu.region"() ({
        %run_scoped3A = tpu.sem_alloc : memref<!tpu.dma_semaphore, #tpu.memory_space<semaphore_mem>>
        %dma_start3A = arith.constant 0 : i32
        %dma_start3A_32 = arith.constant 0 : i32
        %dma_start3A_33 = tpu.memref_slice %arg8[%dma_start3A, %dma_start3A_32] : memref<10000x128xf32, #tpu.memory_space<vmem_shared>> -> memref<10000x128xf32, #tpu.memory_space<vmem_shared>>
        tpu.enqueue_indirect_dma source(%arg6 : memref<128x128xf32, #tpu.memory_space<vmem>>) target(%dma_start3A_33 : memref<10000x128xf32, #tpu.memory_space<vmem_shared>>) offsets(%arg5 : memref<128xi32, #tpu.memory_space<vmem>>) semaphore(%run_scoped3A : memref<!tpu.dma_semaphore, #tpu.memory_space<semaphore_mem>>) {add = true}
        %dma_wait3A = arith.constant 0 : i32
        %dma_wait3A_34 = arith.constant 0 : i32
        %dma_wait3A_35 = tpu.memref_slice %arg8[%dma_wait3A, %dma_wait3A_34] : memref<10000x128xf32, #tpu.memory_space<vmem_shared>> -> memref<10000x128xf32, #tpu.memory_space<vmem_shared>>
        tpu.wait_indirect_dma semaphore(%run_scoped3A : memref<!tpu.dma_semaphore, #tpu.memory_space<semaphore_mem>>) src(%arg6 : memref<128x128xf32, #tpu.memory_space<vmem>>) dst(%dma_wait3A_35 : memref<10000x128xf32, #tpu.memory_space<vmem_shared>>)
        tpu.yield
      }) : () -> ()
    }
    %scan3A_16 = arith.constant 79 : i32
    %barrier3A_17 = arith.constant 0 : index
    tpu.barrier barrier_id(%barrier3A_17)
    %ne3A = arith.constant 15 : i32
    %ne3A_18 = arith.cmpi ne, %arg1, %ne3A : i32
    %convert_element_type3A = arith.extui %ne3A_18 : i1 to i32
    %cond3A = arith.constant 0 : i32
    %cond3A_19 = arith.cmpi ne, %convert_element_type3A, %cond3A : i32
    scf.if %cond3A_19 {
      %mul3A_24 = arith.constant 624 : i32
      %mul3A_25 = arith.muli %arg1, %mul3A_24 : i32
      %mul3A_26 = arith.constant 624 : i32
      %mul3A_27 = arith.muli %arg1, %mul3A_26 : i32
      "tpu.region"() ({
        %run_scoped3A = tpu.sem_alloc : memref<!tpu.dma_semaphore, #tpu.memory_space<semaphore_mem>>
        %dma_start3A = arith.constant 0 : i32
        %dma_start3A_28 = arith.constant 0 : i32
        %dma_start3A_29 = tpu.memref_slice %arg4[%arg0, %dma_start3A, %dma_start3A_28] : memref<2x10000x128xf32, #tpu.memory_space<hbm>> -> memref<1x10000x128xf32, #tpu.memory_space<hbm>>
        %dma_start3A_30 = tpu.memref_squeeze %dma_start3A_29 : memref<1x10000x128xf32, #tpu.memory_space<hbm>> -> memref<10000x128xf32, #tpu.memory_space<hbm>>
        %dma_start3A_31 = arith.constant 0 : i32
        %dma_start3A_32 = tpu.memref_slice %dma_start3A_30[%mul3A_27, %dma_start3A_31] : memref<10000x128xf32, #tpu.memory_space<hbm>> -> memref<624x128xf32, #tpu.memory_space<hbm>>
        %dma_start3A_33 = arith.constant 0 : i32
        %dma_start3A_34 = tpu.memref_slice %arg8[%mul3A_25, %dma_start3A_33] : memref<10000x128xf32, #tpu.memory_space<vmem_shared>> -> memref<624x128xf32, #tpu.memory_space<vmem_shared>>
        tpu.enqueue_dma source(%dma_start3A_34 : memref<624x128xf32, #tpu.memory_space<vmem_shared>>) target(%dma_start3A_32 : memref<624x128xf32, #tpu.memory_space<hbm>>) target_semaphore(%run_scoped3A : memref<!tpu.dma_semaphore, #tpu.memory_space<semaphore_mem>>)
        %dma_wait3A = arith.constant 0 : i32
        %dma_wait3A_35 = arith.constant 0 : i32
        %dma_wait3A_36 = tpu.memref_slice %arg4[%arg0, %dma_wait3A, %dma_wait3A_35] : memref<2x10000x128xf32, #tpu.memory_space<hbm>> -> memref<1x10000x128xf32, #tpu.memory_space<hbm>>
        %dma_wait3A_37 = tpu.memref_squeeze %dma_wait3A_36 : memref<1x10000x128xf32, #tpu.memory_space<hbm>> -> memref<10000x128xf32, #tpu.memory_space<hbm>>
        %dma_wait3A_38 = arith.constant 0 : i32
        %dma_wait3A_39 = tpu.memref_slice %dma_wait3A_37[%mul3A_27, %dma_wait3A_38] : memref<10000x128xf32, #tpu.memory_space<hbm>> -> memref<624x128xf32, #tpu.memory_space<hbm>>
        %dma_wait3A_40 = arith.constant 0 : i32
        %dma_wait3A_41 = tpu.memref_slice %arg8[%mul3A_25, %dma_wait3A_40] : memref<10000x128xf32, #tpu.memory_space<vmem_shared>> -> memref<624x128xf32, #tpu.memory_space<vmem_shared>>
        tpu.wait_dma2 semaphore(%run_scoped3A : memref<!tpu.dma_semaphore, #tpu.memory_space<semaphore_mem>>) src(%dma_wait3A_41 : memref<624x128xf32, #tpu.memory_space<vmem_shared>>) dst(%dma_wait3A_39 : memref<624x128xf32, #tpu.memory_space<hbm>>)
        tpu.yield
      }) : () -> ()
    } else {
    }
    %eq3A = arith.constant 15 : i32
    %eq3A_20 = arith.cmpi eq, %arg1, %eq3A : i32
    %convert_element_type3A_21 = arith.extui %eq3A_20 : i1 to i32
    %cond3A_22 = arith.constant 0 : i32
    %cond3A_23 = arith.cmpi ne, %convert_element_type3A_21, %cond3A_22 : i32
    scf.if %cond3A_23 {
      "tpu.region"() ({
        %run_scoped3A = tpu.sem_alloc : memref<!tpu.dma_semaphore, #tpu.memory_space<semaphore_mem>>
        %dma_start3A = arith.constant 0 : i32
        %dma_start3A_24 = arith.constant 0 : i32
        %dma_start3A_25 = tpu.memref_slice %arg4[%arg0, %dma_start3A, %dma_start3A_24] : memref<2x10000x128xf32, #tpu.memory_space<hbm>> -> memref<1x10000x128xf32, #tpu.memory_space<hbm>>
        %dma_start3A_26 = tpu.memref_squeeze %dma_start3A_25 : memref<1x10000x128xf32, #tpu.memory_space<hbm>> -> memref<10000x128xf32, #tpu.memory_space<hbm>>
        %dma_start3A_27 = arith.constant 9360 : i32
        %dma_start3A_28 = arith.constant 0 : i32
        %dma_start3A_29 = tpu.memref_slice %dma_start3A_26[%dma_start3A_27, %dma_start3A_28] : memref<10000x128xf32, #tpu.memory_space<hbm>> -> memref<640x128xf32, #tpu.memory_space<hbm>>
        %dma_start3A_30 = arith.constant 9360 : i32
        %dma_start3A_31 = arith.constant 0 : i32
        %dma_start3A_32 = tpu.memref_slice %arg8[%dma_start3A_30, %dma_start3A_31] : memref<10000x128xf32, #tpu.memory_space<vmem_shared>> -> memref<640x128xf32, #tpu.memory_space<vmem_shared>>
        tpu.enqueue_dma source(%dma_start3A_32 : memref<640x128xf32, #tpu.memory_space<vmem_shared>>) target(%dma_start3A_29 : memref<640x128xf32, #tpu.memory_space<hbm>>) target_semaphore(%run_scoped3A : memref<!tpu.dma_semaphore, #tpu.memory_space<semaphore_mem>>)
        %dma_wait3A = arith.constant 0 : i32
        %dma_wait3A_33 = arith.constant 0 : i32
        %dma_wait3A_34 = tpu.memref_slice %arg4[%arg0, %dma_wait3A, %dma_wait3A_33] : memref<2x10000x128xf32, #tpu.memory_space<hbm>> -> memref<1x10000x128xf32, #tpu.memory_space<hbm>>
        %dma_wait3A_35 = tpu.memref_squeeze %dma_wait3A_34 : memref<1x10000x128xf32, #tpu.memory_space<hbm>> -> memref<10000x128xf32, #tpu.memory_space<hbm>>
        %dma_wait3A_36 = arith.constant 9360 : i32
        %dma_wait3A_37 = arith.constant 0 : i32
        %dma_wait3A_38 = tpu.memref_slice %dma_wait3A_35[%dma_wait3A_36, %dma_wait3A_37] : memref<10000x128xf32, #tpu.memory_space<hbm>> -> memref<640x128xf32, #tpu.memory_space<hbm>>
        %dma_wait3A_39 = arith.constant 9360 : i32
        %dma_wait3A_40 = arith.constant 0 : i32
        %dma_wait3A_41 = tpu.memref_slice %arg8[%dma_wait3A_39, %dma_wait3A_40] : memref<10000x128xf32, #tpu.memory_space<vmem_shared>> -> memref<640x128xf32, #tpu.memory_space<vmem_shared>>
        tpu.wait_dma2 semaphore(%run_scoped3A : memref<!tpu.dma_semaphore, #tpu.memory_space<semaphore_mem>>) src(%dma_wait3A_41 : memref<640x128xf32, #tpu.memory_space<vmem_shared>>) dst(%dma_wait3A_38 : memref<640x128xf32, #tpu.memory_space<hbm>>)
        tpu.yield
      }) : () -> ()
    } else {
    }
    return
  }
}

#map = affine_map<(d0, d1) -> (0, 0)>
#map1 = affine_map<(d0, d1) -> (0)>
#map2 = affine_map<(d0, d1) -> (0, 0, 0)>
module attributes {stable_mosaic.version = 14 : i64} {
  func.func @scatter_add(%arg0: i32, %arg1: i32, %arg2: memref<323584x128xf32, #tpu.memory_space<hbm>>, %arg3: memref<323584xi32, #tpu.memory_space<hbm>>, %arg4: memref<2x10000x128xf32, #tpu.memory_space<hbm>>, %arg5: memref<128xi32, #tpu.memory_space<vmem>>, %arg6: memref<128x128xf32, #tpu.memory_space<vmem>>, %arg7: memref<16x128xf32, #tpu.memory_space<vmem>>, %arg8: memref<10000x128xf32, #tpu.memory_space<vmem_shared>>) attributes {dimension_semantics = [#tpu.dimension_semantics<core_parallel>, #tpu.dimension_semantics<subcore_parallel>], iteration_bounds = array<i64: 2, 16>, scalar_prefetch = 0 : i64, scratch_operands = 4 : i64, tpu.core_type = #tpu.core_type<sc_vector_subcore>, window_params = [{transform_indices = #map}, {transform_indices = #map1}, {transform_indices = #map2}]} {
    %scan3A = arith.constant 0 : i32
    %scan3A_0 = arith.constant 16 : i32
    %scan3A_1 = arith.addi %scan3A, %scan3A_0 : i32
    %scan3A_2 = arith.constant 1 : i32
    scf.for %scan3A_24 = %scan3A to %scan3A_1 step %scan3A_2  : i32 {
      %mul3A_25 = arith.constant 1 : i32
      %mul3A_26 = arith.muli %scan3A_24, %mul3A_25 : i32
      %add3A_27 = arith.constant 0 : i32
      %add3A_28 = arith.addi %add3A_27, %mul3A_26 : i32
      %scan3A_29 = arith.constant 0 : i32
      %scan3A_30 = arith.constant 8 : i32
      %scan3A_31 = arith.addi %scan3A_29, %scan3A_30 : i32
      %scan3A_32 = arith.constant 1 : i32
      scf.for %scan3A_34 = %scan3A_29 to %scan3A_31 step %scan3A_32  : i32 {
        %mul3A_35 = arith.constant 1 : i32
        %mul3A_36 = arith.muli %scan3A_34, %mul3A_35 : i32
        %add3A_37 = arith.constant 0 : i32
        %add3A_38 = arith.addi %add3A_37, %mul3A_36 : i32
        %broadcast_in_dim3A = arith.constant 0.000000e+00 : f32
        %broadcast_in_dim3A_39 = vector.broadcast %broadcast_in_dim3A : f32 to vector<16xf32>
        %mul3A_40 = arith.constant 16 : i32
        %mul3A_41 = arith.muli %add3A_38, %mul3A_40 : i32
        %swap3A = arith.index_cast %add3A_28 : i32 to index
        %swap3A_42 = arith.index_cast %mul3A_41 : i32 to index
        %swap3A_43 = tpu.vector_load %arg7[%swap3A, %swap3A_42] {strides = array<i32>} : memref<16x128xf32, #tpu.memory_space<vmem>>, vector<1x16xf32>,
        %swap3A_44 = vector.shape_cast %swap3A_43 : vector<1x16xf32> to vector<16xf32>
        %swap3A_45 = vector.shape_cast %broadcast_in_dim3A_39 : vector<16xf32> to vector<1x16xf32>
        tpu.vector_store %arg7[%swap3A, %swap3A_42], %swap3A_45 {strides = array<i32>} : memref<16x128xf32, #tpu.memory_space<vmem>>, vector<1x16xf32>,
      }
      %scan3A_33 = arith.constant 8 : i32
    }
    %scan3A_3 = arith.constant 16 : i32
    %scan3A_4 = arith.constant 0 : i32
    %scan3A_5 = arith.constant 40 : i32
    %scan3A_6 = arith.addi %scan3A_4, %scan3A_5 : i32
    %scan3A_7 = arith.constant 1 : i32
    scf.for %scan3A_24 = %scan3A_4 to %scan3A_6 step %scan3A_7  : i32 {
      %mul3A_25 = arith.constant 1 : i32
      %mul3A_26 = arith.muli %scan3A_24, %mul3A_25 : i32
      %add3A_27 = arith.constant 0 : i32
      %add3A_28 = arith.addi %add3A_27, %mul3A_26 : i32
      %mul3A_29 = arith.constant 624 : i32
      %mul3A_30 = arith.muli %arg1, %mul3A_29 : i32
      %mul3A_31 = arith.constant 16 : i32
      %mul3A_32 = arith.muli %add3A_28, %mul3A_31 : i32
      %add3A_33 = arith.addi %mul3A_30, %mul3A_32 : i32
      "tpu.region"() ({
        %run_scoped3A = tpu.sem_alloc : memref<!tpu.dma_semaphore, #tpu.memory_space<semaphore_mem>>
        %dma_start3A = arith.constant 0 : i32
        %dma_start3A_34 = tpu.memref_slice %arg8[%add3A_33, %dma_start3A] : memref<10000x128xf32, #tpu.memory_space<vmem_shared>> -> memref<16x128xf32, #tpu.memory_space<vmem_shared>>
        %dma_start3A_35 = arith.constant 0 : i32
        %dma_start3A_36 = tpu.memref_slice %arg8[%add3A_33, %dma_start3A_35] : memref<10000x128xf32, #tpu.memory_space<vmem_shared>> -> memref<16x128xf32, #tpu.memory_space<vmem_shared>>
        tpu.enqueue_dma source(%arg7 : memref<16x128xf32, #tpu.memory_space<vmem>>) target(%dma_start3A_36 : memref<16x128xf32, #tpu.memory_space<vmem_shared>>) target_semaphore(%run_scoped3A : memref<!tpu.dma_semaphore, #tpu.memory_space<semaphore_mem>>)
        %dma_wait3A = arith.constant 0 : i32
        %dma_wait3A_37 = tpu.memref_slice %arg8[%add3A_33, %dma_wait3A] : memref<10000x128xf32, #tpu.memory_space<vmem_shared>> -> memref<16x128xf32, #tpu.memory_space<vmem_shared>>
        %dma_wait3A_38 = arith.constant 0 : i32
        %dma_wait3A_39 = tpu.memref_slice %arg8[%add3A_33, %dma_wait3A_38] : memref<10000x128xf32, #tpu.memory_space<vmem_shared>> -> memref<16x128xf32, #tpu.memory_space<vmem_shared>>
        tpu.wait_dma2 semaphore(%run_scoped3A : memref<!tpu.dma_semaphore, #tpu.memory_space<semaphore_mem>>) src(%arg7 : memref<16x128xf32, #tpu.memory_space<vmem>>) dst(%dma_wait3A_39 : memref<16x128xf32, #tpu.memory_space<vmem_shared>>)
        tpu.yield
      }) : () -> ()
    }
    %scan3A_8 = arith.constant 40 : i32
    %barrier3A = arith.constant 0 : index
    tpu.barrier barrier_id(%barrier3A)
    %mul3A = arith.constant 161792 : i32
    %mul3A_9 = arith.muli %arg0, %mul3A : i32
    %mul3A_10 = arith.constant 10112 : i32
    %mul3A_11 = arith.muli %arg1, %mul3A_10 : i32
    %add3A = arith.addi %mul3A_9, %mul3A_11 : i32
    %scan3A_12 = arith.constant 0 : i32
    %scan3A_13 = arith.constant 79 : i32
    %scan3A_14 = arith.addi %scan3A_12, %scan3A_13 : i32
    %scan3A_15 = arith.constant 1 : i32
    scf.for %scan3A_24 = %scan3A_12 to %scan3A_14 step %scan3A_15  : i32 {
      %mul3A_25 = arith.constant 1 : i32
      %mul3A_26 = arith.muli %scan3A_24, %mul3A_25 : i32
      %add3A_27 = arith.constant 0 : i32
      %add3A_28 = arith.addi %add3A_27, %mul3A_26 : i32
      %mul3A_29 = arith.constant 128 : i32
      %mul3A_30 = arith.muli %add3A_28, %mul3A_29 : i32
      %add3A_31 = arith.addi %add3A, %mul3A_30 : i32
      "tpu.region"() ({
        %run_scoped3A = tpu.sem_alloc : memref<!tpu.dma_semaphore, #tpu.memory_space<semaphore_mem>>
        %dma_start3A = tpu.memref_slice %arg3[%add3A_31] : memref<323584xi32, #tpu.memory_space<hbm>> -> memref<128xi32, #tpu.memory_space<hbm>>
        %dma_start3A_32 = tpu.memref_slice %arg3[%add3A_31] : memref<323584xi32, #tpu.memory_space<hbm>> -> memref<128xi32, #tpu.memory_space<hbm>>
        tpu.enqueue_dma source(%dma_start3A_32 : memref<128xi32, #tpu.memory_space<hbm>>) target(%arg5 : memref<128xi32, #tpu.memory_space<vmem>>) target_semaphore(%run_scoped3A : memref<!tpu.dma_semaphore, #tpu.memory_space<semaphore_mem>>)
        %dma_wait3A = tpu.memref_slice %arg3[%add3A_31] : memref<323584xi32, #tpu.memory_space<hbm>> -> memref<128xi32, #tpu.memory_space<hbm>>
        %dma_wait3A_33 = tpu.memref_slice %arg3[%add3A_31] : memref<323584xi32, #tpu.memory_space<hbm>> -> memref<128xi32, #tpu.memory_space<hbm>>
        tpu.wait_dma2 semaphore(%run_scoped3A : memref<!tpu.dma_semaphore, #tpu.memory_space<semaphore_mem>>) src(%dma_wait3A_33 : memref<128xi32, #tpu.memory_space<hbm>>) dst(%arg5 : memref<128xi32, #tpu.memory_space<vmem>>)
        tpu.yield
      }) : () -> ()
      "tpu.region"() ({
        %run_scoped3A = tpu.sem_alloc : memref<!tpu.dma_semaphore, #tpu.memory_space<semaphore_mem>>
        %dma_start3A = arith.constant 0 : i32
        %dma_start3A_32 = tpu.memref_slice %arg2[%add3A_31, %dma_start3A] : memref<323584x128xf32, #tpu.memory_space<hbm>> -> memref<128x128xf32, #tpu.memory_space<hbm>>
        %dma_start3A_33 = arith.constant 0 : i32
        %dma_start3A_34 = tpu.memref_slice %arg2[%add3A_31, %dma_start3A_33] : memref<323584x128xf32, #tpu.memory_space<hbm>> -> memref<128x128xf32, #tpu.memory_space<hbm>>
        tpu.enqueue_dma source(%dma_start3A_34 : memref<128x128xf32, #tpu.memory_space<hbm>>) target(%arg6 : memref<128x128xf32, #tpu.memory_space<vmem>>) target_semaphore(%run_scoped3A : memref<!tpu.dma_semaphore, #tpu.memory_space<semaphore_mem>>)
        %dma_wait3A = arith.constant 0 : i32
        %dma_wait3A_35 = tpu.memref_slice %arg2[%add3A_31, %dma_wait3A] : memref<323584x128xf32, #tpu.memory_space<hbm>> -> memref<128x128xf32, #tpu.memory_space<hbm>>
        %dma_wait3A_36 = arith.constant 0 : i32
        %dma_wait3A_37 = tpu.memref_slice %arg2[%add3A_31, %dma_wait3A_36] : memref<323584x128xf32, #tpu.memory_space<hbm>> -> memref<128x128xf32, #tpu.memory_space<hbm>>
        tpu.wait_dma2 semaphore(%run_scoped3A : memref<!tpu.dma_semaphore, #tpu.memory_space<semaphore_mem>>) src(%dma_wait3A_37 : memref<128x128xf32, #tpu.memory_space<hbm>>) dst(%arg6 : memref<128x128xf32, #tpu.memory_space<vmem>>)
        tpu.yield
      }) : () -> ()
      "tpu.region"() ({
        %run_scoped3A = tpu.sem_alloc : memref<!tpu.dma_semaphore, #tpu.memory_space<semaphore_mem>>
        %dma_start3A = arith.constant 0 : i32
        %dma_start3A_32 = arith.constant 0 : i32
        %dma_start3A_33 = tpu.memref_slice %arg8[%dma_start3A, %dma_start3A_32] : memref<10000x128xf32, #tpu.memory_space<vmem_shared>> -> memref<10000x128xf32, #tpu.memory_space<vmem_shared>>
        tpu.enqueue_indirect_dma source(%arg6 : memref<128x128xf32, #tpu.memory_space<vmem>>) target(%dma_start3A_33 : memref<10000x128xf32, #tpu.memory_space<vmem_shared>>) offsets(%arg5 : memref<128xi32, #tpu.memory_space<vmem>>) semaphore(%run_scoped3A : memref<!tpu.dma_semaphore, #tpu.memory_space<semaphore_mem>>) {add = true}
        %dma_wait3A = arith.constant 0 : i32
        %dma_wait3A_34 = arith.constant 0 : i32
        %dma_wait3A_35 = tpu.memref_slice %arg8[%dma_wait3A, %dma_wait3A_34] : memref<10000x128xf32, #tpu.memory_space<vmem_shared>> -> memref<10000x128xf32, #tpu.memory_space<vmem_shared>>
        tpu.wait_indirect_dma semaphore(%run_scoped3A : memref<!tpu.dma_semaphore, #tpu.memory_space<semaphore_mem>>) src(%arg6 : memref<128x128xf32, #tpu.memory_space<vmem>>) dst(%dma_wait3A_35 : memref<10000x128xf32, #tpu.memory_space<vmem_shared>>)
        tpu.yield
      }) : () -> ()
    }
    %scan3A_16 = arith.constant 79 : i32
    %barrier3A_17 = arith.constant 0 : index
    tpu.barrier barrier_id(%barrier3A_17)
    %ne3A = arith.constant 15 : i32
    %ne3A_18 = arith.cmpi ne, %arg1, %ne3A : i32
    %convert_element_type3A = arith.extui %ne3A_18 : i1 to i32
    %cond3A = arith.constant 0 : i32
    %cond3A_19 = arith.cmpi ne, %convert_element_type3A, %cond3A : i32
    scf.if %cond3A_19 {
      %mul3A_24 = arith.constant 624 : i32
      %mul3A_25 = arith.muli %arg1, %mul3A_24 : i32
      %mul3A_26 = arith.constant 624 : i32
      %mul3A_27 = arith.muli %arg1, %mul3A_26 : i32
      "tpu.region"() ({
        %run_scoped3A = tpu.sem_alloc : memref<!tpu.dma_semaphore, #tpu.memory_space<semaphore_mem>>
        %dma_start3A = arith.constant 0 : i32
        %dma_start3A_28 = arith.constant 0 : i32
        %dma_start3A_29 = tpu.memref_slice %arg4[%arg0, %dma_start3A, %dma_start3A_28] : memref<2x10000x128xf32, #tpu.memory_space<hbm>> -> memref<1x10000x128xf32, #tpu.memory_space<hbm>>
        %dma_start3A_30 = tpu.memref_squeeze %dma_start3A_29 : memref<1x10000x128xf32, #tpu.memory_space<hbm>> -> memref<10000x128xf32, #tpu.memory_space<hbm>>
        %dma_start3A_31 = arith.constant 0 : i32
        %dma_start3A_32 = tpu.memref_slice %dma_start3A_30[%mul3A_27, %dma_start3A_31] : memref<10000x128xf32, #tpu.memory_space<hbm>> -> memref<624x128xf32, #tpu.memory_space<hbm>>
        %dma_start3A_33 = arith.constant 0 : i32
        %dma_start3A_34 = tpu.memref_slice %arg8[%mul3A_25, %dma_start3A_33] : memref<10000x128xf32, #tpu.memory_space<vmem_shared>> -> memref<624x128xf32, #tpu.memory_space<vmem_shared>>
        tpu.enqueue_dma source(%dma_start3A_34 : memref<624x128xf32, #tpu.memory_space<vmem_shared>>) target(%dma_start3A_32 : memref<624x128xf32, #tpu.memory_space<hbm>>) target_semaphore(%run_scoped3A : memref<!tpu.dma_semaphore, #tpu.memory_space<semaphore_mem>>)
        %dma_wait3A = arith.constant 0 : i32
        %dma_wait3A_35 = arith.constant 0 : i32
        %dma_wait3A_36 = tpu.memref_slice %arg4[%arg0, %dma_wait3A, %dma_wait3A_35] : memref<2x10000x128xf32, #tpu.memory_space<hbm>> -> memref<1x10000x128xf32, #tpu.memory_space<hbm>>
        %dma_wait3A_37 = tpu.memref_squeeze %dma_wait3A_36 : memref<1x10000x128xf32, #tpu.memory_space<hbm>> -> memref<10000x128xf32, #tpu.memory_space<hbm>>
        %dma_wait3A_38 = arith.constant 0 : i32
        %dma_wait3A_39 = tpu.memref_slice %dma_wait3A_37[%mul3A_27, %dma_wait3A_38] : memref<10000x128xf32, #tpu.memory_space<hbm>> -> memref<624x128xf32, #tpu.memory_space<hbm>>
        %dma_wait3A_40 = arith.constant 0 : i32
        %dma_wait3A_41 = tpu.memref_slice %arg8[%mul3A_25, %dma_wait3A_40] : memref<10000x128xf32, #tpu.memory_space<vmem_shared>> -> memref<624x128xf32, #tpu.memory_space<vmem_shared>>
        tpu.wait_dma2 semaphore(%run_scoped3A : memref<!tpu.dma_semaphore, #tpu.memory_space<semaphore_mem>>) src(%dma_wait3A_41 : memref<624x128xf32, #tpu.memory_space<vmem_shared>>) dst(%dma_wait3A_39 : memref<624x128xf32, #tpu.memory_space<hbm>>)
        tpu.yield
      }) : () -> ()
    } else {
    }
    %eq3A = arith.constant 15 : i32
    %eq3A_20 = arith.cmpi eq, %arg1, %eq3A : i32
    %convert_element_type3A_21 = arith.extui %eq3A_20 : i1 to i32
    %cond3A_22 = arith.constant 0 : i32
    %cond3A_23 = arith.cmpi ne, %convert_element_type3A_21, %cond3A_22 : i32
    scf.if %cond3A_23 {
      "tpu.region"() ({
        %run_scoped3A = tpu.sem_alloc : memref<!tpu.dma_semaphore, #tpu.memory_space<semaphore_mem>>
        %dma_start3A = arith.constant 0 : i32
        %dma_start3A_24 = arith.constant 0 : i32
        %dma_start3A_25 = tpu.memref_slice %arg4[%arg0, %dma_start3A, %dma_start3A_24] : memref<2x10000x128xf32, #tpu.memory_space<hbm>> -> memref<1x10000x128xf32, #tpu.memory_space<hbm>>
        %dma_start3A_26 = tpu.memref_squeeze %dma_start3A_25 : memref<1x10000x128xf32, #tpu.memory_space<hbm>> -> memref<10000x128xf32, #tpu.memory_space<hbm>>
        %dma_start3A_27 = arith.constant 9360 : i32
        %dma_start3A_28 = arith.constant 0 : i32
        %dma_start3A_29 = tpu.memref_slice %dma_start3A_26[%dma_start3A_27, %dma_start3A_28] : memref<10000x128xf32, #tpu.memory_space<hbm>> -> memref<640x128xf32, #tpu.memory_space<hbm>>
        %dma_start3A_30 = arith.constant 9360 : i32
        %dma_start3A_31 = arith.constant 0 : i32
        %dma_start3A_32 = tpu.memref_slice %arg8[%dma_start3A_30, %dma_start3A_31] : memref<10000x128xf32, #tpu.memory_space<vmem_shared>> -> memref<640x128xf32, #tpu.memory_space<vmem_shared>>
        tpu.enqueue_dma source(%dma_start3A_32 : memref<640x128xf32, #tpu.memory_space<vmem_shared>>) target(%dma_start3A_29 : memref<640x128xf32, #tpu.memory_space<hbm>>) target_semaphore(%run_scoped3A : memref<!tpu.dma_semaphore, #tpu.memory_space<semaphore_mem>>)
        %dma_wait3A = arith.constant 0 : i32
        %dma_wait3A_33 = arith.constant 0 : i32
        %dma_wait3A_34 = tpu.memref_slice %arg4[%arg0, %dma_wait3A, %dma_wait3A_33] : memref<2x10000x128xf32, #tpu.memory_space<hbm>> -> memref<1x10000x128xf32, #tpu.memory_space<hbm>>
        %dma_wait3A_35 = tpu.memref_squeeze %dma_wait3A_34 : memref<1x10000x128xf32, #tpu.memory_space<hbm>> -> memref<10000x128xf32, #tpu.memory_space<hbm>>
        %dma_wait3A_36 = arith.constant 9360 : i32
        %dma_wait3A_37 = arith.constant 0 : i32
        %dma_wait3A_38 = tpu.memref_slice %dma_wait3A_35[%dma_wait3A_36, %dma_wait3A_37] : memref<10000x128xf32, #tpu.memory_space<hbm>> -> memref<640x128xf32, #tpu.memory_space<hbm>>
        %dma_wait3A_39 = arith.constant 9360 : i32
        %dma_wait3A_40 = arith.constant 0 : i32
        %dma_wait3A_41 = tpu.memref_slice %arg8[%dma_wait3A_39, %dma_wait3A_40] : memref<10000x128xf32, #tpu.memory_space<vmem_shared>> -> memref<640x128xf32, #tpu.memory_space<vmem_shared>>
        tpu.wait_dma2 semaphore(%run_scoped3A : memref<!tpu.dma_semaphore, #tpu.memory_space<semaphore_mem>>) src(%dma_wait3A_41 : memref<640x128xf32, #tpu.memory_space<vmem_shared>>) dst(%dma_wait3A_38 : memref<640x128xf32, #tpu.memory_space<hbm>>)
        tpu.yield
      }) : () -> ()
    } else {
    }
    return
  }
}

#map = affine_map<(d0, d1) -> (0, 0)>
#map1 = affine_map<(d0, d1) -> (0)>
module attributes {stable_mosaic.version = 14 : i64} {
  func.func @gather2(%arg0: i32, %arg1: i32, %arg2: memref<10000x128xf32, #tpu.memory_space<hbm>>, %arg3: memref<10000x128xf32, #tpu.memory_space<hbm>>, %arg4: memref<323584xi32, #tpu.memory_space<hbm>>, %arg5: memref<323584xi32, #tpu.memory_space<hbm>>, %arg6: memref<323584x128xf32, #tpu.memory_space<hbm>>, %arg7: memref<323584x128xf32, #tpu.memory_space<hbm>>, %arg8: memref<128xi32, #tpu.memory_space<vmem>>, %arg9: memref<128xi32, #tpu.memory_space<vmem>>, %arg10: memref<128x128xf32, #tpu.memory_space<vmem>>, %arg11: memref<128x128xf32, #tpu.memory_space<vmem>>, %arg12: memref<!tpu.dma_semaphore, #tpu.memory_space<semaphore_mem>>, %arg13: memref<!tpu.dma_semaphore, #tpu.memory_space<semaphore_mem>>) attributes {dimension_semantics = [#tpu.dimension_semantics<core_parallel>, #tpu.dimension_semantics<subcore_parallel>], iteration_bounds = array<i64: 2, 16>, scalar_prefetch = 0 : i64, scratch_operands = 6 : i64, tpu.core_type = #tpu.core_type<sc_vector_subcore>, window_params = [{transform_indices = #map}, {transform_indices = #map}, {transform_indices = #map1}, {transform_indices = #map1}, {transform_indices = #map}, {transform_indices = #map}]} {
    %mul3A = arith.constant 2 : i32
    %mul3A_0 = arith.muli %arg1, %mul3A : i32
    %add3A = arith.addi %mul3A_0, %arg0 : i32
    %mul3A_1 = arith.constant 10112 : i32
    %mul3A_2 = arith.muli %add3A, %mul3A_1 : i32
    %scan3A = arith.constant 0 : i32
    %scan3A_3 = arith.constant 79 : i32
    %scan3A_4 = arith.addi %scan3A, %scan3A_3 : i32
    %scan3A_5 = arith.constant 1 : i32
    scf.for %scan3A_7 = %scan3A to %scan3A_4 step %scan3A_5  : i32 {
      %mul3A_8 = arith.constant 1 : i32
      %mul3A_9 = arith.muli %scan3A_7, %mul3A_8 : i32
      %add3A_10 = arith.constant 0 : i32
      %add3A_11 = arith.addi %add3A_10, %mul3A_9 : i32
      %mul3A_12 = arith.constant 128 : i32
      %mul3A_13 = arith.muli %add3A_11, %mul3A_12 : i32
      %add3A_14 = arith.addi %mul3A_2, %mul3A_13 : i32
      "tpu.region"() ({
        %run_scoped3A = tpu.sem_alloc : memref<!tpu.dma_semaphore, #tpu.memory_space<semaphore_mem>>
        %dma_start3A_25 = tpu.memref_slice %arg4[%add3A_14] : memref<323584xi32, #tpu.memory_space<hbm>> -> memref<128xi32, #tpu.memory_space<hbm>>
        %dma_start3A_26 = tpu.memref_slice %arg4[%add3A_14] : memref<323584xi32, #tpu.memory_space<hbm>> -> memref<128xi32, #tpu.memory_space<hbm>>
        tpu.enqueue_dma source(%dma_start3A_26 : memref<128xi32, #tpu.memory_space<hbm>>) target(%arg8 : memref<128xi32, #tpu.memory_space<vmem>>) target_semaphore(%run_scoped3A : memref<!tpu.dma_semaphore, #tpu.memory_space<semaphore_mem>>)
        %dma_wait3A_27 = tpu.memref_slice %arg4[%add3A_14] : memref<323584xi32, #tpu.memory_space<hbm>> -> memref<128xi32, #tpu.memory_space<hbm>>
        %dma_wait3A_28 = tpu.memref_slice %arg4[%add3A_14] : memref<323584xi32, #tpu.memory_space<hbm>> -> memref<128xi32, #tpu.memory_space<hbm>>
        tpu.wait_dma2 semaphore(%run_scoped3A : memref<!tpu.dma_semaphore, #tpu.memory_space<semaphore_mem>>) src(%dma_wait3A_28 : memref<128xi32, #tpu.memory_space<hbm>>) dst(%arg8 : memref<128xi32, #tpu.memory_space<vmem>>)
        tpu.yield
      }) : () -> ()
      "tpu.region"() ({
        %run_scoped3A = tpu.sem_alloc : memref<!tpu.dma_semaphore, #tpu.memory_space<semaphore_mem>>
        %dma_start3A_25 = tpu.memref_slice %arg5[%add3A_14] : memref<323584xi32, #tpu.memory_space<hbm>> -> memref<128xi32, #tpu.memory_space<hbm>>
        %dma_start3A_26 = tpu.memref_slice %arg5[%add3A_14] : memref<323584xi32, #tpu.memory_space<hbm>> -> memref<128xi32, #tpu.memory_space<hbm>>
        tpu.enqueue_dma source(%dma_start3A_26 : memref<128xi32, #tpu.memory_space<hbm>>) target(%arg9 : memref<128xi32, #tpu.memory_space<vmem>>) target_semaphore(%run_scoped3A : memref<!tpu.dma_semaphore, #tpu.memory_space<semaphore_mem>>)
        %dma_wait3A_27 = tpu.memref_slice %arg5[%add3A_14] : memref<323584xi32, #tpu.memory_space<hbm>> -> memref<128xi32, #tpu.memory_space<hbm>>
        %dma_wait3A_28 = tpu.memref_slice %arg5[%add3A_14] : memref<323584xi32, #tpu.memory_space<hbm>> -> memref<128xi32, #tpu.memory_space<hbm>>
        tpu.wait_dma2 semaphore(%run_scoped3A : memref<!tpu.dma_semaphore, #tpu.memory_space<semaphore_mem>>) src(%dma_wait3A_28 : memref<128xi32, #tpu.memory_space<hbm>>) dst(%arg9 : memref<128xi32, #tpu.memory_space<vmem>>)
        tpu.yield
      }) : () -> ()
      %dma_start3A = arith.constant 0 : i32
      %dma_start3A_15 = arith.constant 0 : i32
      %dma_start3A_16 = tpu.memref_slice %arg2[%dma_start3A, %dma_start3A_15] : memref<10000x128xf32, #tpu.memory_space<hbm>> -> memref<10000x128xf32, #tpu.memory_space<hbm>>
      tpu.enqueue_indirect_dma source(%dma_start3A_16 : memref<10000x128xf32, #tpu.memory_space<hbm>>) target(%arg10 : memref<128x128xf32, #tpu.memory_space<vmem>>) offsets(%arg8 : memref<128xi32, #tpu.memory_space<vmem>>) semaphore(%arg12 : memref<!tpu.dma_semaphore, #tpu.memory_space<semaphore_mem>>)
      %dma_start3A_17 = arith.constant 0 : i32
      %dma_start3A_18 = arith.constant 0 : i32
      %dma_start3A_19 = tpu.memref_slice %arg3[%dma_start3A_17, %dma_start3A_18] : memref<10000x128xf32, #tpu.memory_space<hbm>> -> memref<10000x128xf32, #tpu.memory_space<hbm>>
      tpu.enqueue_indirect_dma source(%dma_start3A_19 : memref<10000x128xf32, #tpu.memory_space<hbm>>) target(%arg11 : memref<128x128xf32, #tpu.memory_space<vmem>>) offsets(%arg9 : memref<128xi32, #tpu.memory_space<vmem>>) semaphore(%arg13 : memref<!tpu.dma_semaphore, #tpu.memory_space<semaphore_mem>>)
      %dma_wait3A = arith.constant 0 : i32
      %dma_wait3A_20 = arith.constant 0 : i32
      %dma_wait3A_21 = tpu.memref_slice %arg2[%dma_wait3A, %dma_wait3A_20] : memref<10000x128xf32, #tpu.memory_space<hbm>> -> memref<10000x128xf32, #tpu.memory_space<hbm>>
      tpu.wait_indirect_dma semaphore(%arg12 : memref<!tpu.dma_semaphore, #tpu.memory_space<semaphore_mem>>) src(%dma_wait3A_21 : memref<10000x128xf32, #tpu.memory_space<hbm>>) dst(%arg10 : memref<128x128xf32, #tpu.memory_space<vmem>>)
      %dma_wait3A_22 = arith.constant 0 : i32
      %dma_wait3A_23 = arith.constant 0 : i32
      %dma_wait3A_24 = tpu.memref_slice %arg3[%dma_wait3A_22, %dma_wait3A_23] : memref<10000x128xf32, #tpu.memory_space<hbm>> -> memref<10000x128xf32, #tpu.memory_space<hbm>>
      tpu.wait_indirect_dma semaphore(%arg13 : memref<!tpu.dma_semaphore, #tpu.memory_space<semaphore_mem>>) src(%dma_wait3A_24 : memref<10000x128xf32, #tpu.memory_space<hbm>>) dst(%arg11 : memref<128x128xf32, #tpu.memory_space<vmem>>)
      "tpu.region"() ({
        %run_scoped3A = tpu.sem_alloc : memref<!tpu.dma_semaphore, #tpu.memory_space<semaphore_mem>>
        %dma_start3A_25 = arith.constant 0 : i32
        %dma_start3A_26 = tpu.memref_slice %arg6[%add3A_14, %dma_start3A_25] : memref<323584x128xf32, #tpu.memory_space<hbm>> -> memref<128x128xf32, #tpu.memory_space<hbm>>
        %dma_start3A_27 = arith.constant 0 : i32
        %dma_start3A_28 = tpu.memref_slice %arg6[%add3A_14, %dma_start3A_27] : memref<323584x128xf32, #tpu.memory_space<hbm>> -> memref<128x128xf32, #tpu.memory_space<hbm>>
        tpu.enqueue_dma source(%arg10 : memref<128x128xf32, #tpu.memory_space<vmem>>) target(%dma_start3A_28 : memref<128x128xf32, #tpu.memory_space<hbm>>) target_semaphore(%run_scoped3A : memref<!tpu.dma_semaphore, #tpu.memory_space<semaphore_mem>>)
        %dma_wait3A_29 = arith.constant 0 : i32
        %dma_wait3A_30 = tpu.memref_slice %arg6[%add3A_14, %dma_wait3A_29] : memref<323584x128xf32, #tpu.memory_space<hbm>> -> memref<128x128xf32, #tpu.memory_space<hbm>>
        %dma_wait3A_31 = arith.constant 0 : i32
        %dma_wait3A_32 = tpu.memref_slice %arg6[%add3A_14, %dma_wait3A_31] : memref<323584x128xf32, #tpu.memory_space<hbm>> -> memref<128x128xf32, #tpu.memory_space<hbm>>
        tpu.wait_dma2 semaphore(%run_scoped3A : memref<!tpu.dma_semaphore, #tpu.memory_space<semaphore_mem>>) src(%arg10 : memref<128x128xf32, #tpu.memory_space<vmem>>) dst(%dma_wait3A_32 : memref<128x128xf32, #tpu.memory_space<hbm>>)
        tpu.yield
      }) : () -> ()
      "tpu.region"() ({
        %run_scoped3A = tpu.sem_alloc : memref<!tpu.dma_semaphore, #tpu.memory_space<semaphore_mem>>
        %dma_start3A_25 = arith.constant 0 : i32
        %dma_start3A_26 = tpu.memref_slice %arg7[%add3A_14, %dma_start3A_25] : memref<323584x128xf32, #tpu.memory_space<hbm>> -> memref<128x128xf32, #tpu.memory_space<hbm>>
        %dma_start3A_27 = arith.constant 0 : i32
        %dma_start3A_28 = tpu.memref_slice %arg7[%add3A_14, %dma_start3A_27] : memref<323584x128xf32, #tpu.memory_space<hbm>> -> memref<128x128xf32, #tpu.memory_space<hbm>>
        tpu.enqueue_dma source(%arg11 : memref<128x128xf32, #tpu.memory_space<vmem>>) target(%dma_start3A_28 : memref<128x128xf32, #tpu.memory_space<hbm>>) target_semaphore(%run_scoped3A : memref<!tpu.dma_semaphore, #tpu.memory_space<semaphore_mem>>)
        %dma_wait3A_29 = arith.constant 0 : i32
        %dma_wait3A_30 = tpu.memref_slice %arg7[%add3A_14, %dma_wait3A_29] : memref<323584x128xf32, #tpu.memory_space<hbm>> -> memref<128x128xf32, #tpu.memory_space<hbm>>
        %dma_wait3A_31 = arith.constant 0 : i32
        %dma_wait3A_32 = tpu.memref_slice %arg7[%add3A_14, %dma_wait3A_31] : memref<323584x128xf32, #tpu.memory_space<hbm>> -> memref<128x128xf32, #tpu.memory_space<hbm>>
        tpu.wait_dma2 semaphore(%run_scoped3A : memref<!tpu.dma_semaphore, #tpu.memory_space<semaphore_mem>>) src(%arg11 : memref<128x128xf32, #tpu.memory_space<vmem>>) dst(%dma_wait3A_32 : memref<128x128xf32, #tpu.memory_space<hbm>>)
        tpu.yield
      }) : () -> ()
    }
    %scan3A_6 = arith.constant 79 : i32
    return
  }
}

#map = affine_map<(d0, d1) -> (0, 0)>
#map1 = affine_map<(d0, d1) -> (0)>
module attributes {stable_mosaic.version = 14 : i64} {
  func.func @gather2(%arg0: i32, %arg1: i32, %arg2: memref<10000x128xf32, #tpu.memory_space<hbm>>, %arg3: memref<10000x128xf32, #tpu.memory_space<hbm>>, %arg4: memref<81920xi32, #tpu.memory_space<hbm>>, %arg5: memref<81920xi32, #tpu.memory_space<hbm>>, %arg6: memref<81920x128xf32, #tpu.memory_space<hbm>>, %arg7: memref<81920x128xf32, #tpu.memory_space<hbm>>, %arg8: memref<128xi32, #tpu.memory_space<vmem>>, %arg9: memref<128xi32, #tpu.memory_space<vmem>>, %arg10: memref<128x128xf32, #tpu.memory_space<vmem>>, %arg11: memref<128x128xf32, #tpu.memory_space<vmem>>, %arg12: memref<!tpu.dma_semaphore, #tpu.memory_space<semaphore_mem>>, %arg13: memref<!tpu.dma_semaphore, #tpu.memory_space<semaphore_mem>>) attributes {dimension_semantics = [#tpu.dimension_semantics<core_parallel>, #tpu.dimension_semantics<subcore_parallel>], iteration_bounds = array<i64: 2, 16>, scalar_prefetch = 0 : i64, scratch_operands = 6 : i64, tpu.core_type = #tpu.core_type<sc_vector_subcore>, window_params = [{transform_indices = #map}, {transform_indices = #map}, {transform_indices = #map1}, {transform_indices = #map1}, {transform_indices = #map}, {transform_indices = #map}]} {
    %mul3A = arith.constant 2 : i32
    %mul3A_0 = arith.muli %arg1, %mul3A : i32
    %add3A = arith.addi %mul3A_0, %arg0 : i32
    %mul3A_1 = arith.constant 2560 : i32
    %mul3A_2 = arith.muli %add3A, %mul3A_1 : i32
    %scan3A = arith.constant 0 : i32
    %scan3A_3 = arith.constant 20 : i32
    %scan3A_4 = arith.addi %scan3A, %scan3A_3 : i32
    %scan3A_5 = arith.constant 1 : i32
    scf.for %scan3A_7 = %scan3A to %scan3A_4 step %scan3A_5  : i32 {
      %mul3A_8 = arith.constant 1 : i32
      %mul3A_9 = arith.muli %scan3A_7, %mul3A_8 : i32
      %add3A_10 = arith.constant 0 : i32
      %add3A_11 = arith.addi %add3A_10, %mul3A_9 : i32
      %mul3A_12 = arith.constant 128 : i32
      %mul3A_13 = arith.muli %add3A_11, %mul3A_12 : i32
      %add3A_14 = arith.addi %mul3A_2, %mul3A_13 : i32
      "tpu.region"() ({
        %run_scoped3A = tpu.sem_alloc : memref<!tpu.dma_semaphore, #tpu.memory_space<semaphore_mem>>
        %dma_start3A_25 = tpu.memref_slice %arg4[%add3A_14] : memref<81920xi32, #tpu.memory_space<hbm>> -> memref<128xi32, #tpu.memory_space<hbm>>
        %dma_start3A_26 = tpu.memref_slice %arg4[%add3A_14] : memref<81920xi32, #tpu.memory_space<hbm>> -> memref<128xi32, #tpu.memory_space<hbm>>
        tpu.enqueue_dma source(%dma_start3A_26 : memref<128xi32, #tpu.memory_space<hbm>>) target(%arg8 : memref<128xi32, #tpu.memory_space<vmem>>) target_semaphore(%run_scoped3A : memref<!tpu.dma_semaphore, #tpu.memory_space<semaphore_mem>>)
        %dma_wait3A_27 = tpu.memref_slice %arg4[%add3A_14] : memref<81920xi32, #tpu.memory_space<hbm>> -> memref<128xi32, #tpu.memory_space<hbm>>
        %dma_wait3A_28 = tpu.memref_slice %arg4[%add3A_14] : memref<81920xi32, #tpu.memory_space<hbm>> -> memref<128xi32, #tpu.memory_space<hbm>>
        tpu.wait_dma2 semaphore(%run_scoped3A : memref<!tpu.dma_semaphore, #tpu.memory_space<semaphore_mem>>) src(%dma_wait3A_28 : memref<128xi32, #tpu.memory_space<hbm>>) dst(%arg8 : memref<128xi32, #tpu.memory_space<vmem>>)
        tpu.yield
      }) : () -> ()
      "tpu.region"() ({
        %run_scoped3A = tpu.sem_alloc : memref<!tpu.dma_semaphore, #tpu.memory_space<semaphore_mem>>
        %dma_start3A_25 = tpu.memref_slice %arg5[%add3A_14] : memref<81920xi32, #tpu.memory_space<hbm>> -> memref<128xi32, #tpu.memory_space<hbm>>
        %dma_start3A_26 = tpu.memref_slice %arg5[%add3A_14] : memref<81920xi32, #tpu.memory_space<hbm>> -> memref<128xi32, #tpu.memory_space<hbm>>
        tpu.enqueue_dma source(%dma_start3A_26 : memref<128xi32, #tpu.memory_space<hbm>>) target(%arg9 : memref<128xi32, #tpu.memory_space<vmem>>) target_semaphore(%run_scoped3A : memref<!tpu.dma_semaphore, #tpu.memory_space<semaphore_mem>>)
        %dma_wait3A_27 = tpu.memref_slice %arg5[%add3A_14] : memref<81920xi32, #tpu.memory_space<hbm>> -> memref<128xi32, #tpu.memory_space<hbm>>
        %dma_wait3A_28 = tpu.memref_slice %arg5[%add3A_14] : memref<81920xi32, #tpu.memory_space<hbm>> -> memref<128xi32, #tpu.memory_space<hbm>>
        tpu.wait_dma2 semaphore(%run_scoped3A : memref<!tpu.dma_semaphore, #tpu.memory_space<semaphore_mem>>) src(%dma_wait3A_28 : memref<128xi32, #tpu.memory_space<hbm>>) dst(%arg9 : memref<128xi32, #tpu.memory_space<vmem>>)
        tpu.yield
      }) : () -> ()
      %dma_start3A = arith.constant 0 : i32
      %dma_start3A_15 = arith.constant 0 : i32
      %dma_start3A_16 = tpu.memref_slice %arg2[%dma_start3A, %dma_start3A_15] : memref<10000x128xf32, #tpu.memory_space<hbm>> -> memref<10000x128xf32, #tpu.memory_space<hbm>>
      tpu.enqueue_indirect_dma source(%dma_start3A_16 : memref<10000x128xf32, #tpu.memory_space<hbm>>) target(%arg10 : memref<128x128xf32, #tpu.memory_space<vmem>>) offsets(%arg8 : memref<128xi32, #tpu.memory_space<vmem>>) semaphore(%arg12 : memref<!tpu.dma_semaphore, #tpu.memory_space<semaphore_mem>>)
      %dma_start3A_17 = arith.constant 0 : i32
      %dma_start3A_18 = arith.constant 0 : i32
      %dma_start3A_19 = tpu.memref_slice %arg3[%dma_start3A_17, %dma_start3A_18] : memref<10000x128xf32, #tpu.memory_space<hbm>> -> memref<10000x128xf32, #tpu.memory_space<hbm>>
      tpu.enqueue_indirect_dma source(%dma_start3A_19 : memref<10000x128xf32, #tpu.memory_space<hbm>>) target(%arg11 : memref<128x128xf32, #tpu.memory_space<vmem>>) offsets(%arg9 : memref<128xi32, #tpu.memory_space<vmem>>) semaphore(%arg13 : memref<!tpu.dma_semaphore, #tpu.memory_space<semaphore_mem>>)
      %dma_wait3A = arith.constant 0 : i32
      %dma_wait3A_20 = arith.constant 0 : i32
      %dma_wait3A_21 = tpu.memref_slice %arg2[%dma_wait3A, %dma_wait3A_20] : memref<10000x128xf32, #tpu.memory_space<hbm>> -> memref<10000x128xf32, #tpu.memory_space<hbm>>
      tpu.wait_indirect_dma semaphore(%arg12 : memref<!tpu.dma_semaphore, #tpu.memory_space<semaphore_mem>>) src(%dma_wait3A_21 : memref<10000x128xf32, #tpu.memory_space<hbm>>) dst(%arg10 : memref<128x128xf32, #tpu.memory_space<vmem>>)
      %dma_wait3A_22 = arith.constant 0 : i32
      %dma_wait3A_23 = arith.constant 0 : i32
      %dma_wait3A_24 = tpu.memref_slice %arg3[%dma_wait3A_22, %dma_wait3A_23] : memref<10000x128xf32, #tpu.memory_space<hbm>> -> memref<10000x128xf32, #tpu.memory_space<hbm>>
      tpu.wait_indirect_dma semaphore(%arg13 : memref<!tpu.dma_semaphore, #tpu.memory_space<semaphore_mem>>) src(%dma_wait3A_24 : memref<10000x128xf32, #tpu.memory_space<hbm>>) dst(%arg11 : memref<128x128xf32, #tpu.memory_space<vmem>>)
      "tpu.region"() ({
        %run_scoped3A = tpu.sem_alloc : memref<!tpu.dma_semaphore, #tpu.memory_space<semaphore_mem>>
        %dma_start3A_25 = arith.constant 0 : i32
        %dma_start3A_26 = tpu.memref_slice %arg6[%add3A_14, %dma_start3A_25] : memref<81920x128xf32, #tpu.memory_space<hbm>> -> memref<128x128xf32, #tpu.memory_space<hbm>>
        %dma_start3A_27 = arith.constant 0 : i32
        %dma_start3A_28 = tpu.memref_slice %arg6[%add3A_14, %dma_start3A_27] : memref<81920x128xf32, #tpu.memory_space<hbm>> -> memref<128x128xf32, #tpu.memory_space<hbm>>
        tpu.enqueue_dma source(%arg10 : memref<128x128xf32, #tpu.memory_space<vmem>>) target(%dma_start3A_28 : memref<128x128xf32, #tpu.memory_space<hbm>>) target_semaphore(%run_scoped3A : memref<!tpu.dma_semaphore, #tpu.memory_space<semaphore_mem>>)
        %dma_wait3A_29 = arith.constant 0 : i32
        %dma_wait3A_30 = tpu.memref_slice %arg6[%add3A_14, %dma_wait3A_29] : memref<81920x128xf32, #tpu.memory_space<hbm>> -> memref<128x128xf32, #tpu.memory_space<hbm>>
        %dma_wait3A_31 = arith.constant 0 : i32
        %dma_wait3A_32 = tpu.memref_slice %arg6[%add3A_14, %dma_wait3A_31] : memref<81920x128xf32, #tpu.memory_space<hbm>> -> memref<128x128xf32, #tpu.memory_space<hbm>>
        tpu.wait_dma2 semaphore(%run_scoped3A : memref<!tpu.dma_semaphore, #tpu.memory_space<semaphore_mem>>) src(%arg10 : memref<128x128xf32, #tpu.memory_space<vmem>>) dst(%dma_wait3A_32 : memref<128x128xf32, #tpu.memory_space<hbm>>)
        tpu.yield
      }) : () -> ()
      "tpu.region"() ({
        %run_scoped3A = tpu.sem_alloc : memref<!tpu.dma_semaphore, #tpu.memory_space<semaphore_mem>>
        %dma_start3A_25 = arith.constant 0 : i32
        %dma_start3A_26 = tpu.memref_slice %arg7[%add3A_14, %dma_start3A_25] : memref<81920x128xf32, #tpu.memory_space<hbm>> -> memref<128x128xf32, #tpu.memory_space<hbm>>
        %dma_start3A_27 = arith.constant 0 : i32
        %dma_start3A_28 = tpu.memref_slice %arg7[%add3A_14, %dma_start3A_27] : memref<81920x128xf32, #tpu.memory_space<hbm>> -> memref<128x128xf32, #tpu.memory_space<hbm>>
        tpu.enqueue_dma source(%arg11 : memref<128x128xf32, #tpu.memory_space<vmem>>) target(%dma_start3A_28 : memref<128x128xf32, #tpu.memory_space<hbm>>) target_semaphore(%run_scoped3A : memref<!tpu.dma_semaphore, #tpu.memory_space<semaphore_mem>>)
        %dma_wait3A_29 = arith.constant 0 : i32
        %dma_wait3A_30 = tpu.memref_slice %arg7[%add3A_14, %dma_wait3A_29] : memref<81920x128xf32, #tpu.memory_space<hbm>> -> memref<128x128xf32, #tpu.memory_space<hbm>>
        %dma_wait3A_31 = arith.constant 0 : i32
        %dma_wait3A_32 = tpu.memref_slice %arg7[%add3A_14, %dma_wait3A_31] : memref<81920x128xf32, #tpu.memory_space<hbm>> -> memref<128x128xf32, #tpu.memory_space<hbm>>
        tpu.wait_dma2 semaphore(%run_scoped3A : memref<!tpu.dma_semaphore, #tpu.memory_space<semaphore_mem>>) src(%arg11 : memref<128x128xf32, #tpu.memory_space<vmem>>) dst(%dma_wait3A_32 : memref<128x128xf32, #tpu.memory_space<hbm>>)
        tpu.yield
      }) : () -> ()
    }
    %scan3A_6 = arith.constant 20 : i32
    return
  }
}

#map = affine_map<(d0, d1) -> (0, 0)>
#map1 = affine_map<(d0, d1) -> (0)>
module attributes {stable_mosaic.version = 14 : i64} {
  func.func @gather2(%arg0: i32, %arg1: i32, %arg2: memref<10000x128xf32, #tpu.memory_space<hbm>>, %arg3: memref<10000x128xf32, #tpu.memory_space<hbm>>, %arg4: memref<81920xi32, #tpu.memory_space<hbm>>, %arg5: memref<81920xi32, #tpu.memory_space<hbm>>, %arg6: memref<81920x128xf32, #tpu.memory_space<hbm>>, %arg7: memref<81920x128xf32, #tpu.memory_space<hbm>>, %arg8: memref<128xi32, #tpu.memory_space<vmem>>, %arg9: memref<128xi32, #tpu.memory_space<vmem>>, %arg10: memref<128x128xf32, #tpu.memory_space<vmem>>, %arg11: memref<128x128xf32, #tpu.memory_space<vmem>>, %arg12: memref<!tpu.dma_semaphore, #tpu.memory_space<semaphore_mem>>, %arg13: memref<!tpu.dma_semaphore, #tpu.memory_space<semaphore_mem>>) attributes {dimension_semantics = [#tpu.dimension_semantics<core_parallel>, #tpu.dimension_semantics<subcore_parallel>], iteration_bounds = array<i64: 2, 16>, scalar_prefetch = 0 : i64, scratch_operands = 6 : i64, tpu.core_type = #tpu.core_type<sc_vector_subcore>, window_params = [{transform_indices = #map}, {transform_indices = #map}, {transform_indices = #map1}, {transform_indices = #map1}, {transform_indices = #map}, {transform_indices = #map}]} {
    %mul3A = arith.constant 2 : i32
    %mul3A_0 = arith.muli %arg1, %mul3A : i32
    %add3A = arith.addi %mul3A_0, %arg0 : i32
    %mul3A_1 = arith.constant 2560 : i32
    %mul3A_2 = arith.muli %add3A, %mul3A_1 : i32
    %scan3A = arith.constant 0 : i32
    %scan3A_3 = arith.constant 20 : i32
    %scan3A_4 = arith.addi %scan3A, %scan3A_3 : i32
    %scan3A_5 = arith.constant 1 : i32
    scf.for %scan3A_7 = %scan3A to %scan3A_4 step %scan3A_5  : i32 {
      %mul3A_8 = arith.constant 1 : i32
      %mul3A_9 = arith.muli %scan3A_7, %mul3A_8 : i32
      %add3A_10 = arith.constant 0 : i32
      %add3A_11 = arith.addi %add3A_10, %mul3A_9 : i32
      %mul3A_12 = arith.constant 128 : i32
      %mul3A_13 = arith.muli %add3A_11, %mul3A_12 : i32
      %add3A_14 = arith.addi %mul3A_2, %mul3A_13 : i32
      "tpu.region"() ({
        %run_scoped3A = tpu.sem_alloc : memref<!tpu.dma_semaphore, #tpu.memory_space<semaphore_mem>>
        %dma_start3A_25 = tpu.memref_slice %arg4[%add3A_14] : memref<81920xi32, #tpu.memory_space<hbm>> -> memref<128xi32, #tpu.memory_space<hbm>>
        %dma_start3A_26 = tpu.memref_slice %arg4[%add3A_14] : memref<81920xi32, #tpu.memory_space<hbm>> -> memref<128xi32, #tpu.memory_space<hbm>>
        tpu.enqueue_dma source(%dma_start3A_26 : memref<128xi32, #tpu.memory_space<hbm>>) target(%arg8 : memref<128xi32, #tpu.memory_space<vmem>>) target_semaphore(%run_scoped3A : memref<!tpu.dma_semaphore, #tpu.memory_space<semaphore_mem>>)
        %dma_wait3A_27 = tpu.memref_slice %arg4[%add3A_14] : memref<81920xi32, #tpu.memory_space<hbm>> -> memref<128xi32, #tpu.memory_space<hbm>>
        %dma_wait3A_28 = tpu.memref_slice %arg4[%add3A_14] : memref<81920xi32, #tpu.memory_space<hbm>> -> memref<128xi32, #tpu.memory_space<hbm>>
        tpu.wait_dma2 semaphore(%run_scoped3A : memref<!tpu.dma_semaphore, #tpu.memory_space<semaphore_mem>>) src(%dma_wait3A_28 : memref<128xi32, #tpu.memory_space<hbm>>) dst(%arg8 : memref<128xi32, #tpu.memory_space<vmem>>)
        tpu.yield
      }) : () -> ()
      "tpu.region"() ({
        %run_scoped3A = tpu.sem_alloc : memref<!tpu.dma_semaphore, #tpu.memory_space<semaphore_mem>>
        %dma_start3A_25 = tpu.memref_slice %arg5[%add3A_14] : memref<81920xi32, #tpu.memory_space<hbm>> -> memref<128xi32, #tpu.memory_space<hbm>>
        %dma_start3A_26 = tpu.memref_slice %arg5[%add3A_14] : memref<81920xi32, #tpu.memory_space<hbm>> -> memref<128xi32, #tpu.memory_space<hbm>>
        tpu.enqueue_dma source(%dma_start3A_26 : memref<128xi32, #tpu.memory_space<hbm>>) target(%arg9 : memref<128xi32, #tpu.memory_space<vmem>>) target_semaphore(%run_scoped3A : memref<!tpu.dma_semaphore, #tpu.memory_space<semaphore_mem>>)
        %dma_wait3A_27 = tpu.memref_slice %arg5[%add3A_14] : memref<81920xi32, #tpu.memory_space<hbm>> -> memref<128xi32, #tpu.memory_space<hbm>>
        %dma_wait3A_28 = tpu.memref_slice %arg5[%add3A_14] : memref<81920xi32, #tpu.memory_space<hbm>> -> memref<128xi32, #tpu.memory_space<hbm>>
        tpu.wait_dma2 semaphore(%run_scoped3A : memref<!tpu.dma_semaphore, #tpu.memory_space<semaphore_mem>>) src(%dma_wait3A_28 : memref<128xi32, #tpu.memory_space<hbm>>) dst(%arg9 : memref<128xi32, #tpu.memory_space<vmem>>)
        tpu.yield
      }) : () -> ()
      %dma_start3A = arith.constant 0 : i32
      %dma_start3A_15 = arith.constant 0 : i32
      %dma_start3A_16 = tpu.memref_slice %arg2[%dma_start3A, %dma_start3A_15] : memref<10000x128xf32, #tpu.memory_space<hbm>> -> memref<10000x128xf32, #tpu.memory_space<hbm>>
      tpu.enqueue_indirect_dma source(%dma_start3A_16 : memref<10000x128xf32, #tpu.memory_space<hbm>>) target(%arg10 : memref<128x128xf32, #tpu.memory_space<vmem>>) offsets(%arg8 : memref<128xi32, #tpu.memory_space<vmem>>) semaphore(%arg12 : memref<!tpu.dma_semaphore, #tpu.memory_space<semaphore_mem>>)
      %dma_start3A_17 = arith.constant 0 : i32
      %dma_start3A_18 = arith.constant 0 : i32
      %dma_start3A_19 = tpu.memref_slice %arg3[%dma_start3A_17, %dma_start3A_18] : memref<10000x128xf32, #tpu.memory_space<hbm>> -> memref<10000x128xf32, #tpu.memory_space<hbm>>
      tpu.enqueue_indirect_dma source(%dma_start3A_19 : memref<10000x128xf32, #tpu.memory_space<hbm>>) target(%arg11 : memref<128x128xf32, #tpu.memory_space<vmem>>) offsets(%arg9 : memref<128xi32, #tpu.memory_space<vmem>>) semaphore(%arg13 : memref<!tpu.dma_semaphore, #tpu.memory_space<semaphore_mem>>)
      %dma_wait3A = arith.constant 0 : i32
      %dma_wait3A_20 = arith.constant 0 : i32
      %dma_wait3A_21 = tpu.memref_slice %arg2[%dma_wait3A, %dma_wait3A_20] : memref<10000x128xf32, #tpu.memory_space<hbm>> -> memref<10000x128xf32, #tpu.memory_space<hbm>>
      tpu.wait_indirect_dma semaphore(%arg12 : memref<!tpu.dma_semaphore, #tpu.memory_space<semaphore_mem>>) src(%dma_wait3A_21 : memref<10000x128xf32, #tpu.memory_space<hbm>>) dst(%arg10 : memref<128x128xf32, #tpu.memory_space<vmem>>)
      %dma_wait3A_22 = arith.constant 0 : i32
      %dma_wait3A_23 = arith.constant 0 : i32
      %dma_wait3A_24 = tpu.memref_slice %arg3[%dma_wait3A_22, %dma_wait3A_23] : memref<10000x128xf32, #tpu.memory_space<hbm>> -> memref<10000x128xf32, #tpu.memory_space<hbm>>
      tpu.wait_indirect_dma semaphore(%arg13 : memref<!tpu.dma_semaphore, #tpu.memory_space<semaphore_mem>>) src(%dma_wait3A_24 : memref<10000x128xf32, #tpu.memory_space<hbm>>) dst(%arg11 : memref<128x128xf32, #tpu.memory_space<vmem>>)
      "tpu.region"() ({
        %run_scoped3A = tpu.sem_alloc : memref<!tpu.dma_semaphore, #tpu.memory_space<semaphore_mem>>
        %dma_start3A_25 = arith.constant 0 : i32
        %dma_start3A_26 = tpu.memref_slice %arg6[%add3A_14, %dma_start3A_25] : memref<81920x128xf32, #tpu.memory_space<hbm>> -> memref<128x128xf32, #tpu.memory_space<hbm>>
        %dma_start3A_27 = arith.constant 0 : i32
        %dma_start3A_28 = tpu.memref_slice %arg6[%add3A_14, %dma_start3A_27] : memref<81920x128xf32, #tpu.memory_space<hbm>> -> memref<128x128xf32, #tpu.memory_space<hbm>>
        tpu.enqueue_dma source(%arg10 : memref<128x128xf32, #tpu.memory_space<vmem>>) target(%dma_start3A_28 : memref<128x128xf32, #tpu.memory_space<hbm>>) target_semaphore(%run_scoped3A : memref<!tpu.dma_semaphore, #tpu.memory_space<semaphore_mem>>)
        %dma_wait3A_29 = arith.constant 0 : i32
        %dma_wait3A_30 = tpu.memref_slice %arg6[%add3A_14, %dma_wait3A_29] : memref<81920x128xf32, #tpu.memory_space<hbm>> -> memref<128x128xf32, #tpu.memory_space<hbm>>
        %dma_wait3A_31 = arith.constant 0 : i32
        %dma_wait3A_32 = tpu.memref_slice %arg6[%add3A_14, %dma_wait3A_31] : memref<81920x128xf32, #tpu.memory_space<hbm>> -> memref<128x128xf32, #tpu.memory_space<hbm>>
        tpu.wait_dma2 semaphore(%run_scoped3A : memref<!tpu.dma_semaphore, #tpu.memory_space<semaphore_mem>>) src(%arg10 : memref<128x128xf32, #tpu.memory_space<vmem>>) dst(%dma_wait3A_32 : memref<128x128xf32, #tpu.memory_space<hbm>>)
        tpu.yield
      }) : () -> ()
      "tpu.region"() ({
        %run_scoped3A = tpu.sem_alloc : memref<!tpu.dma_semaphore, #tpu.memory_space<semaphore_mem>>
        %dma_start3A_25 = arith.constant 0 : i32
        %dma_start3A_26 = tpu.memref_slice %arg7[%add3A_14, %dma_start3A_25] : memref<81920x128xf32, #tpu.memory_space<hbm>> -> memref<128x128xf32, #tpu.memory_space<hbm>>
        %dma_start3A_27 = arith.constant 0 : i32
        %dma_start3A_28 = tpu.memref_slice %arg7[%add3A_14, %dma_start3A_27] : memref<81920x128xf32, #tpu.memory_space<hbm>> -> memref<128x128xf32, #tpu.memory_space<hbm>>
        tpu.enqueue_dma source(%arg11 : memref<128x128xf32, #tpu.memory_space<vmem>>) target(%dma_start3A_28 : memref<128x128xf32, #tpu.memory_space<hbm>>) target_semaphore(%run_scoped3A : memref<!tpu.dma_semaphore, #tpu.memory_space<semaphore_mem>>)
        %dma_wait3A_29 = arith.constant 0 : i32
        %dma_wait3A_30 = tpu.memref_slice %arg7[%add3A_14, %dma_wait3A_29] : memref<81920x128xf32, #tpu.memory_space<hbm>> -> memref<128x128xf32, #tpu.memory_space<hbm>>
        %dma_wait3A_31 = arith.constant 0 : i32
        %dma_wait3A_32 = tpu.memref_slice %arg7[%add3A_14, %dma_wait3A_31] : memref<81920x128xf32, #tpu.memory_space<hbm>> -> memref<128x128xf32, #tpu.memory_space<hbm>>
        tpu.wait_dma2 semaphore(%run_scoped3A : memref<!tpu.dma_semaphore, #tpu.memory_space<semaphore_mem>>) src(%arg11 : memref<128x128xf32, #tpu.memory_space<vmem>>) dst(%dma_wait3A_32 : memref<128x128xf32, #tpu.memory_space<hbm>>)
        tpu.yield
      }) : () -> ()
    }
    %scan3A_6 = arith.constant 20 : i32
    return
  }
}

#map = affine_map<(d0, d1) -> (0, 0)>
#map1 = affine_map<(d0, d1) -> (0)>
module attributes {stable_mosaic.version = 14 : i64} {
  func.func @gather2(%arg0: i32, %arg1: i32, %arg2: memref<10000x128xf32, #tpu.memory_space<hbm>>, %arg3: memref<10000x128xf32, #tpu.memory_space<hbm>>, %arg4: memref<81920xi32, #tpu.memory_space<hbm>>, %arg5: memref<81920xi32, #tpu.memory_space<hbm>>, %arg6: memref<81920x128xf32, #tpu.memory_space<hbm>>, %arg7: memref<81920x128xf32, #tpu.memory_space<hbm>>, %arg8: memref<128xi32, #tpu.memory_space<vmem>>, %arg9: memref<128xi32, #tpu.memory_space<vmem>>, %arg10: memref<128x128xf32, #tpu.memory_space<vmem>>, %arg11: memref<128x128xf32, #tpu.memory_space<vmem>>, %arg12: memref<!tpu.dma_semaphore, #tpu.memory_space<semaphore_mem>>, %arg13: memref<!tpu.dma_semaphore, #tpu.memory_space<semaphore_mem>>) attributes {dimension_semantics = [#tpu.dimension_semantics<core_parallel>, #tpu.dimension_semantics<subcore_parallel>], iteration_bounds = array<i64: 2, 16>, scalar_prefetch = 0 : i64, scratch_operands = 6 : i64, tpu.core_type = #tpu.core_type<sc_vector_subcore>, window_params = [{transform_indices = #map}, {transform_indices = #map}, {transform_indices = #map1}, {transform_indices = #map1}, {transform_indices = #map}, {transform_indices = #map}]} {
    %mul3A = arith.constant 2 : i32
    %mul3A_0 = arith.muli %arg1, %mul3A : i32
    %add3A = arith.addi %mul3A_0, %arg0 : i32
    %mul3A_1 = arith.constant 2560 : i32
    %mul3A_2 = arith.muli %add3A, %mul3A_1 : i32
    %scan3A = arith.constant 0 : i32
    %scan3A_3 = arith.constant 20 : i32
    %scan3A_4 = arith.addi %scan3A, %scan3A_3 : i32
    %scan3A_5 = arith.constant 1 : i32
    scf.for %scan3A_7 = %scan3A to %scan3A_4 step %scan3A_5  : i32 {
      %mul3A_8 = arith.constant 1 : i32
      %mul3A_9 = arith.muli %scan3A_7, %mul3A_8 : i32
      %add3A_10 = arith.constant 0 : i32
      %add3A_11 = arith.addi %add3A_10, %mul3A_9 : i32
      %mul3A_12 = arith.constant 128 : i32
      %mul3A_13 = arith.muli %add3A_11, %mul3A_12 : i32
      %add3A_14 = arith.addi %mul3A_2, %mul3A_13 : i32
      "tpu.region"() ({
        %run_scoped3A = tpu.sem_alloc : memref<!tpu.dma_semaphore, #tpu.memory_space<semaphore_mem>>
        %dma_start3A_25 = tpu.memref_slice %arg4[%add3A_14] : memref<81920xi32, #tpu.memory_space<hbm>> -> memref<128xi32, #tpu.memory_space<hbm>>
        %dma_start3A_26 = tpu.memref_slice %arg4[%add3A_14] : memref<81920xi32, #tpu.memory_space<hbm>> -> memref<128xi32, #tpu.memory_space<hbm>>
        tpu.enqueue_dma source(%dma_start3A_26 : memref<128xi32, #tpu.memory_space<hbm>>) target(%arg8 : memref<128xi32, #tpu.memory_space<vmem>>) target_semaphore(%run_scoped3A : memref<!tpu.dma_semaphore, #tpu.memory_space<semaphore_mem>>)
        %dma_wait3A_27 = tpu.memref_slice %arg4[%add3A_14] : memref<81920xi32, #tpu.memory_space<hbm>> -> memref<128xi32, #tpu.memory_space<hbm>>
        %dma_wait3A_28 = tpu.memref_slice %arg4[%add3A_14] : memref<81920xi32, #tpu.memory_space<hbm>> -> memref<128xi32, #tpu.memory_space<hbm>>
        tpu.wait_dma2 semaphore(%run_scoped3A : memref<!tpu.dma_semaphore, #tpu.memory_space<semaphore_mem>>) src(%dma_wait3A_28 : memref<128xi32, #tpu.memory_space<hbm>>) dst(%arg8 : memref<128xi32, #tpu.memory_space<vmem>>)
        tpu.yield
      }) : () -> ()
      "tpu.region"() ({
        %run_scoped3A = tpu.sem_alloc : memref<!tpu.dma_semaphore, #tpu.memory_space<semaphore_mem>>
        %dma_start3A_25 = tpu.memref_slice %arg5[%add3A_14] : memref<81920xi32, #tpu.memory_space<hbm>> -> memref<128xi32, #tpu.memory_space<hbm>>
        %dma_start3A_26 = tpu.memref_slice %arg5[%add3A_14] : memref<81920xi32, #tpu.memory_space<hbm>> -> memref<128xi32, #tpu.memory_space<hbm>>
        tpu.enqueue_dma source(%dma_start3A_26 : memref<128xi32, #tpu.memory_space<hbm>>) target(%arg9 : memref<128xi32, #tpu.memory_space<vmem>>) target_semaphore(%run_scoped3A : memref<!tpu.dma_semaphore, #tpu.memory_space<semaphore_mem>>)
        %dma_wait3A_27 = tpu.memref_slice %arg5[%add3A_14] : memref<81920xi32, #tpu.memory_space<hbm>> -> memref<128xi32, #tpu.memory_space<hbm>>
        %dma_wait3A_28 = tpu.memref_slice %arg5[%add3A_14] : memref<81920xi32, #tpu.memory_space<hbm>> -> memref<128xi32, #tpu.memory_space<hbm>>
        tpu.wait_dma2 semaphore(%run_scoped3A : memref<!tpu.dma_semaphore, #tpu.memory_space<semaphore_mem>>) src(%dma_wait3A_28 : memref<128xi32, #tpu.memory_space<hbm>>) dst(%arg9 : memref<128xi32, #tpu.memory_space<vmem>>)
        tpu.yield
      }) : () -> ()
      %dma_start3A = arith.constant 0 : i32
      %dma_start3A_15 = arith.constant 0 : i32
      %dma_start3A_16 = tpu.memref_slice %arg2[%dma_start3A, %dma_start3A_15] : memref<10000x128xf32, #tpu.memory_space<hbm>> -> memref<10000x128xf32, #tpu.memory_space<hbm>>
      tpu.enqueue_indirect_dma source(%dma_start3A_16 : memref<10000x128xf32, #tpu.memory_space<hbm>>) target(%arg10 : memref<128x128xf32, #tpu.memory_space<vmem>>) offsets(%arg8 : memref<128xi32, #tpu.memory_space<vmem>>) semaphore(%arg12 : memref<!tpu.dma_semaphore, #tpu.memory_space<semaphore_mem>>)
      %dma_start3A_17 = arith.constant 0 : i32
      %dma_start3A_18 = arith.constant 0 : i32
      %dma_start3A_19 = tpu.memref_slice %arg3[%dma_start3A_17, %dma_start3A_18] : memref<10000x128xf32, #tpu.memory_space<hbm>> -> memref<10000x128xf32, #tpu.memory_space<hbm>>
      tpu.enqueue_indirect_dma source(%dma_start3A_19 : memref<10000x128xf32, #tpu.memory_space<hbm>>) target(%arg11 : memref<128x128xf32, #tpu.memory_space<vmem>>) offsets(%arg9 : memref<128xi32, #tpu.memory_space<vmem>>) semaphore(%arg13 : memref<!tpu.dma_semaphore, #tpu.memory_space<semaphore_mem>>)
      %dma_wait3A = arith.constant 0 : i32
      %dma_wait3A_20 = arith.constant 0 : i32
      %dma_wait3A_21 = tpu.memref_slice %arg2[%dma_wait3A, %dma_wait3A_20] : memref<10000x128xf32, #tpu.memory_space<hbm>> -> memref<10000x128xf32, #tpu.memory_space<hbm>>
      tpu.wait_indirect_dma semaphore(%arg12 : memref<!tpu.dma_semaphore, #tpu.memory_space<semaphore_mem>>) src(%dma_wait3A_21 : memref<10000x128xf32, #tpu.memory_space<hbm>>) dst(%arg10 : memref<128x128xf32, #tpu.memory_space<vmem>>)
      %dma_wait3A_22 = arith.constant 0 : i32
      %dma_wait3A_23 = arith.constant 0 : i32
      %dma_wait3A_24 = tpu.memref_slice %arg3[%dma_wait3A_22, %dma_wait3A_23] : memref<10000x128xf32, #tpu.memory_space<hbm>> -> memref<10000x128xf32, #tpu.memory_space<hbm>>
      tpu.wait_indirect_dma semaphore(%arg13 : memref<!tpu.dma_semaphore, #tpu.memory_space<semaphore_mem>>) src(%dma_wait3A_24 : memref<10000x128xf32, #tpu.memory_space<hbm>>) dst(%arg11 : memref<128x128xf32, #tpu.memory_space<vmem>>)
      "tpu.region"() ({
        %run_scoped3A = tpu.sem_alloc : memref<!tpu.dma_semaphore, #tpu.memory_space<semaphore_mem>>
        %dma_start3A_25 = arith.constant 0 : i32
        %dma_start3A_26 = tpu.memref_slice %arg6[%add3A_14, %dma_start3A_25] : memref<81920x128xf32, #tpu.memory_space<hbm>> -> memref<128x128xf32, #tpu.memory_space<hbm>>
        %dma_start3A_27 = arith.constant 0 : i32
        %dma_start3A_28 = tpu.memref_slice %arg6[%add3A_14, %dma_start3A_27] : memref<81920x128xf32, #tpu.memory_space<hbm>> -> memref<128x128xf32, #tpu.memory_space<hbm>>
        tpu.enqueue_dma source(%arg10 : memref<128x128xf32, #tpu.memory_space<vmem>>) target(%dma_start3A_28 : memref<128x128xf32, #tpu.memory_space<hbm>>) target_semaphore(%run_scoped3A : memref<!tpu.dma_semaphore, #tpu.memory_space<semaphore_mem>>)
        %dma_wait3A_29 = arith.constant 0 : i32
        %dma_wait3A_30 = tpu.memref_slice %arg6[%add3A_14, %dma_wait3A_29] : memref<81920x128xf32, #tpu.memory_space<hbm>> -> memref<128x128xf32, #tpu.memory_space<hbm>>
        %dma_wait3A_31 = arith.constant 0 : i32
        %dma_wait3A_32 = tpu.memref_slice %arg6[%add3A_14, %dma_wait3A_31] : memref<81920x128xf32, #tpu.memory_space<hbm>> -> memref<128x128xf32, #tpu.memory_space<hbm>>
        tpu.wait_dma2 semaphore(%run_scoped3A : memref<!tpu.dma_semaphore, #tpu.memory_space<semaphore_mem>>) src(%arg10 : memref<128x128xf32, #tpu.memory_space<vmem>>) dst(%dma_wait3A_32 : memref<128x128xf32, #tpu.memory_space<hbm>>)
        tpu.yield
      }) : () -> ()
      "tpu.region"() ({
        %run_scoped3A = tpu.sem_alloc : memref<!tpu.dma_semaphore, #tpu.memory_space<semaphore_mem>>
        %dma_start3A_25 = arith.constant 0 : i32
        %dma_start3A_26 = tpu.memref_slice %arg7[%add3A_14, %dma_start3A_25] : memref<81920x128xf32, #tpu.memory_space<hbm>> -> memref<128x128xf32, #tpu.memory_space<hbm>>
        %dma_start3A_27 = arith.constant 0 : i32
        %dma_start3A_28 = tpu.memref_slice %arg7[%add3A_14, %dma_start3A_27] : memref<81920x128xf32, #tpu.memory_space<hbm>> -> memref<128x128xf32, #tpu.memory_space<hbm>>
        tpu.enqueue_dma source(%arg11 : memref<128x128xf32, #tpu.memory_space<vmem>>) target(%dma_start3A_28 : memref<128x128xf32, #tpu.memory_space<hbm>>) target_semaphore(%run_scoped3A : memref<!tpu.dma_semaphore, #tpu.memory_space<semaphore_mem>>)
        %dma_wait3A_29 = arith.constant 0 : i32
        %dma_wait3A_30 = tpu.memref_slice %arg7[%add3A_14, %dma_wait3A_29] : memref<81920x128xf32, #tpu.memory_space<hbm>> -> memref<128x128xf32, #tpu.memory_space<hbm>>
        %dma_wait3A_31 = arith.constant 0 : i32
        %dma_wait3A_32 = tpu.memref_slice %arg7[%add3A_14, %dma_wait3A_31] : memref<81920x128xf32, #tpu.memory_space<hbm>> -> memref<128x128xf32, #tpu.memory_space<hbm>>
        tpu.wait_dma2 semaphore(%run_scoped3A : memref<!tpu.dma_semaphore, #tpu.memory_space<semaphore_mem>>) src(%arg11 : memref<128x128xf32, #tpu.memory_space<vmem>>) dst(%dma_wait3A_32 : memref<128x128xf32, #tpu.memory_space<hbm>>)
        tpu.yield
      }) : () -> ()
    }
    %scan3A_6 = arith.constant 20 : i32
    return
  }
}

#map = affine_map<(d0, d1) -> (0, 0)>
#map1 = affine_map<(d0, d1) -> (0)>
module attributes {stable_mosaic.version = 14 : i64} {
  func.func @gather2(%arg0: i32, %arg1: i32, %arg2: memref<10000x128xf32, #tpu.memory_space<hbm>>, %arg3: memref<10000x128xf32, #tpu.memory_space<hbm>>, %arg4: memref<81920xi32, #tpu.memory_space<hbm>>, %arg5: memref<81920xi32, #tpu.memory_space<hbm>>, %arg6: memref<81920x128xf32, #tpu.memory_space<hbm>>, %arg7: memref<81920x128xf32, #tpu.memory_space<hbm>>, %arg8: memref<128xi32, #tpu.memory_space<vmem>>, %arg9: memref<128xi32, #tpu.memory_space<vmem>>, %arg10: memref<128x128xf32, #tpu.memory_space<vmem>>, %arg11: memref<128x128xf32, #tpu.memory_space<vmem>>, %arg12: memref<!tpu.dma_semaphore, #tpu.memory_space<semaphore_mem>>, %arg13: memref<!tpu.dma_semaphore, #tpu.memory_space<semaphore_mem>>) attributes {dimension_semantics = [#tpu.dimension_semantics<core_parallel>, #tpu.dimension_semantics<subcore_parallel>], iteration_bounds = array<i64: 2, 16>, scalar_prefetch = 0 : i64, scratch_operands = 6 : i64, tpu.core_type = #tpu.core_type<sc_vector_subcore>, window_params = [{transform_indices = #map}, {transform_indices = #map}, {transform_indices = #map1}, {transform_indices = #map1}, {transform_indices = #map}, {transform_indices = #map}]} {
    %mul3A = arith.constant 2 : i32
    %mul3A_0 = arith.muli %arg1, %mul3A : i32
    %add3A = arith.addi %mul3A_0, %arg0 : i32
    %mul3A_1 = arith.constant 2560 : i32
    %mul3A_2 = arith.muli %add3A, %mul3A_1 : i32
    %scan3A = arith.constant 0 : i32
    %scan3A_3 = arith.constant 20 : i32
    %scan3A_4 = arith.addi %scan3A, %scan3A_3 : i32
    %scan3A_5 = arith.constant 1 : i32
    scf.for %scan3A_7 = %scan3A to %scan3A_4 step %scan3A_5  : i32 {
      %mul3A_8 = arith.constant 1 : i32
      %mul3A_9 = arith.muli %scan3A_7, %mul3A_8 : i32
      %add3A_10 = arith.constant 0 : i32
      %add3A_11 = arith.addi %add3A_10, %mul3A_9 : i32
      %mul3A_12 = arith.constant 128 : i32
      %mul3A_13 = arith.muli %add3A_11, %mul3A_12 : i32
      %add3A_14 = arith.addi %mul3A_2, %mul3A_13 : i32
      "tpu.region"() ({
        %run_scoped3A = tpu.sem_alloc : memref<!tpu.dma_semaphore, #tpu.memory_space<semaphore_mem>>
        %dma_start3A_25 = tpu.memref_slice %arg4[%add3A_14] : memref<81920xi32, #tpu.memory_space<hbm>> -> memref<128xi32, #tpu.memory_space<hbm>>
        %dma_start3A_26 = tpu.memref_slice %arg4[%add3A_14] : memref<81920xi32, #tpu.memory_space<hbm>> -> memref<128xi32, #tpu.memory_space<hbm>>
        tpu.enqueue_dma source(%dma_start3A_26 : memref<128xi32, #tpu.memory_space<hbm>>) target(%arg8 : memref<128xi32, #tpu.memory_space<vmem>>) target_semaphore(%run_scoped3A : memref<!tpu.dma_semaphore, #tpu.memory_space<semaphore_mem>>)
        %dma_wait3A_27 = tpu.memref_slice %arg4[%add3A_14] : memref<81920xi32, #tpu.memory_space<hbm>> -> memref<128xi32, #tpu.memory_space<hbm>>
        %dma_wait3A_28 = tpu.memref_slice %arg4[%add3A_14] : memref<81920xi32, #tpu.memory_space<hbm>> -> memref<128xi32, #tpu.memory_space<hbm>>
        tpu.wait_dma2 semaphore(%run_scoped3A : memref<!tpu.dma_semaphore, #tpu.memory_space<semaphore_mem>>) src(%dma_wait3A_28 : memref<128xi32, #tpu.memory_space<hbm>>) dst(%arg8 : memref<128xi32, #tpu.memory_space<vmem>>)
        tpu.yield
      }) : () -> ()
      "tpu.region"() ({
        %run_scoped3A = tpu.sem_alloc : memref<!tpu.dma_semaphore, #tpu.memory_space<semaphore_mem>>
        %dma_start3A_25 = tpu.memref_slice %arg5[%add3A_14] : memref<81920xi32, #tpu.memory_space<hbm>> -> memref<128xi32, #tpu.memory_space<hbm>>
        %dma_start3A_26 = tpu.memref_slice %arg5[%add3A_14] : memref<81920xi32, #tpu.memory_space<hbm>> -> memref<128xi32, #tpu.memory_space<hbm>>
        tpu.enqueue_dma source(%dma_start3A_26 : memref<128xi32, #tpu.memory_space<hbm>>) target(%arg9 : memref<128xi32, #tpu.memory_space<vmem>>) target_semaphore(%run_scoped3A : memref<!tpu.dma_semaphore, #tpu.memory_space<semaphore_mem>>)
        %dma_wait3A_27 = tpu.memref_slice %arg5[%add3A_14] : memref<81920xi32, #tpu.memory_space<hbm>> -> memref<128xi32, #tpu.memory_space<hbm>>
        %dma_wait3A_28 = tpu.memref_slice %arg5[%add3A_14] : memref<81920xi32, #tpu.memory_space<hbm>> -> memref<128xi32, #tpu.memory_space<hbm>>
        tpu.wait_dma2 semaphore(%run_scoped3A : memref<!tpu.dma_semaphore, #tpu.memory_space<semaphore_mem>>) src(%dma_wait3A_28 : memref<128xi32, #tpu.memory_space<hbm>>) dst(%arg9 : memref<128xi32, #tpu.memory_space<vmem>>)
        tpu.yield
      }) : () -> ()
      %dma_start3A = arith.constant 0 : i32
      %dma_start3A_15 = arith.constant 0 : i32
      %dma_start3A_16 = tpu.memref_slice %arg2[%dma_start3A, %dma_start3A_15] : memref<10000x128xf32, #tpu.memory_space<hbm>> -> memref<10000x128xf32, #tpu.memory_space<hbm>>
      tpu.enqueue_indirect_dma source(%dma_start3A_16 : memref<10000x128xf32, #tpu.memory_space<hbm>>) target(%arg10 : memref<128x128xf32, #tpu.memory_space<vmem>>) offsets(%arg8 : memref<128xi32, #tpu.memory_space<vmem>>) semaphore(%arg12 : memref<!tpu.dma_semaphore, #tpu.memory_space<semaphore_mem>>)
      %dma_start3A_17 = arith.constant 0 : i32
      %dma_start3A_18 = arith.constant 0 : i32
      %dma_start3A_19 = tpu.memref_slice %arg3[%dma_start3A_17, %dma_start3A_18] : memref<10000x128xf32, #tpu.memory_space<hbm>> -> memref<10000x128xf32, #tpu.memory_space<hbm>>
      tpu.enqueue_indirect_dma source(%dma_start3A_19 : memref<10000x128xf32, #tpu.memory_space<hbm>>) target(%arg11 : memref<128x128xf32, #tpu.memory_space<vmem>>) offsets(%arg9 : memref<128xi32, #tpu.memory_space<vmem>>) semaphore(%arg13 : memref<!tpu.dma_semaphore, #tpu.memory_space<semaphore_mem>>)
      %dma_wait3A = arith.constant 0 : i32
      %dma_wait3A_20 = arith.constant 0 : i32
      %dma_wait3A_21 = tpu.memref_slice %arg2[%dma_wait3A, %dma_wait3A_20] : memref<10000x128xf32, #tpu.memory_space<hbm>> -> memref<10000x128xf32, #tpu.memory_space<hbm>>
      tpu.wait_indirect_dma semaphore(%arg12 : memref<!tpu.dma_semaphore, #tpu.memory_space<semaphore_mem>>) src(%dma_wait3A_21 : memref<10000x128xf32, #tpu.memory_space<hbm>>) dst(%arg10 : memref<128x128xf32, #tpu.memory_space<vmem>>)
      %dma_wait3A_22 = arith.constant 0 : i32
      %dma_wait3A_23 = arith.constant 0 : i32
      %dma_wait3A_24 = tpu.memref_slice %arg3[%dma_wait3A_22, %dma_wait3A_23] : memref<10000x128xf32, #tpu.memory_space<hbm>> -> memref<10000x128xf32, #tpu.memory_space<hbm>>
      tpu.wait_indirect_dma semaphore(%arg13 : memref<!tpu.dma_semaphore, #tpu.memory_space<semaphore_mem>>) src(%dma_wait3A_24 : memref<10000x128xf32, #tpu.memory_space<hbm>>) dst(%arg11 : memref<128x128xf32, #tpu.memory_space<vmem>>)
      "tpu.region"() ({
        %run_scoped3A = tpu.sem_alloc : memref<!tpu.dma_semaphore, #tpu.memory_space<semaphore_mem>>
        %dma_start3A_25 = arith.constant 0 : i32
        %dma_start3A_26 = tpu.memref_slice %arg6[%add3A_14, %dma_start3A_25] : memref<81920x128xf32, #tpu.memory_space<hbm>> -> memref<128x128xf32, #tpu.memory_space<hbm>>
        %dma_start3A_27 = arith.constant 0 : i32
        %dma_start3A_28 = tpu.memref_slice %arg6[%add3A_14, %dma_start3A_27] : memref<81920x128xf32, #tpu.memory_space<hbm>> -> memref<128x128xf32, #tpu.memory_space<hbm>>
        tpu.enqueue_dma source(%arg10 : memref<128x128xf32, #tpu.memory_space<vmem>>) target(%dma_start3A_28 : memref<128x128xf32, #tpu.memory_space<hbm>>) target_semaphore(%run_scoped3A : memref<!tpu.dma_semaphore, #tpu.memory_space<semaphore_mem>>)
        %dma_wait3A_29 = arith.constant 0 : i32
        %dma_wait3A_30 = tpu.memref_slice %arg6[%add3A_14, %dma_wait3A_29] : memref<81920x128xf32, #tpu.memory_space<hbm>> -> memref<128x128xf32, #tpu.memory_space<hbm>>
        %dma_wait3A_31 = arith.constant 0 : i32
        %dma_wait3A_32 = tpu.memref_slice %arg6[%add3A_14, %dma_wait3A_31] : memref<81920x128xf32, #tpu.memory_space<hbm>> -> memref<128x128xf32, #tpu.memory_space<hbm>>
        tpu.wait_dma2 semaphore(%run_scoped3A : memref<!tpu.dma_semaphore, #tpu.memory_space<semaphore_mem>>) src(%arg10 : memref<128x128xf32, #tpu.memory_space<vmem>>) dst(%dma_wait3A_32 : memref<128x128xf32, #tpu.memory_space<hbm>>)
        tpu.yield
      }) : () -> ()
      "tpu.region"() ({
        %run_scoped3A = tpu.sem_alloc : memref<!tpu.dma_semaphore, #tpu.memory_space<semaphore_mem>>
        %dma_start3A_25 = arith.constant 0 : i32
        %dma_start3A_26 = tpu.memref_slice %arg7[%add3A_14, %dma_start3A_25] : memref<81920x128xf32, #tpu.memory_space<hbm>> -> memref<128x128xf32, #tpu.memory_space<hbm>>
        %dma_start3A_27 = arith.constant 0 : i32
        %dma_start3A_28 = tpu.memref_slice %arg7[%add3A_14, %dma_start3A_27] : memref<81920x128xf32, #tpu.memory_space<hbm>> -> memref<128x128xf32, #tpu.memory_space<hbm>>
        tpu.enqueue_dma source(%arg11 : memref<128x128xf32, #tpu.memory_space<vmem>>) target(%dma_start3A_28 : memref<128x128xf32, #tpu.memory_space<hbm>>) target_semaphore(%run_scoped3A : memref<!tpu.dma_semaphore, #tpu.memory_space<semaphore_mem>>)
        %dma_wait3A_29 = arith.constant 0 : i32
        %dma_wait3A_30 = tpu.memref_slice %arg7[%add3A_14, %dma_wait3A_29] : memref<81920x128xf32, #tpu.memory_space<hbm>> -> memref<128x128xf32, #tpu.memory_space<hbm>>
        %dma_wait3A_31 = arith.constant 0 : i32
        %dma_wait3A_32 = tpu.memref_slice %arg7[%add3A_14, %dma_wait3A_31] : memref<81920x128xf32, #tpu.memory_space<hbm>> -> memref<128x128xf32, #tpu.memory_space<hbm>>
        tpu.wait_dma2 semaphore(%run_scoped3A : memref<!tpu.dma_semaphore, #tpu.memory_space<semaphore_mem>>) src(%arg11 : memref<128x128xf32, #tpu.memory_space<vmem>>) dst(%dma_wait3A_32 : memref<128x128xf32, #tpu.memory_space<hbm>>)
        tpu.yield
      }) : () -> ()
    }
    %scan3A_6 = arith.constant 20 : i32
    return
  }
}

module attributes {stable_mosaic.version = 14 : i64} {
  func.func @_enc_body(%arg0: i32, %arg1: memref<1000x128xf32, #tpu.memory_space<vmem>>, %arg2: memref<128x128xf32, #tpu.memory_space<vmem>>, %arg3: memref<1x128xf32, #tpu.memory_space<vmem>>, %arg4: memref<128x128xf32, #tpu.memory_space<vmem>>, %arg5: memref<1x128xf32, #tpu.memory_space<vmem>>, %arg6: memref<128x128xf32, #tpu.memory_space<vmem>>, %arg7: memref<128x128xf32, #tpu.memory_space<vmem>>, %arg8: memref<1000x128xf32, #tpu.memory_space<vmem>>, %arg9: memref<1000x128xf32, #tpu.memory_space<vmem>>, %arg10: memref<1000x128xf32, #tpu.memory_space<vmem>>) attributes {dimension_semantics = [#tpu.dimension_semantics<arbitrary>], iteration_bounds = array<i64: 10>, scalar_prefetch = 0 : i64, scratch_operands = 0 : i64, tpu.core_type = #tpu.core_type<tc>, window_params = [{transform_indices = @transform_0, window_bounds = array<i64: 1000, 128>}, {pipeline_mode = #tpu.pipeline_mode<synchronous>, transform_indices = @transform_1, window_bounds = array<i64: 128, 128>}, {pipeline_mode = #tpu.pipeline_mode<synchronous>, transform_indices = @transform_2, window_bounds = array<i64: 1, 128>}, {pipeline_mode = #tpu.pipeline_mode<synchronous>, transform_indices = @transform_3, window_bounds = array<i64: 128, 128>}, {pipeline_mode = #tpu.pipeline_mode<synchronous>, transform_indices = @transform_4, window_bounds = array<i64: 1, 128>}, {pipeline_mode = #tpu.pipeline_mode<synchronous>, transform_indices = @transform_5, window_bounds = array<i64: 128, 128>}, {pipeline_mode = #tpu.pipeline_mode<synchronous>, transform_indices = @transform_6, window_bounds = array<i64: 128, 128>}, {transform_indices = @transform_7, window_bounds = array<i64: 1000, 128>}, {transform_indices = @transform_8, window_bounds = array<i64: 1000, 128>}, {transform_indices = @transform_9, window_bounds = array<i64: 1000, 128>}]} {
    %get3A = arith.constant 0 : index
    %get3A_0 = arith.constant 0 : index
    %get3A_1 = vector.load %arg1[%get3A, %get3A_0] : memref<1000x128xf32, #tpu.memory_space<vmem>>, vector<1000x128xf32>
    %get3A_2 = arith.constant 0 : index
    %get3A_3 = arith.constant 0 : index
    %get3A_4 = vector.load %arg2[%get3A_2, %get3A_3] : memref<128x128xf32, #tpu.memory_space<vmem>>, vector<128x128xf32>
    %convert_element_type3A = arith.truncf %get3A_1 : vector<1000x128xf32> to vector<1000x128xbf16>
    %convert_element_type3A_5 = arith.truncf %get3A_4 : vector<128x128xf32> to vector<128x128xbf16>
    %dot_general3A = arith.constant dense<0.000000e+00> : vector<1000x128xf32>
    %dot_general3A_6 = tpu.matmul %convert_element_type3A, %convert_element_type3A_5, %dot_general3A {dimension_numbers = #tpu.dot_dimension_numbers<[1], [0], [0], [1], [0, 0, 1, 1], [], []>, transpose_lhs_hint = false} : vector<1000x128xbf16>, vector<128x128xbf16>, vector<1000x128xf32> -> vector<1000x128xf32>
    %get3A_7 = arith.constant 0 : index
    %get3A_8 = arith.constant 0 : index
    %get3A_9 = vector.load %arg3[%get3A_7, %get3A_8] : memref<1x128xf32, #tpu.memory_space<vmem>>, vector<1x128xf32>
    %add3A = vector.broadcast %get3A_9 : vector<1x128xf32> to vector<1000x128xf32>
    %add3A_10 = arith.addf %dot_general3A_6, %add3A : vector<1000x128xf32>
    %max3A = arith.constant 0.000000e+00 : f32
    %max3A_11 = vector.broadcast %max3A : f32 to vector<1000x128xf32>
    %max3A_12 = arith.maximumf %add3A_10, %max3A_11 : vector<1000x128xf32>
    %get3A_13 = arith.constant 0 : index
    %get3A_14 = arith.constant 0 : index
    %get3A_15 = vector.load %arg4[%get3A_13, %get3A_14] : memref<128x128xf32, #tpu.memory_space<vmem>>, vector<128x128xf32>
    %convert_element_type3A_16 = arith.truncf %max3A_12 : vector<1000x128xf32> to vector<1000x128xbf16>
    %convert_element_type3A_17 = arith.truncf %get3A_15 : vector<128x128xf32> to vector<128x128xbf16>
    %dot_general3A_18 = arith.constant dense<0.000000e+00> : vector<1000x128xf32>
    %dot_general3A_19 = tpu.matmul %convert_element_type3A_16, %convert_element_type3A_17, %dot_general3A_18 {dimension_numbers = #tpu.dot_dimension_numbers<[1], [0], [0], [1], [0, 0, 1, 1], [], []>, transpose_lhs_hint = false} : vector<1000x128xbf16>, vector<128x128xbf16>, vector<1000x128xf32> -> vector<1000x128xf32>
    %get3A_20 = arith.constant 0 : index
    %get3A_21 = arith.constant 0 : index
    %get3A_22 = vector.load %arg5[%get3A_20, %get3A_21] : memref<1x128xf32, #tpu.memory_space<vmem>>, vector<1x128xf32>
    %add3A_23 = vector.broadcast %get3A_22 : vector<1x128xf32> to vector<1000x128xf32>
    %add3A_24 = arith.addf %dot_general3A_19, %add3A_23 : vector<1000x128xf32>
    %max3A_25 = arith.constant 0.000000e+00 : f32
    %max3A_26 = vector.broadcast %max3A_25 : f32 to vector<1000x128xf32>
    %max3A_27 = arith.maximumf %add3A_24, %max3A_26 : vector<1000x128xf32>
    %swap3A = arith.constant 0 : index
    %swap3A_28 = arith.constant 0 : index
    %swap3A_29 = vector.load %arg8[%swap3A, %swap3A_28] : memref<1000x128xf32, #tpu.memory_space<vmem>>, vector<1000x128xf32>
    tpu.vector_store %arg8[%swap3A, %swap3A_28], %max3A_27 {strides = array<i32>} : memref<1000x128xf32, #tpu.memory_space<vmem>>, vector<1000x128xf32>,
    %get3A_30 = arith.constant 0 : index
    %get3A_31 = arith.constant 0 : index
    %get3A_32 = vector.load %arg6[%get3A_30, %get3A_31] : memref<128x128xf32, #tpu.memory_space<vmem>>, vector<128x128xf32>
    %convert_element_type3A_33 = arith.truncf %max3A_27 : vector<1000x128xf32> to vector<1000x128xbf16>
    %convert_element_type3A_34 = arith.truncf %get3A_32 : vector<128x128xf32> to vector<128x128xbf16>
    %dot_general3A_35 = arith.constant dense<0.000000e+00> : vector<1000x128xf32>
    %dot_general3A_36 = tpu.matmul %convert_element_type3A_33, %convert_element_type3A_34, %dot_general3A_35 {dimension_numbers = #tpu.dot_dimension_numbers<[1], [0], [0], [1], [0, 0, 1, 1], [], []>, transpose_lhs_hint = false} : vector<1000x128xbf16>, vector<128x128xbf16>, vector<1000x128xf32> -> vector<1000x128xf32>
    %swap3A_37 = arith.constant 0 : index
    %swap3A_38 = arith.constant 0 : index
    %swap3A_39 = vector.load %arg9[%swap3A_37, %swap3A_38] : memref<1000x128xf32, #tpu.memory_space<vmem>>, vector<1000x128xf32>
    tpu.vector_store %arg9[%swap3A_37, %swap3A_38], %dot_general3A_36 {strides = array<i32>} : memref<1000x128xf32, #tpu.memory_space<vmem>>, vector<1000x128xf32>,
    %get3A_40 = arith.constant 0 : index
    %get3A_41 = arith.constant 0 : index
    %get3A_42 = vector.load %arg7[%get3A_40, %get3A_41] : memref<128x128xf32, #tpu.memory_space<vmem>>, vector<128x128xf32>
    %convert_element_type3A_43 = arith.truncf %max3A_27 : vector<1000x128xf32> to vector<1000x128xbf16>
    %convert_element_type3A_44 = arith.truncf %get3A_42 : vector<128x128xf32> to vector<128x128xbf16>
    %dot_general3A_45 = arith.constant dense<0.000000e+00> : vector<1000x128xf32>
    %dot_general3A_46 = tpu.matmul %convert_element_type3A_43, %convert_element_type3A_44, %dot_general3A_45 {dimension_numbers = #tpu.dot_dimension_numbers<[1], [0], [0], [1], [0, 0, 1, 1], [], []>, transpose_lhs_hint = false} : vector<1000x128xbf16>, vector<128x128xbf16>, vector<1000x128xf32> -> vector<1000x128xf32>
    %swap3A_47 = arith.constant 0 : index
    %swap3A_48 = arith.constant 0 : index
    %swap3A_49 = vector.load %arg10[%swap3A_47, %swap3A_48] : memref<1000x128xf32, #tpu.memory_space<vmem>>, vector<1000x128xf32>
    tpu.vector_store %arg10[%swap3A_47, %swap3A_48], %dot_general3A_46 {strides = array<i32>} : memref<1000x128xf32, #tpu.memory_space<vmem>>, vector<1000x128xf32>,
    return
  }
  func.func @transform_0(%arg0: i32) -> (i32, i32) {
    %c0_i32 = arith.constant 0 : i32
    %c0_i32_0 = arith.constant 0 : i32
    return %arg0, %c0_i32 : i32, i32
  }
  func.func @transform_1(%arg0: i32) -> (i32, i32) {
    %c0_i32 = arith.constant 0 : i32
    %c0_i32_0 = arith.constant 0 : i32
    %c0_i32_1 = arith.constant 0 : i32
    return %c0_i32, %c0_i32_0 : i32, i32
  }
  func.func @transform_2(%arg0: i32) -> (i32, i32) {
    %c0_i32 = arith.constant 0 : i32
    %c0_i32_0 = arith.constant 0 : i32
    %c0_i32_1 = arith.constant 0 : i32
    return %c0_i32, %c0_i32_0 : i32, i32
  }
  func.func @transform_3(%arg0: i32) -> (i32, i32) {
    %c0_i32 = arith.constant 0 : i32
    %c0_i32_0 = arith.constant 0 : i32
    %c0_i32_1 = arith.constant 0 : i32
    return %c0_i32, %c0_i32_0 : i32, i32
  }
  func.func @transform_4(%arg0: i32) -> (i32, i32) {
    %c0_i32 = arith.constant 0 : i32
    %c0_i32_0 = arith.constant 0 : i32
    %c0_i32_1 = arith.constant 0 : i32
    return %c0_i32, %c0_i32_0 : i32, i32
  }
  func.func @transform_5(%arg0: i32) -> (i32, i32) {
    %c0_i32 = arith.constant 0 : i32
    %c0_i32_0 = arith.constant 0 : i32
    %c0_i32_1 = arith.constant 0 : i32
    return %c0_i32, %c0_i32_0 : i32, i32
  }
  func.func @transform_6(%arg0: i32) -> (i32, i32) {
    %c0_i32 = arith.constant 0 : i32
    %c0_i32_0 = arith.constant 0 : i32
    %c0_i32_1 = arith.constant 0 : i32
    return %c0_i32, %c0_i32_0 : i32, i32
  }
  func.func @transform_7(%arg0: i32) -> (i32, i32) {
    %c0_i32 = arith.constant 0 : i32
    %c0_i32_0 = arith.constant 0 : i32
    return %arg0, %c0_i32 : i32, i32
  }
  func.func @transform_8(%arg0: i32) -> (i32, i32) {
    %c0_i32 = arith.constant 0 : i32
    %c0_i32_0 = arith.constant 0 : i32
    return %arg0, %c0_i32 : i32, i32
  }
  func.func @transform_9(%arg0: i32) -> (i32, i32) {
    %c0_i32 = arith.constant 0 : i32
    %c0_i32_0 = arith.constant 0 : i32
    return %arg0, %c0_i32 : i32, i32
  }
}

module attributes {stable_mosaic.version = 14 : i64} {
  func.func @_edge_body(%arg0: i32, %arg1: memref<2048x128xf32, #tpu.memory_space<vmem>>, %arg2: memref<2048x128xf32, #tpu.memory_space<vmem>>, %arg3: memref<1x128xf32, #tpu.memory_space<vmem>>, %arg4: memref<1x128xf32, #tpu.memory_space<vmem>>, %arg5: memref<1x128xf32, #tpu.memory_space<vmem>>, %arg6: memref<128x128xf32, #tpu.memory_space<vmem>>, %arg7: memref<1x128xf32, #tpu.memory_space<vmem>>, %arg8: memref<1x128xf32, #tpu.memory_space<vmem>>, %arg9: memref<1x128xf32, #tpu.memory_space<vmem>>, %arg10: memref<128x128xf32, #tpu.memory_space<vmem>>, %arg11: memref<1x128xf32, #tpu.memory_space<vmem>>, %arg12: memref<1x128xf32, #tpu.memory_space<vmem>>, %arg13: memref<1x128xf32, #tpu.memory_space<vmem>>, %arg14: memref<128x128xf32, #tpu.memory_space<vmem>>, %arg15: memref<1x128xf32, #tpu.memory_space<vmem>>, %arg16: memref<1x128xf32, #tpu.memory_space<vmem>>, %arg17: memref<1x128xf32, #tpu.memory_space<vmem>>, %arg18: memref<2048x128xf32, #tpu.memory_space<vmem>>) attributes {dimension_semantics = [#tpu.dimension_semantics<arbitrary>], iteration_bounds = array<i64: 158>, scalar_prefetch = 0 : i64, scratch_operands = 0 : i64, tpu.core_type = #tpu.core_type<tc>, window_params = [{transform_indices = @transform_0, window_bounds = array<i64: 2048, 128>}, {transform_indices = @transform_1, window_bounds = array<i64: 2048, 128>}, {pipeline_mode = #tpu.pipeline_mode<synchronous>, transform_indices = @transform_2, window_bounds = array<i64: 1, 128>}, {pipeline_mode = #tpu.pipeline_mode<synchronous>, transform_indices = @transform_3, window_bounds = array<i64: 1, 128>}, {pipeline_mode = #tpu.pipeline_mode<synchronous>, transform_indices = @transform_4, window_bounds = array<i64: 1, 128>}, {pipeline_mode = #tpu.pipeline_mode<synchronous>, transform_indices = @transform_5, window_bounds = array<i64: 128, 128>}, {pipeline_mode = #tpu.pipeline_mode<synchronous>, transform_indices = @transform_6, window_bounds = array<i64: 1, 128>}, {pipeline_mode = #tpu.pipeline_mode<synchronous>, transform_indices = @transform_7, window_bounds = array<i64: 1, 128>}, {pipeline_mode = #tpu.pipeline_mode<synchronous>, transform_indices = @transform_8, window_bounds = array<i64: 1, 128>}, {pipeline_mode = #tpu.pipeline_mode<synchronous>, transform_indices = @transform_9, window_bounds = array<i64: 128, 128>}, {pipeline_mode = #tpu.pipeline_mode<synchronous>, transform_indices = @transform_10, window_bounds = array<i64: 1, 128>}, {pipeline_mode = #tpu.pipeline_mode<synchronous>, transform_indices = @transform_11, window_bounds = array<i64: 1, 128>}, {pipeline_mode = #tpu.pipeline_mode<synchronous>, transform_indices = @transform_12, window_bounds = array<i64: 1, 128>}, {pipeline_mode = #tpu.pipeline_mode<synchronous>, transform_indices = @transform_13, window_bounds = array<i64: 128, 128>}, {pipeline_mode = #tpu.pipeline_mode<synchronous>, transform_indices = @transform_14, window_bounds = array<i64: 1, 128>}, {pipeline_mode = #tpu.pipeline_mode<synchronous>, transform_indices = @transform_15, window_bounds = array<i64: 1, 128>}, {pipeline_mode = #tpu.pipeline_mode<synchronous>, transform_indices = @transform_16, window_bounds = array<i64: 1, 128>}, {transform_indices = @transform_17, window_bounds = array<i64: 2048, 128>}]} {
    %get3A = arith.constant 0 : index
    %get3A_0 = arith.constant 0 : index
    %get3A_1 = vector.load %arg1[%get3A, %get3A_0] : memref<2048x128xf32, #tpu.memory_space<vmem>>, vector<2048x128xf32>
    %get3A_2 = arith.constant 0 : index
    %get3A_3 = arith.constant 0 : index
    %get3A_4 = vector.load %arg2[%get3A_2, %get3A_3] : memref<2048x128xf32, #tpu.memory_space<vmem>>, vector<2048x128xf32>
    %add3A = arith.addf %get3A_1, %get3A_4 : vector<2048x128xf32>
    %get3A_5 = arith.constant 0 : index
    %get3A_6 = arith.constant 0 : index
    %get3A_7 = vector.load %arg3[%get3A_5, %get3A_6] : memref<1x128xf32, #tpu.memory_space<vmem>>, vector<1x128xf32>
    %add3A_8 = vector.broadcast %get3A_7 : vector<1x128xf32> to vector<2048x128xf32>
    %add3A_9 = arith.addf %add3A, %add3A_8 : vector<2048x128xf32>
    %get3A_10 = arith.constant 0 : index
    %get3A_11 = arith.constant 0 : index
    %get3A_12 = vector.load %arg4[%get3A_10, %get3A_11] : memref<1x128xf32, #tpu.memory_space<vmem>>, vector<1x128xf32>
    %get3A_13 = arith.constant 0 : index
    %get3A_14 = arith.constant 0 : index
    %get3A_15 = vector.load %arg5[%get3A_13, %get3A_14] : memref<1x128xf32, #tpu.memory_space<vmem>>, vector<1x128xf32>
    %reduce_sum3A = arith.constant dense<0.000000e+00> : vector<2048xf32>
    %reduce_sum3A_16 = vector.multi_reduction <add>, %add3A_9, %reduce_sum3A [1] : vector<2048x128xf32> to vector<2048xf32>
    %broadcast_in_dim3A = vector.shape_cast %reduce_sum3A_16 : vector<2048xf32> to vector<2048x1xf32>
    %div3A = arith.constant 1.280000e+02 : f32
    %div3A_17 = vector.broadcast %div3A : f32 to vector<2048x1xf32>
    %div3A_18 = arith.divf %broadcast_in_dim3A, %div3A_17 : vector<2048x1xf32>
    %sub3A = vector.broadcast %div3A_18 : vector<2048x1xf32> to vector<2048x128xf32>
    %sub3A_19 = arith.subf %add3A_9, %sub3A : vector<2048x128xf32>
    %integer_pow3A = arith.mulf %sub3A_19, %sub3A_19 : vector<2048x128xf32>
    %reduce_sum3A_20 = arith.constant dense<0.000000e+00> : vector<2048xf32>
    %reduce_sum3A_21 = vector.multi_reduction <add>, %integer_pow3A, %reduce_sum3A_20 [1] : vector<2048x128xf32> to vector<2048xf32>
    %broadcast_in_dim3A_22 = vector.shape_cast %reduce_sum3A_21 : vector<2048xf32> to vector<2048x1xf32>
    %div3A_23 = arith.constant 1.280000e+02 : f32
    %div3A_24 = vector.broadcast %div3A_23 : f32 to vector<2048x1xf32>
    %div3A_25 = arith.divf %broadcast_in_dim3A_22, %div3A_24 : vector<2048x1xf32>
    %sub3A_26 = vector.broadcast %div3A_18 : vector<2048x1xf32> to vector<2048x128xf32>
    %sub3A_27 = arith.subf %add3A_9, %sub3A_26 : vector<2048x128xf32>
    %add3A_28 = arith.constant 9.99999974E-6 : f32
    %add3A_29 = vector.broadcast %add3A_28 : f32 to vector<2048x1xf32>
    %add3A_30 = arith.addf %div3A_25, %add3A_29 : vector<2048x1xf32>
    %rsqrt3A = math.rsqrt %add3A_30 : vector<2048x1xf32>
    %mul3A = vector.broadcast %rsqrt3A : vector<2048x1xf32> to vector<2048x128xf32>
    %mul3A_31 = arith.mulf %sub3A_27, %mul3A : vector<2048x128xf32>
    %mul3A_32 = vector.broadcast %get3A_12 : vector<1x128xf32> to vector<2048x128xf32>
    %mul3A_33 = arith.mulf %mul3A_31, %mul3A_32 : vector<2048x128xf32>
    %add3A_34 = vector.broadcast %get3A_15 : vector<1x128xf32> to vector<2048x128xf32>
    %add3A_35 = arith.addf %mul3A_33, %add3A_34 : vector<2048x128xf32>
    %max3A = arith.constant 0.000000e+00 : f32
    %max3A_36 = vector.broadcast %max3A : f32 to vector<2048x128xf32>
    %max3A_37 = arith.maximumf %add3A_35, %max3A_36 : vector<2048x128xf32>
    %get3A_38 = arith.constant 0 : index
    %get3A_39 = arith.constant 0 : index
    %get3A_40 = vector.load %arg6[%get3A_38, %get3A_39] : memref<128x128xf32, #tpu.memory_space<vmem>>, vector<128x128xf32>
    %convert_element_type3A = arith.truncf %max3A_37 : vector<2048x128xf32> to vector<2048x128xbf16>
    %convert_element_type3A_41 = arith.truncf %get3A_40 : vector<128x128xf32> to vector<128x128xbf16>
    %dot_general3A = arith.constant dense<0.000000e+00> : vector<2048x128xf32>
    %dot_general3A_42 = tpu.matmul %convert_element_type3A, %convert_element_type3A_41, %dot_general3A {dimension_numbers = #tpu.dot_dimension_numbers<[1], [0], [0], [1], [0, 0, 1, 1], [], []>, transpose_lhs_hint = false} : vector<2048x128xbf16>, vector<128x128xbf16>, vector<2048x128xf32> -> vector<2048x128xf32>
    %get3A_43 = arith.constant 0 : index
    %get3A_44 = arith.constant 0 : index
    %get3A_45 = vector.load %arg7[%get3A_43, %get3A_44] : memref<1x128xf32, #tpu.memory_space<vmem>>, vector<1x128xf32>
    %add3A_46 = vector.broadcast %get3A_45 : vector<1x128xf32> to vector<2048x128xf32>
    %add3A_47 = arith.addf %dot_general3A_42, %add3A_46 : vector<2048x128xf32>
    %get3A_48 = arith.constant 0 : index
    %get3A_49 = arith.constant 0 : index
    %get3A_50 = vector.load %arg8[%get3A_48, %get3A_49] : memref<1x128xf32, #tpu.memory_space<vmem>>, vector<1x128xf32>
    %get3A_51 = arith.constant 0 : index
    %get3A_52 = arith.constant 0 : index
    %get3A_53 = vector.load %arg9[%get3A_51, %get3A_52] : memref<1x128xf32, #tpu.memory_space<vmem>>, vector<1x128xf32>
    %reduce_sum3A_54 = arith.constant dense<0.000000e+00> : vector<2048xf32>
    %reduce_sum3A_55 = vector.multi_reduction <add>, %add3A_47, %reduce_sum3A_54 [1] : vector<2048x128xf32> to vector<2048xf32>
    %broadcast_in_dim3A_56 = vector.shape_cast %reduce_sum3A_55 : vector<2048xf32> to vector<2048x1xf32>
    %div3A_57 = arith.constant 1.280000e+02 : f32
    %div3A_58 = vector.broadcast %div3A_57 : f32 to vector<2048x1xf32>
    %div3A_59 = arith.divf %broadcast_in_dim3A_56, %div3A_58 : vector<2048x1xf32>
    %sub3A_60 = vector.broadcast %div3A_59 : vector<2048x1xf32> to vector<2048x128xf32>
    %sub3A_61 = arith.subf %add3A_47, %sub3A_60 : vector<2048x128xf32>
    %integer_pow3A_62 = arith.mulf %sub3A_61, %sub3A_61 : vector<2048x128xf32>
    %reduce_sum3A_63 = arith.constant dense<0.000000e+00> : vector<2048xf32>
    %reduce_sum3A_64 = vector.multi_reduction <add>, %integer_pow3A_62, %reduce_sum3A_63 [1] : vector<2048x128xf32> to vector<2048xf32>
    %broadcast_in_dim3A_65 = vector.shape_cast %reduce_sum3A_64 : vector<2048xf32> to vector<2048x1xf32>
    %div3A_66 = arith.constant 1.280000e+02 : f32
    %div3A_67 = vector.broadcast %div3A_66 : f32 to vector<2048x1xf32>
    %div3A_68 = arith.divf %broadcast_in_dim3A_65, %div3A_67 : vector<2048x1xf32>
    %sub3A_69 = vector.broadcast %div3A_59 : vector<2048x1xf32> to vector<2048x128xf32>
    %sub3A_70 = arith.subf %add3A_47, %sub3A_69 : vector<2048x128xf32>
    %add3A_71 = arith.constant 9.99999974E-6 : f32
    %add3A_72 = vector.broadcast %add3A_71 : f32 to vector<2048x1xf32>
    %add3A_73 = arith.addf %div3A_68, %add3A_72 : vector<2048x1xf32>
    %rsqrt3A_74 = math.rsqrt %add3A_73 : vector<2048x1xf32>
    %mul3A_75 = vector.broadcast %rsqrt3A_74 : vector<2048x1xf32> to vector<2048x128xf32>
    %mul3A_76 = arith.mulf %sub3A_70, %mul3A_75 : vector<2048x128xf32>
    %mul3A_77 = vector.broadcast %get3A_50 : vector<1x128xf32> to vector<2048x128xf32>
    %mul3A_78 = arith.mulf %mul3A_76, %mul3A_77 : vector<2048x128xf32>
    %add3A_79 = vector.broadcast %get3A_53 : vector<1x128xf32> to vector<2048x128xf32>
    %add3A_80 = arith.addf %mul3A_78, %add3A_79 : vector<2048x128xf32>
    %max3A_81 = arith.constant 0.000000e+00 : f32
    %max3A_82 = vector.broadcast %max3A_81 : f32 to vector<2048x128xf32>
    %max3A_83 = arith.maximumf %add3A_80, %max3A_82 : vector<2048x128xf32>
    %get3A_84 = arith.constant 0 : index
    %get3A_85 = arith.constant 0 : index
    %get3A_86 = vector.load %arg10[%get3A_84, %get3A_85] : memref<128x128xf32, #tpu.memory_space<vmem>>, vector<128x128xf32>
    %convert_element_type3A_87 = arith.truncf %max3A_83 : vector<2048x128xf32> to vector<2048x128xbf16>
    %convert_element_type3A_88 = arith.truncf %get3A_86 : vector<128x128xf32> to vector<128x128xbf16>
    %dot_general3A_89 = arith.constant dense<0.000000e+00> : vector<2048x128xf32>
    %dot_general3A_90 = tpu.matmul %convert_element_type3A_87, %convert_element_type3A_88, %dot_general3A_89 {dimension_numbers = #tpu.dot_dimension_numbers<[1], [0], [0], [1], [0, 0, 1, 1], [], []>, transpose_lhs_hint = false} : vector<2048x128xbf16>, vector<128x128xbf16>, vector<2048x128xf32> -> vector<2048x128xf32>
    %get3A_91 = arith.constant 0 : index
    %get3A_92 = arith.constant 0 : index
    %get3A_93 = vector.load %arg11[%get3A_91, %get3A_92] : memref<1x128xf32, #tpu.memory_space<vmem>>, vector<1x128xf32>
    %add3A_94 = vector.broadcast %get3A_93 : vector<1x128xf32> to vector<2048x128xf32>
    %add3A_95 = arith.addf %dot_general3A_90, %add3A_94 : vector<2048x128xf32>
    %get3A_96 = arith.constant 0 : index
    %get3A_97 = arith.constant 0 : index
    %get3A_98 = vector.load %arg12[%get3A_96, %get3A_97] : memref<1x128xf32, #tpu.memory_space<vmem>>, vector<1x128xf32>
    %get3A_99 = arith.constant 0 : index
    %get3A_100 = arith.constant 0 : index
    %get3A_101 = vector.load %arg13[%get3A_99, %get3A_100] : memref<1x128xf32, #tpu.memory_space<vmem>>, vector<1x128xf32>
    %reduce_sum3A_102 = arith.constant dense<0.000000e+00> : vector<2048xf32>
    %reduce_sum3A_103 = vector.multi_reduction <add>, %add3A_95, %reduce_sum3A_102 [1] : vector<2048x128xf32> to vector<2048xf32>
    %broadcast_in_dim3A_104 = vector.shape_cast %reduce_sum3A_103 : vector<2048xf32> to vector<2048x1xf32>
    %div3A_105 = arith.constant 1.280000e+02 : f32
    %div3A_106 = vector.broadcast %div3A_105 : f32 to vector<2048x1xf32>
    %div3A_107 = arith.divf %broadcast_in_dim3A_104, %div3A_106 : vector<2048x1xf32>
    %sub3A_108 = vector.broadcast %div3A_107 : vector<2048x1xf32> to vector<2048x128xf32>
    %sub3A_109 = arith.subf %add3A_95, %sub3A_108 : vector<2048x128xf32>
    %integer_pow3A_110 = arith.mulf %sub3A_109, %sub3A_109 : vector<2048x128xf32>
    %reduce_sum3A_111 = arith.constant dense<0.000000e+00> : vector<2048xf32>
    %reduce_sum3A_112 = vector.multi_reduction <add>, %integer_pow3A_110, %reduce_sum3A_111 [1] : vector<2048x128xf32> to vector<2048xf32>
    %broadcast_in_dim3A_113 = vector.shape_cast %reduce_sum3A_112 : vector<2048xf32> to vector<2048x1xf32>
    %div3A_114 = arith.constant 1.280000e+02 : f32
    %div3A_115 = vector.broadcast %div3A_114 : f32 to vector<2048x1xf32>
    %div3A_116 = arith.divf %broadcast_in_dim3A_113, %div3A_115 : vector<2048x1xf32>
    %sub3A_117 = vector.broadcast %div3A_107 : vector<2048x1xf32> to vector<2048x128xf32>
    %sub3A_118 = arith.subf %add3A_95, %sub3A_117 : vector<2048x128xf32>
    %add3A_119 = arith.constant 9.99999974E-6 : f32
    %add3A_120 = vector.broadcast %add3A_119 : f32 to vector<2048x1xf32>
    %add3A_121 = arith.addf %div3A_116, %add3A_120 : vector<2048x1xf32>
    %rsqrt3A_122 = math.rsqrt %add3A_121 : vector<2048x1xf32>
    %mul3A_123 = vector.broadcast %rsqrt3A_122 : vector<2048x1xf32> to vector<2048x128xf32>
    %mul3A_124 = arith.mulf %sub3A_118, %mul3A_123 : vector<2048x128xf32>
    %mul3A_125 = vector.broadcast %get3A_98 : vector<1x128xf32> to vector<2048x128xf32>
    %mul3A_126 = arith.mulf %mul3A_124, %mul3A_125 : vector<2048x128xf32>
    %add3A_127 = vector.broadcast %get3A_101 : vector<1x128xf32> to vector<2048x128xf32>
    %add3A_128 = arith.addf %mul3A_126, %add3A_127 : vector<2048x128xf32>
    %max3A_129 = arith.constant 0.000000e+00 : f32
    %max3A_130 = vector.broadcast %max3A_129 : f32 to vector<2048x128xf32>
    %max3A_131 = arith.maximumf %add3A_128, %max3A_130 : vector<2048x128xf32>
    %get3A_132 = arith.constant 0 : index
    %get3A_133 = arith.constant 0 : index
    %get3A_134 = vector.load %arg14[%get3A_132, %get3A_133] : memref<128x128xf32, #tpu.memory_space<vmem>>, vector<128x128xf32>
    %convert_element_type3A_135 = arith.truncf %max3A_131 : vector<2048x128xf32> to vector<2048x128xbf16>
    %convert_element_type3A_136 = arith.truncf %get3A_134 : vector<128x128xf32> to vector<128x128xbf16>
    %dot_general3A_137 = arith.constant dense<0.000000e+00> : vector<2048x128xf32>
    %dot_general3A_138 = tpu.matmul %convert_element_type3A_135, %convert_element_type3A_136, %dot_general3A_137 {dimension_numbers = #tpu.dot_dimension_numbers<[1], [0], [0], [1], [0, 0, 1, 1], [], []>, transpose_lhs_hint = false} : vector<2048x128xbf16>, vector<128x128xbf16>, vector<2048x128xf32> -> vector<2048x128xf32>
    %get3A_139 = arith.constant 0 : index
    %get3A_140 = arith.constant 0 : index
    %get3A_141 = vector.load %arg15[%get3A_139, %get3A_140] : memref<1x128xf32, #tpu.memory_space<vmem>>, vector<1x128xf32>
    %add3A_142 = vector.broadcast %get3A_141 : vector<1x128xf32> to vector<2048x128xf32>
    %add3A_143 = arith.addf %dot_general3A_138, %add3A_142 : vector<2048x128xf32>
    %get3A_144 = arith.constant 0 : index
    %get3A_145 = arith.constant 0 : index
    %get3A_146 = vector.load %arg16[%get3A_144, %get3A_145] : memref<1x128xf32, #tpu.memory_space<vmem>>, vector<1x128xf32>
    %get3A_147 = arith.constant 0 : index
    %get3A_148 = arith.constant 0 : index
    %get3A_149 = vector.load %arg17[%get3A_147, %get3A_148] : memref<1x128xf32, #tpu.memory_space<vmem>>, vector<1x128xf32>
    %reduce_sum3A_150 = arith.constant dense<0.000000e+00> : vector<2048xf32>
    %reduce_sum3A_151 = vector.multi_reduction <add>, %add3A_143, %reduce_sum3A_150 [1] : vector<2048x128xf32> to vector<2048xf32>
    %broadcast_in_dim3A_152 = vector.shape_cast %reduce_sum3A_151 : vector<2048xf32> to vector<2048x1xf32>
    %div3A_153 = arith.constant 1.280000e+02 : f32
    %div3A_154 = vector.broadcast %div3A_153 : f32 to vector<2048x1xf32>
    %div3A_155 = arith.divf %broadcast_in_dim3A_152, %div3A_154 : vector<2048x1xf32>
    %sub3A_156 = vector.broadcast %div3A_155 : vector<2048x1xf32> to vector<2048x128xf32>
    %sub3A_157 = arith.subf %add3A_143, %sub3A_156 : vector<2048x128xf32>
    %integer_pow3A_158 = arith.mulf %sub3A_157, %sub3A_157 : vector<2048x128xf32>
    %reduce_sum3A_159 = arith.constant dense<0.000000e+00> : vector<2048xf32>
    %reduce_sum3A_160 = vector.multi_reduction <add>, %integer_pow3A_158, %reduce_sum3A_159 [1] : vector<2048x128xf32> to vector<2048xf32>
    %broadcast_in_dim3A_161 = vector.shape_cast %reduce_sum3A_160 : vector<2048xf32> to vector<2048x1xf32>
    %div3A_162 = arith.constant 1.280000e+02 : f32
    %div3A_163 = vector.broadcast %div3A_162 : f32 to vector<2048x1xf32>
    %div3A_164 = arith.divf %broadcast_in_dim3A_161, %div3A_163 : vector<2048x1xf32>
    %sub3A_165 = vector.broadcast %div3A_155 : vector<2048x1xf32> to vector<2048x128xf32>
    %sub3A_166 = arith.subf %add3A_143, %sub3A_165 : vector<2048x128xf32>
    %add3A_167 = arith.constant 9.99999974E-6 : f32
    %add3A_168 = vector.broadcast %add3A_167 : f32 to vector<2048x1xf32>
    %add3A_169 = arith.addf %div3A_164, %add3A_168 : vector<2048x1xf32>
    %rsqrt3A_170 = math.rsqrt %add3A_169 : vector<2048x1xf32>
    %mul3A_171 = vector.broadcast %rsqrt3A_170 : vector<2048x1xf32> to vector<2048x128xf32>
    %mul3A_172 = arith.mulf %sub3A_166, %mul3A_171 : vector<2048x128xf32>
    %mul3A_173 = vector.broadcast %get3A_146 : vector<1x128xf32> to vector<2048x128xf32>
    %mul3A_174 = arith.mulf %mul3A_172, %mul3A_173 : vector<2048x128xf32>
    %add3A_175 = vector.broadcast %get3A_149 : vector<1x128xf32> to vector<2048x128xf32>
    %add3A_176 = arith.addf %mul3A_174, %add3A_175 : vector<2048x128xf32>
    %max3A_177 = arith.constant 0.000000e+00 : f32
    %max3A_178 = vector.broadcast %max3A_177 : f32 to vector<2048x128xf32>
    %max3A_179 = arith.maximumf %add3A_176, %max3A_178 : vector<2048x128xf32>
    %mul3A_180 = arith.constant 2048 : i32
    %mul3A_181 = arith.muli %arg0, %mul3A_180 : i32
    %iota3A = tpu.iota {dimensions = array<i32: 0>} : vector<2048x1xi32>
    %add3A_182 = vector.broadcast %mul3A_181 : i32 to vector<2048x1xi32>
    %add3A_183 = arith.addi %add3A_182, %iota3A : vector<2048x1xi32>
    %lt3A = arith.constant 640000 : i32
    %lt3A_184 = vector.broadcast %lt3A : i32 to vector<2048x1xi32>
    %lt3A_185 = arith.cmpi slt, %add3A_183, %lt3A_184 : vector<2048x1xi32>
    %jit3A = arith.constant 0.000000e+00 : f32
    %broadcast_in_dim3A_186 = vector.shape_cast %lt3A_185 : vector<2048x1xi1> to vector<2048x1xi1>
    %broadcast_in_dim3A_187 = vector.broadcast %broadcast_in_dim3A_186 : vector<2048x1xi1> to vector<2048x128xi1>
    %broadcast_in_dim3A_188 = vector.broadcast %jit3A : f32 to vector<2048x128xf32>
    %select_n3A = arith.select %broadcast_in_dim3A_187, %max3A_179, %broadcast_in_dim3A_188 : vector<2048x128xi1>, vector<2048x128xf32>
    %swap3A = arith.constant 0 : index
    %swap3A_189 = arith.constant 0 : index
    %swap3A_190 = vector.load %arg18[%swap3A, %swap3A_189] : memref<2048x128xf32, #tpu.memory_space<vmem>>, vector<2048x128xf32>
    tpu.vector_store %arg18[%swap3A, %swap3A_189], %select_n3A {strides = array<i32>} : memref<2048x128xf32, #tpu.memory_space<vmem>>, vector<2048x128xf32>,
    return
  }
  func.func @transform_0(%arg0: i32) -> (i32, i32) {
    %c0_i32 = arith.constant 0 : i32
    %c0_i32_0 = arith.constant 0 : i32
    return %arg0, %c0_i32 : i32, i32
  }
  func.func @transform_1(%arg0: i32) -> (i32, i32) {
    %c0_i32 = arith.constant 0 : i32
    %c0_i32_0 = arith.constant 0 : i32
    return %arg0, %c0_i32 : i32, i32
  }
  func.func @transform_2(%arg0: i32) -> (i32, i32) {
    %c0_i32 = arith.constant 0 : i32
    %c0_i32_0 = arith.constant 0 : i32
    %c0_i32_1 = arith.constant 0 : i32
    return %c0_i32, %c0_i32_0 : i32, i32
  }
  func.func @transform_3(%arg0: i32) -> (i32, i32) {
    %c0_i32 = arith.constant 0 : i32
    %c0_i32_0 = arith.constant 0 : i32
    %c0_i32_1 = arith.constant 0 : i32
    return %c0_i32, %c0_i32_0 : i32, i32
  }
  func.func @transform_4(%arg0: i32) -> (i32, i32) {
    %c0_i32 = arith.constant 0 : i32
    %c0_i32_0 = arith.constant 0 : i32
    %c0_i32_1 = arith.constant 0 : i32
    return %c0_i32, %c0_i32_0 : i32, i32
  }
  func.func @transform_5(%arg0: i32) -> (i32, i32) {
    %c0_i32 = arith.constant 0 : i32
    %c0_i32_0 = arith.constant 0 : i32
    %c0_i32_1 = arith.constant 0 : i32
    return %c0_i32, %c0_i32_0 : i32, i32
  }
  func.func @transform_6(%arg0: i32) -> (i32, i32) {
    %c0_i32 = arith.constant 0 : i32
    %c0_i32_0 = arith.constant 0 : i32
    %c0_i32_1 = arith.constant 0 : i32
    return %c0_i32, %c0_i32_0 : i32, i32
  }
  func.func @transform_7(%arg0: i32) -> (i32, i32) {
    %c0_i32 = arith.constant 0 : i32
    %c0_i32_0 = arith.constant 0 : i32
    %c0_i32_1 = arith.constant 0 : i32
    return %c0_i32, %c0_i32_0 : i32, i32
  }
  func.func @transform_8(%arg0: i32) -> (i32, i32) {
    %c0_i32 = arith.constant 0 : i32
    %c0_i32_0 = arith.constant 0 : i32
    %c0_i32_1 = arith.constant 0 : i32
    return %c0_i32, %c0_i32_0 : i32, i32
  }
  func.func @transform_9(%arg0: i32) -> (i32, i32) {
    %c0_i32 = arith.constant 0 : i32
    %c0_i32_0 = arith.constant 0 : i32
    %c0_i32_1 = arith.constant 0 : i32
    return %c0_i32, %c0_i32_0 : i32, i32
  }
  func.func @transform_10(%arg0: i32) -> (i32, i32) {
    %c0_i32 = arith.constant 0 : i32
    %c0_i32_0 = arith.constant 0 : i32
    %c0_i32_1 = arith.constant 0 : i32
    return %c0_i32, %c0_i32_0 : i32, i32
  }
  func.func @transform_11(%arg0: i32) -> (i32, i32) {
    %c0_i32 = arith.constant 0 : i32
    %c0_i32_0 = arith.constant 0 : i32
    %c0_i32_1 = arith.constant 0 : i32
    return %c0_i32, %c0_i32_0 : i32, i32
  }
  func.func @transform_12(%arg0: i32) -> (i32, i32) {
    %c0_i32 = arith.constant 0 : i32
    %c0_i32_0 = arith.constant 0 : i32
    %c0_i32_1 = arith.constant 0 : i32
    return %c0_i32, %c0_i32_0 : i32, i32
  }
  func.func @transform_13(%arg0: i32) -> (i32, i32) {
    %c0_i32 = arith.constant 0 : i32
    %c0_i32_0 = arith.constant 0 : i32
    %c0_i32_1 = arith.constant 0 : i32
    return %c0_i32, %c0_i32_0 : i32, i32
  }
  func.func @transform_14(%arg0: i32) -> (i32, i32) {
    %c0_i32 = arith.constant 0 : i32
    %c0_i32_0 = arith.constant 0 : i32
    %c0_i32_1 = arith.constant 0 : i32
    return %c0_i32, %c0_i32_0 : i32, i32
  }
  func.func @transform_15(%arg0: i32) -> (i32, i32) {
    %c0_i32 = arith.constant 0 : i32
    %c0_i32_0 = arith.constant 0 : i32
    %c0_i32_1 = arith.constant 0 : i32
    return %c0_i32, %c0_i32_0 : i32, i32
  }
  func.func @transform_16(%arg0: i32) -> (i32, i32) {
    %c0_i32 = arith.constant 0 : i32
    %c0_i32_0 = arith.constant 0 : i32
    %c0_i32_1 = arith.constant 0 : i32
    return %c0_i32, %c0_i32_0 : i32, i32
  }
  func.func @transform_17(%arg0: i32) -> (i32, i32) {
    %c0_i32 = arith.constant 0 : i32
    %c0_i32_0 = arith.constant 0 : i32
    return %arg0, %c0_i32 : i32, i32
  }
}

module attributes {stable_mosaic.version = 14 : i64} {
  func.func @_edge_body(%arg0: i32, %arg1: memref<2048x128xf32, #tpu.memory_space<vmem>>, %arg2: memref<2048x128xf32, #tpu.memory_space<vmem>>, %arg3: memref<1x128xf32, #tpu.memory_space<vmem>>, %arg4: memref<1x128xf32, #tpu.memory_space<vmem>>, %arg5: memref<1x128xf32, #tpu.memory_space<vmem>>, %arg6: memref<128x128xf32, #tpu.memory_space<vmem>>, %arg7: memref<1x128xf32, #tpu.memory_space<vmem>>, %arg8: memref<1x128xf32, #tpu.memory_space<vmem>>, %arg9: memref<1x128xf32, #tpu.memory_space<vmem>>, %arg10: memref<128x128xf32, #tpu.memory_space<vmem>>, %arg11: memref<1x128xf32, #tpu.memory_space<vmem>>, %arg12: memref<1x128xf32, #tpu.memory_space<vmem>>, %arg13: memref<1x128xf32, #tpu.memory_space<vmem>>, %arg14: memref<128x128xf32, #tpu.memory_space<vmem>>, %arg15: memref<1x128xf32, #tpu.memory_space<vmem>>, %arg16: memref<1x128xf32, #tpu.memory_space<vmem>>, %arg17: memref<1x128xf32, #tpu.memory_space<vmem>>, %arg18: memref<2048x128xf32, #tpu.memory_space<vmem>>) attributes {dimension_semantics = [#tpu.dimension_semantics<arbitrary>], iteration_bounds = array<i64: 158>, scalar_prefetch = 0 : i64, scratch_operands = 0 : i64, tpu.core_type = #tpu.core_type<tc>, window_params = [{transform_indices = @transform_0, window_bounds = array<i64: 2048, 128>}, {transform_indices = @transform_1, window_bounds = array<i64: 2048, 128>}, {pipeline_mode = #tpu.pipeline_mode<synchronous>, transform_indices = @transform_2, window_bounds = array<i64: 1, 128>}, {pipeline_mode = #tpu.pipeline_mode<synchronous>, transform_indices = @transform_3, window_bounds = array<i64: 1, 128>}, {pipeline_mode = #tpu.pipeline_mode<synchronous>, transform_indices = @transform_4, window_bounds = array<i64: 1, 128>}, {pipeline_mode = #tpu.pipeline_mode<synchronous>, transform_indices = @transform_5, window_bounds = array<i64: 128, 128>}, {pipeline_mode = #tpu.pipeline_mode<synchronous>, transform_indices = @transform_6, window_bounds = array<i64: 1, 128>}, {pipeline_mode = #tpu.pipeline_mode<synchronous>, transform_indices = @transform_7, window_bounds = array<i64: 1, 128>}, {pipeline_mode = #tpu.pipeline_mode<synchronous>, transform_indices = @transform_8, window_bounds = array<i64: 1, 128>}, {pipeline_mode = #tpu.pipeline_mode<synchronous>, transform_indices = @transform_9, window_bounds = array<i64: 128, 128>}, {pipeline_mode = #tpu.pipeline_mode<synchronous>, transform_indices = @transform_10, window_bounds = array<i64: 1, 128>}, {pipeline_mode = #tpu.pipeline_mode<synchronous>, transform_indices = @transform_11, window_bounds = array<i64: 1, 128>}, {pipeline_mode = #tpu.pipeline_mode<synchronous>, transform_indices = @transform_12, window_bounds = array<i64: 1, 128>}, {pipeline_mode = #tpu.pipeline_mode<synchronous>, transform_indices = @transform_13, window_bounds = array<i64: 128, 128>}, {pipeline_mode = #tpu.pipeline_mode<synchronous>, transform_indices = @transform_14, window_bounds = array<i64: 1, 128>}, {pipeline_mode = #tpu.pipeline_mode<synchronous>, transform_indices = @transform_15, window_bounds = array<i64: 1, 128>}, {pipeline_mode = #tpu.pipeline_mode<synchronous>, transform_indices = @transform_16, window_bounds = array<i64: 1, 128>}, {transform_indices = @transform_17, window_bounds = array<i64: 2048, 128>}]} {
    %get3A = arith.constant 0 : index
    %get3A_0 = arith.constant 0 : index
    %get3A_1 = vector.load %arg1[%get3A, %get3A_0] : memref<2048x128xf32, #tpu.memory_space<vmem>>, vector<2048x128xf32>
    %get3A_2 = arith.constant 0 : index
    %get3A_3 = arith.constant 0 : index
    %get3A_4 = vector.load %arg2[%get3A_2, %get3A_3] : memref<2048x128xf32, #tpu.memory_space<vmem>>, vector<2048x128xf32>
    %add3A = arith.addf %get3A_1, %get3A_4 : vector<2048x128xf32>
    %get3A_5 = arith.constant 0 : index
    %get3A_6 = arith.constant 0 : index
    %get3A_7 = vector.load %arg3[%get3A_5, %get3A_6] : memref<1x128xf32, #tpu.memory_space<vmem>>, vector<1x128xf32>
    %add3A_8 = vector.broadcast %get3A_7 : vector<1x128xf32> to vector<2048x128xf32>
    %add3A_9 = arith.addf %add3A, %add3A_8 : vector<2048x128xf32>
    %get3A_10 = arith.constant 0 : index
    %get3A_11 = arith.constant 0 : index
    %get3A_12 = vector.load %arg4[%get3A_10, %get3A_11] : memref<1x128xf32, #tpu.memory_space<vmem>>, vector<1x128xf32>
    %get3A_13 = arith.constant 0 : index
    %get3A_14 = arith.constant 0 : index
    %get3A_15 = vector.load %arg5[%get3A_13, %get3A_14] : memref<1x128xf32, #tpu.memory_space<vmem>>, vector<1x128xf32>
    %reduce_sum3A = arith.constant dense<0.000000e+00> : vector<2048xf32>
    %reduce_sum3A_16 = vector.multi_reduction <add>, %add3A_9, %reduce_sum3A [1] : vector<2048x128xf32> to vector<2048xf32>
    %broadcast_in_dim3A = vector.shape_cast %reduce_sum3A_16 : vector<2048xf32> to vector<2048x1xf32>
    %div3A = arith.constant 1.280000e+02 : f32
    %div3A_17 = vector.broadcast %div3A : f32 to vector<2048x1xf32>
    %div3A_18 = arith.divf %broadcast_in_dim3A, %div3A_17 : vector<2048x1xf32>
    %sub3A = vector.broadcast %div3A_18 : vector<2048x1xf32> to vector<2048x128xf32>
    %sub3A_19 = arith.subf %add3A_9, %sub3A : vector<2048x128xf32>
    %integer_pow3A = arith.mulf %sub3A_19, %sub3A_19 : vector<2048x128xf32>
    %reduce_sum3A_20 = arith.constant dense<0.000000e+00> : vector<2048xf32>
    %reduce_sum3A_21 = vector.multi_reduction <add>, %integer_pow3A, %reduce_sum3A_20 [1] : vector<2048x128xf32> to vector<2048xf32>
    %broadcast_in_dim3A_22 = vector.shape_cast %reduce_sum3A_21 : vector<2048xf32> to vector<2048x1xf32>
    %div3A_23 = arith.constant 1.280000e+02 : f32
    %div3A_24 = vector.broadcast %div3A_23 : f32 to vector<2048x1xf32>
    %div3A_25 = arith.divf %broadcast_in_dim3A_22, %div3A_24 : vector<2048x1xf32>
    %sub3A_26 = vector.broadcast %div3A_18 : vector<2048x1xf32> to vector<2048x128xf32>
    %sub3A_27 = arith.subf %add3A_9, %sub3A_26 : vector<2048x128xf32>
    %add3A_28 = arith.constant 9.99999974E-6 : f32
    %add3A_29 = vector.broadcast %add3A_28 : f32 to vector<2048x1xf32>
    %add3A_30 = arith.addf %div3A_25, %add3A_29 : vector<2048x1xf32>
    %rsqrt3A = math.rsqrt %add3A_30 : vector<2048x1xf32>
    %mul3A = vector.broadcast %rsqrt3A : vector<2048x1xf32> to vector<2048x128xf32>
    %mul3A_31 = arith.mulf %sub3A_27, %mul3A : vector<2048x128xf32>
    %mul3A_32 = vector.broadcast %get3A_12 : vector<1x128xf32> to vector<2048x128xf32>
    %mul3A_33 = arith.mulf %mul3A_31, %mul3A_32 : vector<2048x128xf32>
    %add3A_34 = vector.broadcast %get3A_15 : vector<1x128xf32> to vector<2048x128xf32>
    %add3A_35 = arith.addf %mul3A_33, %add3A_34 : vector<2048x128xf32>
    %max3A = arith.constant 0.000000e+00 : f32
    %max3A_36 = vector.broadcast %max3A : f32 to vector<2048x128xf32>
    %max3A_37 = arith.maximumf %add3A_35, %max3A_36 : vector<2048x128xf32>
    %get3A_38 = arith.constant 0 : index
    %get3A_39 = arith.constant 0 : index
    %get3A_40 = vector.load %arg6[%get3A_38, %get3A_39] : memref<128x128xf32, #tpu.memory_space<vmem>>, vector<128x128xf32>
    %convert_element_type3A = arith.truncf %max3A_37 : vector<2048x128xf32> to vector<2048x128xbf16>
    %convert_element_type3A_41 = arith.truncf %get3A_40 : vector<128x128xf32> to vector<128x128xbf16>
    %dot_general3A = arith.constant dense<0.000000e+00> : vector<2048x128xf32>
    %dot_general3A_42 = tpu.matmul %convert_element_type3A, %convert_element_type3A_41, %dot_general3A {dimension_numbers = #tpu.dot_dimension_numbers<[1], [0], [0], [1], [0, 0, 1, 1], [], []>, transpose_lhs_hint = false} : vector<2048x128xbf16>, vector<128x128xbf16>, vector<2048x128xf32> -> vector<2048x128xf32>
    %get3A_43 = arith.constant 0 : index
    %get3A_44 = arith.constant 0 : index
    %get3A_45 = vector.load %arg7[%get3A_43, %get3A_44] : memref<1x128xf32, #tpu.memory_space<vmem>>, vector<1x128xf32>
    %add3A_46 = vector.broadcast %get3A_45 : vector<1x128xf32> to vector<2048x128xf32>
    %add3A_47 = arith.addf %dot_general3A_42, %add3A_46 : vector<2048x128xf32>
    %get3A_48 = arith.constant 0 : index
    %get3A_49 = arith.constant 0 : index
    %get3A_50 = vector.load %arg8[%get3A_48, %get3A_49] : memref<1x128xf32, #tpu.memory_space<vmem>>, vector<1x128xf32>
    %get3A_51 = arith.constant 0 : index
    %get3A_52 = arith.constant 0 : index
    %get3A_53 = vector.load %arg9[%get3A_51, %get3A_52] : memref<1x128xf32, #tpu.memory_space<vmem>>, vector<1x128xf32>
    %reduce_sum3A_54 = arith.constant dense<0.000000e+00> : vector<2048xf32>
    %reduce_sum3A_55 = vector.multi_reduction <add>, %add3A_47, %reduce_sum3A_54 [1] : vector<2048x128xf32> to vector<2048xf32>
    %broadcast_in_dim3A_56 = vector.shape_cast %reduce_sum3A_55 : vector<2048xf32> to vector<2048x1xf32>
    %div3A_57 = arith.constant 1.280000e+02 : f32
    %div3A_58 = vector.broadcast %div3A_57 : f32 to vector<2048x1xf32>
    %div3A_59 = arith.divf %broadcast_in_dim3A_56, %div3A_58 : vector<2048x1xf32>
    %sub3A_60 = vector.broadcast %div3A_59 : vector<2048x1xf32> to vector<2048x128xf32>
    %sub3A_61 = arith.subf %add3A_47, %sub3A_60 : vector<2048x128xf32>
    %integer_pow3A_62 = arith.mulf %sub3A_61, %sub3A_61 : vector<2048x128xf32>
    %reduce_sum3A_63 = arith.constant dense<0.000000e+00> : vector<2048xf32>
    %reduce_sum3A_64 = vector.multi_reduction <add>, %integer_pow3A_62, %reduce_sum3A_63 [1] : vector<2048x128xf32> to vector<2048xf32>
    %broadcast_in_dim3A_65 = vector.shape_cast %reduce_sum3A_64 : vector<2048xf32> to vector<2048x1xf32>
    %div3A_66 = arith.constant 1.280000e+02 : f32
    %div3A_67 = vector.broadcast %div3A_66 : f32 to vector<2048x1xf32>
    %div3A_68 = arith.divf %broadcast_in_dim3A_65, %div3A_67 : vector<2048x1xf32>
    %sub3A_69 = vector.broadcast %div3A_59 : vector<2048x1xf32> to vector<2048x128xf32>
    %sub3A_70 = arith.subf %add3A_47, %sub3A_69 : vector<2048x128xf32>
    %add3A_71 = arith.constant 9.99999974E-6 : f32
    %add3A_72 = vector.broadcast %add3A_71 : f32 to vector<2048x1xf32>
    %add3A_73 = arith.addf %div3A_68, %add3A_72 : vector<2048x1xf32>
    %rsqrt3A_74 = math.rsqrt %add3A_73 : vector<2048x1xf32>
    %mul3A_75 = vector.broadcast %rsqrt3A_74 : vector<2048x1xf32> to vector<2048x128xf32>
    %mul3A_76 = arith.mulf %sub3A_70, %mul3A_75 : vector<2048x128xf32>
    %mul3A_77 = vector.broadcast %get3A_50 : vector<1x128xf32> to vector<2048x128xf32>
    %mul3A_78 = arith.mulf %mul3A_76, %mul3A_77 : vector<2048x128xf32>
    %add3A_79 = vector.broadcast %get3A_53 : vector<1x128xf32> to vector<2048x128xf32>
    %add3A_80 = arith.addf %mul3A_78, %add3A_79 : vector<2048x128xf32>
    %max3A_81 = arith.constant 0.000000e+00 : f32
    %max3A_82 = vector.broadcast %max3A_81 : f32 to vector<2048x128xf32>
    %max3A_83 = arith.maximumf %add3A_80, %max3A_82 : vector<2048x128xf32>
    %get3A_84 = arith.constant 0 : index
    %get3A_85 = arith.constant 0 : index
    %get3A_86 = vector.load %arg10[%get3A_84, %get3A_85] : memref<128x128xf32, #tpu.memory_space<vmem>>, vector<128x128xf32>
    %convert_element_type3A_87 = arith.truncf %max3A_83 : vector<2048x128xf32> to vector<2048x128xbf16>
    %convert_element_type3A_88 = arith.truncf %get3A_86 : vector<128x128xf32> to vector<128x128xbf16>
    %dot_general3A_89 = arith.constant dense<0.000000e+00> : vector<2048x128xf32>
    %dot_general3A_90 = tpu.matmul %convert_element_type3A_87, %convert_element_type3A_88, %dot_general3A_89 {dimension_numbers = #tpu.dot_dimension_numbers<[1], [0], [0], [1], [0, 0, 1, 1], [], []>, transpose_lhs_hint = false} : vector<2048x128xbf16>, vector<128x128xbf16>, vector<2048x128xf32> -> vector<2048x128xf32>
    %get3A_91 = arith.constant 0 : index
    %get3A_92 = arith.constant 0 : index
    %get3A_93 = vector.load %arg11[%get3A_91, %get3A_92] : memref<1x128xf32, #tpu.memory_space<vmem>>, vector<1x128xf32>
    %add3A_94 = vector.broadcast %get3A_93 : vector<1x128xf32> to vector<2048x128xf32>
    %add3A_95 = arith.addf %dot_general3A_90, %add3A_94 : vector<2048x128xf32>
    %get3A_96 = arith.constant 0 : index
    %get3A_97 = arith.constant 0 : index
    %get3A_98 = vector.load %arg12[%get3A_96, %get3A_97] : memref<1x128xf32, #tpu.memory_space<vmem>>, vector<1x128xf32>
    %get3A_99 = arith.constant 0 : index
    %get3A_100 = arith.constant 0 : index
    %get3A_101 = vector.load %arg13[%get3A_99, %get3A_100] : memref<1x128xf32, #tpu.memory_space<vmem>>, vector<1x128xf32>
    %reduce_sum3A_102 = arith.constant dense<0.000000e+00> : vector<2048xf32>
    %reduce_sum3A_103 = vector.multi_reduction <add>, %add3A_95, %reduce_sum3A_102 [1] : vector<2048x128xf32> to vector<2048xf32>
    %broadcast_in_dim3A_104 = vector.shape_cast %reduce_sum3A_103 : vector<2048xf32> to vector<2048x1xf32>
    %div3A_105 = arith.constant 1.280000e+02 : f32
    %div3A_106 = vector.broadcast %div3A_105 : f32 to vector<2048x1xf32>
    %div3A_107 = arith.divf %broadcast_in_dim3A_104, %div3A_106 : vector<2048x1xf32>
    %sub3A_108 = vector.broadcast %div3A_107 : vector<2048x1xf32> to vector<2048x128xf32>
    %sub3A_109 = arith.subf %add3A_95, %sub3A_108 : vector<2048x128xf32>
    %integer_pow3A_110 = arith.mulf %sub3A_109, %sub3A_109 : vector<2048x128xf32>
    %reduce_sum3A_111 = arith.constant dense<0.000000e+00> : vector<2048xf32>
    %reduce_sum3A_112 = vector.multi_reduction <add>, %integer_pow3A_110, %reduce_sum3A_111 [1] : vector<2048x128xf32> to vector<2048xf32>
    %broadcast_in_dim3A_113 = vector.shape_cast %reduce_sum3A_112 : vector<2048xf32> to vector<2048x1xf32>
    %div3A_114 = arith.constant 1.280000e+02 : f32
    %div3A_115 = vector.broadcast %div3A_114 : f32 to vector<2048x1xf32>
    %div3A_116 = arith.divf %broadcast_in_dim3A_113, %div3A_115 : vector<2048x1xf32>
    %sub3A_117 = vector.broadcast %div3A_107 : vector<2048x1xf32> to vector<2048x128xf32>
    %sub3A_118 = arith.subf %add3A_95, %sub3A_117 : vector<2048x128xf32>
    %add3A_119 = arith.constant 9.99999974E-6 : f32
    %add3A_120 = vector.broadcast %add3A_119 : f32 to vector<2048x1xf32>
    %add3A_121 = arith.addf %div3A_116, %add3A_120 : vector<2048x1xf32>
    %rsqrt3A_122 = math.rsqrt %add3A_121 : vector<2048x1xf32>
    %mul3A_123 = vector.broadcast %rsqrt3A_122 : vector<2048x1xf32> to vector<2048x128xf32>
    %mul3A_124 = arith.mulf %sub3A_118, %mul3A_123 : vector<2048x128xf32>
    %mul3A_125 = vector.broadcast %get3A_98 : vector<1x128xf32> to vector<2048x128xf32>
    %mul3A_126 = arith.mulf %mul3A_124, %mul3A_125 : vector<2048x128xf32>
    %add3A_127 = vector.broadcast %get3A_101 : vector<1x128xf32> to vector<2048x128xf32>
    %add3A_128 = arith.addf %mul3A_126, %add3A_127 : vector<2048x128xf32>
    %max3A_129 = arith.constant 0.000000e+00 : f32
    %max3A_130 = vector.broadcast %max3A_129 : f32 to vector<2048x128xf32>
    %max3A_131 = arith.maximumf %add3A_128, %max3A_130 : vector<2048x128xf32>
    %get3A_132 = arith.constant 0 : index
    %get3A_133 = arith.constant 0 : index
    %get3A_134 = vector.load %arg14[%get3A_132, %get3A_133] : memref<128x128xf32, #tpu.memory_space<vmem>>, vector<128x128xf32>
    %convert_element_type3A_135 = arith.truncf %max3A_131 : vector<2048x128xf32> to vector<2048x128xbf16>
    %convert_element_type3A_136 = arith.truncf %get3A_134 : vector<128x128xf32> to vector<128x128xbf16>
    %dot_general3A_137 = arith.constant dense<0.000000e+00> : vector<2048x128xf32>
    %dot_general3A_138 = tpu.matmul %convert_element_type3A_135, %convert_element_type3A_136, %dot_general3A_137 {dimension_numbers = #tpu.dot_dimension_numbers<[1], [0], [0], [1], [0, 0, 1, 1], [], []>, transpose_lhs_hint = false} : vector<2048x128xbf16>, vector<128x128xbf16>, vector<2048x128xf32> -> vector<2048x128xf32>
    %get3A_139 = arith.constant 0 : index
    %get3A_140 = arith.constant 0 : index
    %get3A_141 = vector.load %arg15[%get3A_139, %get3A_140] : memref<1x128xf32, #tpu.memory_space<vmem>>, vector<1x128xf32>
    %add3A_142 = vector.broadcast %get3A_141 : vector<1x128xf32> to vector<2048x128xf32>
    %add3A_143 = arith.addf %dot_general3A_138, %add3A_142 : vector<2048x128xf32>
    %get3A_144 = arith.constant 0 : index
    %get3A_145 = arith.constant 0 : index
    %get3A_146 = vector.load %arg16[%get3A_144, %get3A_145] : memref<1x128xf32, #tpu.memory_space<vmem>>, vector<1x128xf32>
    %get3A_147 = arith.constant 0 : index
    %get3A_148 = arith.constant 0 : index
    %get3A_149 = vector.load %arg17[%get3A_147, %get3A_148] : memref<1x128xf32, #tpu.memory_space<vmem>>, vector<1x128xf32>
    %reduce_sum3A_150 = arith.constant dense<0.000000e+00> : vector<2048xf32>
    %reduce_sum3A_151 = vector.multi_reduction <add>, %add3A_143, %reduce_sum3A_150 [1] : vector<2048x128xf32> to vector<2048xf32>
    %broadcast_in_dim3A_152 = vector.shape_cast %reduce_sum3A_151 : vector<2048xf32> to vector<2048x1xf32>
    %div3A_153 = arith.constant 1.280000e+02 : f32
    %div3A_154 = vector.broadcast %div3A_153 : f32 to vector<2048x1xf32>
    %div3A_155 = arith.divf %broadcast_in_dim3A_152, %div3A_154 : vector<2048x1xf32>
    %sub3A_156 = vector.broadcast %div3A_155 : vector<2048x1xf32> to vector<2048x128xf32>
    %sub3A_157 = arith.subf %add3A_143, %sub3A_156 : vector<2048x128xf32>
    %integer_pow3A_158 = arith.mulf %sub3A_157, %sub3A_157 : vector<2048x128xf32>
    %reduce_sum3A_159 = arith.constant dense<0.000000e+00> : vector<2048xf32>
    %reduce_sum3A_160 = vector.multi_reduction <add>, %integer_pow3A_158, %reduce_sum3A_159 [1] : vector<2048x128xf32> to vector<2048xf32>
    %broadcast_in_dim3A_161 = vector.shape_cast %reduce_sum3A_160 : vector<2048xf32> to vector<2048x1xf32>
    %div3A_162 = arith.constant 1.280000e+02 : f32
    %div3A_163 = vector.broadcast %div3A_162 : f32 to vector<2048x1xf32>
    %div3A_164 = arith.divf %broadcast_in_dim3A_161, %div3A_163 : vector<2048x1xf32>
    %sub3A_165 = vector.broadcast %div3A_155 : vector<2048x1xf32> to vector<2048x128xf32>
    %sub3A_166 = arith.subf %add3A_143, %sub3A_165 : vector<2048x128xf32>
    %add3A_167 = arith.constant 9.99999974E-6 : f32
    %add3A_168 = vector.broadcast %add3A_167 : f32 to vector<2048x1xf32>
    %add3A_169 = arith.addf %div3A_164, %add3A_168 : vector<2048x1xf32>
    %rsqrt3A_170 = math.rsqrt %add3A_169 : vector<2048x1xf32>
    %mul3A_171 = vector.broadcast %rsqrt3A_170 : vector<2048x1xf32> to vector<2048x128xf32>
    %mul3A_172 = arith.mulf %sub3A_166, %mul3A_171 : vector<2048x128xf32>
    %mul3A_173 = vector.broadcast %get3A_146 : vector<1x128xf32> to vector<2048x128xf32>
    %mul3A_174 = arith.mulf %mul3A_172, %mul3A_173 : vector<2048x128xf32>
    %add3A_175 = vector.broadcast %get3A_149 : vector<1x128xf32> to vector<2048x128xf32>
    %add3A_176 = arith.addf %mul3A_174, %add3A_175 : vector<2048x128xf32>
    %max3A_177 = arith.constant 0.000000e+00 : f32
    %max3A_178 = vector.broadcast %max3A_177 : f32 to vector<2048x128xf32>
    %max3A_179 = arith.maximumf %add3A_176, %max3A_178 : vector<2048x128xf32>
    %mul3A_180 = arith.constant 2048 : i32
    %mul3A_181 = arith.muli %arg0, %mul3A_180 : i32
    %iota3A = tpu.iota {dimensions = array<i32: 0>} : vector<2048x1xi32>
    %add3A_182 = vector.broadcast %mul3A_181 : i32 to vector<2048x1xi32>
    %add3A_183 = arith.addi %add3A_182, %iota3A : vector<2048x1xi32>
    %lt3A = arith.constant 316416 : i32
    %lt3A_184 = vector.broadcast %lt3A : i32 to vector<2048x1xi32>
    %lt3A_185 = arith.cmpi slt, %add3A_183, %lt3A_184 : vector<2048x1xi32>
    %jit3A = arith.constant 0.000000e+00 : f32
    %broadcast_in_dim3A_186 = vector.shape_cast %lt3A_185 : vector<2048x1xi1> to vector<2048x1xi1>
    %broadcast_in_dim3A_187 = vector.broadcast %broadcast_in_dim3A_186 : vector<2048x1xi1> to vector<2048x128xi1>
    %broadcast_in_dim3A_188 = vector.broadcast %jit3A : f32 to vector<2048x128xf32>
    %select_n3A = arith.select %broadcast_in_dim3A_187, %max3A_179, %broadcast_in_dim3A_188 : vector<2048x128xi1>, vector<2048x128xf32>
    %swap3A = arith.constant 0 : index
    %swap3A_189 = arith.constant 0 : index
    %swap3A_190 = vector.load %arg18[%swap3A, %swap3A_189] : memref<2048x128xf32, #tpu.memory_space<vmem>>, vector<2048x128xf32>
    tpu.vector_store %arg18[%swap3A, %swap3A_189], %select_n3A {strides = array<i32>} : memref<2048x128xf32, #tpu.memory_space<vmem>>, vector<2048x128xf32>,
    return
  }
  func.func @transform_0(%arg0: i32) -> (i32, i32) {
    %c0_i32 = arith.constant 0 : i32
    %c0_i32_0 = arith.constant 0 : i32
    return %arg0, %c0_i32 : i32, i32
  }
  func.func @transform_1(%arg0: i32) -> (i32, i32) {
    %c0_i32 = arith.constant 0 : i32
    %c0_i32_0 = arith.constant 0 : i32
    return %arg0, %c0_i32 : i32, i32
  }
  func.func @transform_2(%arg0: i32) -> (i32, i32) {
    %c0_i32 = arith.constant 0 : i32
    %c0_i32_0 = arith.constant 0 : i32
    %c0_i32_1 = arith.constant 0 : i32
    return %c0_i32, %c0_i32_0 : i32, i32
  }
  func.func @transform_3(%arg0: i32) -> (i32, i32) {
    %c0_i32 = arith.constant 0 : i32
    %c0_i32_0 = arith.constant 0 : i32
    %c0_i32_1 = arith.constant 0 : i32
    return %c0_i32, %c0_i32_0 : i32, i32
  }
  func.func @transform_4(%arg0: i32) -> (i32, i32) {
    %c0_i32 = arith.constant 0 : i32
    %c0_i32_0 = arith.constant 0 : i32
    %c0_i32_1 = arith.constant 0 : i32
    return %c0_i32, %c0_i32_0 : i32, i32
  }
  func.func @transform_5(%arg0: i32) -> (i32, i32) {
    %c0_i32 = arith.constant 0 : i32
    %c0_i32_0 = arith.constant 0 : i32
    %c0_i32_1 = arith.constant 0 : i32
    return %c0_i32, %c0_i32_0 : i32, i32
  }
  func.func @transform_6(%arg0: i32) -> (i32, i32) {
    %c0_i32 = arith.constant 0 : i32
    %c0_i32_0 = arith.constant 0 : i32
    %c0_i32_1 = arith.constant 0 : i32
    return %c0_i32, %c0_i32_0 : i32, i32
  }
  func.func @transform_7(%arg0: i32) -> (i32, i32) {
    %c0_i32 = arith.constant 0 : i32
    %c0_i32_0 = arith.constant 0 : i32
    %c0_i32_1 = arith.constant 0 : i32
    return %c0_i32, %c0_i32_0 : i32, i32
  }
  func.func @transform_8(%arg0: i32) -> (i32, i32) {
    %c0_i32 = arith.constant 0 : i32
    %c0_i32_0 = arith.constant 0 : i32
    %c0_i32_1 = arith.constant 0 : i32
    return %c0_i32, %c0_i32_0 : i32, i32
  }
  func.func @transform_9(%arg0: i32) -> (i32, i32) {
    %c0_i32 = arith.constant 0 : i32
    %c0_i32_0 = arith.constant 0 : i32
    %c0_i32_1 = arith.constant 0 : i32
    return %c0_i32, %c0_i32_0 : i32, i32
  }
  func.func @transform_10(%arg0: i32) -> (i32, i32) {
    %c0_i32 = arith.constant 0 : i32
    %c0_i32_0 = arith.constant 0 : i32
    %c0_i32_1 = arith.constant 0 : i32
    return %c0_i32, %c0_i32_0 : i32, i32
  }
  func.func @transform_11(%arg0: i32) -> (i32, i32) {
    %c0_i32 = arith.constant 0 : i32
    %c0_i32_0 = arith.constant 0 : i32
    %c0_i32_1 = arith.constant 0 : i32
    return %c0_i32, %c0_i32_0 : i32, i32
  }
  func.func @transform_12(%arg0: i32) -> (i32, i32) {
    %c0_i32 = arith.constant 0 : i32
    %c0_i32_0 = arith.constant 0 : i32
    %c0_i32_1 = arith.constant 0 : i32
    return %c0_i32, %c0_i32_0 : i32, i32
  }
  func.func @transform_13(%arg0: i32) -> (i32, i32) {
    %c0_i32 = arith.constant 0 : i32
    %c0_i32_0 = arith.constant 0 : i32
    %c0_i32_1 = arith.constant 0 : i32
    return %c0_i32, %c0_i32_0 : i32, i32
  }
  func.func @transform_14(%arg0: i32) -> (i32, i32) {
    %c0_i32 = arith.constant 0 : i32
    %c0_i32_0 = arith.constant 0 : i32
    %c0_i32_1 = arith.constant 0 : i32
    return %c0_i32, %c0_i32_0 : i32, i32
  }
  func.func @transform_15(%arg0: i32) -> (i32, i32) {
    %c0_i32 = arith.constant 0 : i32
    %c0_i32_0 = arith.constant 0 : i32
    %c0_i32_1 = arith.constant 0 : i32
    return %c0_i32, %c0_i32_0 : i32, i32
  }
  func.func @transform_16(%arg0: i32) -> (i32, i32) {
    %c0_i32 = arith.constant 0 : i32
    %c0_i32_0 = arith.constant 0 : i32
    %c0_i32_1 = arith.constant 0 : i32
    return %c0_i32, %c0_i32_0 : i32, i32
  }
  func.func @transform_17(%arg0: i32) -> (i32, i32) {
    %c0_i32 = arith.constant 0 : i32
    %c0_i32_0 = arith.constant 0 : i32
    return %arg0, %c0_i32 : i32, i32
  }
}

module attributes {stable_mosaic.version = 14 : i64} {
  func.func @_node_body(%arg0: i32, %arg1: memref<1000x128xf32, #tpu.memory_space<vmem>>, %arg2: memref<1000x128xf32, #tpu.memory_space<vmem>>, %arg3: memref<1000x128xf32, #tpu.memory_space<vmem>>, %arg4: memref<1000x128xf32, #tpu.memory_space<vmem>>, %arg5: memref<1000x128xf32, #tpu.memory_space<vmem>>, %arg6: memref<128x128xf32, #tpu.memory_space<vmem>>, %arg7: memref<128x128xf32, #tpu.memory_space<vmem>>, %arg8: memref<1x128xf32, #tpu.memory_space<vmem>>, %arg9: memref<1x128xf32, #tpu.memory_space<vmem>>, %arg10: memref<1x128xf32, #tpu.memory_space<vmem>>, %arg11: memref<128x128xf32, #tpu.memory_space<vmem>>, %arg12: memref<1x128xf32, #tpu.memory_space<vmem>>, %arg13: memref<1x128xf32, #tpu.memory_space<vmem>>, %arg14: memref<1x128xf32, #tpu.memory_space<vmem>>, %arg15: memref<128x128xf32, #tpu.memory_space<vmem>>, %arg16: memref<1x128xf32, #tpu.memory_space<vmem>>, %arg17: memref<1x128xf32, #tpu.memory_space<vmem>>, %arg18: memref<1x128xf32, #tpu.memory_space<vmem>>, %arg19: memref<128x128xf32, #tpu.memory_space<vmem>>, %arg20: memref<1x128xf32, #tpu.memory_space<vmem>>, %arg21: memref<1x128xf32, #tpu.memory_space<vmem>>, %arg22: memref<1x128xf32, #tpu.memory_space<vmem>>, %arg23: memref<128x128xf32, #tpu.memory_space<vmem>>, %arg24: memref<128x128xf32, #tpu.memory_space<vmem>>, %arg25: memref<1000x128xf32, #tpu.memory_space<vmem>>, %arg26: memref<1000x128xf32, #tpu.memory_space<vmem>>) attributes {dimension_semantics = [#tpu.dimension_semantics<arbitrary>], iteration_bounds = array<i64: 10>, scalar_prefetch = 0 : i64, scratch_operands = 0 : i64, tpu.core_type = #tpu.core_type<tc>, window_params = [{transform_indices = @transform_0, window_bounds = array<i64: 1000, 128>}, {transform_indices = @transform_1, window_bounds = array<i64: 1000, 128>}, {transform_indices = @transform_2, window_bounds = array<i64: 1000, 128>}, {transform_indices = @transform_3, window_bounds = array<i64: 1000, 128>}, {transform_indices = @transform_4, window_bounds = array<i64: 1000, 128>}, {pipeline_mode = #tpu.pipeline_mode<synchronous>, transform_indices = @transform_5, window_bounds = array<i64: 128, 128>}, {pipeline_mode = #tpu.pipeline_mode<synchronous>, transform_indices = @transform_6, window_bounds = array<i64: 128, 128>}, {pipeline_mode = #tpu.pipeline_mode<synchronous>, transform_indices = @transform_7, window_bounds = array<i64: 1, 128>}, {pipeline_mode = #tpu.pipeline_mode<synchronous>, transform_indices = @transform_8, window_bounds = array<i64: 1, 128>}, {pipeline_mode = #tpu.pipeline_mode<synchronous>, transform_indices = @transform_9, window_bounds = array<i64: 1, 128>}, {pipeline_mode = #tpu.pipeline_mode<synchronous>, transform_indices = @transform_10, window_bounds = array<i64: 128, 128>}, {pipeline_mode = #tpu.pipeline_mode<synchronous>, transform_indices = @transform_11, window_bounds = array<i64: 1, 128>}, {pipeline_mode = #tpu.pipeline_mode<synchronous>, transform_indices = @transform_12, window_bounds = array<i64: 1, 128>}, {pipeline_mode = #tpu.pipeline_mode<synchronous>, transform_indices = @transform_13, window_bounds = array<i64: 1, 128>}, {pipeline_mode = #tpu.pipeline_mode<synchronous>, transform_indices = @transform_14, window_bounds = array<i64: 128, 128>}, {pipeline_mode = #tpu.pipeline_mode<synchronous>, transform_indices = @transform_15, window_bounds = array<i64: 1, 128>}, {pipeline_mode = #tpu.pipeline_mode<synchronous>, transform_indices = @transform_16, window_bounds = array<i64: 1, 128>}, {pipeline_mode = #tpu.pipeline_mode<synchronous>, transform_indices = @transform_17, window_bounds = array<i64: 1, 128>}, {pipeline_mode = #tpu.pipeline_mode<synchronous>, transform_indices = @transform_18, window_bounds = array<i64: 128, 128>}, {pipeline_mode = #tpu.pipeline_mode<synchronous>, transform_indices = @transform_19, window_bounds = array<i64: 1, 128>}, {pipeline_mode = #tpu.pipeline_mode<synchronous>, transform_indices = @transform_20, window_bounds = array<i64: 1, 128>}, {pipeline_mode = #tpu.pipeline_mode<synchronous>, transform_indices = @transform_21, window_bounds = array<i64: 1, 128>}, {pipeline_mode = #tpu.pipeline_mode<synchronous>, transform_indices = @transform_22, window_bounds = array<i64: 128, 128>}, {pipeline_mode = #tpu.pipeline_mode<synchronous>, transform_indices = @transform_23, window_bounds = array<i64: 128, 128>}, {transform_indices = @transform_24, window_bounds = array<i64: 1000, 128>}, {transform_indices = @transform_25, window_bounds = array<i64: 1000, 128>}]} {
    %get3A = arith.constant 0 : index
    %get3A_0 = arith.constant 0 : index
    %get3A_1 = vector.load %arg1[%get3A, %get3A_0] : memref<1000x128xf32, #tpu.memory_space<vmem>>, vector<1000x128xf32>
    %get3A_2 = arith.constant 0 : index
    %get3A_3 = arith.constant 0 : index
    %get3A_4 = vector.load %arg2[%get3A_2, %get3A_3] : memref<1000x128xf32, #tpu.memory_space<vmem>>, vector<1000x128xf32>
    %get3A_5 = arith.constant 0 : index
    %get3A_6 = arith.constant 0 : index
    %get3A_7 = vector.load %arg3[%get3A_5, %get3A_6] : memref<1000x128xf32, #tpu.memory_space<vmem>>, vector<1000x128xf32>
    %add3A = arith.addf %get3A_4, %get3A_7 : vector<1000x128xf32>
    %get3A_8 = arith.constant 0 : index
    %get3A_9 = arith.constant 0 : index
    %get3A_10 = vector.load %arg4[%get3A_8, %get3A_9] : memref<1000x128xf32, #tpu.memory_space<vmem>>, vector<1000x128xf32>
    %add3A_11 = arith.addf %add3A, %get3A_10 : vector<1000x128xf32>
    %get3A_12 = arith.constant 0 : index
    %get3A_13 = arith.constant 0 : index
    %get3A_14 = vector.load %arg5[%get3A_12, %get3A_13] : memref<1000x128xf32, #tpu.memory_space<vmem>>, vector<1000x128xf32>
    %add3A_15 = arith.addf %add3A_11, %get3A_14 : vector<1000x128xf32>
    %get3A_16 = arith.constant 0 : index
    %get3A_17 = arith.constant 0 : index
    %get3A_18 = vector.load %arg6[%get3A_16, %get3A_17] : memref<128x128xf32, #tpu.memory_space<vmem>>, vector<128x128xf32>
    %convert_element_type3A = arith.truncf %get3A_1 : vector<1000x128xf32> to vector<1000x128xbf16>
    %convert_element_type3A_19 = arith.truncf %get3A_18 : vector<128x128xf32> to vector<128x128xbf16>
    %dot_general3A = arith.constant dense<0.000000e+00> : vector<1000x128xf32>
    %dot_general3A_20 = tpu.matmul %convert_element_type3A, %convert_element_type3A_19, %dot_general3A {dimension_numbers = #tpu.dot_dimension_numbers<[1], [0], [0], [1], [0, 0, 1, 1], [], []>, transpose_lhs_hint = false} : vector<1000x128xbf16>, vector<128x128xbf16>, vector<1000x128xf32> -> vector<1000x128xf32>
    %get3A_21 = arith.constant 0 : index
    %get3A_22 = arith.constant 0 : index
    %get3A_23 = vector.load %arg7[%get3A_21, %get3A_22] : memref<128x128xf32, #tpu.memory_space<vmem>>, vector<128x128xf32>
    %convert_element_type3A_24 = arith.truncf %add3A_15 : vector<1000x128xf32> to vector<1000x128xbf16>
    %convert_element_type3A_25 = arith.truncf %get3A_23 : vector<128x128xf32> to vector<128x128xbf16>
    %dot_general3A_26 = arith.constant dense<0.000000e+00> : vector<1000x128xf32>
    %dot_general3A_27 = tpu.matmul %convert_element_type3A_24, %convert_element_type3A_25, %dot_general3A_26 {dimension_numbers = #tpu.dot_dimension_numbers<[1], [0], [0], [1], [0, 0, 1, 1], [], []>, transpose_lhs_hint = false} : vector<1000x128xbf16>, vector<128x128xbf16>, vector<1000x128xf32> -> vector<1000x128xf32>
    %add3A_28 = arith.addf %dot_general3A_20, %dot_general3A_27 : vector<1000x128xf32>
    %get3A_29 = arith.constant 0 : index
    %get3A_30 = arith.constant 0 : index
    %get3A_31 = vector.load %arg8[%get3A_29, %get3A_30] : memref<1x128xf32, #tpu.memory_space<vmem>>, vector<1x128xf32>
    %add3A_32 = vector.broadcast %get3A_31 : vector<1x128xf32> to vector<1000x128xf32>
    %add3A_33 = arith.addf %add3A_28, %add3A_32 : vector<1000x128xf32>
    %get3A_34 = arith.constant 0 : index
    %get3A_35 = arith.constant 0 : index
    %get3A_36 = vector.load %arg9[%get3A_34, %get3A_35] : memref<1x128xf32, #tpu.memory_space<vmem>>, vector<1x128xf32>
    %get3A_37 = arith.constant 0 : index
    %get3A_38 = arith.constant 0 : index
    %get3A_39 = vector.load %arg10[%get3A_37, %get3A_38] : memref<1x128xf32, #tpu.memory_space<vmem>>, vector<1x128xf32>
    %reduce_sum3A = arith.constant dense<0.000000e+00> : vector<1000xf32>
    %reduce_sum3A_40 = vector.multi_reduction <add>, %add3A_33, %reduce_sum3A [1] : vector<1000x128xf32> to vector<1000xf32>
    %broadcast_in_dim3A = vector.shape_cast %reduce_sum3A_40 : vector<1000xf32> to vector<1000x1xf32>
    %div3A = arith.constant 1.280000e+02 : f32
    %div3A_41 = vector.broadcast %div3A : f32 to vector<1000x1xf32>
    %div3A_42 = arith.divf %broadcast_in_dim3A, %div3A_41 : vector<1000x1xf32>
    %sub3A = vector.broadcast %div3A_42 : vector<1000x1xf32> to vector<1000x128xf32>
    %sub3A_43 = arith.subf %add3A_33, %sub3A : vector<1000x128xf32>
    %integer_pow3A = arith.mulf %sub3A_43, %sub3A_43 : vector<1000x128xf32>
    %reduce_sum3A_44 = arith.constant dense<0.000000e+00> : vector<1000xf32>
    %reduce_sum3A_45 = vector.multi_reduction <add>, %integer_pow3A, %reduce_sum3A_44 [1] : vector<1000x128xf32> to vector<1000xf32>
    %broadcast_in_dim3A_46 = vector.shape_cast %reduce_sum3A_45 : vector<1000xf32> to vector<1000x1xf32>
    %div3A_47 = arith.constant 1.280000e+02 : f32
    %div3A_48 = vector.broadcast %div3A_47 : f32 to vector<1000x1xf32>
    %div3A_49 = arith.divf %broadcast_in_dim3A_46, %div3A_48 : vector<1000x1xf32>
    %sub3A_50 = vector.broadcast %div3A_42 : vector<1000x1xf32> to vector<1000x128xf32>
    %sub3A_51 = arith.subf %add3A_33, %sub3A_50 : vector<1000x128xf32>
    %add3A_52 = arith.constant 9.99999974E-6 : f32
    %add3A_53 = vector.broadcast %add3A_52 : f32 to vector<1000x1xf32>
    %add3A_54 = arith.addf %div3A_49, %add3A_53 : vector<1000x1xf32>
    %rsqrt3A = math.rsqrt %add3A_54 : vector<1000x1xf32>
    %mul3A = vector.broadcast %rsqrt3A : vector<1000x1xf32> to vector<1000x128xf32>
    %mul3A_55 = arith.mulf %sub3A_51, %mul3A : vector<1000x128xf32>
    %mul3A_56 = vector.broadcast %get3A_36 : vector<1x128xf32> to vector<1000x128xf32>
    %mul3A_57 = arith.mulf %mul3A_55, %mul3A_56 : vector<1000x128xf32>
    %add3A_58 = vector.broadcast %get3A_39 : vector<1x128xf32> to vector<1000x128xf32>
    %add3A_59 = arith.addf %mul3A_57, %add3A_58 : vector<1000x128xf32>
    %max3A = arith.constant 0.000000e+00 : f32
    %max3A_60 = vector.broadcast %max3A : f32 to vector<1000x128xf32>
    %max3A_61 = arith.maximumf %add3A_59, %max3A_60 : vector<1000x128xf32>
    %get3A_62 = arith.constant 0 : index
    %get3A_63 = arith.constant 0 : index
    %get3A_64 = vector.load %arg11[%get3A_62, %get3A_63] : memref<128x128xf32, #tpu.memory_space<vmem>>, vector<128x128xf32>
    %convert_element_type3A_65 = arith.truncf %max3A_61 : vector<1000x128xf32> to vector<1000x128xbf16>
    %convert_element_type3A_66 = arith.truncf %get3A_64 : vector<128x128xf32> to vector<128x128xbf16>
    %dot_general3A_67 = arith.constant dense<0.000000e+00> : vector<1000x128xf32>
    %dot_general3A_68 = tpu.matmul %convert_element_type3A_65, %convert_element_type3A_66, %dot_general3A_67 {dimension_numbers = #tpu.dot_dimension_numbers<[1], [0], [0], [1], [0, 0, 1, 1], [], []>, transpose_lhs_hint = false} : vector<1000x128xbf16>, vector<128x128xbf16>, vector<1000x128xf32> -> vector<1000x128xf32>
    %get3A_69 = arith.constant 0 : index
    %get3A_70 = arith.constant 0 : index
    %get3A_71 = vector.load %arg12[%get3A_69, %get3A_70] : memref<1x128xf32, #tpu.memory_space<vmem>>, vector<1x128xf32>
    %add3A_72 = vector.broadcast %get3A_71 : vector<1x128xf32> to vector<1000x128xf32>
    %add3A_73 = arith.addf %dot_general3A_68, %add3A_72 : vector<1000x128xf32>
    %get3A_74 = arith.constant 0 : index
    %get3A_75 = arith.constant 0 : index
    %get3A_76 = vector.load %arg13[%get3A_74, %get3A_75] : memref<1x128xf32, #tpu.memory_space<vmem>>, vector<1x128xf32>
    %get3A_77 = arith.constant 0 : index
    %get3A_78 = arith.constant 0 : index
    %get3A_79 = vector.load %arg14[%get3A_77, %get3A_78] : memref<1x128xf32, #tpu.memory_space<vmem>>, vector<1x128xf32>
    %reduce_sum3A_80 = arith.constant dense<0.000000e+00> : vector<1000xf32>
    %reduce_sum3A_81 = vector.multi_reduction <add>, %add3A_73, %reduce_sum3A_80 [1] : vector<1000x128xf32> to vector<1000xf32>
    %broadcast_in_dim3A_82 = vector.shape_cast %reduce_sum3A_81 : vector<1000xf32> to vector<1000x1xf32>
    %div3A_83 = arith.constant 1.280000e+02 : f32
    %div3A_84 = vector.broadcast %div3A_83 : f32 to vector<1000x1xf32>
    %div3A_85 = arith.divf %broadcast_in_dim3A_82, %div3A_84 : vector<1000x1xf32>
    %sub3A_86 = vector.broadcast %div3A_85 : vector<1000x1xf32> to vector<1000x128xf32>
    %sub3A_87 = arith.subf %add3A_73, %sub3A_86 : vector<1000x128xf32>
    %integer_pow3A_88 = arith.mulf %sub3A_87, %sub3A_87 : vector<1000x128xf32>
    %reduce_sum3A_89 = arith.constant dense<0.000000e+00> : vector<1000xf32>
    %reduce_sum3A_90 = vector.multi_reduction <add>, %integer_pow3A_88, %reduce_sum3A_89 [1] : vector<1000x128xf32> to vector<1000xf32>
    %broadcast_in_dim3A_91 = vector.shape_cast %reduce_sum3A_90 : vector<1000xf32> to vector<1000x1xf32>
    %div3A_92 = arith.constant 1.280000e+02 : f32
    %div3A_93 = vector.broadcast %div3A_92 : f32 to vector<1000x1xf32>
    %div3A_94 = arith.divf %broadcast_in_dim3A_91, %div3A_93 : vector<1000x1xf32>
    %sub3A_95 = vector.broadcast %div3A_85 : vector<1000x1xf32> to vector<1000x128xf32>
    %sub3A_96 = arith.subf %add3A_73, %sub3A_95 : vector<1000x128xf32>
    %add3A_97 = arith.constant 9.99999974E-6 : f32
    %add3A_98 = vector.broadcast %add3A_97 : f32 to vector<1000x1xf32>
    %add3A_99 = arith.addf %div3A_94, %add3A_98 : vector<1000x1xf32>
    %rsqrt3A_100 = math.rsqrt %add3A_99 : vector<1000x1xf32>
    %mul3A_101 = vector.broadcast %rsqrt3A_100 : vector<1000x1xf32> to vector<1000x128xf32>
    %mul3A_102 = arith.mulf %sub3A_96, %mul3A_101 : vector<1000x128xf32>
    %mul3A_103 = vector.broadcast %get3A_76 : vector<1x128xf32> to vector<1000x128xf32>
    %mul3A_104 = arith.mulf %mul3A_102, %mul3A_103 : vector<1000x128xf32>
    %add3A_105 = vector.broadcast %get3A_79 : vector<1x128xf32> to vector<1000x128xf32>
    %add3A_106 = arith.addf %mul3A_104, %add3A_105 : vector<1000x128xf32>
    %max3A_107 = arith.constant 0.000000e+00 : f32
    %max3A_108 = vector.broadcast %max3A_107 : f32 to vector<1000x128xf32>
    %max3A_109 = arith.maximumf %add3A_106, %max3A_108 : vector<1000x128xf32>
    %get3A_110 = arith.constant 0 : index
    %get3A_111 = arith.constant 0 : index
    %get3A_112 = vector.load %arg15[%get3A_110, %get3A_111] : memref<128x128xf32, #tpu.memory_space<vmem>>, vector<128x128xf32>
    %convert_element_type3A_113 = arith.truncf %max3A_109 : vector<1000x128xf32> to vector<1000x128xbf16>
    %convert_element_type3A_114 = arith.truncf %get3A_112 : vector<128x128xf32> to vector<128x128xbf16>
    %dot_general3A_115 = arith.constant dense<0.000000e+00> : vector<1000x128xf32>
    %dot_general3A_116 = tpu.matmul %convert_element_type3A_113, %convert_element_type3A_114, %dot_general3A_115 {dimension_numbers = #tpu.dot_dimension_numbers<[1], [0], [0], [1], [0, 0, 1, 1], [], []>, transpose_lhs_hint = false} : vector<1000x128xbf16>, vector<128x128xbf16>, vector<1000x128xf32> -> vector<1000x128xf32>
    %get3A_117 = arith.constant 0 : index
    %get3A_118 = arith.constant 0 : index
    %get3A_119 = vector.load %arg16[%get3A_117, %get3A_118] : memref<1x128xf32, #tpu.memory_space<vmem>>, vector<1x128xf32>
    %add3A_120 = vector.broadcast %get3A_119 : vector<1x128xf32> to vector<1000x128xf32>
    %add3A_121 = arith.addf %dot_general3A_116, %add3A_120 : vector<1000x128xf32>
    %get3A_122 = arith.constant 0 : index
    %get3A_123 = arith.constant 0 : index
    %get3A_124 = vector.load %arg17[%get3A_122, %get3A_123] : memref<1x128xf32, #tpu.memory_space<vmem>>, vector<1x128xf32>
    %get3A_125 = arith.constant 0 : index
    %get3A_126 = arith.constant 0 : index
    %get3A_127 = vector.load %arg18[%get3A_125, %get3A_126] : memref<1x128xf32, #tpu.memory_space<vmem>>, vector<1x128xf32>
    %reduce_sum3A_128 = arith.constant dense<0.000000e+00> : vector<1000xf32>
    %reduce_sum3A_129 = vector.multi_reduction <add>, %add3A_121, %reduce_sum3A_128 [1] : vector<1000x128xf32> to vector<1000xf32>
    %broadcast_in_dim3A_130 = vector.shape_cast %reduce_sum3A_129 : vector<1000xf32> to vector<1000x1xf32>
    %div3A_131 = arith.constant 1.280000e+02 : f32
    %div3A_132 = vector.broadcast %div3A_131 : f32 to vector<1000x1xf32>
    %div3A_133 = arith.divf %broadcast_in_dim3A_130, %div3A_132 : vector<1000x1xf32>
    %sub3A_134 = vector.broadcast %div3A_133 : vector<1000x1xf32> to vector<1000x128xf32>
    %sub3A_135 = arith.subf %add3A_121, %sub3A_134 : vector<1000x128xf32>
    %integer_pow3A_136 = arith.mulf %sub3A_135, %sub3A_135 : vector<1000x128xf32>
    %reduce_sum3A_137 = arith.constant dense<0.000000e+00> : vector<1000xf32>
    %reduce_sum3A_138 = vector.multi_reduction <add>, %integer_pow3A_136, %reduce_sum3A_137 [1] : vector<1000x128xf32> to vector<1000xf32>
    %broadcast_in_dim3A_139 = vector.shape_cast %reduce_sum3A_138 : vector<1000xf32> to vector<1000x1xf32>
    %div3A_140 = arith.constant 1.280000e+02 : f32
    %div3A_141 = vector.broadcast %div3A_140 : f32 to vector<1000x1xf32>
    %div3A_142 = arith.divf %broadcast_in_dim3A_139, %div3A_141 : vector<1000x1xf32>
    %sub3A_143 = vector.broadcast %div3A_133 : vector<1000x1xf32> to vector<1000x128xf32>
    %sub3A_144 = arith.subf %add3A_121, %sub3A_143 : vector<1000x128xf32>
    %add3A_145 = arith.constant 9.99999974E-6 : f32
    %add3A_146 = vector.broadcast %add3A_145 : f32 to vector<1000x1xf32>
    %add3A_147 = arith.addf %div3A_142, %add3A_146 : vector<1000x1xf32>
    %rsqrt3A_148 = math.rsqrt %add3A_147 : vector<1000x1xf32>
    %mul3A_149 = vector.broadcast %rsqrt3A_148 : vector<1000x1xf32> to vector<1000x128xf32>
    %mul3A_150 = arith.mulf %sub3A_144, %mul3A_149 : vector<1000x128xf32>
    %mul3A_151 = vector.broadcast %get3A_124 : vector<1x128xf32> to vector<1000x128xf32>
    %mul3A_152 = arith.mulf %mul3A_150, %mul3A_151 : vector<1000x128xf32>
    %add3A_153 = vector.broadcast %get3A_127 : vector<1x128xf32> to vector<1000x128xf32>
    %add3A_154 = arith.addf %mul3A_152, %add3A_153 : vector<1000x128xf32>
    %max3A_155 = arith.constant 0.000000e+00 : f32
    %max3A_156 = vector.broadcast %max3A_155 : f32 to vector<1000x128xf32>
    %max3A_157 = arith.maximumf %add3A_154, %max3A_156 : vector<1000x128xf32>
    %get3A_158 = arith.constant 0 : index
    %get3A_159 = arith.constant 0 : index
    %get3A_160 = vector.load %arg19[%get3A_158, %get3A_159] : memref<128x128xf32, #tpu.memory_space<vmem>>, vector<128x128xf32>
    %convert_element_type3A_161 = arith.truncf %max3A_157 : vector<1000x128xf32> to vector<1000x128xbf16>
    %convert_element_type3A_162 = arith.truncf %get3A_160 : vector<128x128xf32> to vector<128x128xbf16>
    %dot_general3A_163 = arith.constant dense<0.000000e+00> : vector<1000x128xf32>
    %dot_general3A_164 = tpu.matmul %convert_element_type3A_161, %convert_element_type3A_162, %dot_general3A_163 {dimension_numbers = #tpu.dot_dimension_numbers<[1], [0], [0], [1], [0, 0, 1, 1], [], []>, transpose_lhs_hint = false} : vector<1000x128xbf16>, vector<128x128xbf16>, vector<1000x128xf32> -> vector<1000x128xf32>
    %get3A_165 = arith.constant 0 : index
    %get3A_166 = arith.constant 0 : index
    %get3A_167 = vector.load %arg20[%get3A_165, %get3A_166] : memref<1x128xf32, #tpu.memory_space<vmem>>, vector<1x128xf32>
    %add3A_168 = vector.broadcast %get3A_167 : vector<1x128xf32> to vector<1000x128xf32>
    %add3A_169 = arith.addf %dot_general3A_164, %add3A_168 : vector<1000x128xf32>
    %get3A_170 = arith.constant 0 : index
    %get3A_171 = arith.constant 0 : index
    %get3A_172 = vector.load %arg21[%get3A_170, %get3A_171] : memref<1x128xf32, #tpu.memory_space<vmem>>, vector<1x128xf32>
    %get3A_173 = arith.constant 0 : index
    %get3A_174 = arith.constant 0 : index
    %get3A_175 = vector.load %arg22[%get3A_173, %get3A_174] : memref<1x128xf32, #tpu.memory_space<vmem>>, vector<1x128xf32>
    %reduce_sum3A_176 = arith.constant dense<0.000000e+00> : vector<1000xf32>
    %reduce_sum3A_177 = vector.multi_reduction <add>, %add3A_169, %reduce_sum3A_176 [1] : vector<1000x128xf32> to vector<1000xf32>
    %broadcast_in_dim3A_178 = vector.shape_cast %reduce_sum3A_177 : vector<1000xf32> to vector<1000x1xf32>
    %div3A_179 = arith.constant 1.280000e+02 : f32
    %div3A_180 = vector.broadcast %div3A_179 : f32 to vector<1000x1xf32>
    %div3A_181 = arith.divf %broadcast_in_dim3A_178, %div3A_180 : vector<1000x1xf32>
    %sub3A_182 = vector.broadcast %div3A_181 : vector<1000x1xf32> to vector<1000x128xf32>
    %sub3A_183 = arith.subf %add3A_169, %sub3A_182 : vector<1000x128xf32>
    %integer_pow3A_184 = arith.mulf %sub3A_183, %sub3A_183 : vector<1000x128xf32>
    %reduce_sum3A_185 = arith.constant dense<0.000000e+00> : vector<1000xf32>
    %reduce_sum3A_186 = vector.multi_reduction <add>, %integer_pow3A_184, %reduce_sum3A_185 [1] : vector<1000x128xf32> to vector<1000xf32>
    %broadcast_in_dim3A_187 = vector.shape_cast %reduce_sum3A_186 : vector<1000xf32> to vector<1000x1xf32>
    %div3A_188 = arith.constant 1.280000e+02 : f32
    %div3A_189 = vector.broadcast %div3A_188 : f32 to vector<1000x1xf32>
    %div3A_190 = arith.divf %broadcast_in_dim3A_187, %div3A_189 : vector<1000x1xf32>
    %sub3A_191 = vector.broadcast %div3A_181 : vector<1000x1xf32> to vector<1000x128xf32>
    %sub3A_192 = arith.subf %add3A_169, %sub3A_191 : vector<1000x128xf32>
    %add3A_193 = arith.constant 9.99999974E-6 : f32
    %add3A_194 = vector.broadcast %add3A_193 : f32 to vector<1000x1xf32>
    %add3A_195 = arith.addf %div3A_190, %add3A_194 : vector<1000x1xf32>
    %rsqrt3A_196 = math.rsqrt %add3A_195 : vector<1000x1xf32>
    %mul3A_197 = vector.broadcast %rsqrt3A_196 : vector<1000x1xf32> to vector<1000x128xf32>
    %mul3A_198 = arith.mulf %sub3A_192, %mul3A_197 : vector<1000x128xf32>
    %mul3A_199 = vector.broadcast %get3A_172 : vector<1x128xf32> to vector<1000x128xf32>
    %mul3A_200 = arith.mulf %mul3A_198, %mul3A_199 : vector<1000x128xf32>
    %add3A_201 = vector.broadcast %get3A_175 : vector<1x128xf32> to vector<1000x128xf32>
    %add3A_202 = arith.addf %mul3A_200, %add3A_201 : vector<1000x128xf32>
    %max3A_203 = arith.constant 0.000000e+00 : f32
    %max3A_204 = vector.broadcast %max3A_203 : f32 to vector<1000x128xf32>
    %max3A_205 = arith.maximumf %add3A_202, %max3A_204 : vector<1000x128xf32>
    %add3A_206 = arith.addf %max3A_205, %get3A_1 : vector<1000x128xf32>
    %get3A_207 = arith.constant 0 : index
    %get3A_208 = arith.constant 0 : index
    %get3A_209 = vector.load %arg23[%get3A_207, %get3A_208] : memref<128x128xf32, #tpu.memory_space<vmem>>, vector<128x128xf32>
    %convert_element_type3A_210 = arith.truncf %add3A_206 : vector<1000x128xf32> to vector<1000x128xbf16>
    %convert_element_type3A_211 = arith.truncf %get3A_209 : vector<128x128xf32> to vector<128x128xbf16>
    %dot_general3A_212 = arith.constant dense<0.000000e+00> : vector<1000x128xf32>
    %dot_general3A_213 = tpu.matmul %convert_element_type3A_210, %convert_element_type3A_211, %dot_general3A_212 {dimension_numbers = #tpu.dot_dimension_numbers<[1], [0], [0], [1], [0, 0, 1, 1], [], []>, transpose_lhs_hint = false} : vector<1000x128xbf16>, vector<128x128xbf16>, vector<1000x128xf32> -> vector<1000x128xf32>
    %swap3A = arith.constant 0 : index
    %swap3A_214 = arith.constant 0 : index
    %swap3A_215 = vector.load %arg25[%swap3A, %swap3A_214] : memref<1000x128xf32, #tpu.memory_space<vmem>>, vector<1000x128xf32>
    tpu.vector_store %arg25[%swap3A, %swap3A_214], %dot_general3A_213 {strides = array<i32>} : memref<1000x128xf32, #tpu.memory_space<vmem>>, vector<1000x128xf32>,
    %get3A_216 = arith.constant 0 : index
    %get3A_217 = arith.constant 0 : index
    %get3A_218 = vector.load %arg24[%get3A_216, %get3A_217] : memref<128x128xf32, #tpu.memory_space<vmem>>, vector<128x128xf32>
    %convert_element_type3A_219 = arith.truncf %add3A_206 : vector<1000x128xf32> to vector<1000x128xbf16>
    %convert_element_type3A_220 = arith.truncf %get3A_218 : vector<128x128xf32> to vector<128x128xbf16>
    %dot_general3A_221 = arith.constant dense<0.000000e+00> : vector<1000x128xf32>
    %dot_general3A_222 = tpu.matmul %convert_element_type3A_219, %convert_element_type3A_220, %dot_general3A_221 {dimension_numbers = #tpu.dot_dimension_numbers<[1], [0], [0], [1], [0, 0, 1, 1], [], []>, transpose_lhs_hint = false} : vector<1000x128xbf16>, vector<128x128xbf16>, vector<1000x128xf32> -> vector<1000x128xf32>
    %swap3A_223 = arith.constant 0 : index
    %swap3A_224 = arith.constant 0 : index
    %swap3A_225 = vector.load %arg26[%swap3A_223, %swap3A_224] : memref<1000x128xf32, #tpu.memory_space<vmem>>, vector<1000x128xf32>
    tpu.vector_store %arg26[%swap3A_223, %swap3A_224], %dot_general3A_222 {strides = array<i32>} : memref<1000x128xf32, #tpu.memory_space<vmem>>, vector<1000x128xf32>,
    return
  }
  func.func @transform_0(%arg0: i32) -> (i32, i32) {
    %c0_i32 = arith.constant 0 : i32
    %c0_i32_0 = arith.constant 0 : i32
    return %arg0, %c0_i32 : i32, i32
  }
  func.func @transform_1(%arg0: i32) -> (i32, i32) {
    %c0_i32 = arith.constant 0 : i32
    %c0_i32_0 = arith.constant 0 : i32
    return %arg0, %c0_i32 : i32, i32
  }
  func.func @transform_2(%arg0: i32) -> (i32, i32) {
    %c0_i32 = arith.constant 0 : i32
    %c0_i32_0 = arith.constant 0 : i32
    return %arg0, %c0_i32 : i32, i32
  }
  func.func @transform_3(%arg0: i32) -> (i32, i32) {
    %c0_i32 = arith.constant 0 : i32
    %c0_i32_0 = arith.constant 0 : i32
    return %arg0, %c0_i32 : i32, i32
  }
  func.func @transform_4(%arg0: i32) -> (i32, i32) {
    %c0_i32 = arith.constant 0 : i32
    %c0_i32_0 = arith.constant 0 : i32
    return %arg0, %c0_i32 : i32, i32
  }
  func.func @transform_5(%arg0: i32) -> (i32, i32) {
    %c0_i32 = arith.constant 0 : i32
    %c0_i32_0 = arith.constant 0 : i32
    %c0_i32_1 = arith.constant 0 : i32
    return %c0_i32, %c0_i32_0 : i32, i32
  }
  func.func @transform_6(%arg0: i32) -> (i32, i32) {
    %c0_i32 = arith.constant 0 : i32
    %c0_i32_0 = arith.constant 0 : i32
    %c0_i32_1 = arith.constant 0 : i32
    return %c0_i32, %c0_i32_0 : i32, i32
  }
  func.func @transform_7(%arg0: i32) -> (i32, i32) {
    %c0_i32 = arith.constant 0 : i32
    %c0_i32_0 = arith.constant 0 : i32
    %c0_i32_1 = arith.constant 0 : i32
    return %c0_i32, %c0_i32_0 : i32, i32
  }
  func.func @transform_8(%arg0: i32) -> (i32, i32) {
    %c0_i32 = arith.constant 0 : i32
    %c0_i32_0 = arith.constant 0 : i32
    %c0_i32_1 = arith.constant 0 : i32
    return %c0_i32, %c0_i32_0 : i32, i32
  }
  func.func @transform_9(%arg0: i32) -> (i32, i32) {
    %c0_i32 = arith.constant 0 : i32
    %c0_i32_0 = arith.constant 0 : i32
    %c0_i32_1 = arith.constant 0 : i32
    return %c0_i32, %c0_i32_0 : i32, i32
  }
  func.func @transform_10(%arg0: i32) -> (i32, i32) {
    %c0_i32 = arith.constant 0 : i32
    %c0_i32_0 = arith.constant 0 : i32
    %c0_i32_1 = arith.constant 0 : i32
    return %c0_i32, %c0_i32_0 : i32, i32
  }
  func.func @transform_11(%arg0: i32) -> (i32, i32) {
    %c0_i32 = arith.constant 0 : i32
    %c0_i32_0 = arith.constant 0 : i32
    %c0_i32_1 = arith.constant 0 : i32
    return %c0_i32, %c0_i32_0 : i32, i32
  }
  func.func @transform_12(%arg0: i32) -> (i32, i32) {
    %c0_i32 = arith.constant 0 : i32
    %c0_i32_0 = arith.constant 0 : i32
    %c0_i32_1 = arith.constant 0 : i32
    return %c0_i32, %c0_i32_0 : i32, i32
  }
  func.func @transform_13(%arg0: i32) -> (i32, i32) {
    %c0_i32 = arith.constant 0 : i32
    %c0_i32_0 = arith.constant 0 : i32
    %c0_i32_1 = arith.constant 0 : i32
    return %c0_i32, %c0_i32_0 : i32, i32
  }
  func.func @transform_14(%arg0: i32) -> (i32, i32) {
    %c0_i32 = arith.constant 0 : i32
    %c0_i32_0 = arith.constant 0 : i32
    %c0_i32_1 = arith.constant 0 : i32
    return %c0_i32, %c0_i32_0 : i32, i32
  }
  func.func @transform_15(%arg0: i32) -> (i32, i32) {
    %c0_i32 = arith.constant 0 : i32
    %c0_i32_0 = arith.constant 0 : i32
    %c0_i32_1 = arith.constant 0 : i32
    return %c0_i32, %c0_i32_0 : i32, i32
  }
  func.func @transform_16(%arg0: i32) -> (i32, i32) {
    %c0_i32 = arith.constant 0 : i32
    %c0_i32_0 = arith.constant 0 : i32
    %c0_i32_1 = arith.constant 0 : i32
    return %c0_i32, %c0_i32_0 : i32, i32
  }
  func.func @transform_17(%arg0: i32) -> (i32, i32) {
    %c0_i32 = arith.constant 0 : i32
    %c0_i32_0 = arith.constant 0 : i32
    %c0_i32_1 = arith.constant 0 : i32
    return %c0_i32, %c0_i32_0 : i32, i32
  }
  func.func @transform_18(%arg0: i32) -> (i32, i32) {
    %c0_i32 = arith.constant 0 : i32
    %c0_i32_0 = arith.constant 0 : i32
    %c0_i32_1 = arith.constant 0 : i32
    return %c0_i32, %c0_i32_0 : i32, i32
  }
  func.func @transform_19(%arg0: i32) -> (i32, i32) {
    %c0_i32 = arith.constant 0 : i32
    %c0_i32_0 = arith.constant 0 : i32
    %c0_i32_1 = arith.constant 0 : i32
    return %c0_i32, %c0_i32_0 : i32, i32
  }
  func.func @transform_20(%arg0: i32) -> (i32, i32) {
    %c0_i32 = arith.constant 0 : i32
    %c0_i32_0 = arith.constant 0 : i32
    %c0_i32_1 = arith.constant 0 : i32
    return %c0_i32, %c0_i32_0 : i32, i32
  }
  func.func @transform_21(%arg0: i32) -> (i32, i32) {
    %c0_i32 = arith.constant 0 : i32
    %c0_i32_0 = arith.constant 0 : i32
    %c0_i32_1 = arith.constant 0 : i32
    return %c0_i32, %c0_i32_0 : i32, i32
  }
  func.func @transform_22(%arg0: i32) -> (i32, i32) {
    %c0_i32 = arith.constant 0 : i32
    %c0_i32_0 = arith.constant 0 : i32
    %c0_i32_1 = arith.constant 0 : i32
    return %c0_i32, %c0_i32_0 : i32, i32
  }
  func.func @transform_23(%arg0: i32) -> (i32, i32) {
    %c0_i32 = arith.constant 0 : i32
    %c0_i32_0 = arith.constant 0 : i32
    %c0_i32_1 = arith.constant 0 : i32
    return %c0_i32, %c0_i32_0 : i32, i32
  }
  func.func @transform_24(%arg0: i32) -> (i32, i32) {
    %c0_i32 = arith.constant 0 : i32
    %c0_i32_0 = arith.constant 0 : i32
    return %arg0, %c0_i32 : i32, i32
  }
  func.func @transform_25(%arg0: i32) -> (i32, i32) {
    %c0_i32 = arith.constant 0 : i32
    %c0_i32_0 = arith.constant 0 : i32
    return %arg0, %c0_i32 : i32, i32
  }
}

module attributes {stable_mosaic.version = 14 : i64} {
  func.func @_clf_body(%arg0: i32, %arg1: memref<2048x128xf32, #tpu.memory_space<vmem>>, %arg2: memref<2048x128xf32, #tpu.memory_space<vmem>>, %arg3: memref<1x128xf32, #tpu.memory_space<vmem>>, %arg4: memref<1x128xf32, #tpu.memory_space<vmem>>, %arg5: memref<1x1xf32, #tpu.memory_space<vmem>>, %arg6: memref<1x1x2048xf32, #tpu.memory_space<vmem>>) attributes {dimension_semantics = [#tpu.dimension_semantics<arbitrary>], iteration_bounds = array<i64: 40>, scalar_prefetch = 0 : i64, scratch_operands = 0 : i64, tpu.core_type = #tpu.core_type<tc>, window_params = [{transform_indices = @transform_0, window_bounds = array<i64: 2048, 128>}, {transform_indices = @transform_1, window_bounds = array<i64: 2048, 128>}, {pipeline_mode = #tpu.pipeline_mode<synchronous>, transform_indices = @transform_2, window_bounds = array<i64: 1, 128>}, {pipeline_mode = #tpu.pipeline_mode<synchronous>, transform_indices = @transform_3, window_bounds = array<i64: 1, 128>}, {pipeline_mode = #tpu.pipeline_mode<synchronous>, transform_indices = @transform_4, window_bounds = array<i64: 1, 1>}, {transform_indices = @transform_5, window_bounds = array<i64: 1, 1, 2048>}]} {
    %get3A = arith.constant 0 : index
    %get3A_0 = arith.constant 0 : index
    %get3A_1 = vector.load %arg1[%get3A, %get3A_0] : memref<2048x128xf32, #tpu.memory_space<vmem>>, vector<2048x128xf32>
    %get3A_2 = arith.constant 0 : index
    %get3A_3 = arith.constant 0 : index
    %get3A_4 = vector.load %arg2[%get3A_2, %get3A_3] : memref<2048x128xf32, #tpu.memory_space<vmem>>, vector<2048x128xf32>
    %add3A = arith.addf %get3A_1, %get3A_4 : vector<2048x128xf32>
    %get3A_5 = arith.constant 0 : index
    %get3A_6 = arith.constant 0 : index
    %get3A_7 = vector.load %arg3[%get3A_5, %get3A_6] : memref<1x128xf32, #tpu.memory_space<vmem>>, vector<1x128xf32>
    %add3A_8 = vector.broadcast %get3A_7 : vector<1x128xf32> to vector<2048x128xf32>
    %add3A_9 = arith.addf %add3A, %add3A_8 : vector<2048x128xf32>
    %max3A = arith.constant 0.000000e+00 : f32
    %max3A_10 = vector.broadcast %max3A : f32 to vector<2048x128xf32>
    %max3A_11 = arith.maximumf %add3A_9, %max3A_10 : vector<2048x128xf32>
    %convert_element_type3A = arith.truncf %max3A_11 : vector<2048x128xf32> to vector<2048x128xbf16>
    %convert_element_type3A_12 = arith.extf %convert_element_type3A : vector<2048x128xbf16> to vector<2048x128xf32>
    %get3A_13 = arith.constant 0 : index
    %get3A_14 = arith.constant 0 : index
    %get3A_15 = vector.load %arg4[%get3A_13, %get3A_14] : memref<1x128xf32, #tpu.memory_space<vmem>>, vector<1x128xf32>
    %convert_element_type3A_16 = arith.truncf %get3A_15 : vector<1x128xf32> to vector<1x128xbf16>
    %convert_element_type3A_17 = arith.extf %convert_element_type3A_16 : vector<1x128xbf16> to vector<1x128xf32>
    %mul3A = vector.broadcast %convert_element_type3A_17 : vector<1x128xf32> to vector<2048x128xf32>
    %mul3A_18 = arith.mulf %convert_element_type3A_12, %mul3A : vector<2048x128xf32>
    %reduce_sum3A = arith.constant dense<0.000000e+00> : vector<2048xf32>
    %reduce_sum3A_19 = vector.multi_reduction <add>, %mul3A_18, %reduce_sum3A [1] : vector<2048x128xf32> to vector<2048xf32>
    %get3A_20 = arith.constant 0 : index
    %get3A_21 = arith.constant 0 : index
    %get3A_22 = vector.load %arg5[%get3A_20, %get3A_21] : memref<1x1xf32, #tpu.memory_space<vmem>>, vector<1x1xf32>
    %get3A_23 = vector.extract %get3A_22[0, 0] : f32 from vector<1x1xf32>
    %add3A_24 = vector.broadcast %get3A_23 : f32 to vector<2048xf32>
    %add3A_25 = arith.addf %reduce_sum3A_19, %add3A_24 : vector<2048xf32>
    %broadcast_in_dim3A = vector.shape_cast %add3A_25 : vector<2048xf32> to vector<1x1x2048xf32>
    %swap3A = arith.constant 0 : index
    %swap3A_26 = arith.constant 0 : index
    %swap3A_27 = arith.constant 0 : index
    %swap3A_28 = vector.load %arg6[%swap3A, %swap3A_26, %swap3A_27] : memref<1x1x2048xf32, #tpu.memory_space<vmem>>, vector<1x1x2048xf32>
    tpu.vector_store %arg6[%swap3A, %swap3A_26, %swap3A_27], %broadcast_in_dim3A {strides = array<i32>} : memref<1x1x2048xf32, #tpu.memory_space<vmem>>, vector<1x1x2048xf32>,
    return
  }
  func.func @transform_0(%arg0: i32) -> (i32, i32) {
    %c0_i32 = arith.constant 0 : i32
    %c0_i32_0 = arith.constant 0 : i32
    return %arg0, %c0_i32 : i32, i32
  }
  func.func @transform_1(%arg0: i32) -> (i32, i32) {
    %c0_i32 = arith.constant 0 : i32
    %c0_i32_0 = arith.constant 0 : i32
    return %arg0, %c0_i32 : i32, i32
  }
  func.func @transform_2(%arg0: i32) -> (i32, i32) {
    %c0_i32 = arith.constant 0 : i32
    %c0_i32_0 = arith.constant 0 : i32
    %c0_i32_1 = arith.constant 0 : i32
    return %c0_i32, %c0_i32_0 : i32, i32
  }
  func.func @transform_3(%arg0: i32) -> (i32, i32) {
    %c0_i32 = arith.constant 0 : i32
    %c0_i32_0 = arith.constant 0 : i32
    %c0_i32_1 = arith.constant 0 : i32
    return %c0_i32, %c0_i32_0 : i32, i32
  }
  func.func @transform_4(%arg0: i32) -> (i32, i32) {
    %c0_i32 = arith.constant 0 : i32
    %c0_i32_0 = arith.constant 0 : i32
    %c0_i32_1 = arith.constant 0 : i32
    return %c0_i32, %c0_i32_0 : i32, i32
  }
  func.func @transform_5(%arg0: i32) -> (i32, i32, i32) {
    %c0_i32 = arith.constant 0 : i32
    %c0_i32_0 = arith.constant 0 : i32
    %c0_i32_1 = arith.constant 0 : i32
    return %arg0, %c0_i32, %c0_i32_0 : i32, i32, i32
  }
}

</mosaic_0001>

<sc_bundles>
// kernel: kernel.18.cloned.1.call-start
scs
__scs_entry_jumppad:
0x0: {  	(pc) =	sbr.rel $0x88, $3  }
0x1: {  	(tag) =	ssettag $0x0;
	lr =	simm.s32 $0x1  }
0x2: {  	[smem:$0x3F77] =	sst lr;
	_ =	strace $0xD0000000  }
0x3: {  	_ = 	snop  }
0x4: {  	_ = 	snop  }
0x5: {  	_ = 	snop  }
0x6: {  	_ = 	snop  }
0x7: {  	_ = 	snop  }
__scs_overlays_trampoline_lowered:
0x8: {  	[smem:$0x3F86] =	sst s0  }
0x9: {  	[smem:$0x3F87] =	sst s1  }
0xa: {  	[smem:$0x3F88] =	sst s2  }
0xb: {  	[smem:$0x3F89] =	sst s3  }
0xc: {  	[smem:$0x3F8A] =	sst s4  }
0xd: {  	[smem:$0x3F8B] =	sst s5  }
0xe: {  	[smem:$0x3F8C] =	sst s6  }
0xf: {  	[smem:$0x3F8D] =	sst s7  }
0x10: {  	[smem:$0x3F8E] =	sst s8  }
0x11: {  	[smem:$0x3F8F] =	sst s9;
	s0 =	simm.s32 @!p0 $0x0  }
0x12: {  	s1 =	sld [smem:$0x3F75];
	s0 =	simm.s32 @p0 $0x1  }
0x13: {  	[smem:$0x3F90] =	sst s0;
	s0 =	simm.s32 @!p1 $0x0  }
0x14: {  	s2 =	sld [smem:$0x3F74];
	s0 =	simm.s32 @p1 $0x1  }
0x15: {  	[smem:$0x3F91] =	sst s0;
	s0 =	simm.s32 @!p2 $0x0  }
0x16: {  	s3 =	sld [smem:$0x3FDB];
	s0 =	simm.s32 @p2 $0x1  }
0x17: {  	s4 =	simm.s32 $0x1BF5;
	[smem:$0x3F93] =	sst s0  }
0x18: {  	s0 =	sld [smem:$0x3F76];
	_ =	swait.ge [sflag:s4], $0x0  }
0x19: {  	s7 =	sld [smem:$0x3F77]  }
0x1a: {  	s8 =	sadd.s32 $0xFFFFE003, lr  }
0x1b: {  	s9 =	sadd.s32 $0xFFFFFEF7, lr;
	s5 =	simm.s32 $0xFFFFFFFF;
	p2 =	slt.u32 s8, $0xFFFFF086  }
0x1c: {  	p1 =	slt.u32 s9, $0xF7A;
	s5 =	simm.s32 @!p2 $0x0  }
0x1d: {  	s5 =	simm.s32 @p1 $0x1;
	p0 =	seq.s32 s7, s2  }
0x1e: {  	s7 =	smul.u32 @!p0 $0xF7A, s2;
	p2 =	seq.s32 @!p0 s5, $0x0  }
0x1f: {  	s9 =	smul.u32 $0xF7A, s1;
	s8 =	simm.s32 @!p0 $0x1BF5;
	p2 =	por !p2, p0  }
0x20: {  	[sflag:s8] =	ssyncset.s32 @!p0 $0xFFFFF086;
	s6 =	sadd.s32 @!p0 s3, s7;
	s7 =	simm.s32 @!p0 $0x108  }
0x21: {  	s3 =	sadd.s32 s3, s9;
	s6 =	sadd.s32 @!p0 $0x88, s6;
	s7 =	simm.s32 @p2 $0x1082  }
0x22: {  	[simem:s7], [sflag:s8] =	dma.local @!p0 [hbm:s6], $0xF7A  }
0x23: {  	s9 =	sor.u32 $0xD0000000, s2;
	s6 =	simm.s32 $0x108;
	_ =	swait.ge @!p0 [sflag:s8], $0x0  }
0x24: {  	s3 =	sadd.s32 $0x88, s3;
	s6 =	simm.s32 @!p1 $0x1082;
	[sflag:s4] =	ssyncset.s32 $0xFFFFF086  }
0x25: {  	[simem:s6], [sflag:s4] =	dma.local [hbm:s3], $0xF7A  }
0x26: {  	[smem:$0x3F77] =	sst s1;
	(tag) =	ssettag s2;
	_ =	strace s9  }
0x27: {  	s1 =	sld [smem:$0x3F87]  }
0x28: {  	s2 =	sld [smem:$0x3F88]  }
0x29: {  	s4 =	sld [smem:$0x3F8A]  }
0x2a: {  	p0 =	seq.s32 s5, $0x0;
	s5 =	sld [smem:$0x3F8B]  }
0x2b: {  	s6 =	sld [smem:$0x3F8C]  }
0x2c: {  	s7 =	sld [smem:$0x3F8D]  }
0x2d: {  	s3 =	simm.s32 $0x108;
	s8 =	sld [smem:$0x3F8E]  }
0x2e: {  	s3 =	simm.s32 @!p0 $0x1082;
	s9 =	sld [smem:$0x3F8F]  }
0x2f: {  	lr =	sadd.s32 s0, s3;
	s0 =	sld [smem:$0x3F86]  }
0x30: {  	s3 =	sld [smem:$0x3F89]  }
0x31: {  	[smem:$0x3F92] =	sst s10  }
0x32: {  	s10 =	sld [smem:$0x3F90];
	_ =	sdelay $0x3  }
0x33: {  	p0 =	seq.s32 s10, $0x1;
	s10 =	sld [smem:$0x3F92];
	_ =	sdelay $0x3  }
0x34: {  	[smem:$0x3F92] =	sst s10  }
0x35: {  	s10 =	sld [smem:$0x3F91];
	_ =	sdelay $0x3  }
0x36: {  	p1 =	seq.s32 s10, $0x1;
	s10 =	sld [smem:$0x3F92];
	_ =	sdelay $0x3  }
0x37: {  	[smem:$0x3F92] =	sst s10  }
0x38: {  	s10 =	sld [smem:$0x3F93]  }
0x39: {  	_ = 	snop;
	(pc) =	sbr.ind lr, $3  }
0x3a: {  	_ = 	snop  }
0x3b: {  	_ = 	snop  }
0x3c: {  	p2 =	seq.s32 s10, $0x1;
	s10 =	sld [smem:$0x3F92]  }
0x3d: {  	_ =	shalt  }
0x3e: {  	_ =	shalt  }
0x3f: {  	_ =	shalt  }
0x40: {  	_ =	shalt  }
0x41: {  	_ =	shalt  }
0x42: {  	_ =	shalt  }
0x43: {  	_ =	shalt  }
0x44: {  	_ =	shalt  }
0x45: {  	_ =	shalt  }
0x46: {  	_ =	shalt  }
0x47: {  	_ =	shalt  }
0x48: {  	_ =	shalt  }
0x49: {  	_ =	shalt  }
0x4a: {  	_ =	shalt  }
0x4b: {  	_ =	shalt  }
0x4c: {  	_ =	shalt  }
0x4d: {  	_ =	shalt  }
0x4e: {  	_ =	shalt  }
0x4f: {  	_ =	shalt  }
0x50: {  	_ =	shalt  }
0x51: {  	_ =	shalt  }
0x52: {  	_ =	shalt  }
0x53: {  	_ =	shalt  }
0x54: {  	_ =	shalt  }
0x55: {  	_ =	shalt  }
0x56: {  	_ =	shalt  }
0x57: {  	_ =	shalt  }
0x58: {  	_ =	shalt  }
0x59: {  	_ =	shalt  }
0x5a: {  	_ =	shalt  }
0x5b: {  	_ =	shalt  }
0x5c: {  	_ =	shalt  }
0x5d: {  	_ =	shalt  }
0x5e: {  	_ =	shalt  }
0x5f: {  	_ =	shalt  }
0x60: {  	_ =	shalt  }
0x61: {  	_ =	shalt  }
0x62: {  	_ =	shalt  }
0x63: {  	_ =	shalt  }
0x64: {  	_ =	shalt  }
0x65: {  	_ =	shalt  }
0x66: {  	_ =	shalt  }
0x67: {  	_ =	shalt  }
0x68: {  	_ =	shalt  }
0x69: {  	_ =	shalt  }
0x6a: {  	_ =	shalt  }
0x6b: {  	_ =	shalt  }
0x6c: {  	_ =	shalt  }
0x6d: {  	_ =	shalt  }
0x6e: {  	_ =	shalt  }
0x6f: {  	_ =	shalt  }
0x70: {  	_ =	shalt  }
0x71: {  	_ =	shalt  }
0x72: {  	_ =	shalt  }
0x73: {  	_ =	shalt  }
0x74: {  	_ =	shalt  }
0x75: {  	_ =	shalt  }
0x76: {  	_ =	shalt  }
0x77: {  	_ =	shalt  }
0x78: {  	_ =	shalt  }
0x79: {  	_ =	shalt  }
0x7a: {  	_ =	shalt  }
0x7b: {  	_ =	shalt  }
0x7c: {  	_ =	shalt  }
0x7d: {  	_ =	shalt  }
0x7e: {  	_ =	shalt  }
0x7f: {  	_ =	shalt  }
0x80: {  	_ =	shalt  }
0x81: {  	_ =	shalt  }
0x82: {  	_ =	shalt  }
0x83: {  	_ =	shalt  }
0x84: {  	_ =	shalt  }
0x85: {  	_ =	shalt  }
0x86: {  	_ =	shalt  }
0x87: {  	_ =	shalt  }
.Lfunc_end0:
.L_simem_size_0:
called_computation_lowered:
.L_overlay_start_0:
0x88: {  	s2 =	sld [smem:$0x3FD9]  }
0x89: {  	s3 =	sld [smem:$0x3FFE];
	_ =	sdelay $0x1  }
0x8a: {  	s1 =	srdreg.scid  }
0x8b: {  	s0 =	sand.u32 $0x1, s1  }
0x8c: {  	s16 =	sshll.u32 s0, $0xA;
	s2 =	sadd.s32 s3, s2  }
0x8d: {  	s2 =	sadd.s32 s2, s16  }
0x8e: {  	[smem:$0x3F9E] =	sst s2  }
0x8f: {  	_ = 	snop  }
0x90: {  	(tm) =	ssettm $0x1  }
0x91: {  	s17 =	sld [smem:$0x3FFB];
	_ =	sdelay $0x3  }
0x92: {  	_ =	strace s17  }
0x93: {  	s2 =	sld [smem:$0x3FFC];
	_ =	sdelay $0x3  }
0x94: {  	_ =	strace s2  }
0x95: {  	s2 =	sld [smem:$0x3FFD];
	_ =	sdelay $0x3  }
0x96: {  	_ =	strace s2  }
0x97: {  	_ =	strace $0x8FFFFFFF  }
0x98: {  	s18 =	sld [smem:$0x3FDB];
	_ =	sdelay $0x1  }
0x99: {  	s19 =	simm.s32 $_scs_section_size  }
0x9a: {  	s4 =	simm.s32 $_size__tile_overlayer_lowered;
	s5 =	simm.s32 $_tile_overlayer_lowered  }
0x9b: {  	s22 =	simm.s32 $0x1BFF;
	s21 =	sshll.u32 s5, $0x1;
	s2 =	sadd.s32 s19, s18  }
0x9c: {  	s6 =	simm.s32 $0x0;
	s20 =	sshll.u32 s4, $0x1;
	s4 =	sadd.s32 s21, s2  }
0x9d: {  	[timem:s6], [sflag:s22] =	dma.local [hbm:s4], s20  }
0x9e: {  	_ =	swait.ge [sflag:s22], s20  }
0x9f: {  	s3 =	ssub.s32 $0x0, s20;
	[sflag:s22] =	ssyncset.done $0x0  }
0xa0: {  	[sflag:s22] =	ssyncadd.s32 s3;
	_ =	sdelay $0x1  }
0xa1: {  	s23 =	simm.s32 $0x1B8B  }
0xa2: {  	_ =	swait.ge [sflag:s23], $0x1  }
0xa3: {  	[sflag:s23] =	ssyncset.done $0x0  }
0xa4: {  	s25 =	simm.s32 $0x1B8E;
	s24 =	sld [smem:$0x3FFE];
	[sflag:s23] =	ssyncadd.s32 $0xFFFFFFFF  }
0xa5: {  	s26 =	simm.s32 $execute0_lowered;
	[smem:$0x3FD2] =	sst s25  }
0xa6: {  	s4 =	sshll.u32 s26, $0x1;
	_ =	strace $0x80000046;
	[dreg:$0x1] =	wrdreg $0xFFFFFFFF  }
0xa7: {  	s28 =	simm.s32 $_size_execute0_lowered;
	s2 =	sadd.s32 s2, s4;
	[dreg:$0x0] =	wrdreg $0x0  }
0xa8: {  	s4 =	sshll.u32 s28, $0x1;
	[dreg:$0x2] =	wrdreg s2  }
0xa9: {  	[dreg:$0x3] =	wrdreg s4  }
0xaa: {  	[dreg:$0x4] =	wrdreg $0xC0  }
0xab: {  	_ =	task [dreg:s6], $0x5FFFF  }
0xac: {  	[dreg:$0x1] =	wrdreg $0xFFFFFFFF  }
0xad: {  	[dreg:$0x0] =	wrdreg $0x60  }
0xae: {  	[dreg:$0x2] =	wrdreg s24  }
0xaf: {  	[dreg:$0x3] =	wrdreg $0x9  }
0xb0: {  	_ =	task.clear_ibuf [dreg:s6], $0x4FFFF;
	_ =	strace $0x90000046  }
0xb1: {  	s29 =	simm.s32 $0x9;
	_ =	strace $0x80000048  }
0xb2: {  	_ =	swait.ge [sflag:s29], $0x1  }
0xb3: {  	[sflag:s29] =	ssyncadd.s32 $0xFFFFFFFF  }
0xb4: {  	_ =	strace $0x90000048  }
0xb5: {  	_ =	sfence  }
0xb6: {  	s30 =	sld [smem:$0x0];
	_ =	sdelay $0x2  }
0xb7: {  	s31 =	sshll.u32 s1, $0xD;
	s1 =	sshrl.u32 s1, $0x2  }
0xb8: {  	s3 =	sand.u32 $0x4000, s31;
	s1 =	sadd.s32 s1, s30  }
0xb9: {  	s0 =	sor.u32 s3, s0;
	s1 =	sshll.u32 s1, $0x11  }
0xba: {  	s0 =	sor.u32 s1, s0  }
0xbb: {  	s0 =	sadd.s32 $0x8F2B, s0  }
0xbc: {  	[sflag:s0] =	ssyncadd.remote.s32 $0x1  }
0xbd: {  	_ =	sfence.sel $0xFFFF  }
0xbe: {  	[dreg:$0x0] =	wrdreg $0xFFFFFFFF;
	(pc) =	sbr.abs _section_cstart, $3  }
0xbf: {  	[dreg:$0x1] =	wrdreg $0xFFFFFFFF  }
0xc0: {  	_ =	task.clear_ibuf [dreg:s6], $0x2FFFF;
	_ =	strace $0x9FFFFFFF  }
0xc1: {  	(tm) =	ssettm $0x7FFFFFFF  }
tec
execute0_lowered:
.L_overlay_start_1:
0x0: {  	(tag) =	ssettag $0x1  }
0x1: {  	s5 =	rddreg [dreg:$0x0]  }
0x2: {  	s0 =	rddreg [dreg:$0x1];
	s2 =	simm.s32 $0x0;
	s3 =	srdreg.scid  }
0x3: {  	s1 =	stileid.u32;
	s12 =	simm.s32 $0x100;
	s13 =	simm.s32 $0x4100  }
0x4: {  	s14 =	simm.s32 $0x1;
	s15 =	simm.s32 $0x2;
	s7 =	smul.u32 $0x4F00, s1  }
0x5: {  	s16 =	simm.s32 $0x0;
	s6 =	sand.u32 $0x1, s3;
	s9 =	smul.u32 $0x4F000, s1  }
0x6: {  	[smem:$0x7FF] =	sst s2;
	s3 =	sadd.s32 $0x2AC00, s5;
	s8 =	smul.u32 $0x2780, s6  }
0x7: {  	s4 =	sadd.s32 $0x51E00, s5;
	s29 =	ssub.s32 $0x2, s6;
	s6 =	smul.u32 $0x27800, s6  }
0x8: {  	_ =	strace $0x80000047;
	s9 =	sadd.s32 s9, s5;
	s10 =	sshrl.u32 s29, $0x1  }
0x9: {  	s7 =	sadd.s32 s8, s7;
	s30 =	ssub.s32 s29, s10;
	s31 =	sadd.s32 s6, s9  }
0xa: {  	s10 =	simm.s32 $0x3;
	s7 =	sshrl.u32 s7, $0x3;
	s6 =	sadd.s32 $0xA0200, s31  }
0xb: {  	s11 =	sadd.s32 s7, s5;
	s5 =	smax.u32 s30, $0x1;
	s7 =	sadd.s32 $0x590200, s31  }
0xc: {  	s8 =	sadd.s32 $0x20E00, s11;
	s9 =	sadd.s32 $0x17000, s11;
	s11 =	simm.s32 $0x80  }
.LBB2_1:
0xd: {  	s17 =	sadd.s32 $0x0, s9  }
0xe: {  	[tilespmem:s2], [sflag:$0x3] =	stream.linear.gather [hbm4b:s17+s2], $0x80, $0x38;
	[tilespmem:$0x8100] =	vst v63  }
0xf: {  	_ =	swait.ge [sflag:s10], $0x80  }
0x10: {  	[sflag:s10] =	ssyncset.done $0x0  }
0x11: {  	s31 =	sadd.s32 $0x0, s8;
	[sflag:s10] =	ssyncadd.s32 $0xFFFFFF80  }
0x12: {  	[tilespmem:s11], [sflag:$0x3] =	stream.linear.gather [hbm4b:s31+s2], $0x80, $0x38;
	[tilespmem:$0x8100] =	vst v63  }
0x13: {  	_ =	swait.ge [sflag:s10], $0x80  }
0x14: {  	[sflag:s10] =	ssyncset.done $0x0  }
0x15: {  	[sflag:s10] =	ssyncadd.s32 $0xFFFFFF80  }
0x16: {  	[tilespmem:s12], [sflag:$0x1] =	stream.indirect.gather [hbm4b:s3+s11], $0x80, s2, s11, $0xb8;
	[tilespmem:$0x8100] =	vst v63  }
0x17: {  	_ = 	snop  }
0x18: {  	[tilespmem:s13], [sflag:$0x2] =	stream.indirect.gather [hbm4b:s4+s11], $0x80, s11, s11, $0xb8;
	[tilespmem:$0x8100] =	vst v63  }
0x19: {  	_ =	swait.ge [sflag:s14], $0x4000  }
0x1a: {  	[sflag:s14] =	ssyncset.done $0x0  }
0x1b: {  	[sflag:s14] =	ssyncadd.s32 $0xFFFFC000  }
0x1c: {  	_ =	swait.ge [sflag:s15], $0x4000  }
0x1d: {  	[sflag:s15] =	ssyncset.done $0x0  }
0x1e: {  	[sflag:s15] =	ssyncadd.s32 $0xFFFFC000  }
0x1f: {  	[hbm4b:s6+s2] =	stream.linear.scatter [tilespmem:s12], [sflag:$0x3], $0x4000, $0x38;
	[tilespmem:$0x8100] =	vst v63  }
0x20: {  	_ =	swait.ge [sflag:s10], $0x4000  }
0x21: {  	[sflag:s10] =	ssyncset.done $0x0  }
0x22: {  	[sflag:s10] =	ssyncadd.s32 $0xFFFFC000  }
0x23: {  	[hbm4b:s7+s2] =	stream.linear.scatter [tilespmem:s13], [sflag:$0x3], $0x4000, $0x38;
	[tilespmem:$0x8100] =	vst v63  }
0x24: {  	s19 =	simm.s32 $0x10;
	s20 =	simm.s32 $0x20;
	_ =	swait.ge [sflag:s10], $0x4000  }
0x25: {  	s18 =	sadd.s32 $0x800, s6;
	s17 =	sadd.s32 $0x800, s7;
	[sflag:s10] =	ssyncset.done $0x0  }
.LBB2_2:
0x26: {  	s21 =	sadd.s32 s19, s9  }
0x27: {  	[sflag:s10] =	ssyncadd.s32 $0xFFFFC000;
	s22 =	smov.u32 s20;
	s23 =	sadd.s32 $0x10, s20  }
0x28: {  	[tilespmem:s2], [sflag:$0x3] =	stream.linear.gather [hbm4b:s21+s2], $0x80, $0x38;
	[tilespmem:$0x8100] =	vst v63  }
0x29: {  	p0 =	sne.s32 s20, $0x4E0;
	_ =	swait.ge [sflag:s10], $0x80  }
0x2a: {  	[sflag:s10] =	ssyncset.done $0x0  }
0x2b: {  	s20 =	sadd.s32 s19, s8;
	s19 =	smov.u32 s22;
	[sflag:s10] =	ssyncadd.s32 $0xFFFFFF80  }
0x2c: {  	[tilespmem:s11], [sflag:$0x3] =	stream.linear.gather [hbm4b:s20+s2], $0x80, $0x38;
	[tilespmem:$0x8100] =	vst v63  }
0x2d: {  	_ =	swait.ge [sflag:s10], $0x80  }
0x2e: {  	[sflag:s10] =	ssyncset.done $0x0  }
0x2f: {  	[sflag:s10] =	ssyncadd.s32 $0xFFFFFF80  }
0x30: {  	[tilespmem:s12], [sflag:$0x1] =	stream.indirect.gather [hbm4b:s3+s11], $0x80, s2, s11, $0xb8;
	[tilespmem:$0x8100] =	vst v63  }
0x31: {  	_ = 	snop  }
0x32: {  	[tilespmem:s13], [sflag:$0x2] =	stream.indirect.gather [hbm4b:s4+s11], $0x80, s11, s11, $0xb8;
	[tilespmem:$0x8100] =	vst v63  }
0x33: {  	_ =	swait.ge [sflag:s14], $0x4000  }
0x34: {  	[sflag:s14] =	ssyncset.done $0x0  }
0x35: {  	[sflag:s14] =	ssyncadd.s32 $0xFFFFC000  }
0x36: {  	_ =	swait.ge [sflag:s15], $0x4000  }
0x37: {  	[sflag:s15] =	ssyncset.done $0x0  }
0x38: {  	[sflag:s15] =	ssyncadd.s32 $0xFFFFC000  }
0x39: {  	[hbm4b:s18+s2] =	stream.linear.scatter [tilespmem:s12], [sflag:$0x3], $0x4000, $0x38;
	[tilespmem:$0x8100] =	vst v63  }
0x3a: {  	_ =	swait.ge [sflag:s10], $0x4000  }
.Ltmp0:
0x3b: {  	[sflag:s10] =	ssyncset.done $0x0;
	(pc) =	sbr.rel @p0 .LBB2_2-.Ltmp0, $4  }
0x3c: {  	[sflag:s10] =	ssyncadd.s32 $0xFFFFC000  }
0x3d: {  	[hbm4b:s17+s2] =	stream.linear.scatter [tilespmem:s13], [sflag:$0x3], $0x4000, $0x38;
	[tilespmem:$0x8100] =	vst v63  }
0x3e: {  	s20 =	smov.u32 s23;
	_ =	swait.ge [sflag:s10], $0x4000  }
0x3f: {  	s18 =	sadd.s32 $0x800, s18;
	s17 =	sadd.s32 $0x800, s17;
	[sflag:s10] =	ssyncset.done $0x0  }
0x40: {  	s20 =	sadd.s32 s19, s9;
	[sflag:s10] =	ssyncadd.s32 $0xFFFFC000  }
0x41: {  	[tilespmem:s2], [sflag:$0x3] =	stream.linear.gather [hbm4b:s20+s2], $0x80, $0x38;
	[tilespmem:$0x8100] =	vst v63  }
0x42: {  	_ =	swait.ge [sflag:s10], $0x80  }
0x43: {  	[sflag:s10] =	ssyncset.done $0x0  }
0x44: {  	s31 =	sadd.s32 s19, s8;
	[sflag:s10] =	ssyncadd.s32 $0xFFFFFF80  }
0x45: {  	[tilespmem:s11], [sflag:$0x3] =	stream.linear.gather [hbm4b:s31+s2], $0x80, $0x38;
	[tilespmem:$0x8100] =	vst v63  }
0x46: {  	_ =	swait.ge [sflag:s10], $0x80  }
0x47: {  	[sflag:s10] =	ssyncset.done $0x0  }
0x48: {  	[sflag:s10] =	ssyncadd.s32 $0xFFFFFF80  }
0x49: {  	[tilespmem:s12], [sflag:$0x1] =	stream.indirect.gather [hbm4b:s3+s11], $0x80, s2, s11, $0xb8;
	[tilespmem:$0x8100] =	vst v63  }
0x4a: {  	_ = 	snop  }
0x4b: {  	[tilespmem:s13], [sflag:$0x2] =	stream.indirect.gather [hbm4b:s4+s11], $0x80, s11, s11, $0xb8;
	[tilespmem:$0x8100] =	vst v63  }
0x4c: {  	_ =	swait.ge [sflag:s14], $0x4000  }
0x4d: {  	[sflag:s14] =	ssyncset.done $0x0  }
0x4e: {  	[sflag:s14] =	ssyncadd.s32 $0xFFFFC000  }
0x4f: {  	_ =	swait.ge [sflag:s15], $0x4000  }
0x50: {  	[sflag:s15] =	ssyncset.done $0x0  }
0x51: {  	[sflag:s15] =	ssyncadd.s32 $0xFFFFC000  }
0x52: {  	[hbm4b:s18+s2] =	stream.linear.scatter [tilespmem:s12], [sflag:$0x3], $0x4000, $0x38;
	[tilespmem:$0x8100] =	vst v63  }
0x53: {  	s16 =	sadd.s32 $0x1, s16;
	_ =	swait.ge [sflag:s10], $0x4000  }
0x54: {  	p0 =	sne.s32 s16, s5;
	[sflag:s10] =	ssyncset.done $0x0  }
.Ltmp1:
0x55: {  	[sflag:s10] =	ssyncadd.s32 $0xFFFFC000;
	(pc) =	sbr.rel @p0 .LBB2_1-.Ltmp1, $4  }
0x56: {  	[hbm4b:s17+s2] =	stream.linear.scatter [tilespmem:s13], [sflag:$0x3], $0x4000, $0x38;
	[tilespmem:$0x8100] =	vst v63  }
0x57: {  	_ =	swait.ge [sflag:s10], $0x4000  }
0x58: {  	[sflag:s10] =	ssyncset.done $0x0  }
0x59: {  	[sflag:s10] =	ssyncadd.s32 $0xFFFFC000  }
0x5a: {  	_ =	sfence.sel $0x180000  }
0x5b: {  	[bflag:$0x0] =	sbarrier.arrive $0xFFFF  }
0x5c: {  	p0 =	sne.s32 s1, $0x0;
	_ =	strace $0x90000047  }
0x5d: {  	s0 =	sadd.s32 @!p0 $0x100000, s0;
	[bflag:$0x2] =	sbarrier.arrive $0xFFFF  }
0x5e: {  	[sflag:s0] =	ssyncadd.tile.s32 @!p0 $0x1;
	_ =	shalt  }
.Lfunc_end2:
_tile_overlayer_lowered:
.L_overlay_start_2:
0x5f: {  	(tag) =	ssettag $0x2  }
0x60: {  	s0 =	rddreg [dreg:$0x0];
	s2 =	stileid.u32  }
0x61: {  	s1 =	rddreg [dreg:$0x1];
	p0 =	sne.s32 s2, $0x0  }
0x62: {  	s3 =	rddreg [dreg:$0x2];
	[bflag:$0x3] =	sbarrier.arrive $0xFFFF;
	s2 =	simm.s32 @!p0 $0x1C03  }
0x63: {  	[timem:s3], [sflag:s2] =	dma.local @!p0 [hbm:s0], s1  }
0x64: {  	s0 =	simm.s32 @!p0 $0x3  }
0x65: {  	_ =	swait.ge @!p0 [sflag:s0], s1  }
0x66: {  	s1 =	ssub.s32 @!p0 $0x0, s1;
	[sflag:s0] =	ssyncset.done @!p0 $0x0  }
0x67: {  	[sflag:s0] =	ssyncadd.s32 @!p0 s1  }
0x68: {  	[bflag:$0x3] =	sbarrier.arrive $0xFFFF  }
0x69: {  	_ =	shalt  }

// kernel: kernel.21.cloned.1.call-start
scs
__scs_entry_jumppad:
0x0: {  	(pc) =	sbr.rel $0x88, $3  }
0x1: {  	(tag) =	ssettag $0x0;
	lr =	simm.s32 $0x1  }
0x2: {  	[smem:$0x3F77] =	sst lr;
	_ =	strace $0xD0000000  }
0x3: {  	_ = 	snop  }
0x4: {  	_ = 	snop  }
0x5: {  	_ = 	snop  }
0x6: {  	_ = 	snop  }
0x7: {  	_ = 	snop  }
__scs_overlays_trampoline_lowered:
0x8: {  	[smem:$0x3F86] =	sst s0  }
0x9: {  	[smem:$0x3F87] =	sst s1  }
0xa: {  	[smem:$0x3F88] =	sst s2  }
0xb: {  	[smem:$0x3F89] =	sst s3  }
0xc: {  	[smem:$0x3F8A] =	sst s4  }
0xd: {  	[smem:$0x3F8B] =	sst s5  }
0xe: {  	[smem:$0x3F8C] =	sst s6  }
0xf: {  	[smem:$0x3F8D] =	sst s7  }
0x10: {  	[smem:$0x3F8E] =	sst s8  }
0x11: {  	[smem:$0x3F8F] =	sst s9;
	s0 =	simm.s32 @!p0 $0x0  }
0x12: {  	s1 =	sld [smem:$0x3F75];
	s0 =	simm.s32 @p0 $0x1  }
0x13: {  	[smem:$0x3F90] =	sst s0;
	s0 =	simm.s32 @!p1 $0x0  }
0x14: {  	s2 =	sld [smem:$0x3F74];
	s0 =	simm.s32 @p1 $0x1  }
0x15: {  	[smem:$0x3F91] =	sst s0;
	s0 =	simm.s32 @!p2 $0x0  }
0x16: {  	s3 =	sld [smem:$0x3FDB];
	s0 =	simm.s32 @p2 $0x1  }
0x17: {  	s4 =	simm.s32 $0x1BF5;
	[smem:$0x3F93] =	sst s0  }
0x18: {  	s0 =	sld [smem:$0x3F76];
	_ =	swait.ge [sflag:s4], $0x0  }
0x19: {  	s7 =	sld [smem:$0x3F77]  }
0x1a: {  	s8 =	sadd.s32 $0xFFFFE003, lr  }
0x1b: {  	s9 =	sadd.s32 $0xFFFFFEF7, lr;
	s5 =	simm.s32 $0xFFFFFFFF;
	p2 =	slt.u32 s8, $0xFFFFF086  }
0x1c: {  	p1 =	slt.u32 s9, $0xF7A;
	s5 =	simm.s32 @!p2 $0x0  }
0x1d: {  	s5 =	simm.s32 @p1 $0x1;
	p0 =	seq.s32 s7, s2  }
0x1e: {  	s7 =	smul.u32 @!p0 $0xF7A, s2;
	p2 =	seq.s32 @!p0 s5, $0x0  }
0x1f: {  	s9 =	smul.u32 $0xF7A, s1;
	s8 =	simm.s32 @!p0 $0x1BF5;
	p2 =	por !p2, p0  }
0x20: {  	[sflag:s8] =	ssyncset.s32 @!p0 $0xFFFFF086;
	s6 =	sadd.s32 @!p0 s3, s7;
	s7 =	simm.s32 @!p0 $0x108  }
0x21: {  	s3 =	sadd.s32 s3, s9;
	s6 =	sadd.s32 @!p0 $0x88, s6;
	s7 =	simm.s32 @p2 $0x1082  }
0x22: {  	[simem:s7], [sflag:s8] =	dma.local @!p0 [hbm:s6], $0xF7A  }
0x23: {  	s9 =	sor.u32 $0xD0000000, s2;
	s6 =	simm.s32 $0x108;
	_ =	swait.ge @!p0 [sflag:s8], $0x0  }
0x24: {  	s3 =	sadd.s32 $0x88, s3;
	s6 =	simm.s32 @!p1 $0x1082;
	[sflag:s4] =	ssyncset.s32 $0xFFFFF086  }
0x25: {  	[simem:s6], [sflag:s4] =	dma.local [hbm:s3], $0xF7A  }
0x26: {  	[smem:$0x3F77] =	sst s1;
	(tag) =	ssettag s2;
	_ =	strace s9  }
0x27: {  	s1 =	sld [smem:$0x3F87]  }
0x28: {  	s2 =	sld [smem:$0x3F88]  }
0x29: {  	s4 =	sld [smem:$0x3F8A]  }
0x2a: {  	p0 =	seq.s32 s5, $0x0;
	s5 =	sld [smem:$0x3F8B]  }
0x2b: {  	s6 =	sld [smem:$0x3F8C]  }
0x2c: {  	s7 =	sld [smem:$0x3F8D]  }
0x2d: {  	s3 =	simm.s32 $0x108;
	s8 =	sld [smem:$0x3F8E]  }
0x2e: {  	s3 =	simm.s32 @!p0 $0x1082;
	s9 =	sld [smem:$0x3F8F]  }
0x2f: {  	lr =	sadd.s32 s0, s3;
	s0 =	sld [smem:$0x3F86]  }
0x30: {  	s3 =	sld [smem:$0x3F89]  }
0x31: {  	[smem:$0x3F92] =	sst s10  }
0x32: {  	s10 =	sld [smem:$0x3F90];
	_ =	sdelay $0x3  }
0x33: {  	p0 =	seq.s32 s10, $0x1;
	s10 =	sld [smem:$0x3F92];
	_ =	sdelay $0x3  }
0x34: {  	[smem:$0x3F92] =	sst s10  }
0x35: {  	s10 =	sld [smem:$0x3F91];
	_ =	sdelay $0x3  }
0x36: {  	p1 =	seq.s32 s10, $0x1;
	s10 =	sld [smem:$0x3F92];
	_ =	sdelay $0x3  }
0x37: {  	[smem:$0x3F92] =	sst s10  }
0x38: {  	s10 =	sld [smem:$0x3F93]  }
0x39: {  	_ = 	snop;
	(pc) =	sbr.ind lr, $3  }
0x3a: {  	_ = 	snop  }
0x3b: {  	_ = 	snop  }
0x3c: {  	p2 =	seq.s32 s10, $0x1;
	s10 =	sld [smem:$0x3F92]  }
0x3d: {  	_ =	shalt  }
0x3e: {  	_ =	shalt  }
0x3f: {  	_ =	shalt  }
0x40: {  	_ =	shalt  }
0x41: {  	_ =	shalt  }
0x42: {  	_ =	shalt  }
0x43: {  	_ =	shalt  }
0x44: {  	_ =	shalt  }
0x45: {  	_ =	shalt  }
0x46: {  	_ =	shalt  }
0x47: {  	_ =	shalt  }
0x48: {  	_ =	shalt  }
0x49: {  	_ =	shalt  }
0x4a: {  	_ =	shalt  }
0x4b: {  	_ =	shalt  }
0x4c: {  	_ =	shalt  }
0x4d: {  	_ =	shalt  }
0x4e: {  	_ =	shalt  }
0x4f: {  	_ =	shalt  }
0x50: {  	_ =	shalt  }
0x51: {  	_ =	shalt  }
0x52: {  	_ =	shalt  }
0x53: {  	_ =	shalt  }
0x54: {  	_ =	shalt  }
0x55: {  	_ =	shalt  }
0x56: {  	_ =	shalt  }
0x57: {  	_ =	shalt  }
0x58: {  	_ =	shalt  }
0x59: {  	_ =	shalt  }
0x5a: {  	_ =	shalt  }
0x5b: {  	_ =	shalt  }
0x5c: {  	_ =	shalt  }
0x5d: {  	_ =	shalt  }
0x5e: {  	_ =	shalt  }
0x5f: {  	_ =	shalt  }
0x60: {  	_ =	shalt  }
0x61: {  	_ =	shalt  }
0x62: {  	_ =	shalt  }
0x63: {  	_ =	shalt  }
0x64: {  	_ =	shalt  }
0x65: {  	_ =	shalt  }
0x66: {  	_ =	shalt  }
0x67: {  	_ =	shalt  }
0x68: {  	_ =	shalt  }
0x69: {  	_ =	shalt  }
0x6a: {  	_ =	shalt  }
0x6b: {  	_ =	shalt  }
0x6c: {  	_ =	shalt  }
0x6d: {  	_ =	shalt  }
0x6e: {  	_ =	shalt  }
0x6f: {  	_ =	shalt  }
0x70: {  	_ =	shalt  }
0x71: {  	_ =	shalt  }
0x72: {  	_ =	shalt  }
0x73: {  	_ =	shalt  }
0x74: {  	_ =	shalt  }
0x75: {  	_ =	shalt  }
0x76: {  	_ =	shalt  }
0x77: {  	_ =	shalt  }
0x78: {  	_ =	shalt  }
0x79: {  	_ =	shalt  }
0x7a: {  	_ =	shalt  }
0x7b: {  	_ =	shalt  }
0x7c: {  	_ =	shalt  }
0x7d: {  	_ =	shalt  }
0x7e: {  	_ =	shalt  }
0x7f: {  	_ =	shalt  }
0x80: {  	_ =	shalt  }
0x81: {  	_ =	shalt  }
0x82: {  	_ =	shalt  }
0x83: {  	_ =	shalt  }
0x84: {  	_ =	shalt  }
0x85: {  	_ =	shalt  }
0x86: {  	_ =	shalt  }
0x87: {  	_ =	shalt  }
.Lfunc_end0:
.L_simem_size_0:
called_computation.1_lowered:
.L_overlay_start_0:
0x88: {  	s2 =	sld [smem:$0x3FD9]  }
0x89: {  	s3 =	sld [smem:$0x3FFE];
	_ =	sdelay $0x1  }
0x8a: {  	s1 =	srdreg.scid  }
0x8b: {  	s0 =	sand.u32 $0x1, s1  }
0x8c: {  	s17 =	sshll.u32 s0, $0xA;
	s2 =	sadd.s32 s3, s2  }
0x8d: {  	s2 =	sadd.s32 s2, s17  }
0x8e: {  	[smem:$0x3F9E] =	sst s2  }
0x8f: {  	_ = 	snop  }
0x90: {  	(tm) =	ssettm $0x1  }
0x91: {  	s18 =	sld [smem:$0x3FFB];
	_ =	sdelay $0x3  }
0x92: {  	_ =	strace s18  }
0x93: {  	s2 =	sld [smem:$0x3FFC];
	_ =	sdelay $0x3  }
0x94: {  	_ =	strace s2  }
0x95: {  	s2 =	sld [smem:$0x3FFD];
	_ =	sdelay $0x3  }
0x96: {  	_ =	strace s2  }
0x97: {  	_ =	strace $0x8FFFFFFF  }
0x98: {  	s19 =	sld [smem:$0x3FDB];
	_ =	sdelay $0x1  }
0x99: {  	s20 =	simm.s32 $_scs_section_size  }
0x9a: {  	s4 =	simm.s32 $_size__tile_overlayer_lowered;
	s5 =	simm.s32 $_tile_overlayer_lowered  }
0x9b: {  	s6 =	simm.s32 $0x1BFF;
	s21 =	sshll.u32 s5, $0x1;
	s3 =	sadd.s32 s20, s19  }
0x9c: {  	s22 =	simm.s32 $0x0;
	s4 =	sshll.u32 s4, $0x1;
	s5 =	sadd.s32 s21, s3  }
0x9d: {  	[timem:s22], [sflag:s6] =	dma.local [hbm:s5], s4  }
0x9e: {  	_ =	swait.ge [sflag:s6], s4  }
0x9f: {  	s4 =	ssub.s32 $0x0, s4;
	[sflag:s6] =	ssyncset.done $0x0  }
0xa0: {  	[sflag:s6] =	ssyncadd.s32 s4;
	_ =	sdelay $0x1  }
0xa1: {  	s23 =	simm.s32 $0x1B8B  }
0xa2: {  	_ =	swait.ge [sflag:s23], $0x1  }
0xa3: {  	[sflag:s23] =	ssyncset.done $0x0  }
0xa4: {  	[sflag:s23] =	ssyncadd.s32 $0xFFFFFFFF  }
0xa5: {  	s4 =	sld [smem:$0x0]  }
0xa6: {  	s5 =	sand.u32 $0xFFFFFFFE, s1  }
0xa7: {  	p0 =	sne.s32 s1, s5  }
0xa8: {  	s5 =	sshll.u32 @p0 s5, $0xE  }
0xa9: {  	s5 =	sadd.s32 @p0 $0x11B8D, s5;
	s6 =	sshll.u32 @p0 s4, $0x11  }
0xaa: {  	s5 =	sor.u32 @p0 s6, s5  }
0xab: {  	[sflag:s5] =	ssyncadd.remote.s32 @p0 $0x1;
	_ =	sdelay $0x1  }
0xac: {  	s5 =	simm.s32 @p0 $0x1B8D  }
0xad: {  	_ =	swait.eq @p0 [sflag:s5], $0x1  }
0xae: {  	[sflag:s5] =	ssyncadd.s32 @p0 $0xFFFFFFFF  }
0xaf: {  	s6 =	sshll.u32 @!p0 s1, $0xE  }
0xb0: {  	s6 =	sor.u32 @!p0 $0x4000, s6;
	s5 =	simm.s32 @!p0 $0x1B8D  }
0xb1: {  	s4 =	sshll.u32 @!p0 s4, $0x11;
	s6 =	sadd.s32 @!p0 $0x11B8D, s6;
	_ =	swait.eq @!p0 [sflag:s5], $0x1  }
0xb2: {  	s4 =	sor.u32 @!p0 s4, s6;
	[sflag:s5] =	ssyncadd.s32 @!p0 $0xFFFFFFFF  }
0xb3: {  	s25 =	simm.s32 $0x1B8E;
	s24 =	sld [smem:$0x3FFE];
	[sflag:s4] =	ssyncadd.remote.s32 @!p0 $0x1  }
0xb4: {  	s26 =	simm.s32 $execute0_lowered;
	[smem:$0x3FD2] =	sst s25  }
0xb5: {  	s5 =	sshll.u32 s26, $0x1;
	_ =	strace $0x8000004C;
	[dreg:$0x1] =	wrdreg $0xFFFFFFFF  }
0xb6: {  	s28 =	simm.s32 $_size_execute0_lowered;
	s3 =	sadd.s32 s3, s5;
	[dreg:$0x0] =	wrdreg $0x0  }
0xb7: {  	s5 =	sshll.u32 s28, $0x1;
	[dreg:$0x2] =	wrdreg s3  }
0xb8: {  	[dreg:$0x3] =	wrdreg s5  }
0xb9: {  	[dreg:$0x4] =	wrdreg $0xC0  }
0xba: {  	_ =	task [dreg:s22], $0x5FFFF  }
0xbb: {  	[dreg:$0x1] =	wrdreg $0xFFFFFFFF  }
0xbc: {  	[dreg:$0x0] =	wrdreg $0x60  }
0xbd: {  	[dreg:$0x2] =	wrdreg s24  }
0xbe: {  	[dreg:$0x3] =	wrdreg $0x48800  }
0xbf: {  	[dreg:$0x4] =	wrdreg $0x9  }
0xc0: {  	_ =	task.clear_ibuf [dreg:s22], $0x5FFFF;
	_ =	strace $0x9000004C  }
0xc1: {  	s29 =	simm.s32 $0x9;
	_ =	strace $0x8000004E  }
0xc2: {  	_ =	swait.ge [sflag:s29], $0x1  }
0xc3: {  	[sflag:s29] =	ssyncadd.s32 $0xFFFFFFFF  }
0xc4: {  	_ =	strace $0x9000004E  }
0xc5: {  	_ =	sfence  }
0xc6: {  	s30 =	sld [smem:$0x0];
	_ =	sdelay $0x2  }
0xc7: {  	s31 =	sshll.u32 s1, $0xD;
	s1 =	sshrl.u32 s1, $0x2  }
0xc8: {  	s4 =	sand.u32 $0x4000, s31;
	s1 =	sadd.s32 s1, s30  }
0xc9: {  	s0 =	sor.u32 s4, s0;
	s1 =	sshll.u32 s1, $0x11  }
0xca: {  	s0 =	sor.u32 s1, s0  }
0xcb: {  	s0 =	sadd.s32 $0x8F2B, s0  }
0xcc: {  	[sflag:s0] =	ssyncadd.remote.s32 $0x1  }
0xcd: {  	_ =	sfence.sel $0xFFFF  }
0xce: {  	[dreg:$0x0] =	wrdreg $0xFFFFFFFF;
	(pc) =	sbr.abs _section_cstart, $3  }
0xcf: {  	[dreg:$0x1] =	wrdreg $0xFFFFFFFF  }
0xd0: {  	_ =	task.clear_ibuf [dreg:s22], $0x2FFFF;
	_ =	strace $0x9FFFFFFF  }
0xd1: {  	(tm) =	ssettm $0x7FFFFFFF  }
tec
execute0_lowered:
.L_overlay_start_1:
0x0: {  	(tag) =	ssettag $0x1  }
0x1: {  	s1 =	stileid.u32  }
0x2: {  	s4 =	rddreg [dreg:$0x0];
	s7 =	smul.u32 $0x2780, s1  }
0x3: {  	s0 =	srdreg.scid;
	s29 =	smul.u32 $0x4E000, s1  }
0x4: {  	s2 =	rddreg [dreg:$0x1];
	s11 =	smul.u32 $0x27800, s1  }
0x5: {  	s3 =	simm.s32 $0x0;
	s5 =	sand.u32 $0x1, s0;
	s14 =	smul.u32 $0x2700, s1  }
0x6: {  	s16 =	simm.s32 $0x0;
	s0 =	rddreg [dreg:$0x2];
	s6 =	smul.u32 $0x27800, s5  }
0x7: {  	[smem:$0x7FF] =	sst s3;
	s12 =	sadd.s32 $0x124800, s2;
	s8 =	smul.u32 $0x278000, s5  }
0x8: {  	p0 =	seq.s32 s1, $0xF;
	s30 =	smul.u32 $0x27100, s5;
	s5 =	ssub.s32 $0x2, s5  }
0x9: {  	_ =	strace $0x8000004D;
	s12 =	sshrl.u32 @p0 s12, $0x3;
	s10 =	sshrl.u32 s5, $0x1  }
0xa: {  	s6 =	sadd.s32 s7, s6;
	s28 =	sadd.s32 s8, s4;
	s8 =	sshrl.u32 s29, $0x2  }
0xb: {  	s5 =	ssub.s32 s5, s10;
	s10 =	simm.s32 $0x80;
	s6 =	sshrl.u32 s6, $0x3  }
0xc: {  	s31 =	sadd.s32 s11, s28;
	s5 =	smax.u32 s5, $0x1;
	s9 =	sadd.s32 s6, s4  }
0xd: {  	s6 =	sadd.s32 s30, s4;
	s4 =	sadd.s32 s8, s2;
	s8 =	simm.s32 $0x4080  }
0xe: {  	s13 =	sadd.s32 $0xA0200, s6;
	s6 =	sadd.s32 $0x1473E00, s31;
	s7 =	sadd.s32 $0x20E00, s9  }
0xf: {  	s11 =	sadd.s32 @p0 $0x24900, s13;
	s13 =	sadd.s32 @!p0 s14, s13;
	s14 =	sshll.u32 @!p0 s1, $0x6  }
0x10: {  	v0 =	vimm.f32 $0.0e+00;
	s9 =	simm.s32 $0x1;
	s15 =	sshrl.u32 @!p0 s4, $0x3;
	s14 =	sor.u32 @!p0 $0x1C01, s14  }
.LBB2_1:
0x11: {  	s17 =	simm.s32 $0x0;
	s18 =	simm.s32 $0x200  }
.LBB2_2:
0x12: {  	p1 =	sne.s32 s18, $0x1E00;
	[tilespmem:s17+$0x40F0] =	vst v0  }
0x13: {  	[tilespmem:s17+$0x4080] =	vst v0  }
0x14: {  	[tilespmem:s17+$0x4090] =	vst v0  }
.Ltmp0:
0x15: {  	[tilespmem:s17+$0x40A0] =	vst v0;
	(pc) =	sbr.rel @p1 .LBB2_2-.Ltmp0, $4  }
0x16: {  	[tilespmem:s17+$0x40B0] =	vst v0  }
0x17: {  	[tilespmem:s17+$0x40C0] =	vst v0  }
0x18: {  	[tilespmem:s17+$0x40D0] =	vst v0  }
0x19: {  	[tilespmem:s17+$0x40E0] =	vst v0;
	s17 =	sshra.s32 s18, $0x2;
	s18 =	sadd.s32 $0x200, s18  }
0x1a: {  	[tilespmem:s17+$0x40F0] =	vst v0  }
0x1b: {  	[tilespmem:s17+$0x4080] =	vst v0  }
0x1c: {  	[tilespmem:s17+$0x4090] =	vst v0  }
0x1d: {  	[tilespmem:s17+$0x40A0] =	vst v0  }
0x1e: {  	[tilespmem:s17+$0x40B0] =	vst v0  }
0x1f: {  	[tilespmem:s17+$0x40C0] =	vst v0  }
0x20: {  	[tilespmem:s17+$0x40D0] =	vst v0  }
0x21: {  	[tilespmem:s17+$0x40E0] =	vst v0;
	s31 =	sadd.s32 $0x0, s4  }
0x22: {  	[spmem:s31] =	stream.linear.scatter [tilespmem:s8], [sflag:$0x1], $0x800, $0x38;
	[tilespmem:$0x18100] =	vst v63  }
0x23: {  	s17 =	simm.s32 $0x2000;
	_ =	swait.ge [sflag:s9], $0x800  }
.LBB2_4:
0x24: {  	s18 =	sshra.s32 s17, $0x2;
	[sflag:s9] =	ssyncset.done $0x0;
	p1 =	sne.s32 s17, $0x4E000  }
.Ltmp1:
0x25: {  	s18 =	sadd.s32 s18, s4;
	[sflag:s9] =	ssyncadd.s32 $0xFFFFF800;
	(pc) =	sbr.rel @p1 .LBB2_4-.Ltmp1, $3  }
0x26: {  	[spmem:s18] =	stream.linear.scatter [tilespmem:s8], [sflag:$0x1], $0x800, $0x38;
	[tilespmem:$0x18100] =	vst v63  }
0x27: {  	s17 =	sadd.s32 $0x2000, s17;
	_ =	sdelay $0x1  }
0x28: {  	_ =	swait.ge [sflag:s9], $0x800  }
0x29: {  	[sflag:s9] =	ssyncset.done $0x0  }
0x2a: {  	[sflag:s9] =	ssyncadd.s32 $0xFFFFF800  }
0x2b: {  	s17 =	sadd.s32 $0x0, s7;
	[bflag:$0x0] =	sbarrier.arrive $0xFFFF  }
0x2c: {  	[tilespmem:s3], [sflag:$0x1] =	stream.linear.gather [hbm4b:s17+s3], $0x80, $0x38;
	[tilespmem:$0x18100] =	vst v63  }
0x2d: {  	_ =	swait.ge [sflag:s9], $0x80  }
0x2e: {  	[sflag:s9] =	ssyncset.done $0x0  }
0x2f: {  	[sflag:s9] =	ssyncadd.s32 $0xFFFFFF80  }
0x30: {  	[tilespmem:s10], [sflag:$0x1] =	stream.linear.gather [hbm4b:s6+s3], $0x4000, $0x38;
	[tilespmem:$0x18100] =	vst v63  }
0x31: {  	_ =	swait.ge [sflag:s9], $0x4000  }
0x32: {  	[sflag:s9] =	ssyncset.done $0x0  }
0x33: {  	[sflag:s9] =	ssyncadd.s32 $0xFFFFC000  }
0x34: {  	[spmem:s2] =	stream.indirect.scatter.add.f32 [tilespmem:s10], [sflag:$0x1], $0x80, s3, s10, $0xb8;
	[tilespmem:$0x18100] =	vst v63  }
0x35: {  	s18 =	simm.s32 $0x10;
	_ =	swait.ge [sflag:s9], $0x4000  }
0x36: {  	s19 =	simm.s32 $0x20;
	s17 =	sadd.s32 $0x800, s6;
	[sflag:s9] =	ssyncset.done $0x0  }
.LBB2_6:
0x37: {  	s20 =	sadd.s32 s18, s7  }
0x38: {  	[sflag:s9] =	ssyncadd.s32 $0xFFFFC000;
	s18 =	smov.u32 s19;
	s21 =	sadd.s32 $0x10, s19  }
0x39: {  	[tilespmem:s3], [sflag:$0x1] =	stream.linear.gather [hbm4b:s20+s3], $0x80, $0x38;
	[tilespmem:$0x18100] =	vst v63  }
0x3a: {  	p1 =	sne.s32 s19, $0x4E0;
	_ =	swait.ge [sflag:s9], $0x80  }
0x3b: {  	[sflag:s9] =	ssyncset.done $0x0  }
0x3c: {  	[sflag:s9] =	ssyncadd.s32 $0xFFFFFF80  }
0x3d: {  	[tilespmem:s10], [sflag:$0x1] =	stream.linear.gather [hbm4b:s17+s3], $0x4000, $0x38;
	[tilespmem:$0x18100] =	vst v63  }
0x3e: {  	_ =	swait.ge [sflag:s9], $0x4000  }
.Ltmp2:
0x3f: {  	[sflag:s9] =	ssyncset.done $0x0;
	(pc) =	sbr.rel @p1 .LBB2_6-.Ltmp2, $4  }
0x40: {  	[sflag:s9] =	ssyncadd.s32 $0xFFFFC000  }
0x41: {  	[spmem:s2] =	stream.indirect.scatter.add.f32 [tilespmem:s10], [sflag:$0x1], $0x80, s3, s10, $0xb8;
	[tilespmem:$0x18100] =	vst v63  }
0x42: {  	_ =	swait.ge [sflag:s9], $0x4000  }
0x43: {  	s19 =	smov.u32 s21;
	s17 =	sadd.s32 $0x800, s17;
	[sflag:s9] =	ssyncset.done $0x0  }
0x44: {  	s18 =	sadd.s32 s18, s7;
	[sflag:s9] =	ssyncadd.s32 $0xFFFFC000  }
0x45: {  	[tilespmem:s3], [sflag:$0x1] =	stream.linear.gather [hbm4b:s18+s3], $0x80, $0x38;
	[tilespmem:$0x18100] =	vst v63  }
0x46: {  	_ =	swait.ge [sflag:s9], $0x80  }
0x47: {  	[sflag:s9] =	ssyncset.done $0x0  }
0x48: {  	[sflag:s9] =	ssyncadd.s32 $0xFFFFFF80  }
0x49: {  	[tilespmem:s10], [sflag:$0x1] =	stream.linear.gather [hbm4b:s17+s3], $0x4000, $0x38;
	[tilespmem:$0x18100] =	vst v63  }
0x4a: {  	_ =	swait.ge [sflag:s9], $0x4000  }
0x4b: {  	[sflag:s9] =	ssyncset.done $0x0  }
0x4c: {  	[sflag:s9] =	ssyncadd.s32 $0xFFFFC000  }
0x4d: {  	[spmem:s2] =	stream.indirect.scatter.add.f32 [tilespmem:s10], [sflag:$0x1], $0x80, s3, s10, $0xb8;
	[tilespmem:$0x18100] =	vst v63  }
0x4e: {  	_ =	swait.ge [sflag:s9], $0x4000  }
0x4f: {  	[sflag:s9] =	ssyncset.done $0x0  }
0x50: {  	[sflag:s9] =	ssyncadd.s32 $0xFFFFC000  }
0x51: {  	s17 =	simm.s32 @p0 $0x1FC1;
	[bflag:$0x0] =	sbarrier.arrive $0xFFFF  }
0x52: {  	[hbm:s11], [sflag:s17] =	dma.local @p0 [spmem:s12], $0x2800  }
0x53: {  	s17 =	simm.s32 @p0 $0x1  }
0x54: {  	s16 =	sadd.s32 $0x1, s16;
	_ =	swait.ge @p0 [sflag:s17], $0x2800  }
0x55: {  	p1 =	sne.s32 s16, s5;
	[sflag:s17] =	ssyncset.done @p0 $0x0  }
.Ltmp3:
0x56: {  	[sflag:s17] =	ssyncadd.s32 @p0 $0xFFFFD800;
	s17 =	simm.s32 @!p0 $0x1;
	(pc) =	sbr.rel @p1 .LBB2_1-.Ltmp3, $4  }
0x57: {  	[hbm:s13], [sflag:s14] =	dma.local @!p0 [spmem:s15], $0x2700  }
0x58: {  	_ =	swait.ge @!p0 [sflag:s17], $0x2700  }
0x59: {  	[sflag:s17] =	ssyncset.done @!p0 $0x0  }
0x5a: {  	[sflag:s17] =	ssyncadd.s32 @!p0 $0xFFFFD900  }
0x5b: {  	_ =	sfence.sel $0x180000  }
0x5c: {  	[bflag:$0x0] =	sbarrier.arrive $0xFFFF  }
0x5d: {  	p0 =	sne.s32 s1, $0x0;
	_ =	strace $0x9000004D  }
0x5e: {  	s0 =	sadd.s32 @!p0 $0x100000, s0;
	[bflag:$0x2] =	sbarrier.arrive $0xFFFF  }
0x5f: {  	[sflag:s0] =	ssyncadd.tile.s32 @!p0 $0x1;
	_ =	shalt  }
.Lfunc_end2:
_tile_overlayer_lowered:
.L_overlay_start_2:
0x60: {  	(tag) =	ssettag $0x2  }
0x61: {  	s0 =	rddreg [dreg:$0x0];
	s2 =	stileid.u32  }
0x62: {  	s1 =	rddreg [dreg:$0x1];
	p0 =	sne.s32 s2, $0x0  }
0x63: {  	s3 =	rddreg [dreg:$0x2];
	[bflag:$0x3] =	sbarrier.arrive $0xFFFF;
	s2 =	simm.s32 @!p0 $0x1C01  }
0x64: {  	[timem:s3], [sflag:s2] =	dma.local @!p0 [hbm:s0], s1  }
0x65: {  	s0 =	simm.s32 @!p0 $0x1  }
0x66: {  	_ =	swait.ge @!p0 [sflag:s0], s1  }
0x67: {  	s1 =	ssub.s32 @!p0 $0x0, s1;
	[sflag:s0] =	ssyncset.done @!p0 $0x0  }
0x68: {  	[sflag:s0] =	ssyncadd.s32 @!p0 s1  }
0x69: {  	[bflag:$0x3] =	sbarrier.arrive $0xFFFF  }
0x6a: {  	_ =	shalt  }

// kernel: kernel.24.cloned.1.call-start
scs
__scs_entry_jumppad:
0x0: {  	(pc) =	sbr.rel $0x88, $3  }
0x1: {  	(tag) =	ssettag $0x0;
	lr =	simm.s32 $0x1  }
0x2: {  	[smem:$0x3F77] =	sst lr;
	_ =	strace $0xD0000000  }
0x3: {  	_ = 	snop  }
0x4: {  	_ = 	snop  }
0x5: {  	_ = 	snop  }
0x6: {  	_ = 	snop  }
0x7: {  	_ = 	snop  }
__scs_overlays_trampoline_lowered:
0x8: {  	[smem:$0x3F86] =	sst s0  }
0x9: {  	[smem:$0x3F87] =	sst s1  }
0xa: {  	[smem:$0x3F88] =	sst s2  }
0xb: {  	[smem:$0x3F89] =	sst s3  }
0xc: {  	[smem:$0x3F8A] =	sst s4  }
0xd: {  	[smem:$0x3F8B] =	sst s5  }
0xe: {  	[smem:$0x3F8C] =	sst s6  }
0xf: {  	[smem:$0x3F8D] =	sst s7  }
0x10: {  	[smem:$0x3F8E] =	sst s8  }
0x11: {  	[smem:$0x3F8F] =	sst s9;
	s0 =	simm.s32 @!p0 $0x0  }
0x12: {  	s1 =	sld [smem:$0x3F75];
	s0 =	simm.s32 @p0 $0x1  }
0x13: {  	[smem:$0x3F90] =	sst s0;
	s0 =	simm.s32 @!p1 $0x0  }
0x14: {  	s2 =	sld [smem:$0x3F74];
	s0 =	simm.s32 @p1 $0x1  }
0x15: {  	[smem:$0x3F91] =	sst s0;
	s0 =	simm.s32 @!p2 $0x0  }
0x16: {  	s3 =	sld [smem:$0x3FDB];
	s0 =	simm.s32 @p2 $0x1  }
0x17: {  	s4 =	simm.s32 $0x1BF5;
	[smem:$0x3F93] =	sst s0  }
0x18: {  	s0 =	sld [smem:$0x3F76];
	_ =	swait.ge [sflag:s4], $0x0  }
0x19: {  	s7 =	sld [smem:$0x3F77]  }
0x1a: {  	s8 =	sadd.s32 $0xFFFFE003, lr  }
0x1b: {  	s9 =	sadd.s32 $0xFFFFFEF7, lr;
	s5 =	simm.s32 $0xFFFFFFFF;
	p2 =	slt.u32 s8, $0xFFFFF086  }
0x1c: {  	p1 =	slt.u32 s9, $0xF7A;
	s5 =	simm.s32 @!p2 $0x0  }
0x1d: {  	s5 =	simm.s32 @p1 $0x1;
	p0 =	seq.s32 s7, s2  }
0x1e: {  	s7 =	smul.u32 @!p0 $0xF7A, s2;
	p2 =	seq.s32 @!p0 s5, $0x0  }
0x1f: {  	s9 =	smul.u32 $0xF7A, s1;
	s8 =	simm.s32 @!p0 $0x1BF5;
	p2 =	por !p2, p0  }
0x20: {  	[sflag:s8] =	ssyncset.s32 @!p0 $0xFFFFF086;
	s6 =	sadd.s32 @!p0 s3, s7;
	s7 =	simm.s32 @!p0 $0x108  }
0x21: {  	s3 =	sadd.s32 s3, s9;
	s6 =	sadd.s32 @!p0 $0x88, s6;
	s7 =	simm.s32 @p2 $0x1082  }
0x22: {  	[simem:s7], [sflag:s8] =	dma.local @!p0 [hbm:s6], $0xF7A  }
0x23: {  	s9 =	sor.u32 $0xD0000000, s2;
	s6 =	simm.s32 $0x108;
	_ =	swait.ge @!p0 [sflag:s8], $0x0  }
0x24: {  	s3 =	sadd.s32 $0x88, s3;
	s6 =	simm.s32 @!p1 $0x1082;
	[sflag:s4] =	ssyncset.s32 $0xFFFFF086  }
0x25: {  	[simem:s6], [sflag:s4] =	dma.local [hbm:s3], $0xF7A  }
0x26: {  	[smem:$0x3F77] =	sst s1;
	(tag) =	ssettag s2;
	_ =	strace s9  }
0x27: {  	s1 =	sld [smem:$0x3F87]  }
0x28: {  	s2 =	sld [smem:$0x3F88]  }
0x29: {  	s4 =	sld [smem:$0x3F8A]  }
0x2a: {  	p0 =	seq.s32 s5, $0x0;
	s5 =	sld [smem:$0x3F8B]  }
0x2b: {  	s6 =	sld [smem:$0x3F8C]  }
0x2c: {  	s7 =	sld [smem:$0x3F8D]  }
0x2d: {  	s3 =	simm.s32 $0x108;
	s8 =	sld [smem:$0x3F8E]  }
0x2e: {  	s3 =	simm.s32 @!p0 $0x1082;
	s9 =	sld [smem:$0x3F8F]  }
0x2f: {  	lr =	sadd.s32 s0, s3;
	s0 =	sld [smem:$0x3F86]  }
0x30: {  	s3 =	sld [smem:$0x3F89]  }
0x31: {  	[smem:$0x3F92] =	sst s10  }
0x32: {  	s10 =	sld [smem:$0x3F90];
	_ =	sdelay $0x3  }
0x33: {  	p0 =	seq.s32 s10, $0x1;
	s10 =	sld [smem:$0x3F92];
	_ =	sdelay $0x3  }
0x34: {  	[smem:$0x3F92] =	sst s10  }
0x35: {  	s10 =	sld [smem:$0x3F91];
	_ =	sdelay $0x3  }
0x36: {  	p1 =	seq.s32 s10, $0x1;
	s10 =	sld [smem:$0x3F92];
	_ =	sdelay $0x3  }
0x37: {  	[smem:$0x3F92] =	sst s10  }
0x38: {  	s10 =	sld [smem:$0x3F93]  }
0x39: {  	_ = 	snop;
	(pc) =	sbr.ind lr, $3  }
0x3a: {  	_ = 	snop  }
0x3b: {  	_ = 	snop  }
0x3c: {  	p2 =	seq.s32 s10, $0x1;
	s10 =	sld [smem:$0x3F92]  }
0x3d: {  	_ =	shalt  }
0x3e: {  	_ =	shalt  }
0x3f: {  	_ =	shalt  }
0x40: {  	_ =	shalt  }
0x41: {  	_ =	shalt  }
0x42: {  	_ =	shalt  }
0x43: {  	_ =	shalt  }
0x44: {  	_ =	shalt  }
0x45: {  	_ =	shalt  }
0x46: {  	_ =	shalt  }
0x47: {  	_ =	shalt  }
0x48: {  	_ =	shalt  }
0x49: {  	_ =	shalt  }
0x4a: {  	_ =	shalt  }
0x4b: {  	_ =	shalt  }
0x4c: {  	_ =	shalt  }
0x4d: {  	_ =	shalt  }
0x4e: {  	_ =	shalt  }
0x4f: {  	_ =	shalt  }
0x50: {  	_ =	shalt  }
0x51: {  	_ =	shalt  }
0x52: {  	_ =	shalt  }
0x53: {  	_ =	shalt  }
0x54: {  	_ =	shalt  }
0x55: {  	_ =	shalt  }
0x56: {  	_ =	shalt  }
0x57: {  	_ =	shalt  }
0x58: {  	_ =	shalt  }
0x59: {  	_ =	shalt  }
0x5a: {  	_ =	shalt  }
0x5b: {  	_ =	shalt  }
0x5c: {  	_ =	shalt  }
0x5d: {  	_ =	shalt  }
0x5e: {  	_ =	shalt  }
0x5f: {  	_ =	shalt  }
0x60: {  	_ =	shalt  }
0x61: {  	_ =	shalt  }
0x62: {  	_ =	shalt  }
0x63: {  	_ =	shalt  }
0x64: {  	_ =	shalt  }
0x65: {  	_ =	shalt  }
0x66: {  	_ =	shalt  }
0x67: {  	_ =	shalt  }
0x68: {  	_ =	shalt  }
0x69: {  	_ =	shalt  }
0x6a: {  	_ =	shalt  }
0x6b: {  	_ =	shalt  }
0x6c: {  	_ =	shalt  }
0x6d: {  	_ =	shalt  }
0x6e: {  	_ =	shalt  }
0x6f: {  	_ =	shalt  }
0x70: {  	_ =	shalt  }
0x71: {  	_ =	shalt  }
0x72: {  	_ =	shalt  }
0x73: {  	_ =	shalt  }
0x74: {  	_ =	shalt  }
0x75: {  	_ =	shalt  }
0x76: {  	_ =	shalt  }
0x77: {  	_ =	shalt  }
0x78: {  	_ =	shalt  }
0x79: {  	_ =	shalt  }
0x7a: {  	_ =	shalt  }
0x7b: {  	_ =	shalt  }
0x7c: {  	_ =	shalt  }
0x7d: {  	_ =	shalt  }
0x7e: {  	_ =	shalt  }
0x7f: {  	_ =	shalt  }
0x80: {  	_ =	shalt  }
0x81: {  	_ =	shalt  }
0x82: {  	_ =	shalt  }
0x83: {  	_ =	shalt  }
0x84: {  	_ =	shalt  }
0x85: {  	_ =	shalt  }
0x86: {  	_ =	shalt  }
0x87: {  	_ =	shalt  }
.Lfunc_end0:
.L_simem_size_0:
called_computation.2_lowered:
.L_overlay_start_0:
0x88: {  	s2 =	sld [smem:$0x3FD9]  }
0x89: {  	s3 =	sld [smem:$0x3FFE];
	_ =	sdelay $0x1  }
0x8a: {  	s1 =	srdreg.scid  }
0x8b: {  	s0 =	sand.u32 $0x1, s1  }
0x8c: {  	s17 =	sshll.u32 s0, $0xA;
	s2 =	sadd.s32 s3, s2  }
0x8d: {  	s2 =	sadd.s32 s2, s17  }
0x8e: {  	[smem:$0x3F9E] =	sst s2  }
0x8f: {  	_ = 	snop  }
0x90: {  	(tm) =	ssettm $0x1  }
0x91: {  	s18 =	sld [smem:$0x3FFB];
	_ =	sdelay $0x3  }
0x92: {  	_ =	strace s18  }
0x93: {  	s2 =	sld [smem:$0x3FFC];
	_ =	sdelay $0x3  }
0x94: {  	_ =	strace s2  }
0x95: {  	s2 =	sld [smem:$0x3FFD];
	_ =	sdelay $0x3  }
0x96: {  	_ =	strace s2  }
0x97: {  	_ =	strace $0x8FFFFFFF  }
0x98: {  	s19 =	sld [smem:$0x3FDB];
	_ =	sdelay $0x1  }
0x99: {  	s20 =	simm.s32 $_scs_section_size  }
0x9a: {  	s4 =	simm.s32 $_size__tile_overlayer_lowered;
	s5 =	simm.s32 $_tile_overlayer_lowered  }
0x9b: {  	s6 =	simm.s32 $0x1BFF;
	s21 =	sshll.u32 s5, $0x1;
	s3 =	sadd.s32 s20, s19  }
0x9c: {  	s22 =	simm.s32 $0x0;
	s4 =	sshll.u32 s4, $0x1;
	s5 =	sadd.s32 s21, s3  }
0x9d: {  	[timem:s22], [sflag:s6] =	dma.local [hbm:s5], s4  }
0x9e: {  	_ =	swait.ge [sflag:s6], s4  }
0x9f: {  	s4 =	ssub.s32 $0x0, s4;
	[sflag:s6] =	ssyncset.done $0x0  }
0xa0: {  	[sflag:s6] =	ssyncadd.s32 s4;
	_ =	sdelay $0x1  }
0xa1: {  	s23 =	simm.s32 $0x1B8B  }
0xa2: {  	_ =	swait.ge [sflag:s23], $0x1  }
0xa3: {  	[sflag:s23] =	ssyncset.done $0x0  }
0xa4: {  	[sflag:s23] =	ssyncadd.s32 $0xFFFFFFFF  }
0xa5: {  	s4 =	sld [smem:$0x0]  }
0xa6: {  	s5 =	sand.u32 $0xFFFFFFFE, s1  }
0xa7: {  	p0 =	sne.s32 s1, s5  }
0xa8: {  	s5 =	sshll.u32 @p0 s5, $0xE  }
0xa9: {  	s5 =	sadd.s32 @p0 $0x11B8D, s5;
	s6 =	sshll.u32 @p0 s4, $0x11  }
0xaa: {  	s5 =	sor.u32 @p0 s6, s5  }
0xab: {  	[sflag:s5] =	ssyncadd.remote.s32 @p0 $0x1;
	_ =	sdelay $0x1  }
0xac: {  	s5 =	simm.s32 @p0 $0x1B8D  }
0xad: {  	_ =	swait.eq @p0 [sflag:s5], $0x1  }
0xae: {  	[sflag:s5] =	ssyncadd.s32 @p0 $0xFFFFFFFF  }
0xaf: {  	s6 =	sshll.u32 @!p0 s1, $0xE  }
0xb0: {  	s6 =	sor.u32 @!p0 $0x4000, s6;
	s5 =	simm.s32 @!p0 $0x1B8D  }
0xb1: {  	s4 =	sshll.u32 @!p0 s4, $0x11;
	s6 =	sadd.s32 @!p0 $0x11B8D, s6;
	_ =	swait.eq @!p0 [sflag:s5], $0x1  }
0xb2: {  	s4 =	sor.u32 @!p0 s4, s6;
	[sflag:s5] =	ssyncadd.s32 @!p0 $0xFFFFFFFF  }
0xb3: {  	s25 =	simm.s32 $0x1B8E;
	s24 =	sld [smem:$0x3FFE];
	[sflag:s4] =	ssyncadd.remote.s32 @!p0 $0x1  }
0xb4: {  	s26 =	simm.s32 $execute0_lowered;
	[smem:$0x3FD2] =	sst s25  }
0xb5: {  	s5 =	sshll.u32 s26, $0x1;
	_ =	strace $0x80000049;
	[dreg:$0x1] =	wrdreg $0xFFFFFFFF  }
0xb6: {  	s28 =	simm.s32 $_size_execute0_lowered;
	s3 =	sadd.s32 s3, s5;
	[dreg:$0x0] =	wrdreg $0x0  }
0xb7: {  	s5 =	sshll.u32 s28, $0x1;
	[dreg:$0x2] =	wrdreg s3  }
0xb8: {  	[dreg:$0x3] =	wrdreg s5  }
0xb9: {  	[dreg:$0x4] =	wrdreg $0xC0  }
0xba: {  	_ =	task [dreg:s22], $0x5FFFF  }
0xbb: {  	[dreg:$0x1] =	wrdreg $0xFFFFFFFF  }
0xbc: {  	[dreg:$0x0] =	wrdreg $0x60  }
0xbd: {  	[dreg:$0x2] =	wrdreg s24  }
0xbe: {  	[dreg:$0x3] =	wrdreg $0xA  }
0xbf: {  	_ =	task.clear_ibuf [dreg:s22], $0x4FFFF;
	_ =	strace $0x90000049  }
0xc0: {  	s29 =	simm.s32 $0xA;
	_ =	strace $0x8000004B  }
0xc1: {  	_ =	swait.ge [sflag:s29], $0x1  }
0xc2: {  	[sflag:s29] =	ssyncadd.s32 $0xFFFFFFFF  }
0xc3: {  	_ =	strace $0x9000004B  }
0xc4: {  	_ =	sfence  }
0xc5: {  	s30 =	sld [smem:$0x0];
	_ =	sdelay $0x2  }
0xc6: {  	s31 =	sshll.u32 s1, $0xD;
	s1 =	sshrl.u32 s1, $0x2  }
0xc7: {  	s4 =	sand.u32 $0x4000, s31;
	s1 =	sadd.s32 s1, s30  }
0xc8: {  	s0 =	sor.u32 s4, s0;
	s1 =	sshll.u32 s1, $0x11  }
0xc9: {  	s0 =	sor.u32 s1, s0  }
0xca: {  	s0 =	sadd.s32 $0x8F2B, s0  }
0xcb: {  	[sflag:s0] =	ssyncadd.remote.s32 $0x1  }
0xcc: {  	_ =	sfence.sel $0xFFFF  }
0xcd: {  	[dreg:$0x0] =	wrdreg $0xFFFFFFFF;
	(pc) =	sbr.abs _section_cstart, $3  }
0xce: {  	[dreg:$0x1] =	wrdreg $0xFFFFFFFF  }
0xcf: {  	_ =	task.clear_ibuf [dreg:s22], $0x2FFFF;
	_ =	strace $0x9FFFFFFF  }
0xd0: {  	(tm) =	ssettm $0x7FFFFFFF  }
0xd1: {  	_ =	shalt  }
tec
execute0_lowered:
.L_overlay_start_1:
0x0: {  	(tag) =	ssettag $0x1  }
0x1: {  	s5 =	rddreg [dreg:$0x0]  }
0x2: {  	s0 =	rddreg [dreg:$0x1];
	s2 =	simm.s32 $0x0;
	s3 =	srdreg.scid  }
0x3: {  	s1 =	stileid.u32;
	s12 =	simm.s32 $0x100;
	s13 =	simm.s32 $0x4100  }
0x4: {  	s14 =	simm.s32 $0x1;
	s15 =	simm.s32 $0x2;
	s7 =	smul.u32 $0x4F00, s1  }
0x5: {  	s16 =	simm.s32 $0x0;
	s6 =	sand.u32 $0x1, s3;
	s9 =	smul.u32 $0x4F000, s1  }
0x6: {  	[smem:$0x7FF] =	sst s2;
	s3 =	sadd.s32 $0x2AC00, s5;
	s8 =	smul.u32 $0x2780, s6  }
0x7: {  	s4 =	sadd.s32 $0x51E00, s5;
	s29 =	ssub.s32 $0x2, s6;
	s6 =	smul.u32 $0x27800, s6  }
0x8: {  	_ =	strace $0x8000004A;
	s9 =	sadd.s32 s9, s5;
	s10 =	sshrl.u32 s29, $0x1  }
0x9: {  	s7 =	sadd.s32 s8, s7;
	s30 =	ssub.s32 s29, s10;
	s31 =	sadd.s32 s6, s9  }
0xa: {  	s10 =	simm.s32 $0x3;
	s7 =	sshrl.u32 s7, $0x3;
	s6 =	sadd.s32 $0xA93E00, s31  }
0xb: {  	s11 =	sadd.s32 s7, s5;
	s5 =	smax.u32 s30, $0x1;
	s7 =	sadd.s32 $0xF83E00, s31  }
0xc: {  	s8 =	sadd.s32 $0xA8A000, s11;
	s9 =	sadd.s32 $0xA80200, s11;
	s11 =	simm.s32 $0x80  }
.LBB2_1:
0xd: {  	s17 =	sadd.s32 $0x0, s9  }
0xe: {  	[tilespmem:s2], [sflag:$0x3] =	stream.linear.gather [hbm4b:s17+s2], $0x80, $0x38;
	[tilespmem:$0x8100] =	vst v63  }
0xf: {  	_ =	swait.ge [sflag:s10], $0x80  }
0x10: {  	[sflag:s10] =	ssyncset.done $0x0  }
0x11: {  	s31 =	sadd.s32 $0x0, s8;
	[sflag:s10] =	ssyncadd.s32 $0xFFFFFF80  }
0x12: {  	[tilespmem:s11], [sflag:$0x3] =	stream.linear.gather [hbm4b:s31+s2], $0x80, $0x38;
	[tilespmem:$0x8100] =	vst v63  }
0x13: {  	_ =	swait.ge [sflag:s10], $0x80  }
0x14: {  	[sflag:s10] =	ssyncset.done $0x0  }
0x15: {  	[sflag:s10] =	ssyncadd.s32 $0xFFFFFF80  }
0x16: {  	[tilespmem:s12], [sflag:$0x1] =	stream.indirect.gather [hbm4b:s3+s11], $0x80, s2, s11, $0xb8;
	[tilespmem:$0x8100] =	vst v63  }
0x17: {  	_ = 	snop  }
0x18: {  	[tilespmem:s13], [sflag:$0x2] =	stream.indirect.gather [hbm4b:s4+s11], $0x80, s11, s11, $0xb8;
	[tilespmem:$0x8100] =	vst v63  }
0x19: {  	_ =	swait.ge [sflag:s14], $0x4000  }
0x1a: {  	[sflag:s14] =	ssyncset.done $0x0  }
0x1b: {  	[sflag:s14] =	ssyncadd.s32 $0xFFFFC000  }
0x1c: {  	_ =	swait.ge [sflag:s15], $0x4000  }
0x1d: {  	[sflag:s15] =	ssyncset.done $0x0  }
0x1e: {  	[sflag:s15] =	ssyncadd.s32 $0xFFFFC000  }
0x1f: {  	[hbm4b:s6+s2] =	stream.linear.scatter [tilespmem:s12], [sflag:$0x3], $0x4000, $0x38;
	[tilespmem:$0x8100] =	vst v63  }
0x20: {  	_ =	swait.ge [sflag:s10], $0x4000  }
0x21: {  	[sflag:s10] =	ssyncset.done $0x0  }
0x22: {  	[sflag:s10] =	ssyncadd.s32 $0xFFFFC000  }
0x23: {  	[hbm4b:s7+s2] =	stream.linear.scatter [tilespmem:s13], [sflag:$0x3], $0x4000, $0x38;
	[tilespmem:$0x8100] =	vst v63  }
0x24: {  	s19 =	simm.s32 $0x10;
	s20 =	simm.s32 $0x20;
	_ =	swait.ge [sflag:s10], $0x4000  }
0x25: {  	s18 =	sadd.s32 $0x800, s6;
	s17 =	sadd.s32 $0x800, s7;
	[sflag:s10] =	ssyncset.done $0x0  }
.LBB2_2:
0x26: {  	s21 =	sadd.s32 s19, s9  }
0x27: {  	[sflag:s10] =	ssyncadd.s32 $0xFFFFC000;
	s22 =	smov.u32 s20;
	s23 =	sadd.s32 $0x10, s20  }
0x28: {  	[tilespmem:s2], [sflag:$0x3] =	stream.linear.gather [hbm4b:s21+s2], $0x80, $0x38;
	[tilespmem:$0x8100] =	vst v63  }
0x29: {  	p0 =	sne.s32 s20, $0x4E0;
	_ =	swait.ge [sflag:s10], $0x80  }
0x2a: {  	[sflag:s10] =	ssyncset.done $0x0  }
0x2b: {  	s20 =	sadd.s32 s19, s8;
	s19 =	smov.u32 s22;
	[sflag:s10] =	ssyncadd.s32 $0xFFFFFF80  }
0x2c: {  	[tilespmem:s11], [sflag:$0x3] =	stream.linear.gather [hbm4b:s20+s2], $0x80, $0x38;
	[tilespmem:$0x8100] =	vst v63  }
0x2d: {  	_ =	swait.ge [sflag:s10], $0x80  }
0x2e: {  	[sflag:s10] =	ssyncset.done $0x0  }
0x2f: {  	[sflag:s10] =	ssyncadd.s32 $0xFFFFFF80  }
0x30: {  	[tilespmem:s12], [sflag:$0x1] =	stream.indirect.gather [hbm4b:s3+s11], $0x80, s2, s11, $0xb8;
	[tilespmem:$0x8100] =	vst v63  }
0x31: {  	_ = 	snop  }
0x32: {  	[tilespmem:s13], [sflag:$0x2] =	stream.indirect.gather [hbm4b:s4+s11], $0x80, s11, s11, $0xb8;
	[tilespmem:$0x8100] =	vst v63  }
0x33: {  	_ =	swait.ge [sflag:s14], $0x4000  }
0x34: {  	[sflag:s14] =	ssyncset.done $0x0  }
0x35: {  	[sflag:s14] =	ssyncadd.s32 $0xFFFFC000  }
0x36: {  	_ =	swait.ge [sflag:s15], $0x4000  }
0x37: {  	[sflag:s15] =	ssyncset.done $0x0  }
0x38: {  	[sflag:s15] =	ssyncadd.s32 $0xFFFFC000  }
0x39: {  	[hbm4b:s18+s2] =	stream.linear.scatter [tilespmem:s12], [sflag:$0x3], $0x4000, $0x38;
	[tilespmem:$0x8100] =	vst v63  }
0x3a: {  	_ =	swait.ge [sflag:s10], $0x4000  }
.Ltmp0:
0x3b: {  	[sflag:s10] =	ssyncset.done $0x0;
	(pc) =	sbr.rel @p0 .LBB2_2-.Ltmp0, $4  }
0x3c: {  	[sflag:s10] =	ssyncadd.s32 $0xFFFFC000  }
0x3d: {  	[hbm4b:s17+s2] =	stream.linear.scatter [tilespmem:s13], [sflag:$0x3], $0x4000, $0x38;
	[tilespmem:$0x8100] =	vst v63  }
0x3e: {  	s20 =	smov.u32 s23;
	_ =	swait.ge [sflag:s10], $0x4000  }
0x3f: {  	s18 =	sadd.s32 $0x800, s18;
	s17 =	sadd.s32 $0x800, s17;
	[sflag:s10] =	ssyncset.done $0x0  }
0x40: {  	s20 =	sadd.s32 s19, s9;
	[sflag:s10] =	ssyncadd.s32 $0xFFFFC000  }
0x41: {  	[tilespmem:s2], [sflag:$0x3] =	stream.linear.gather [hbm4b:s20+s2], $0x80, $0x38;
	[tilespmem:$0x8100] =	vst v63  }
0x42: {  	_ =	swait.ge [sflag:s10], $0x80  }
0x43: {  	[sflag:s10] =	ssyncset.done $0x0  }
0x44: {  	s31 =	sadd.s32 s19, s8;
	[sflag:s10] =	ssyncadd.s32 $0xFFFFFF80  }
0x45: {  	[tilespmem:s11], [sflag:$0x3] =	stream.linear.gather [hbm4b:s31+s2], $0x80, $0x38;
	[tilespmem:$0x8100] =	vst v63  }
0x46: {  	_ =	swait.ge [sflag:s10], $0x80  }
0x47: {  	[sflag:s10] =	ssyncset.done $0x0  }
0x48: {  	[sflag:s10] =	ssyncadd.s32 $0xFFFFFF80  }
0x49: {  	[tilespmem:s12], [sflag:$0x1] =	stream.indirect.gather [hbm4b:s3+s11], $0x80, s2, s11, $0xb8;
	[tilespmem:$0x8100] =	vst v63  }
0x4a: {  	_ = 	snop  }
0x4b: {  	[tilespmem:s13], [sflag:$0x2] =	stream.indirect.gather [hbm4b:s4+s11], $0x80, s11, s11, $0xb8;
	[tilespmem:$0x8100] =	vst v63  }
0x4c: {  	_ =	swait.ge [sflag:s14], $0x4000  }
0x4d: {  	[sflag:s14] =	ssyncset.done $0x0  }
0x4e: {  	[sflag:s14] =	ssyncadd.s32 $0xFFFFC000  }
0x4f: {  	_ =	swait.ge [sflag:s15], $0x4000  }
0x50: {  	[sflag:s15] =	ssyncset.done $0x0  }
0x51: {  	[sflag:s15] =	ssyncadd.s32 $0xFFFFC000  }
0x52: {  	[hbm4b:s18+s2] =	stream.linear.scatter [tilespmem:s12], [sflag:$0x3], $0x4000, $0x38;
	[tilespmem:$0x8100] =	vst v63  }
0x53: {  	s16 =	sadd.s32 $0x1, s16;
	_ =	swait.ge [sflag:s10], $0x4000  }
0x54: {  	p0 =	sne.s32 s16, s5;
	[sflag:s10] =	ssyncset.done $0x0  }
.Ltmp1:
0x55: {  	[sflag:s10] =	ssyncadd.s32 $0xFFFFC000;
	(pc) =	sbr.rel @p0 .LBB2_1-.Ltmp1, $4  }
0x56: {  	[hbm4b:s17+s2] =	stream.linear.scatter [tilespmem:s13], [sflag:$0x3], $0x4000, $0x38;
	[tilespmem:$0x8100] =	vst v63  }
0x57: {  	_ =	swait.ge [sflag:s10], $0x4000  }
0x58: {  	[sflag:s10] =	ssyncset.done $0x0  }
0x59: {  	[sflag:s10] =	ssyncadd.s32 $0xFFFFC000  }
0x5a: {  	_ =	sfence.sel $0x180000  }
0x5b: {  	[bflag:$0x0] =	sbarrier.arrive $0xFFFF  }
0x5c: {  	p0 =	sne.s32 s1, $0x0;
	_ =	strace $0x9000004A  }
0x5d: {  	s0 =	sadd.s32 @!p0 $0x100000, s0;
	[bflag:$0x2] =	sbarrier.arrive $0xFFFF  }
0x5e: {  	[sflag:s0] =	ssyncadd.tile.s32 @!p0 $0x1;
	_ =	shalt  }
.Lfunc_end2:
_tile_overlayer_lowered:
.L_overlay_start_2:
0x5f: {  	(tag) =	ssettag $0x2  }
0x60: {  	s0 =	rddreg [dreg:$0x0];
	s2 =	stileid.u32  }
0x61: {  	s1 =	rddreg [dreg:$0x1];
	p0 =	sne.s32 s2, $0x0  }
0x62: {  	s3 =	rddreg [dreg:$0x2];
	[bflag:$0x3] =	sbarrier.arrive $0xFFFF;
	s2 =	simm.s32 @!p0 $0x1C03  }
0x63: {  	[timem:s3], [sflag:s2] =	dma.local @!p0 [hbm:s0], s1  }
0x64: {  	s0 =	simm.s32 @!p0 $0x3  }
0x65: {  	_ =	swait.ge @!p0 [sflag:s0], s1  }
0x66: {  	s1 =	ssub.s32 @!p0 $0x0, s1;
	[sflag:s0] =	ssyncset.done @!p0 $0x0  }
0x67: {  	[sflag:s0] =	ssyncadd.s32 @!p0 s1  }
0x68: {  	[bflag:$0x3] =	sbarrier.arrive $0xFFFF  }
0x69: {  	_ =	shalt  }

// kernel: kernel.27.cloned.1.call-start
scs
__scs_entry_jumppad:
0x0: {  	(pc) =	sbr.rel $0x88, $3  }
0x1: {  	(tag) =	ssettag $0x0;
	lr =	simm.s32 $0x1  }
0x2: {  	[smem:$0x3F77] =	sst lr;
	_ =	strace $0xD0000000  }
0x3: {  	_ = 	snop  }
0x4: {  	_ = 	snop  }
0x5: {  	_ = 	snop  }
0x6: {  	_ = 	snop  }
0x7: {  	_ = 	snop  }
__scs_overlays_trampoline_lowered:
0x8: {  	[smem:$0x3F86] =	sst s0  }
0x9: {  	[smem:$0x3F87] =	sst s1  }
0xa: {  	[smem:$0x3F88] =	sst s2  }
0xb: {  	[smem:$0x3F89] =	sst s3  }
0xc: {  	[smem:$0x3F8A] =	sst s4  }
0xd: {  	[smem:$0x3F8B] =	sst s5  }
0xe: {  	[smem:$0x3F8C] =	sst s6  }
0xf: {  	[smem:$0x3F8D] =	sst s7  }
0x10: {  	[smem:$0x3F8E] =	sst s8  }
0x11: {  	[smem:$0x3F8F] =	sst s9;
	s0 =	simm.s32 @!p0 $0x0  }
0x12: {  	s1 =	sld [smem:$0x3F75];
	s0 =	simm.s32 @p0 $0x1  }
0x13: {  	[smem:$0x3F90] =	sst s0;
	s0 =	simm.s32 @!p1 $0x0  }
0x14: {  	s2 =	sld [smem:$0x3F74];
	s0 =	simm.s32 @p1 $0x1  }
0x15: {  	[smem:$0x3F91] =	sst s0;
	s0 =	simm.s32 @!p2 $0x0  }
0x16: {  	s3 =	sld [smem:$0x3FDB];
	s0 =	simm.s32 @p2 $0x1  }
0x17: {  	s4 =	simm.s32 $0x1BF5;
	[smem:$0x3F93] =	sst s0  }
0x18: {  	s0 =	sld [smem:$0x3F76];
	_ =	swait.ge [sflag:s4], $0x0  }
0x19: {  	s7 =	sld [smem:$0x3F77]  }
0x1a: {  	s8 =	sadd.s32 $0xFFFFE003, lr  }
0x1b: {  	s9 =	sadd.s32 $0xFFFFFEF7, lr;
	s5 =	simm.s32 $0xFFFFFFFF;
	p2 =	slt.u32 s8, $0xFFFFF086  }
0x1c: {  	p1 =	slt.u32 s9, $0xF7A;
	s5 =	simm.s32 @!p2 $0x0  }
0x1d: {  	s5 =	simm.s32 @p1 $0x1;
	p0 =	seq.s32 s7, s2  }
0x1e: {  	s7 =	smul.u32 @!p0 $0xF7A, s2;
	p2 =	seq.s32 @!p0 s5, $0x0  }
0x1f: {  	s9 =	smul.u32 $0xF7A, s1;
	s8 =	simm.s32 @!p0 $0x1BF5;
	p2 =	por !p2, p0  }
0x20: {  	[sflag:s8] =	ssyncset.s32 @!p0 $0xFFFFF086;
	s6 =	sadd.s32 @!p0 s3, s7;
	s7 =	simm.s32 @!p0 $0x108  }
0x21: {  	s3 =	sadd.s32 s3, s9;
	s6 =	sadd.s32 @!p0 $0x88, s6;
	s7 =	simm.s32 @p2 $0x1082  }
0x22: {  	[simem:s7], [sflag:s8] =	dma.local @!p0 [hbm:s6], $0xF7A  }
0x23: {  	s9 =	sor.u32 $0xD0000000, s2;
	s6 =	simm.s32 $0x108;
	_ =	swait.ge @!p0 [sflag:s8], $0x0  }
0x24: {  	s3 =	sadd.s32 $0x88, s3;
	s6 =	simm.s32 @!p1 $0x1082;
	[sflag:s4] =	ssyncset.s32 $0xFFFFF086  }
0x25: {  	[simem:s6], [sflag:s4] =	dma.local [hbm:s3], $0xF7A  }
0x26: {  	[smem:$0x3F77] =	sst s1;
	(tag) =	ssettag s2;
	_ =	strace s9  }
0x27: {  	s1 =	sld [smem:$0x3F87]  }
0x28: {  	s2 =	sld [smem:$0x3F88]  }
0x29: {  	s4 =	sld [smem:$0x3F8A]  }
0x2a: {  	p0 =	seq.s32 s5, $0x0;
	s5 =	sld [smem:$0x3F8B]  }
0x2b: {  	s6 =	sld [smem:$0x3F8C]  }
0x2c: {  	s7 =	sld [smem:$0x3F8D]  }
0x2d: {  	s3 =	simm.s32 $0x108;
	s8 =	sld [smem:$0x3F8E]  }
0x2e: {  	s3 =	simm.s32 @!p0 $0x1082;
	s9 =	sld [smem:$0x3F8F]  }
0x2f: {  	lr =	sadd.s32 s0, s3;
	s0 =	sld [smem:$0x3F86]  }
0x30: {  	s3 =	sld [smem:$0x3F89]  }
0x31: {  	[smem:$0x3F92] =	sst s10  }
0x32: {  	s10 =	sld [smem:$0x3F90];
	_ =	sdelay $0x3  }
0x33: {  	p0 =	seq.s32 s10, $0x1;
	s10 =	sld [smem:$0x3F92];
	_ =	sdelay $0x3  }
0x34: {  	[smem:$0x3F92] =	sst s10  }
0x35: {  	s10 =	sld [smem:$0x3F91];
	_ =	sdelay $0x3  }
0x36: {  	p1 =	seq.s32 s10, $0x1;
	s10 =	sld [smem:$0x3F92];
	_ =	sdelay $0x3  }
0x37: {  	[smem:$0x3F92] =	sst s10  }
0x38: {  	s10 =	sld [smem:$0x3F93]  }
0x39: {  	_ = 	snop;
	(pc) =	sbr.ind lr, $3  }
0x3a: {  	_ = 	snop  }
0x3b: {  	_ = 	snop  }
0x3c: {  	p2 =	seq.s32 s10, $0x1;
	s10 =	sld [smem:$0x3F92]  }
0x3d: {  	_ =	shalt  }
0x3e: {  	_ =	shalt  }
0x3f: {  	_ =	shalt  }
0x40: {  	_ =	shalt  }
0x41: {  	_ =	shalt  }
0x42: {  	_ =	shalt  }
0x43: {  	_ =	shalt  }
0x44: {  	_ =	shalt  }
0x45: {  	_ =	shalt  }
0x46: {  	_ =	shalt  }
0x47: {  	_ =	shalt  }
0x48: {  	_ =	shalt  }
0x49: {  	_ =	shalt  }
0x4a: {  	_ =	shalt  }
0x4b: {  	_ =	shalt  }
0x4c: {  	_ =	shalt  }
0x4d: {  	_ =	shalt  }
0x4e: {  	_ =	shalt  }
0x4f: {  	_ =	shalt  }
0x50: {  	_ =	shalt  }
0x51: {  	_ =	shalt  }
0x52: {  	_ =	shalt  }
0x53: {  	_ =	shalt  }
0x54: {  	_ =	shalt  }
0x55: {  	_ =	shalt  }
0x56: {  	_ =	shalt  }
0x57: {  	_ =	shalt  }
0x58: {  	_ =	shalt  }
0x59: {  	_ =	shalt  }
0x5a: {  	_ =	shalt  }
0x5b: {  	_ =	shalt  }
0x5c: {  	_ =	shalt  }
0x5d: {  	_ =	shalt  }
0x5e: {  	_ =	shalt  }
0x5f: {  	_ =	shalt  }
0x60: {  	_ =	shalt  }
0x61: {  	_ =	shalt  }
0x62: {  	_ =	shalt  }
0x63: {  	_ =	shalt  }
0x64: {  	_ =	shalt  }
0x65: {  	_ =	shalt  }
0x66: {  	_ =	shalt  }
0x67: {  	_ =	shalt  }
0x68: {  	_ =	shalt  }
0x69: {  	_ =	shalt  }
0x6a: {  	_ =	shalt  }
0x6b: {  	_ =	shalt  }
0x6c: {  	_ =	shalt  }
0x6d: {  	_ =	shalt  }
0x6e: {  	_ =	shalt  }
0x6f: {  	_ =	shalt  }
0x70: {  	_ =	shalt  }
0x71: {  	_ =	shalt  }
0x72: {  	_ =	shalt  }
0x73: {  	_ =	shalt  }
0x74: {  	_ =	shalt  }
0x75: {  	_ =	shalt  }
0x76: {  	_ =	shalt  }
0x77: {  	_ =	shalt  }
0x78: {  	_ =	shalt  }
0x79: {  	_ =	shalt  }
0x7a: {  	_ =	shalt  }
0x7b: {  	_ =	shalt  }
0x7c: {  	_ =	shalt  }
0x7d: {  	_ =	shalt  }
0x7e: {  	_ =	shalt  }
0x7f: {  	_ =	shalt  }
0x80: {  	_ =	shalt  }
0x81: {  	_ =	shalt  }
0x82: {  	_ =	shalt  }
0x83: {  	_ =	shalt  }
0x84: {  	_ =	shalt  }
0x85: {  	_ =	shalt  }
0x86: {  	_ =	shalt  }
0x87: {  	_ =	shalt  }
.Lfunc_end0:
.L_simem_size_0:
called_computation.3_lowered:
.L_overlay_start_0:
0x88: {  	s2 =	sld [smem:$0x3FD9]  }
0x89: {  	s3 =	sld [smem:$0x3FFE];
	_ =	sdelay $0x1  }
0x8a: {  	s1 =	srdreg.scid  }
0x8b: {  	s0 =	sand.u32 $0x1, s1  }
0x8c: {  	s17 =	sshll.u32 s0, $0xA;
	s2 =	sadd.s32 s3, s2  }
0x8d: {  	s2 =	sadd.s32 s2, s17  }
0x8e: {  	[smem:$0x3F9E] =	sst s2  }
0x8f: {  	_ = 	snop  }
0x90: {  	(tm) =	ssettm $0x1  }
0x91: {  	s18 =	sld [smem:$0x3FFB];
	_ =	sdelay $0x3  }
0x92: {  	_ =	strace s18  }
0x93: {  	s2 =	sld [smem:$0x3FFC];
	_ =	sdelay $0x3  }
0x94: {  	_ =	strace s2  }
0x95: {  	s2 =	sld [smem:$0x3FFD];
	_ =	sdelay $0x3  }
0x96: {  	_ =	strace s2  }
0x97: {  	_ =	strace $0x8FFFFFFF  }
0x98: {  	s19 =	sld [smem:$0x3FDB];
	_ =	sdelay $0x1  }
0x99: {  	s20 =	simm.s32 $_scs_section_size  }
0x9a: {  	s4 =	simm.s32 $_size__tile_overlayer_lowered;
	s5 =	simm.s32 $_tile_overlayer_lowered  }
0x9b: {  	s6 =	simm.s32 $0x1BFF;
	s21 =	sshll.u32 s5, $0x1;
	s3 =	sadd.s32 s20, s19  }
0x9c: {  	s22 =	simm.s32 $0x0;
	s4 =	sshll.u32 s4, $0x1;
	s5 =	sadd.s32 s21, s3  }
0x9d: {  	[timem:s22], [sflag:s6] =	dma.local [hbm:s5], s4  }
0x9e: {  	_ =	swait.ge [sflag:s6], s4  }
0x9f: {  	s4 =	ssub.s32 $0x0, s4;
	[sflag:s6] =	ssyncset.done $0x0  }
0xa0: {  	[sflag:s6] =	ssyncadd.s32 s4;
	_ =	sdelay $0x1  }
0xa1: {  	s23 =	simm.s32 $0x1B8B  }
0xa2: {  	_ =	swait.ge [sflag:s23], $0x1  }
0xa3: {  	[sflag:s23] =	ssyncset.done $0x0  }
0xa4: {  	[sflag:s23] =	ssyncadd.s32 $0xFFFFFFFF  }
0xa5: {  	s4 =	sld [smem:$0x0]  }
0xa6: {  	s5 =	sand.u32 $0xFFFFFFFE, s1  }
0xa7: {  	p0 =	sne.s32 s1, s5  }
0xa8: {  	s5 =	sshll.u32 @p0 s5, $0xE  }
0xa9: {  	s5 =	sadd.s32 @p0 $0x11B8D, s5;
	s6 =	sshll.u32 @p0 s4, $0x11  }
0xaa: {  	s5 =	sor.u32 @p0 s6, s5  }
0xab: {  	[sflag:s5] =	ssyncadd.remote.s32 @p0 $0x1;
	_ =	sdelay $0x1  }
0xac: {  	s5 =	simm.s32 @p0 $0x1B8D  }
0xad: {  	_ =	swait.eq @p0 [sflag:s5], $0x1  }
0xae: {  	[sflag:s5] =	ssyncadd.s32 @p0 $0xFFFFFFFF  }
0xaf: {  	s6 =	sshll.u32 @!p0 s1, $0xE  }
0xb0: {  	s6 =	sor.u32 @!p0 $0x4000, s6;
	s5 =	simm.s32 @!p0 $0x1B8D  }
0xb1: {  	s4 =	sshll.u32 @!p0 s4, $0x11;
	s6 =	sadd.s32 @!p0 $0x11B8D, s6;
	_ =	swait.eq @!p0 [sflag:s5], $0x1  }
0xb2: {  	s4 =	sor.u32 @!p0 s4, s6;
	[sflag:s5] =	ssyncadd.s32 @!p0 $0xFFFFFFFF  }
0xb3: {  	s25 =	simm.s32 $0x1B8E;
	s24 =	sld [smem:$0x3FFE];
	[sflag:s4] =	ssyncadd.remote.s32 @!p0 $0x1  }
0xb4: {  	s26 =	simm.s32 $execute0_lowered;
	[smem:$0x3FD2] =	sst s25  }
0xb5: {  	s5 =	sshll.u32 s26, $0x1;
	_ =	strace $0x8000004F;
	[dreg:$0x1] =	wrdreg $0xFFFFFFFF  }
0xb6: {  	s28 =	simm.s32 $_size_execute0_lowered;
	s3 =	sadd.s32 s3, s5;
	[dreg:$0x0] =	wrdreg $0x0  }
0xb7: {  	s5 =	sshll.u32 s28, $0x1;
	[dreg:$0x2] =	wrdreg s3  }
0xb8: {  	[dreg:$0x3] =	wrdreg s5  }
0xb9: {  	[dreg:$0x4] =	wrdreg $0xC0  }
0xba: {  	_ =	task [dreg:s22], $0x5FFFF  }
0xbb: {  	[dreg:$0x1] =	wrdreg $0xFFFFFFFF  }
0xbc: {  	[dreg:$0x0] =	wrdreg $0x60  }
0xbd: {  	[dreg:$0x2] =	wrdreg s24  }
0xbe: {  	[dreg:$0x3] =	wrdreg $0x48800  }
0xbf: {  	[dreg:$0x4] =	wrdreg $0xA  }
0xc0: {  	_ =	task.clear_ibuf [dreg:s22], $0x5FFFF;
	_ =	strace $0x9000004F  }
0xc1: {  	s29 =	simm.s32 $0xA;
	_ =	strace $0x80000051  }
0xc2: {  	_ =	swait.ge [sflag:s29], $0x1  }
0xc3: {  	[sflag:s29] =	ssyncadd.s32 $0xFFFFFFFF  }
0xc4: {  	_ =	strace $0x90000051  }
0xc5: {  	_ =	sfence  }
0xc6: {  	s30 =	sld [smem:$0x0];
	_ =	sdelay $0x2  }
0xc7: {  	s31 =	sshll.u32 s1, $0xD;
	s1 =	sshrl.u32 s1, $0x2  }
0xc8: {  	s4 =	sand.u32 $0x4000, s31;
	s1 =	sadd.s32 s1, s30  }
0xc9: {  	s0 =	sor.u32 s4, s0;
	s1 =	sshll.u32 s1, $0x11  }
0xca: {  	s0 =	sor.u32 s1, s0  }
0xcb: {  	s0 =	sadd.s32 $0x8F2B, s0  }
0xcc: {  	[sflag:s0] =	ssyncadd.remote.s32 $0x1  }
0xcd: {  	_ =	sfence.sel $0xFFFF  }
0xce: {  	[dreg:$0x0] =	wrdreg $0xFFFFFFFF;
	(pc) =	sbr.abs _section_cstart, $3  }
0xcf: {  	[dreg:$0x1] =	wrdreg $0xFFFFFFFF  }
0xd0: {  	_ =	task.clear_ibuf [dreg:s22], $0x2FFFF;
	_ =	strace $0x9FFFFFFF  }
0xd1: {  	(tm) =	ssettm $0x7FFFFFFF  }
tec
execute0_lowered:
.L_overlay_start_1:
0x0: {  	(tag) =	ssettag $0x1  }
0x1: {  	s1 =	stileid.u32  }
0x2: {  	s4 =	rddreg [dreg:$0x0];
	s7 =	smul.u32 $0x2780, s1  }
0x3: {  	s0 =	srdreg.scid;
	s29 =	smul.u32 $0x4E000, s1  }
0x4: {  	s2 =	rddreg [dreg:$0x1];
	s11 =	smul.u32 $0x27800, s1  }
0x5: {  	s3 =	simm.s32 $0x0;
	s5 =	sand.u32 $0x1, s0;
	s14 =	smul.u32 $0x2700, s1  }
0x6: {  	s16 =	simm.s32 $0x0;
	s0 =	rddreg [dreg:$0x2];
	s6 =	smul.u32 $0x27800, s5  }
0x7: {  	[smem:$0x7FF] =	sst s3;
	s12 =	sadd.s32 $0x124800, s2;
	s8 =	smul.u32 $0x278000, s5  }
0x8: {  	p0 =	seq.s32 s1, $0xF;
	s30 =	smul.u32 $0x27100, s5;
	s5 =	ssub.s32 $0x2, s5  }
0x9: {  	_ =	strace $0x80000050;
	s12 =	sshrl.u32 @p0 s12, $0x3;
	s10 =	sshrl.u32 s5, $0x1  }
0xa: {  	s6 =	sadd.s32 s7, s6;
	s28 =	sadd.s32 s8, s4;
	s8 =	sshrl.u32 s29, $0x2  }
0xb: {  	s5 =	ssub.s32 s5, s10;
	s10 =	simm.s32 $0x80;
	s6 =	sshrl.u32 s6, $0x3  }
0xc: {  	s31 =	sadd.s32 s11, s28;
	s5 =	smax.u32 s5, $0x1;
	s9 =	sadd.s32 s6, s4  }
0xd: {  	s6 =	sadd.s32 s30, s4;
	s4 =	sadd.s32 s8, s2;
	s8 =	simm.s32 $0x4080  }
0xe: {  	s13 =	sadd.s32 $0x2AC00, s6;
	s6 =	sadd.s32 $0xEE400, s31;
	s7 =	sadd.s32 $0xA8A000, s9  }
0xf: {  	s11 =	sadd.s32 @p0 $0x24900, s13;
	s13 =	sadd.s32 @!p0 s14, s13;
	s14 =	sshll.u32 @!p0 s1, $0x6  }
0x10: {  	v0 =	vimm.f32 $0.0e+00;
	s9 =	simm.s32 $0x1;
	s15 =	sshrl.u32 @!p0 s4, $0x3;
	s14 =	sor.u32 @!p0 $0x1C01, s14  }
.LBB2_1:
0x11: {  	s17 =	simm.s32 $0x0;
	s18 =	simm.s32 $0x200  }
.LBB2_2:
0x12: {  	p1 =	sne.s32 s18, $0x1E00;
	[tilespmem:s17+$0x40F0] =	vst v0  }
0x13: {  	[tilespmem:s17+$0x4080] =	vst v0  }
0x14: {  	[tilespmem:s17+$0x4090] =	vst v0  }
.Ltmp0:
0x15: {  	[tilespmem:s17+$0x40A0] =	vst v0;
	(pc) =	sbr.rel @p1 .LBB2_2-.Ltmp0, $4  }
0x16: {  	[tilespmem:s17+$0x40B0] =	vst v0  }
0x17: {  	[tilespmem:s17+$0x40C0] =	vst v0  }
0x18: {  	[tilespmem:s17+$0x40D0] =	vst v0  }
0x19: {  	[tilespmem:s17+$0x40E0] =	vst v0;
	s17 =	sshra.s32 s18, $0x2;
	s18 =	sadd.s32 $0x200, s18  }
0x1a: {  	[tilespmem:s17+$0x40F0] =	vst v0  }
0x1b: {  	[tilespmem:s17+$0x4080] =	vst v0  }
0x1c: {  	[tilespmem:s17+$0x4090] =	vst v0  }
0x1d: {  	[tilespmem:s17+$0x40A0] =	vst v0  }
0x1e: {  	[tilespmem:s17+$0x40B0] =	vst v0  }
0x1f: {  	[tilespmem:s17+$0x40C0] =	vst v0  }
0x20: {  	[tilespmem:s17+$0x40D0] =	vst v0  }
0x21: {  	[tilespmem:s17+$0x40E0] =	vst v0;
	s31 =	sadd.s32 $0x0, s4  }
0x22: {  	[spmem:s31] =	stream.linear.scatter [tilespmem:s8], [sflag:$0x1], $0x800, $0x38;
	[tilespmem:$0x18100] =	vst v63  }
0x23: {  	s17 =	simm.s32 $0x2000;
	_ =	swait.ge [sflag:s9], $0x800  }
.LBB2_4:
0x24: {  	s18 =	sshra.s32 s17, $0x2;
	[sflag:s9] =	ssyncset.done $0x0;
	p1 =	sne.s32 s17, $0x4E000  }
.Ltmp1:
0x25: {  	s18 =	sadd.s32 s18, s4;
	[sflag:s9] =	ssyncadd.s32 $0xFFFFF800;
	(pc) =	sbr.rel @p1 .LBB2_4-.Ltmp1, $3  }
0x26: {  	[spmem:s18] =	stream.linear.scatter [tilespmem:s8], [sflag:$0x1], $0x800, $0x38;
	[tilespmem:$0x18100] =	vst v63  }
0x27: {  	s17 =	sadd.s32 $0x2000, s17;
	_ =	sdelay $0x1  }
0x28: {  	_ =	swait.ge [sflag:s9], $0x800  }
0x29: {  	[sflag:s9] =	ssyncset.done $0x0  }
0x2a: {  	[sflag:s9] =	ssyncadd.s32 $0xFFFFF800  }
0x2b: {  	s17 =	sadd.s32 $0x0, s7;
	[bflag:$0x0] =	sbarrier.arrive $0xFFFF  }
0x2c: {  	[tilespmem:s3], [sflag:$0x1] =	stream.linear.gather [hbm4b:s17+s3], $0x80, $0x38;
	[tilespmem:$0x18100] =	vst v63  }
0x2d: {  	_ =	swait.ge [sflag:s9], $0x80  }
0x2e: {  	[sflag:s9] =	ssyncset.done $0x0  }
0x2f: {  	[sflag:s9] =	ssyncadd.s32 $0xFFFFFF80  }
0x30: {  	[tilespmem:s10], [sflag:$0x1] =	stream.linear.gather [hbm4b:s6+s3], $0x4000, $0x38;
	[tilespmem:$0x18100] =	vst v63  }
0x31: {  	_ =	swait.ge [sflag:s9], $0x4000  }
0x32: {  	[sflag:s9] =	ssyncset.done $0x0  }
0x33: {  	[sflag:s9] =	ssyncadd.s32 $0xFFFFC000  }
0x34: {  	[spmem:s2] =	stream.indirect.scatter.add.f32 [tilespmem:s10], [sflag:$0x1], $0x80, s3, s10, $0xb8;
	[tilespmem:$0x18100] =	vst v63  }
0x35: {  	s18 =	simm.s32 $0x10;
	_ =	swait.ge [sflag:s9], $0x4000  }
0x36: {  	s19 =	simm.s32 $0x20;
	s17 =	sadd.s32 $0x800, s6;
	[sflag:s9] =	ssyncset.done $0x0  }
.LBB2_6:
0x37: {  	s20 =	sadd.s32 s18, s7  }
0x38: {  	[sflag:s9] =	ssyncadd.s32 $0xFFFFC000;
	s18 =	smov.u32 s19;
	s21 =	sadd.s32 $0x10, s19  }
0x39: {  	[tilespmem:s3], [sflag:$0x1] =	stream.linear.gather [hbm4b:s20+s3], $0x80, $0x38;
	[tilespmem:$0x18100] =	vst v63  }
0x3a: {  	p1 =	sne.s32 s19, $0x4E0;
	_ =	swait.ge [sflag:s9], $0x80  }
0x3b: {  	[sflag:s9] =	ssyncset.done $0x0  }
0x3c: {  	[sflag:s9] =	ssyncadd.s32 $0xFFFFFF80  }
0x3d: {  	[tilespmem:s10], [sflag:$0x1] =	stream.linear.gather [hbm4b:s17+s3], $0x4000, $0x38;
	[tilespmem:$0x18100] =	vst v63  }
0x3e: {  	_ =	swait.ge [sflag:s9], $0x4000  }
.Ltmp2:
0x3f: {  	[sflag:s9] =	ssyncset.done $0x0;
	(pc) =	sbr.rel @p1 .LBB2_6-.Ltmp2, $4  }
0x40: {  	[sflag:s9] =	ssyncadd.s32 $0xFFFFC000  }
0x41: {  	[spmem:s2] =	stream.indirect.scatter.add.f32 [tilespmem:s10], [sflag:$0x1], $0x80, s3, s10, $0xb8;
	[tilespmem:$0x18100] =	vst v63  }
0x42: {  	_ =	swait.ge [sflag:s9], $0x4000  }
0x43: {  	s19 =	smov.u32 s21;
	s17 =	sadd.s32 $0x800, s17;
	[sflag:s9] =	ssyncset.done $0x0  }
0x44: {  	s18 =	sadd.s32 s18, s7;
	[sflag:s9] =	ssyncadd.s32 $0xFFFFC000  }
0x45: {  	[tilespmem:s3], [sflag:$0x1] =	stream.linear.gather [hbm4b:s18+s3], $0x80, $0x38;
	[tilespmem:$0x18100] =	vst v63  }
0x46: {  	_ =	swait.ge [sflag:s9], $0x80  }
0x47: {  	[sflag:s9] =	ssyncset.done $0x0  }
0x48: {  	[sflag:s9] =	ssyncadd.s32 $0xFFFFFF80  }
0x49: {  	[tilespmem:s10], [sflag:$0x1] =	stream.linear.gather [hbm4b:s17+s3], $0x4000, $0x38;
	[tilespmem:$0x18100] =	vst v63  }
0x4a: {  	_ =	swait.ge [sflag:s9], $0x4000  }
0x4b: {  	[sflag:s9] =	ssyncset.done $0x0  }
0x4c: {  	[sflag:s9] =	ssyncadd.s32 $0xFFFFC000  }
0x4d: {  	[spmem:s2] =	stream.indirect.scatter.add.f32 [tilespmem:s10], [sflag:$0x1], $0x80, s3, s10, $0xb8;
	[tilespmem:$0x18100] =	vst v63  }
0x4e: {  	_ =	swait.ge [sflag:s9], $0x4000  }
0x4f: {  	[sflag:s9] =	ssyncset.done $0x0  }
0x50: {  	[sflag:s9] =	ssyncadd.s32 $0xFFFFC000  }
0x51: {  	s17 =	simm.s32 @p0 $0x1FC1;
	[bflag:$0x0] =	sbarrier.arrive $0xFFFF  }
0x52: {  	[hbm:s11], [sflag:s17] =	dma.local @p0 [spmem:s12], $0x2800  }
0x53: {  	s17 =	simm.s32 @p0 $0x1  }
0x54: {  	s16 =	sadd.s32 $0x1, s16;
	_ =	swait.ge @p0 [sflag:s17], $0x2800  }
0x55: {  	p1 =	sne.s32 s16, s5;
	[sflag:s17] =	ssyncset.done @p0 $0x0  }
.Ltmp3:
0x56: {  	[sflag:s17] =	ssyncadd.s32 @p0 $0xFFFFD800;
	s17 =	simm.s32 @!p0 $0x1;
	(pc) =	sbr.rel @p1 .LBB2_1-.Ltmp3, $4  }
0x57: {  	[hbm:s13], [sflag:s14] =	dma.local @!p0 [spmem:s15], $0x2700  }
0x58: {  	_ =	swait.ge @!p0 [sflag:s17], $0x2700  }
0x59: {  	[sflag:s17] =	ssyncset.done @!p0 $0x0  }
0x5a: {  	[sflag:s17] =	ssyncadd.s32 @!p0 $0xFFFFD900  }
0x5b: {  	_ =	sfence.sel $0x180000  }
0x5c: {  	[bflag:$0x0] =	sbarrier.arrive $0xFFFF  }
0x5d: {  	p0 =	sne.s32 s1, $0x0;
	_ =	strace $0x90000050  }
0x5e: {  	s0 =	sadd.s32 @!p0 $0x100000, s0;
	[bflag:$0x2] =	sbarrier.arrive $0xFFFF  }
0x5f: {  	[sflag:s0] =	ssyncadd.tile.s32 @!p0 $0x1;
	_ =	shalt  }
.Lfunc_end2:
_tile_overlayer_lowered:
.L_overlay_start_2:
0x60: {  	(tag) =	ssettag $0x2  }
0x61: {  	s0 =	rddreg [dreg:$0x0];
	s2 =	stileid.u32  }
0x62: {  	s1 =	rddreg [dreg:$0x1];
	p0 =	sne.s32 s2, $0x0  }
0x63: {  	s3 =	rddreg [dreg:$0x2];
	[bflag:$0x3] =	sbarrier.arrive $0xFFFF;
	s2 =	simm.s32 @!p0 $0x1C01  }
0x64: {  	[timem:s3], [sflag:s2] =	dma.local @!p0 [hbm:s0], s1  }
0x65: {  	s0 =	simm.s32 @!p0 $0x1  }
0x66: {  	_ =	swait.ge @!p0 [sflag:s0], s1  }
0x67: {  	s1 =	ssub.s32 @!p0 $0x0, s1;
	[sflag:s0] =	ssyncset.done @!p0 $0x0  }
0x68: {  	[sflag:s0] =	ssyncadd.s32 @!p0 s1  }
0x69: {  	[bflag:$0x3] =	sbarrier.arrive $0xFFFF  }
0x6a: {  	_ =	shalt  }

// kernel: kernel.30.cloned.1.call-start
scs
__scs_entry_jumppad:
0x0: {  	(pc) =	sbr.rel $0x88, $3  }
0x1: {  	(tag) =	ssettag $0x0;
	lr =	simm.s32 $0x1  }
0x2: {  	[smem:$0x3F77] =	sst lr;
	_ =	strace $0xD0000000  }
0x3: {  	_ = 	snop  }
0x4: {  	_ = 	snop  }
0x5: {  	_ = 	snop  }
0x6: {  	_ = 	snop  }
0x7: {  	_ = 	snop  }
__scs_overlays_trampoline_lowered:
0x8: {  	[smem:$0x3F86] =	sst s0  }
0x9: {  	[smem:$0x3F87] =	sst s1  }
0xa: {  	[smem:$0x3F88] =	sst s2  }
0xb: {  	[smem:$0x3F89] =	sst s3  }
0xc: {  	[smem:$0x3F8A] =	sst s4  }
0xd: {  	[smem:$0x3F8B] =	sst s5  }
0xe: {  	[smem:$0x3F8C] =	sst s6  }
0xf: {  	[smem:$0x3F8D] =	sst s7  }
0x10: {  	[smem:$0x3F8E] =	sst s8  }
0x11: {  	[smem:$0x3F8F] =	sst s9;
	s0 =	simm.s32 @!p0 $0x0  }
0x12: {  	s1 =	sld [smem:$0x3F75];
	s0 =	simm.s32 @p0 $0x1  }
0x13: {  	[smem:$0x3F90] =	sst s0;
	s0 =	simm.s32 @!p1 $0x0  }
0x14: {  	s2 =	sld [smem:$0x3F74];
	s0 =	simm.s32 @p1 $0x1  }
0x15: {  	[smem:$0x3F91] =	sst s0;
	s0 =	simm.s32 @!p2 $0x0  }
0x16: {  	s3 =	sld [smem:$0x3FDB];
	s0 =	simm.s32 @p2 $0x1  }
0x17: {  	s4 =	simm.s32 $0x1BF5;
	[smem:$0x3F93] =	sst s0  }
0x18: {  	s0 =	sld [smem:$0x3F76];
	_ =	swait.ge [sflag:s4], $0x0  }
0x19: {  	s7 =	sld [smem:$0x3F77]  }
0x1a: {  	s8 =	sadd.s32 $0xFFFFE003, lr  }
0x1b: {  	s9 =	sadd.s32 $0xFFFFFEF7, lr;
	s5 =	simm.s32 $0xFFFFFFFF;
	p2 =	slt.u32 s8, $0xFFFFF086  }
0x1c: {  	p1 =	slt.u32 s9, $0xF7A;
	s5 =	simm.s32 @!p2 $0x0  }
0x1d: {  	s5 =	simm.s32 @p1 $0x1;
	p0 =	seq.s32 s7, s2  }
0x1e: {  	s7 =	smul.u32 @!p0 $0xF7A, s2;
	p2 =	seq.s32 @!p0 s5, $0x0  }
0x1f: {  	s9 =	smul.u32 $0xF7A, s1;
	s8 =	simm.s32 @!p0 $0x1BF5;
	p2 =	por !p2, p0  }
0x20: {  	[sflag:s8] =	ssyncset.s32 @!p0 $0xFFFFF086;
	s6 =	sadd.s32 @!p0 s3, s7;
	s7 =	simm.s32 @!p0 $0x108  }
0x21: {  	s3 =	sadd.s32 s3, s9;
	s6 =	sadd.s32 @!p0 $0x88, s6;
	s7 =	simm.s32 @p2 $0x1082  }
0x22: {  	[simem:s7], [sflag:s8] =	dma.local @!p0 [hbm:s6], $0xF7A  }
0x23: {  	s9 =	sor.u32 $0xD0000000, s2;
	s6 =	simm.s32 $0x108;
	_ =	swait.ge @!p0 [sflag:s8], $0x0  }
0x24: {  	s3 =	sadd.s32 $0x88, s3;
	s6 =	simm.s32 @!p1 $0x1082;
	[sflag:s4] =	ssyncset.s32 $0xFFFFF086  }
0x25: {  	[simem:s6], [sflag:s4] =	dma.local [hbm:s3], $0xF7A  }
0x26: {  	[smem:$0x3F77] =	sst s1;
	(tag) =	ssettag s2;
	_ =	strace s9  }
0x27: {  	s1 =	sld [smem:$0x3F87]  }
0x28: {  	s2 =	sld [smem:$0x3F88]  }
0x29: {  	s4 =	sld [smem:$0x3F8A]  }
0x2a: {  	p0 =	seq.s32 s5, $0x0;
	s5 =	sld [smem:$0x3F8B]  }
0x2b: {  	s6 =	sld [smem:$0x3F8C]  }
0x2c: {  	s7 =	sld [smem:$0x3F8D]  }
0x2d: {  	s3 =	simm.s32 $0x108;
	s8 =	sld [smem:$0x3F8E]  }
0x2e: {  	s3 =	simm.s32 @!p0 $0x1082;
	s9 =	sld [smem:$0x3F8F]  }
0x2f: {  	lr =	sadd.s32 s0, s3;
	s0 =	sld [smem:$0x3F86]  }
0x30: {  	s3 =	sld [smem:$0x3F89]  }
0x31: {  	[smem:$0x3F92] =	sst s10  }
0x32: {  	s10 =	sld [smem:$0x3F90];
	_ =	sdelay $0x3  }
0x33: {  	p0 =	seq.s32 s10, $0x1;
	s10 =	sld [smem:$0x3F92];
	_ =	sdelay $0x3  }
0x34: {  	[smem:$0x3F92] =	sst s10  }
0x35: {  	s10 =	sld [smem:$0x3F91];
	_ =	sdelay $0x3  }
0x36: {  	p1 =	seq.s32 s10, $0x1;
	s10 =	sld [smem:$0x3F92];
	_ =	sdelay $0x3  }
0x37: {  	[smem:$0x3F92] =	sst s10  }
0x38: {  	s10 =	sld [smem:$0x3F93]  }
0x39: {  	_ = 	snop;
	(pc) =	sbr.ind lr, $3  }
0x3a: {  	_ = 	snop  }
0x3b: {  	_ = 	snop  }
0x3c: {  	p2 =	seq.s32 s10, $0x1;
	s10 =	sld [smem:$0x3F92]  }
0x3d: {  	_ =	shalt  }
0x3e: {  	_ =	shalt  }
0x3f: {  	_ =	shalt  }
0x40: {  	_ =	shalt  }
0x41: {  	_ =	shalt  }
0x42: {  	_ =	shalt  }
0x43: {  	_ =	shalt  }
0x44: {  	_ =	shalt  }
0x45: {  	_ =	shalt  }
0x46: {  	_ =	shalt  }
0x47: {  	_ =	shalt  }
0x48: {  	_ =	shalt  }
0x49: {  	_ =	shalt  }
0x4a: {  	_ =	shalt  }
0x4b: {  	_ =	shalt  }
0x4c: {  	_ =	shalt  }
0x4d: {  	_ =	shalt  }
0x4e: {  	_ =	shalt  }
0x4f: {  	_ =	shalt  }
0x50: {  	_ =	shalt  }
0x51: {  	_ =	shalt  }
0x52: {  	_ =	shalt  }
0x53: {  	_ =	shalt  }
0x54: {  	_ =	shalt  }
0x55: {  	_ =	shalt  }
0x56: {  	_ =	shalt  }
0x57: {  	_ =	shalt  }
0x58: {  	_ =	shalt  }
0x59: {  	_ =	shalt  }
0x5a: {  	_ =	shalt  }
0x5b: {  	_ =	shalt  }
0x5c: {  	_ =	shalt  }
0x5d: {  	_ =	shalt  }
0x5e: {  	_ =	shalt  }
0x5f: {  	_ =	shalt  }
0x60: {  	_ =	shalt  }
0x61: {  	_ =	shalt  }
0x62: {  	_ =	shalt  }
0x63: {  	_ =	shalt  }
0x64: {  	_ =	shalt  }
0x65: {  	_ =	shalt  }
0x66: {  	_ =	shalt  }
0x67: {  	_ =	shalt  }
0x68: {  	_ =	shalt  }
0x69: {  	_ =	shalt  }
0x6a: {  	_ =	shalt  }
0x6b: {  	_ =	shalt  }
0x6c: {  	_ =	shalt  }
0x6d: {  	_ =	shalt  }
0x6e: {  	_ =	shalt  }
0x6f: {  	_ =	shalt  }
0x70: {  	_ =	shalt  }
0x71: {  	_ =	shalt  }
0x72: {  	_ =	shalt  }
0x73: {  	_ =	shalt  }
0x74: {  	_ =	shalt  }
0x75: {  	_ =	shalt  }
0x76: {  	_ =	shalt  }
0x77: {  	_ =	shalt  }
0x78: {  	_ =	shalt  }
0x79: {  	_ =	shalt  }
0x7a: {  	_ =	shalt  }
0x7b: {  	_ =	shalt  }
0x7c: {  	_ =	shalt  }
0x7d: {  	_ =	shalt  }
0x7e: {  	_ =	shalt  }
0x7f: {  	_ =	shalt  }
0x80: {  	_ =	shalt  }
0x81: {  	_ =	shalt  }
0x82: {  	_ =	shalt  }
0x83: {  	_ =	shalt  }
0x84: {  	_ =	shalt  }
0x85: {  	_ =	shalt  }
0x86: {  	_ =	shalt  }
0x87: {  	_ =	shalt  }
.Lfunc_end0:
.L_simem_size_0:
called_computation.4_lowered:
.L_overlay_start_0:
0x88: {  	s2 =	sld [smem:$0x3FD9]  }
0x89: {  	s3 =	sld [smem:$0x3FFE];
	_ =	sdelay $0x1  }
0x8a: {  	s1 =	srdreg.scid  }
0x8b: {  	s0 =	sand.u32 $0x1, s1  }
0x8c: {  	s17 =	sshll.u32 s0, $0xA;
	s2 =	sadd.s32 s3, s2  }
0x8d: {  	s2 =	sadd.s32 s2, s17  }
0x8e: {  	[smem:$0x3F9E] =	sst s2  }
0x8f: {  	_ = 	snop  }
0x90: {  	(tm) =	ssettm $0x1  }
0x91: {  	s18 =	sld [smem:$0x3FFB];
	_ =	sdelay $0x3  }
0x92: {  	_ =	strace s18  }
0x93: {  	s2 =	sld [smem:$0x3FFC];
	_ =	sdelay $0x3  }
0x94: {  	_ =	strace s2  }
0x95: {  	s2 =	sld [smem:$0x3FFD];
	_ =	sdelay $0x3  }
0x96: {  	_ =	strace s2  }
0x97: {  	_ =	strace $0x8FFFFFFF  }
0x98: {  	s19 =	sld [smem:$0x3FDB];
	_ =	sdelay $0x1  }
0x99: {  	s20 =	simm.s32 $_scs_section_size  }
0x9a: {  	s4 =	simm.s32 $_size__tile_overlayer_lowered;
	s5 =	simm.s32 $_tile_overlayer_lowered  }
0x9b: {  	s6 =	simm.s32 $0x1BFF;
	s21 =	sshll.u32 s5, $0x1;
	s3 =	sadd.s32 s20, s19  }
0x9c: {  	s22 =	simm.s32 $0x0;
	s4 =	sshll.u32 s4, $0x1;
	s5 =	sadd.s32 s21, s3  }
0x9d: {  	[timem:s22], [sflag:s6] =	dma.local [hbm:s5], s4  }
0x9e: {  	_ =	swait.ge [sflag:s6], s4  }
0x9f: {  	s4 =	ssub.s32 $0x0, s4;
	[sflag:s6] =	ssyncset.done $0x0  }
0xa0: {  	[sflag:s6] =	ssyncadd.s32 s4;
	_ =	sdelay $0x1  }
0xa1: {  	s23 =	simm.s32 $0x1B8B  }
0xa2: {  	_ =	swait.ge [sflag:s23], $0x1  }
0xa3: {  	[sflag:s23] =	ssyncset.done $0x0  }
0xa4: {  	[sflag:s23] =	ssyncadd.s32 $0xFFFFFFFF  }
0xa5: {  	s4 =	sld [smem:$0x0]  }
0xa6: {  	s5 =	sand.u32 $0xFFFFFFFE, s1  }
0xa7: {  	p0 =	sne.s32 s1, s5  }
0xa8: {  	s5 =	sshll.u32 @p0 s5, $0xE  }
0xa9: {  	s5 =	sadd.s32 @p0 $0x11B8D, s5;
	s6 =	sshll.u32 @p0 s4, $0x11  }
0xaa: {  	s5 =	sor.u32 @p0 s6, s5  }
0xab: {  	[sflag:s5] =	ssyncadd.remote.s32 @p0 $0x1;
	_ =	sdelay $0x1  }
0xac: {  	s5 =	simm.s32 @p0 $0x1B8D  }
0xad: {  	_ =	swait.eq @p0 [sflag:s5], $0x1  }
0xae: {  	[sflag:s5] =	ssyncadd.s32 @p0 $0xFFFFFFFF  }
0xaf: {  	s6 =	sshll.u32 @!p0 s1, $0xE  }
0xb0: {  	s6 =	sor.u32 @!p0 $0x4000, s6;
	s5 =	simm.s32 @!p0 $0x1B8D  }
0xb1: {  	s4 =	sshll.u32 @!p0 s4, $0x11;
	s6 =	sadd.s32 @!p0 $0x11B8D, s6;
	_ =	swait.eq @!p0 [sflag:s5], $0x1  }
0xb2: {  	s4 =	sor.u32 @!p0 s4, s6;
	[sflag:s5] =	ssyncadd.s32 @!p0 $0xFFFFFFFF  }
0xb3: {  	s25 =	simm.s32 $0x1B8E;
	s24 =	sld [smem:$0x3FFE];
	[sflag:s4] =	ssyncadd.remote.s32 @!p0 $0x1  }
0xb4: {  	s26 =	simm.s32 $execute0_lowered;
	[smem:$0x3FD2] =	sst s25  }
0xb5: {  	s5 =	sshll.u32 s26, $0x1;
	_ =	strace $0x8000005B;
	[dreg:$0x1] =	wrdreg $0xFFFFFFFF  }
0xb6: {  	s28 =	simm.s32 $_size_execute0_lowered;
	s3 =	sadd.s32 s3, s5;
	[dreg:$0x0] =	wrdreg $0x0  }
0xb7: {  	s5 =	sshll.u32 s28, $0x1;
	[dreg:$0x2] =	wrdreg s3  }
0xb8: {  	[dreg:$0x3] =	wrdreg s5  }
0xb9: {  	[dreg:$0x4] =	wrdreg $0xC0  }
0xba: {  	_ =	task [dreg:s22], $0x5FFFF  }
0xbb: {  	[dreg:$0x1] =	wrdreg $0xFFFFFFFF  }
0xbc: {  	[dreg:$0x0] =	wrdreg $0x60  }
0xbd: {  	[dreg:$0x2] =	wrdreg s24  }
0xbe: {  	[dreg:$0x3] =	wrdreg $0x9  }
0xbf: {  	_ =	task.clear_ibuf [dreg:s22], $0x4FFFF;
	_ =	strace $0x9000005B  }
0xc0: {  	s29 =	simm.s32 $0x9;
	_ =	strace $0x8000005D  }
0xc1: {  	_ =	swait.ge [sflag:s29], $0x1  }
0xc2: {  	[sflag:s29] =	ssyncadd.s32 $0xFFFFFFFF  }
0xc3: {  	_ =	strace $0x9000005D  }
0xc4: {  	_ =	sfence  }
0xc5: {  	s30 =	sld [smem:$0x0];
	_ =	sdelay $0x2  }
0xc6: {  	s31 =	sshll.u32 s1, $0xD;
	s1 =	sshrl.u32 s1, $0x2  }
0xc7: {  	s4 =	sand.u32 $0x4000, s31;
	s1 =	sadd.s32 s1, s30  }
0xc8: {  	s0 =	sor.u32 s4, s0;
	s1 =	sshll.u32 s1, $0x11  }
0xc9: {  	s0 =	sor.u32 s1, s0  }
0xca: {  	s0 =	sadd.s32 $0x8F2B, s0  }
0xcb: {  	[sflag:s0] =	ssyncadd.remote.s32 $0x1  }
0xcc: {  	_ =	sfence.sel $0xFFFF  }
0xcd: {  	[dreg:$0x0] =	wrdreg $0xFFFFFFFF;
	(pc) =	sbr.abs _section_cstart, $3  }
0xce: {  	[dreg:$0x1] =	wrdreg $0xFFFFFFFF  }
0xcf: {  	_ =	task.clear_ibuf [dreg:s22], $0x2FFFF;
	_ =	strace $0x9FFFFFFF  }
0xd0: {  	(tm) =	ssettm $0x7FFFFFFF  }
0xd1: {  	_ =	shalt  }
tec
execute0_lowered:
.L_overlay_start_1:
0x0: {  	(tag) =	ssettag $0x1  }
0x1: {  	s5 =	rddreg [dreg:$0x0]  }
0x2: {  	s0 =	rddreg [dreg:$0x1];
	s2 =	simm.s32 $0x0;
	s3 =	srdreg.scid  }
0x3: {  	s1 =	stileid.u32;
	s12 =	simm.s32 $0x100;
	s13 =	simm.s32 $0x4100  }
0x4: {  	s14 =	simm.s32 $0x1;
	s15 =	simm.s32 $0x2;
	s7 =	smul.u32 $0x1400, s1  }
0x5: {  	s16 =	simm.s32 $0x0;
	s6 =	sand.u32 $0x1, s3;
	s9 =	smul.u32 $0x14000, s1  }
0x6: {  	[smem:$0x7FF] =	sst s2;
	s3 =	sadd.s32 $0x19A00, s5;
	s8 =	smul.u32 $0xA00, s6  }
0x7: {  	s4 =	sadd.s32 $0x40C00, s5;
	s29 =	ssub.s32 $0x2, s6;
	s6 =	smul.u32 $0xA000, s6  }
0x8: {  	_ =	strace $0x8000005C;
	s9 =	sadd.s32 s9, s5;
	s10 =	sshrl.u32 s29, $0x1  }
0x9: {  	s7 =	sadd.s32 s8, s7;
	s30 =	ssub.s32 s29, s10;
	s31 =	sadd.s32 s6, s9  }
0xa: {  	s10 =	simm.s32 $0x3;
	s7 =	sshrl.u32 s7, $0x3;
	s6 =	sadd.s32 $0x7ECE00, s31  }
0xb: {  	s11 =	sadd.s32 s7, s5;
	s5 =	smax.u32 s30, $0x1;
	s7 =	sadd.s32 $0x92CE00, s31  }
0xc: {  	s8 =	sadd.s32 $0x7E7E00, s11;
	s9 =	sadd.s32 $0x7EA600, s11;
	s11 =	simm.s32 $0x80  }
.LBB2_1:
0xd: {  	s17 =	sadd.s32 $0x0, s9  }
0xe: {  	[tilespmem:s2], [sflag:$0x3] =	stream.linear.gather [hbm4b:s17+s2], $0x80, $0x38;
	[tilespmem:$0x8100] =	vst v63  }
0xf: {  	_ =	swait.ge [sflag:s10], $0x80  }
0x10: {  	[sflag:s10] =	ssyncset.done $0x0  }
0x11: {  	s31 =	sadd.s32 $0x0, s8;
	[sflag:s10] =	ssyncadd.s32 $0xFFFFFF80  }
0x12: {  	[tilespmem:s11], [sflag:$0x3] =	stream.linear.gather [hbm4b:s31+s2], $0x80, $0x38;
	[tilespmem:$0x8100] =	vst v63  }
0x13: {  	_ =	swait.ge [sflag:s10], $0x80  }
0x14: {  	[sflag:s10] =	ssyncset.done $0x0  }
0x15: {  	[sflag:s10] =	ssyncadd.s32 $0xFFFFFF80  }
0x16: {  	[tilespmem:s12], [sflag:$0x1] =	stream.indirect.gather [hbm4b:s3+s11], $0x80, s2, s11, $0xb8;
	[tilespmem:$0x8100] =	vst v63  }
0x17: {  	_ = 	snop  }
0x18: {  	[tilespmem:s13], [sflag:$0x2] =	stream.indirect.gather [hbm4b:s4+s11], $0x80, s11, s11, $0xb8;
	[tilespmem:$0x8100] =	vst v63  }
0x19: {  	_ =	swait.ge [sflag:s14], $0x4000  }
0x1a: {  	[sflag:s14] =	ssyncset.done $0x0  }
0x1b: {  	[sflag:s14] =	ssyncadd.s32 $0xFFFFC000  }
0x1c: {  	_ =	swait.ge [sflag:s15], $0x4000  }
0x1d: {  	[sflag:s15] =	ssyncset.done $0x0  }
0x1e: {  	[sflag:s15] =	ssyncadd.s32 $0xFFFFC000  }
0x1f: {  	[hbm4b:s6+s2] =	stream.linear.scatter [tilespmem:s12], [sflag:$0x3], $0x4000, $0x38;
	[tilespmem:$0x8100] =	vst v63  }
0x20: {  	_ =	swait.ge [sflag:s10], $0x4000  }
0x21: {  	[sflag:s10] =	ssyncset.done $0x0  }
0x22: {  	[sflag:s10] =	ssyncadd.s32 $0xFFFFC000  }
0x23: {  	[hbm4b:s7+s2] =	stream.linear.scatter [tilespmem:s13], [sflag:$0x3], $0x4000, $0x38;
	[tilespmem:$0x8100] =	vst v63  }
0x24: {  	s19 =	simm.s32 $0x10;
	s20 =	simm.s32 $0x20;
	_ =	swait.ge [sflag:s10], $0x4000  }
0x25: {  	s18 =	sadd.s32 $0x800, s6;
	s17 =	sadd.s32 $0x800, s7;
	[sflag:s10] =	ssyncset.done $0x0  }
.LBB2_2:
0x26: {  	s21 =	sadd.s32 s19, s9  }
0x27: {  	[sflag:s10] =	ssyncadd.s32 $0xFFFFC000;
	s22 =	smov.u32 s20;
	s23 =	sadd.s32 $0x10, s20  }
0x28: {  	[tilespmem:s2], [sflag:$0x3] =	stream.linear.gather [hbm4b:s21+s2], $0x80, $0x38;
	[tilespmem:$0x8100] =	vst v63  }
0x29: {  	p0 =	sne.s32 s20, $0x130;
	_ =	swait.ge [sflag:s10], $0x80  }
0x2a: {  	[sflag:s10] =	ssyncset.done $0x0  }
0x2b: {  	s20 =	sadd.s32 s19, s8;
	s19 =	smov.u32 s22;
	[sflag:s10] =	ssyncadd.s32 $0xFFFFFF80  }
0x2c: {  	[tilespmem:s11], [sflag:$0x3] =	stream.linear.gather [hbm4b:s20+s2], $0x80, $0x38;
	[tilespmem:$0x8100] =	vst v63  }
0x2d: {  	_ =	swait.ge [sflag:s10], $0x80  }
0x2e: {  	[sflag:s10] =	ssyncset.done $0x0  }
0x2f: {  	[sflag:s10] =	ssyncadd.s32 $0xFFFFFF80  }
0x30: {  	[tilespmem:s12], [sflag:$0x1] =	stream.indirect.gather [hbm4b:s3+s11], $0x80, s2, s11, $0xb8;
	[tilespmem:$0x8100] =	vst v63  }
0x31: {  	_ = 	snop  }
0x32: {  	[tilespmem:s13], [sflag:$0x2] =	stream.indirect.gather [hbm4b:s4+s11], $0x80, s11, s11, $0xb8;
	[tilespmem:$0x8100] =	vst v63  }
0x33: {  	_ =	swait.ge [sflag:s14], $0x4000  }
0x34: {  	[sflag:s14] =	ssyncset.done $0x0  }
0x35: {  	[sflag:s14] =	ssyncadd.s32 $0xFFFFC000  }
0x36: {  	_ =	swait.ge [sflag:s15], $0x4000  }
0x37: {  	[sflag:s15] =	ssyncset.done $0x0  }
0x38: {  	[sflag:s15] =	ssyncadd.s32 $0xFFFFC000  }
0x39: {  	[hbm4b:s18+s2] =	stream.linear.scatter [tilespmem:s12], [sflag:$0x3], $0x4000, $0x38;
	[tilespmem:$0x8100] =	vst v63  }
0x3a: {  	_ =	swait.ge [sflag:s10], $0x4000  }
.Ltmp0:
0x3b: {  	[sflag:s10] =	ssyncset.done $0x0;
	(pc) =	sbr.rel @p0 .LBB2_2-.Ltmp0, $4  }
0x3c: {  	[sflag:s10] =	ssyncadd.s32 $0xFFFFC000  }
0x3d: {  	[hbm4b:s17+s2] =	stream.linear.scatter [tilespmem:s13], [sflag:$0x3], $0x4000, $0x38;
	[tilespmem:$0x8100] =	vst v63  }
0x3e: {  	s20 =	smov.u32 s23;
	_ =	swait.ge [sflag:s10], $0x4000  }
0x3f: {  	s18 =	sadd.s32 $0x800, s18;
	s17 =	sadd.s32 $0x800, s17;
	[sflag:s10] =	ssyncset.done $0x0  }
0x40: {  	s20 =	sadd.s32 s19, s9;
	[sflag:s10] =	ssyncadd.s32 $0xFFFFC000  }
0x41: {  	[tilespmem:s2], [sflag:$0x3] =	stream.linear.gather [hbm4b:s20+s2], $0x80, $0x38;
	[tilespmem:$0x8100] =	vst v63  }
0x42: {  	_ =	swait.ge [sflag:s10], $0x80  }
0x43: {  	[sflag:s10] =	ssyncset.done $0x0  }
0x44: {  	s31 =	sadd.s32 s19, s8;
	[sflag:s10] =	ssyncadd.s32 $0xFFFFFF80  }
0x45: {  	[tilespmem:s11], [sflag:$0x3] =	stream.linear.gather [hbm4b:s31+s2], $0x80, $0x38;
	[tilespmem:$0x8100] =	vst v63  }
0x46: {  	_ =	swait.ge [sflag:s10], $0x80  }
0x47: {  	[sflag:s10] =	ssyncset.done $0x0  }
0x48: {  	[sflag:s10] =	ssyncadd.s32 $0xFFFFFF80  }
0x49: {  	[tilespmem:s12], [sflag:$0x1] =	stream.indirect.gather [hbm4b:s3+s11], $0x80, s2, s11, $0xb8;
	[tilespmem:$0x8100] =	vst v63  }
0x4a: {  	_ = 	snop  }
0x4b: {  	[tilespmem:s13], [sflag:$0x2] =	stream.indirect.gather [hbm4b:s4+s11], $0x80, s11, s11, $0xb8;
	[tilespmem:$0x8100] =	vst v63  }
0x4c: {  	_ =	swait.ge [sflag:s14], $0x4000  }
0x4d: {  	[sflag:s14] =	ssyncset.done $0x0  }
0x4e: {  	[sflag:s14] =	ssyncadd.s32 $0xFFFFC000  }
0x4f: {  	_ =	swait.ge [sflag:s15], $0x4000  }
0x50: {  	[sflag:s15] =	ssyncset.done $0x0  }
0x51: {  	[sflag:s15] =	ssyncadd.s32 $0xFFFFC000  }
0x52: {  	[hbm4b:s18+s2] =	stream.linear.scatter [tilespmem:s12], [sflag:$0x3], $0x4000, $0x38;
	[tilespmem:$0x8100] =	vst v63  }
0x53: {  	s16 =	sadd.s32 $0x1, s16;
	_ =	swait.ge [sflag:s10], $0x4000  }
0x54: {  	p0 =	sne.s32 s16, s5;
	[sflag:s10] =	ssyncset.done $0x0  }
.Ltmp1:
0x55: {  	[sflag:s10] =	ssyncadd.s32 $0xFFFFC000;
	(pc) =	sbr.rel @p0 .LBB2_1-.Ltmp1, $4  }
0x56: {  	[hbm4b:s17+s2] =	stream.linear.scatter [tilespmem:s13], [sflag:$0x3], $0x4000, $0x38;
	[tilespmem:$0x8100] =	vst v63  }
0x57: {  	_ =	swait.ge [sflag:s10], $0x4000  }
0x58: {  	[sflag:s10] =	ssyncset.done $0x0  }
0x59: {  	[sflag:s10] =	ssyncadd.s32 $0xFFFFC000  }
0x5a: {  	_ =	sfence.sel $0x180000  }
0x5b: {  	[bflag:$0x0] =	sbarrier.arrive $0xFFFF  }
0x5c: {  	p0 =	sne.s32 s1, $0x0;
	_ =	strace $0x9000005C  }
0x5d: {  	s0 =	sadd.s32 @!p0 $0x100000, s0;
	[bflag:$0x2] =	sbarrier.arrive $0xFFFF  }
0x5e: {  	[sflag:s0] =	ssyncadd.tile.s32 @!p0 $0x1;
	_ =	shalt  }
.Lfunc_end2:
_tile_overlayer_lowered:
.L_overlay_start_2:
0x5f: {  	(tag) =	ssettag $0x2  }
0x60: {  	s0 =	rddreg [dreg:$0x0];
	s2 =	stileid.u32  }
0x61: {  	s1 =	rddreg [dreg:$0x1];
	p0 =	sne.s32 s2, $0x0  }
0x62: {  	s3 =	rddreg [dreg:$0x2];
	[bflag:$0x3] =	sbarrier.arrive $0xFFFF;
	s2 =	simm.s32 @!p0 $0x1C03  }
0x63: {  	[timem:s3], [sflag:s2] =	dma.local @!p0 [hbm:s0], s1  }
0x64: {  	s0 =	simm.s32 @!p0 $0x3  }
0x65: {  	_ =	swait.ge @!p0 [sflag:s0], s1  }
0x66: {  	s1 =	ssub.s32 @!p0 $0x0, s1;
	[sflag:s0] =	ssyncset.done @!p0 $0x0  }
0x67: {  	[sflag:s0] =	ssyncadd.s32 @!p0 s1  }
0x68: {  	[bflag:$0x3] =	sbarrier.arrive $0xFFFF  }
0x69: {  	_ =	shalt  }

// kernel: kernel.33.cloned.1.call-start
scs
__scs_entry_jumppad:
0x0: {  	(pc) =	sbr.rel $0x88, $3  }
0x1: {  	(tag) =	ssettag $0x0;
	lr =	simm.s32 $0x1  }
0x2: {  	[smem:$0x3F77] =	sst lr;
	_ =	strace $0xD0000000  }
0x3: {  	_ = 	snop  }
0x4: {  	_ = 	snop  }
0x5: {  	_ = 	snop  }
0x6: {  	_ = 	snop  }
0x7: {  	_ = 	snop  }
__scs_overlays_trampoline_lowered:
0x8: {  	[smem:$0x3F86] =	sst s0  }
0x9: {  	[smem:$0x3F87] =	sst s1  }
0xa: {  	[smem:$0x3F88] =	sst s2  }
0xb: {  	[smem:$0x3F89] =	sst s3  }
0xc: {  	[smem:$0x3F8A] =	sst s4  }
0xd: {  	[smem:$0x3F8B] =	sst s5  }
0xe: {  	[smem:$0x3F8C] =	sst s6  }
0xf: {  	[smem:$0x3F8D] =	sst s7  }
0x10: {  	[smem:$0x3F8E] =	sst s8  }
0x11: {  	[smem:$0x3F8F] =	sst s9;
	s0 =	simm.s32 @!p0 $0x0  }
0x12: {  	s1 =	sld [smem:$0x3F75];
	s0 =	simm.s32 @p0 $0x1  }
0x13: {  	[smem:$0x3F90] =	sst s0;
	s0 =	simm.s32 @!p1 $0x0  }
0x14: {  	s2 =	sld [smem:$0x3F74];
	s0 =	simm.s32 @p1 $0x1  }
0x15: {  	[smem:$0x3F91] =	sst s0;
	s0 =	simm.s32 @!p2 $0x0  }
0x16: {  	s3 =	sld [smem:$0x3FDB];
	s0 =	simm.s32 @p2 $0x1  }
0x17: {  	s4 =	simm.s32 $0x1BF5;
	[smem:$0x3F93] =	sst s0  }
0x18: {  	s0 =	sld [smem:$0x3F76];
	_ =	swait.ge [sflag:s4], $0x0  }
0x19: {  	s7 =	sld [smem:$0x3F77]  }
0x1a: {  	s8 =	sadd.s32 $0xFFFFE003, lr  }
0x1b: {  	s9 =	sadd.s32 $0xFFFFFEF7, lr;
	s5 =	simm.s32 $0xFFFFFFFF;
	p2 =	slt.u32 s8, $0xFFFFF086  }
0x1c: {  	p1 =	slt.u32 s9, $0xF7A;
	s5 =	simm.s32 @!p2 $0x0  }
0x1d: {  	s5 =	simm.s32 @p1 $0x1;
	p0 =	seq.s32 s7, s2  }
0x1e: {  	s7 =	smul.u32 @!p0 $0xF7A, s2;
	p2 =	seq.s32 @!p0 s5, $0x0  }
0x1f: {  	s9 =	smul.u32 $0xF7A, s1;
	s8 =	simm.s32 @!p0 $0x1BF5;
	p2 =	por !p2, p0  }
0x20: {  	[sflag:s8] =	ssyncset.s32 @!p0 $0xFFFFF086;
	s6 =	sadd.s32 @!p0 s3, s7;
	s7 =	simm.s32 @!p0 $0x108  }
0x21: {  	s3 =	sadd.s32 s3, s9;
	s6 =	sadd.s32 @!p0 $0x88, s6;
	s7 =	simm.s32 @p2 $0x1082  }
0x22: {  	[simem:s7], [sflag:s8] =	dma.local @!p0 [hbm:s6], $0xF7A  }
0x23: {  	s9 =	sor.u32 $0xD0000000, s2;
	s6 =	simm.s32 $0x108;
	_ =	swait.ge @!p0 [sflag:s8], $0x0  }
0x24: {  	s3 =	sadd.s32 $0x88, s3;
	s6 =	simm.s32 @!p1 $0x1082;
	[sflag:s4] =	ssyncset.s32 $0xFFFFF086  }
0x25: {  	[simem:s6], [sflag:s4] =	dma.local [hbm:s3], $0xF7A  }
0x26: {  	[smem:$0x3F77] =	sst s1;
	(tag) =	ssettag s2;
	_ =	strace s9  }
0x27: {  	s1 =	sld [smem:$0x3F87]  }
0x28: {  	s2 =	sld [smem:$0x3F88]  }
0x29: {  	s4 =	sld [smem:$0x3F8A]  }
0x2a: {  	p0 =	seq.s32 s5, $0x0;
	s5 =	sld [smem:$0x3F8B]  }
0x2b: {  	s6 =	sld [smem:$0x3F8C]  }
0x2c: {  	s7 =	sld [smem:$0x3F8D]  }
0x2d: {  	s3 =	simm.s32 $0x108;
	s8 =	sld [smem:$0x3F8E]  }
0x2e: {  	s3 =	simm.s32 @!p0 $0x1082;
	s9 =	sld [smem:$0x3F8F]  }
0x2f: {  	lr =	sadd.s32 s0, s3;
	s0 =	sld [smem:$0x3F86]  }
0x30: {  	s3 =	sld [smem:$0x3F89]  }
0x31: {  	[smem:$0x3F92] =	sst s10  }
0x32: {  	s10 =	sld [smem:$0x3F90];
	_ =	sdelay $0x3  }
0x33: {  	p0 =	seq.s32 s10, $0x1;
	s10 =	sld [smem:$0x3F92];
	_ =	sdelay $0x3  }
0x34: {  	[smem:$0x3F92] =	sst s10  }
0x35: {  	s10 =	sld [smem:$0x3F91];
	_ =	sdelay $0x3  }
0x36: {  	p1 =	seq.s32 s10, $0x1;
	s10 =	sld [smem:$0x3F92];
	_ =	sdelay $0x3  }
0x37: {  	[smem:$0x3F92] =	sst s10  }
0x38: {  	s10 =	sld [smem:$0x3F93]  }
0x39: {  	_ = 	snop;
	(pc) =	sbr.ind lr, $3  }
0x3a: {  	_ = 	snop  }
0x3b: {  	_ = 	snop  }
0x3c: {  	p2 =	seq.s32 s10, $0x1;
	s10 =	sld [smem:$0x3F92]  }
0x3d: {  	_ =	shalt  }
0x3e: {  	_ =	shalt  }
0x3f: {  	_ =	shalt  }
0x40: {  	_ =	shalt  }
0x41: {  	_ =	shalt  }
0x42: {  	_ =	shalt  }
0x43: {  	_ =	shalt  }
0x44: {  	_ =	shalt  }
0x45: {  	_ =	shalt  }
0x46: {  	_ =	shalt  }
0x47: {  	_ =	shalt  }
0x48: {  	_ =	shalt  }
0x49: {  	_ =	shalt  }
0x4a: {  	_ =	shalt  }
0x4b: {  	_ =	shalt  }
0x4c: {  	_ =	shalt  }
0x4d: {  	_ =	shalt  }
0x4e: {  	_ =	shalt  }
0x4f: {  	_ =	shalt  }
0x50: {  	_ =	shalt  }
0x51: {  	_ =	shalt  }
0x52: {  	_ =	shalt  }
0x53: {  	_ =	shalt  }
0x54: {  	_ =	shalt  }
0x55: {  	_ =	shalt  }
0x56: {  	_ =	shalt  }
0x57: {  	_ =	shalt  }
0x58: {  	_ =	shalt  }
0x59: {  	_ =	shalt  }
0x5a: {  	_ =	shalt  }
0x5b: {  	_ =	shalt  }
0x5c: {  	_ =	shalt  }
0x5d: {  	_ =	shalt  }
0x5e: {  	_ =	shalt  }
0x5f: {  	_ =	shalt  }
0x60: {  	_ =	shalt  }
0x61: {  	_ =	shalt  }
0x62: {  	_ =	shalt  }
0x63: {  	_ =	shalt  }
0x64: {  	_ =	shalt  }
0x65: {  	_ =	shalt  }
0x66: {  	_ =	shalt  }
0x67: {  	_ =	shalt  }
0x68: {  	_ =	shalt  }
0x69: {  	_ =	shalt  }
0x6a: {  	_ =	shalt  }
0x6b: {  	_ =	shalt  }
0x6c: {  	_ =	shalt  }
0x6d: {  	_ =	shalt  }
0x6e: {  	_ =	shalt  }
0x6f: {  	_ =	shalt  }
0x70: {  	_ =	shalt  }
0x71: {  	_ =	shalt  }
0x72: {  	_ =	shalt  }
0x73: {  	_ =	shalt  }
0x74: {  	_ =	shalt  }
0x75: {  	_ =	shalt  }
0x76: {  	_ =	shalt  }
0x77: {  	_ =	shalt  }
0x78: {  	_ =	shalt  }
0x79: {  	_ =	shalt  }
0x7a: {  	_ =	shalt  }
0x7b: {  	_ =	shalt  }
0x7c: {  	_ =	shalt  }
0x7d: {  	_ =	shalt  }
0x7e: {  	_ =	shalt  }
0x7f: {  	_ =	shalt  }
0x80: {  	_ =	shalt  }
0x81: {  	_ =	shalt  }
0x82: {  	_ =	shalt  }
0x83: {  	_ =	shalt  }
0x84: {  	_ =	shalt  }
0x85: {  	_ =	shalt  }
0x86: {  	_ =	shalt  }
0x87: {  	_ =	shalt  }
.Lfunc_end0:
.L_simem_size_0:
called_computation.5_lowered:
.L_overlay_start_0:
0x88: {  	s2 =	sld [smem:$0x3FD9]  }
0x89: {  	s3 =	sld [smem:$0x3FFE];
	_ =	sdelay $0x1  }
0x8a: {  	s1 =	srdreg.scid  }
0x8b: {  	s0 =	sand.u32 $0x1, s1  }
0x8c: {  	s17 =	sshll.u32 s0, $0xA;
	s2 =	sadd.s32 s3, s2  }
0x8d: {  	s2 =	sadd.s32 s2, s17  }
0x8e: {  	[smem:$0x3F9E] =	sst s2  }
0x8f: {  	_ = 	snop  }
0x90: {  	s18 =	sld [smem:$0x3FD0];
	(tm) =	ssettm $0x1  }
0x91: {  	s19 =	sld [smem:$0x3FFB];
	_ =	sdelay $0x3  }
0x92: {  	_ =	strace s19  }
0x93: {  	s2 =	sld [smem:$0x3FFC];
	_ =	sdelay $0x3  }
0x94: {  	_ =	strace s2  }
0x95: {  	s2 =	sld [smem:$0x3FFD];
	_ =	sdelay $0x3  }
0x96: {  	_ =	strace s2  }
0x97: {  	_ =	strace $0x8FFFFFFF  }
0x98: {  	s20 =	sld [smem:$0x3FDB];
	_ =	sdelay $0x1  }
0x99: {  	s4 =	simm.s32 $_scs_section_size  }
0x9a: {  	s5 =	simm.s32 $_size__tile_overlayer_lowered;
	s6 =	simm.s32 $_tile_overlayer_lowered  }
0x9b: {  	s7 =	simm.s32 $0x1BFF;
	s21 =	sshll.u32 s6, $0x1;
	s4 =	sadd.s32 s4, s20  }
0x9c: {  	s22 =	simm.s32 $0x0;
	s5 =	sshll.u32 s5, $0x1;
	s6 =	sadd.s32 s21, s4  }
0x9d: {  	[timem:s22], [sflag:s7] =	dma.local [hbm:s6], s5  }
0x9e: {  	_ =	swait.ge [sflag:s7], s5  }
0x9f: {  	s5 =	ssub.s32 $0x0, s5;
	[sflag:s7] =	ssyncset.done $0x0  }
0xa0: {  	[sflag:s7] =	ssyncadd.s32 s5;
	_ =	sdelay $0x1  }
0xa1: {  	s23 =	simm.s32 $0x1B8B  }
0xa2: {  	_ =	swait.ge [sflag:s23], $0x1  }
0xa3: {  	[sflag:s23] =	ssyncset.done $0x0  }
0xa4: {  	[sflag:s23] =	ssyncadd.s32 $0xFFFFFFFF  }
0xa5: {  	s5 =	sld [smem:$0x0]  }
0xa6: {  	s6 =	sand.u32 $0xFFFFFFFE, s1  }
0xa7: {  	p0 =	sne.s32 s1, s6  }
0xa8: {  	s6 =	sshll.u32 @p0 s6, $0xE  }
0xa9: {  	s6 =	sadd.s32 @p0 $0x11B8D, s6;
	s7 =	sshll.u32 @p0 s5, $0x11  }
0xaa: {  	s6 =	sor.u32 @p0 s7, s6  }
0xab: {  	[sflag:s6] =	ssyncadd.remote.s32 @p0 $0x1;
	_ =	sdelay $0x1  }
0xac: {  	s6 =	simm.s32 @p0 $0x1B8D  }
0xad: {  	_ =	swait.eq @p0 [sflag:s6], $0x1  }
0xae: {  	[sflag:s6] =	ssyncadd.s32 @p0 $0xFFFFFFFF  }
0xaf: {  	s7 =	sshll.u32 @!p0 s1, $0xE  }
0xb0: {  	s7 =	sor.u32 @!p0 $0x4000, s7;
	s6 =	simm.s32 @!p0 $0x1B8D  }
0xb1: {  	s5 =	sshll.u32 @!p0 s5, $0x11;
	s7 =	sadd.s32 @!p0 $0x11B8D, s7;
	_ =	swait.eq @!p0 [sflag:s6], $0x1  }
0xb2: {  	s5 =	sor.u32 @!p0 s5, s7;
	[sflag:s6] =	ssyncadd.s32 @!p0 $0xFFFFFFFF  }
0xb3: {  	s25 =	simm.s32 $0x1B8E;
	s24 =	sld [smem:$0x3FFE];
	[sflag:s5] =	ssyncadd.remote.s32 @!p0 $0x1  }
0xb4: {  	s26 =	simm.s32 $execute0_lowered;
	[smem:$0x3FD2] =	sst s25  }
0xb5: {  	s6 =	sshll.u32 s26, $0x1;
	_ =	strace $0x80000058;
	[dreg:$0x1] =	wrdreg $0xFFFFFFFF  }
0xb6: {  	s28 =	simm.s32 $_size_execute0_lowered;
	s4 =	sadd.s32 s4, s6;
	[dreg:$0x0] =	wrdreg $0x0  }
0xb7: {  	s6 =	sshll.u32 s28, $0x1;
	[dreg:$0x2] =	wrdreg s4  }
0xb8: {  	[dreg:$0x3] =	wrdreg s6  }
0xb9: {  	[dreg:$0x4] =	wrdreg $0xC0  }
0xba: {  	_ =	task [dreg:s22], $0x5FFFF  }
0xbb: {  	[dreg:$0x1] =	wrdreg $0xFFFFFFFF  }
0xbc: {  	[dreg:$0x0] =	wrdreg $0x60  }
0xbd: {  	[dreg:$0x2] =	wrdreg s24  }
0xbe: {  	[dreg:$0x3] =	wrdreg s18  }
0xbf: {  	[dreg:$0x4] =	wrdreg $0xA  }
0xc0: {  	_ =	task.clear_ibuf [dreg:s22], $0x5FFFF;
	_ =	strace $0x90000058  }
0xc1: {  	s29 =	simm.s32 $0xA;
	_ =	strace $0x8000005A  }
0xc2: {  	_ =	swait.ge [sflag:s29], $0x1  }
0xc3: {  	[sflag:s29] =	ssyncadd.s32 $0xFFFFFFFF  }
0xc4: {  	_ =	strace $0x9000005A  }
0xc5: {  	_ =	sfence  }
0xc6: {  	s30 =	sld [smem:$0x0];
	_ =	sdelay $0x2  }
0xc7: {  	s31 =	sshll.u32 s1, $0xD;
	s1 =	sshrl.u32 s1, $0x2  }
0xc8: {  	s4 =	sand.u32 $0x4000, s31;
	s1 =	sadd.s32 s1, s30  }
0xc9: {  	s0 =	sor.u32 s4, s0;
	s1 =	sshll.u32 s1, $0x11  }
0xca: {  	s0 =	sor.u32 s1, s0  }
0xcb: {  	s0 =	sadd.s32 $0x8F2B, s0  }
0xcc: {  	[sflag:s0] =	ssyncadd.remote.s32 $0x1  }
0xcd: {  	_ =	sfence.sel $0xFFFF  }
0xce: {  	[dreg:$0x0] =	wrdreg $0xFFFFFFFF;
	(pc) =	sbr.abs _section_cstart, $3  }
0xcf: {  	[dreg:$0x1] =	wrdreg $0xFFFFFFFF  }
0xd0: {  	_ =	task.clear_ibuf [dreg:s22], $0x2FFFF;
	_ =	strace $0x9FFFFFFF  }
0xd1: {  	(tm) =	ssettm $0x7FFFFFFF  }
tec
execute0_lowered:
.L_overlay_start_1:
0x0: {  	(tag) =	ssettag $0x1  }
0x1: {  	s5 =	rddreg [dreg:$0x0]  }
0x2: {  	s8 =	rddreg [dreg:$0x1]  }
0x3: {  	s0 =	rddreg [dreg:$0x2];
	s2 =	simm.s32 $0x0;
	s3 =	srdreg.scid  }
0x4: {  	s1 =	stileid.u32;
	s13 =	simm.s32 $0x4100;
	s14 =	simm.s32 $0x1  }
0x5: {  	s15 =	simm.s32 $0x2;
	s16 =	simm.s32 $0x0;
	s7 =	smul.u32 $0x1400, s1  }
0x6: {  	[smem:$0x7FF] =	sst s2;
	s6 =	sand.u32 $0x1, s3;
	s10 =	smul.u32 $0x14000, s1  }
0x7: {  	s3 =	sadd.s32 $0x19A00, s5;
	s4 =	sadd.s32 $0x40C00, s5;
	s9 =	smul.u32 $0xA00, s6  }
0x8: {  	_ =	strace $0x80000059;
	s28 =	ssub.s32 $0x2, s6;
	s6 =	smul.u32 $0xA000, s6  }
0x9: {  	s29 =	sadd.s32 s10, s5;
	s30 =	sshrl.u32 s28, $0x1;
	s7 =	sadd.s32 s9, s7  }
0xa: {  	s10 =	simm.s32 $0x3;
	s31 =	ssub.s32 s28, s30;
	s11 =	sshrl.u32 s7, $0x3  }
0xb: {  	s7 =	sadd.s32 s6, s29;
	s12 =	sadd.s32 s11, s5;
	s5 =	smax.u32 s31, $0x1  }
0xc: {  	s6 =	sadd.s32 $0x567E00, s7;
	s7 =	sadd.s32 $0x6A7E00, s7;
	s8 =	sadd.s32 s11, s8  }
0xd: {  	s11 =	simm.s32 $0x80;
	s9 =	sadd.s32 $0x17200, s12;
	s12 =	simm.s32 $0x100  }
.LBB2_1:
0xe: {  	s17 =	sadd.s32 $0x0, s9  }
0xf: {  	[tilespmem:s2], [sflag:$0x3] =	stream.linear.gather [hbm4b:s17+s2], $0x80, $0x38;
	[tilespmem:$0x8100] =	vst v63  }
0x10: {  	_ =	swait.ge [sflag:s10], $0x80  }
0x11: {  	[sflag:s10] =	ssyncset.done $0x0  }
0x12: {  	s31 =	sadd.s32 $0x0, s8;
	[sflag:s10] =	ssyncadd.s32 $0xFFFFFF80  }
0x13: {  	[tilespmem:s11], [sflag:$0x3] =	stream.linear.gather [hbm4b:s31+s2], $0x80, $0x38;
	[tilespmem:$0x8100] =	vst v63  }
0x14: {  	_ =	swait.ge [sflag:s10], $0x80  }
0x15: {  	[sflag:s10] =	ssyncset.done $0x0  }
0x16: {  	[sflag:s10] =	ssyncadd.s32 $0xFFFFFF80  }
0x17: {  	[tilespmem:s12], [sflag:$0x1] =	stream.indirect.gather [hbm4b:s3+s11], $0x80, s2, s11, $0xb8;
	[tilespmem:$0x8100] =	vst v63  }
0x18: {  	_ = 	snop  }
0x19: {  	[tilespmem:s13], [sflag:$0x2] =	stream.indirect.gather [hbm4b:s4+s11], $0x80, s11, s11, $0xb8;
	[tilespmem:$0x8100] =	vst v63  }
0x1a: {  	_ =	swait.ge [sflag:s14], $0x4000  }
0x1b: {  	[sflag:s14] =	ssyncset.done $0x0  }
0x1c: {  	[sflag:s14] =	ssyncadd.s32 $0xFFFFC000  }
0x1d: {  	_ =	swait.ge [sflag:s15], $0x4000  }
0x1e: {  	[sflag:s15] =	ssyncset.done $0x0  }
0x1f: {  	[sflag:s15] =	ssyncadd.s32 $0xFFFFC000  }
0x20: {  	[hbm4b:s6+s2] =	stream.linear.scatter [tilespmem:s12], [sflag:$0x3], $0x4000, $0x38;
	[tilespmem:$0x8100] =	vst v63  }
0x21: {  	_ =	swait.ge [sflag:s10], $0x4000  }
0x22: {  	[sflag:s10] =	ssyncset.done $0x0  }
0x23: {  	[sflag:s10] =	ssyncadd.s32 $0xFFFFC000  }
0x24: {  	[hbm4b:s7+s2] =	stream.linear.scatter [tilespmem:s13], [sflag:$0x3], $0x4000, $0x38;
	[tilespmem:$0x8100] =	vst v63  }
0x25: {  	s19 =	simm.s32 $0x10;
	s20 =	simm.s32 $0x20;
	_ =	swait.ge [sflag:s10], $0x4000  }
0x26: {  	s18 =	sadd.s32 $0x800, s6;
	s17 =	sadd.s32 $0x800, s7;
	[sflag:s10] =	ssyncset.done $0x0  }
.LBB2_2:
0x27: {  	s21 =	sadd.s32 s19, s9  }
0x28: {  	[sflag:s10] =	ssyncadd.s32 $0xFFFFC000;
	s22 =	smov.u32 s20;
	s23 =	sadd.s32 $0x10, s20  }
0x29: {  	[tilespmem:s2], [sflag:$0x3] =	stream.linear.gather [hbm4b:s21+s2], $0x80, $0x38;
	[tilespmem:$0x8100] =	vst v63  }
0x2a: {  	p0 =	sne.s32 s20, $0x130;
	_ =	swait.ge [sflag:s10], $0x80  }
0x2b: {  	[sflag:s10] =	ssyncset.done $0x0  }
0x2c: {  	s20 =	sadd.s32 s19, s8;
	s19 =	smov.u32 s22;
	[sflag:s10] =	ssyncadd.s32 $0xFFFFFF80  }
0x2d: {  	[tilespmem:s11], [sflag:$0x3] =	stream.linear.gather [hbm4b:s20+s2], $0x80, $0x38;
	[tilespmem:$0x8100] =	vst v63  }
0x2e: {  	_ =	swait.ge [sflag:s10], $0x80  }
0x2f: {  	[sflag:s10] =	ssyncset.done $0x0  }
0x30: {  	[sflag:s10] =	ssyncadd.s32 $0xFFFFFF80  }
0x31: {  	[tilespmem:s12], [sflag:$0x1] =	stream.indirect.gather [hbm4b:s3+s11], $0x80, s2, s11, $0xb8;
	[tilespmem:$0x8100] =	vst v63  }
0x32: {  	_ = 	snop  }
0x33: {  	[tilespmem:s13], [sflag:$0x2] =	stream.indirect.gather [hbm4b:s4+s11], $0x80, s11, s11, $0xb8;
	[tilespmem:$0x8100] =	vst v63  }
0x34: {  	_ =	swait.ge [sflag:s14], $0x4000  }
0x35: {  	[sflag:s14] =	ssyncset.done $0x0  }
0x36: {  	[sflag:s14] =	ssyncadd.s32 $0xFFFFC000  }
0x37: {  	_ =	swait.ge [sflag:s15], $0x4000  }
0x38: {  	[sflag:s15] =	ssyncset.done $0x0  }
0x39: {  	[sflag:s15] =	ssyncadd.s32 $0xFFFFC000  }
0x3a: {  	[hbm4b:s18+s2] =	stream.linear.scatter [tilespmem:s12], [sflag:$0x3], $0x4000, $0x38;
	[tilespmem:$0x8100] =	vst v63  }
0x3b: {  	_ =	swait.ge [sflag:s10], $0x4000  }
.Ltmp0:
0x3c: {  	[sflag:s10] =	ssyncset.done $0x0;
	(pc) =	sbr.rel @p0 .LBB2_2-.Ltmp0, $4  }
0x3d: {  	[sflag:s10] =	ssyncadd.s32 $0xFFFFC000  }
0x3e: {  	[hbm4b:s17+s2] =	stream.linear.scatter [tilespmem:s13], [sflag:$0x3], $0x4000, $0x38;
	[tilespmem:$0x8100] =	vst v63  }
0x3f: {  	s20 =	smov.u32 s23;
	_ =	swait.ge [sflag:s10], $0x4000  }
0x40: {  	s18 =	sadd.s32 $0x800, s18;
	s17 =	sadd.s32 $0x800, s17;
	[sflag:s10] =	ssyncset.done $0x0  }
0x41: {  	s20 =	sadd.s32 s19, s9;
	[sflag:s10] =	ssyncadd.s32 $0xFFFFC000  }
0x42: {  	[tilespmem:s2], [sflag:$0x3] =	stream.linear.gather [hbm4b:s20+s2], $0x80, $0x38;
	[tilespmem:$0x8100] =	vst v63  }
0x43: {  	_ =	swait.ge [sflag:s10], $0x80  }
0x44: {  	[sflag:s10] =	ssyncset.done $0x0  }
0x45: {  	s31 =	sadd.s32 s19, s8;
	[sflag:s10] =	ssyncadd.s32 $0xFFFFFF80  }
0x46: {  	[tilespmem:s11], [sflag:$0x3] =	stream.linear.gather [hbm4b:s31+s2], $0x80, $0x38;
	[tilespmem:$0x8100] =	vst v63  }
0x47: {  	_ =	swait.ge [sflag:s10], $0x80  }
0x48: {  	[sflag:s10] =	ssyncset.done $0x0  }
0x49: {  	[sflag:s10] =	ssyncadd.s32 $0xFFFFFF80  }
0x4a: {  	[tilespmem:s12], [sflag:$0x1] =	stream.indirect.gather [hbm4b:s3+s11], $0x80, s2, s11, $0xb8;
	[tilespmem:$0x8100] =	vst v63  }
0x4b: {  	_ = 	snop  }
0x4c: {  	[tilespmem:s13], [sflag:$0x2] =	stream.indirect.gather [hbm4b:s4+s11], $0x80, s11, s11, $0xb8;
	[tilespmem:$0x8100] =	vst v63  }
0x4d: {  	_ =	swait.ge [sflag:s14], $0x4000  }
0x4e: {  	[sflag:s14] =	ssyncset.done $0x0  }
0x4f: {  	[sflag:s14] =	ssyncadd.s32 $0xFFFFC000  }
0x50: {  	_ =	swait.ge [sflag:s15], $0x4000  }
0x51: {  	[sflag:s15] =	ssyncset.done $0x0  }
0x52: {  	[sflag:s15] =	ssyncadd.s32 $0xFFFFC000  }
0x53: {  	[hbm4b:s18+s2] =	stream.linear.scatter [tilespmem:s12], [sflag:$0x3], $0x4000, $0x38;
	[tilespmem:$0x8100] =	vst v63  }
0x54: {  	s16 =	sadd.s32 $0x1, s16;
	_ =	swait.ge [sflag:s10], $0x4000  }
0x55: {  	p0 =	sne.s32 s16, s5;
	[sflag:s10] =	ssyncset.done $0x0  }
.Ltmp1:
0x56: {  	[sflag:s10] =	ssyncadd.s32 $0xFFFFC000;
	(pc) =	sbr.rel @p0 .LBB2_1-.Ltmp1, $4  }
0x57: {  	[hbm4b:s17+s2] =	stream.linear.scatter [tilespmem:s13], [sflag:$0x3], $0x4000, $0x38;
	[tilespmem:$0x8100] =	vst v63  }
0x58: {  	_ =	swait.ge [sflag:s10], $0x4000  }
0x59: {  	[sflag:s10] =	ssyncset.done $0x0  }
0x5a: {  	[sflag:s10] =	ssyncadd.s32 $0xFFFFC000  }
0x5b: {  	_ =	sfence.sel $0x180000  }
0x5c: {  	[bflag:$0x0] =	sbarrier.arrive $0xFFFF  }
0x5d: {  	p0 =	sne.s32 s1, $0x0;
	_ =	strace $0x90000059  }
0x5e: {  	s0 =	sadd.s32 @!p0 $0x100000, s0;
	[bflag:$0x2] =	sbarrier.arrive $0xFFFF  }
0x5f: {  	[sflag:s0] =	ssyncadd.tile.s32 @!p0 $0x1;
	_ =	shalt  }
.Lfunc_end2:
_tile_overlayer_lowered:
.L_overlay_start_2:
0x60: {  	(tag) =	ssettag $0x2  }
0x61: {  	s0 =	rddreg [dreg:$0x0];
	s2 =	stileid.u32  }
0x62: {  	s1 =	rddreg [dreg:$0x1];
	p0 =	sne.s32 s2, $0x0  }
0x63: {  	s3 =	rddreg [dreg:$0x2];
	[bflag:$0x3] =	sbarrier.arrive $0xFFFF;
	s2 =	simm.s32 @!p0 $0x1C03  }
0x64: {  	[timem:s3], [sflag:s2] =	dma.local @!p0 [hbm:s0], s1  }
0x65: {  	s0 =	simm.s32 @!p0 $0x3  }
0x66: {  	_ =	swait.ge @!p0 [sflag:s0], s1  }
0x67: {  	s1 =	ssub.s32 @!p0 $0x0, s1;
	[sflag:s0] =	ssyncset.done @!p0 $0x0  }
0x68: {  	[sflag:s0] =	ssyncadd.s32 @!p0 s1  }
0x69: {  	[bflag:$0x3] =	sbarrier.arrive $0xFFFF  }
0x6a: {  	_ =	shalt  }

// kernel: kernel.36.cloned.1.call-start
scs
__scs_entry_jumppad:
0x0: {  	(pc) =	sbr.rel $0x88, $3  }
0x1: {  	(tag) =	ssettag $0x0;
	lr =	simm.s32 $0x1  }
0x2: {  	[smem:$0x3F77] =	sst lr;
	_ =	strace $0xD0000000  }
0x3: {  	_ = 	snop  }
0x4: {  	_ = 	snop  }
0x5: {  	_ = 	snop  }
0x6: {  	_ = 	snop  }
0x7: {  	_ = 	snop  }
__scs_overlays_trampoline_lowered:
0x8: {  	[smem:$0x3F86] =	sst s0  }
0x9: {  	[smem:$0x3F87] =	sst s1  }
0xa: {  	[smem:$0x3F88] =	sst s2  }
0xb: {  	[smem:$0x3F89] =	sst s3  }
0xc: {  	[smem:$0x3F8A] =	sst s4  }
0xd: {  	[smem:$0x3F8B] =	sst s5  }
0xe: {  	[smem:$0x3F8C] =	sst s6  }
0xf: {  	[smem:$0x3F8D] =	sst s7  }
0x10: {  	[smem:$0x3F8E] =	sst s8  }
0x11: {  	[smem:$0x3F8F] =	sst s9;
	s0 =	simm.s32 @!p0 $0x0  }
0x12: {  	s1 =	sld [smem:$0x3F75];
	s0 =	simm.s32 @p0 $0x1  }
0x13: {  	[smem:$0x3F90] =	sst s0;
	s0 =	simm.s32 @!p1 $0x0  }
0x14: {  	s2 =	sld [smem:$0x3F74];
	s0 =	simm.s32 @p1 $0x1  }
0x15: {  	[smem:$0x3F91] =	sst s0;
	s0 =	simm.s32 @!p2 $0x0  }
0x16: {  	s3 =	sld [smem:$0x3FDB];
	s0 =	simm.s32 @p2 $0x1  }
0x17: {  	s4 =	simm.s32 $0x1BF5;
	[smem:$0x3F93] =	sst s0  }
0x18: {  	s0 =	sld [smem:$0x3F76];
	_ =	swait.ge [sflag:s4], $0x0  }
0x19: {  	s7 =	sld [smem:$0x3F77]  }
0x1a: {  	s8 =	sadd.s32 $0xFFFFE003, lr  }
0x1b: {  	s9 =	sadd.s32 $0xFFFFFEF7, lr;
	s5 =	simm.s32 $0xFFFFFFFF;
	p2 =	slt.u32 s8, $0xFFFFF086  }
0x1c: {  	p1 =	slt.u32 s9, $0xF7A;
	s5 =	simm.s32 @!p2 $0x0  }
0x1d: {  	s5 =	simm.s32 @p1 $0x1;
	p0 =	seq.s32 s7, s2  }
0x1e: {  	s7 =	smul.u32 @!p0 $0xF7A, s2;
	p2 =	seq.s32 @!p0 s5, $0x0  }
0x1f: {  	s9 =	smul.u32 $0xF7A, s1;
	s8 =	simm.s32 @!p0 $0x1BF5;
	p2 =	por !p2, p0  }
0x20: {  	[sflag:s8] =	ssyncset.s32 @!p0 $0xFFFFF086;
	s6 =	sadd.s32 @!p0 s3, s7;
	s7 =	simm.s32 @!p0 $0x108  }
0x21: {  	s3 =	sadd.s32 s3, s9;
	s6 =	sadd.s32 @!p0 $0x88, s6;
	s7 =	simm.s32 @p2 $0x1082  }
0x22: {  	[simem:s7], [sflag:s8] =	dma.local @!p0 [hbm:s6], $0xF7A  }
0x23: {  	s9 =	sor.u32 $0xD0000000, s2;
	s6 =	simm.s32 $0x108;
	_ =	swait.ge @!p0 [sflag:s8], $0x0  }
0x24: {  	s3 =	sadd.s32 $0x88, s3;
	s6 =	simm.s32 @!p1 $0x1082;
	[sflag:s4] =	ssyncset.s32 $0xFFFFF086  }
0x25: {  	[simem:s6], [sflag:s4] =	dma.local [hbm:s3], $0xF7A  }
0x26: {  	[smem:$0x3F77] =	sst s1;
	(tag) =	ssettag s2;
	_ =	strace s9  }
0x27: {  	s1 =	sld [smem:$0x3F87]  }
0x28: {  	s2 =	sld [smem:$0x3F88]  }
0x29: {  	s4 =	sld [smem:$0x3F8A]  }
0x2a: {  	p0 =	seq.s32 s5, $0x0;
	s5 =	sld [smem:$0x3F8B]  }
0x2b: {  	s6 =	sld [smem:$0x3F8C]  }
0x2c: {  	s7 =	sld [smem:$0x3F8D]  }
0x2d: {  	s3 =	simm.s32 $0x108;
	s8 =	sld [smem:$0x3F8E]  }
0x2e: {  	s3 =	simm.s32 @!p0 $0x1082;
	s9 =	sld [smem:$0x3F8F]  }
0x2f: {  	lr =	sadd.s32 s0, s3;
	s0 =	sld [smem:$0x3F86]  }
0x30: {  	s3 =	sld [smem:$0x3F89]  }
0x31: {  	[smem:$0x3F92] =	sst s10  }
0x32: {  	s10 =	sld [smem:$0x3F90];
	_ =	sdelay $0x3  }
0x33: {  	p0 =	seq.s32 s10, $0x1;
	s10 =	sld [smem:$0x3F92];
	_ =	sdelay $0x3  }
0x34: {  	[smem:$0x3F92] =	sst s10  }
0x35: {  	s10 =	sld [smem:$0x3F91];
	_ =	sdelay $0x3  }
0x36: {  	p1 =	seq.s32 s10, $0x1;
	s10 =	sld [smem:$0x3F92];
	_ =	sdelay $0x3  }
0x37: {  	[smem:$0x3F92] =	sst s10  }
0x38: {  	s10 =	sld [smem:$0x3F93]  }
0x39: {  	_ = 	snop;
	(pc) =	sbr.ind lr, $3  }
0x3a: {  	_ = 	snop  }
0x3b: {  	_ = 	snop  }
0x3c: {  	p2 =	seq.s32 s10, $0x1;
	s10 =	sld [smem:$0x3F92]  }
0x3d: {  	_ =	shalt  }
0x3e: {  	_ =	shalt  }
0x3f: {  	_ =	shalt  }
0x40: {  	_ =	shalt  }
0x41: {  	_ =	shalt  }
0x42: {  	_ =	shalt  }
0x43: {  	_ =	shalt  }
0x44: {  	_ =	shalt  }
0x45: {  	_ =	shalt  }
0x46: {  	_ =	shalt  }
0x47: {  	_ =	shalt  }
0x48: {  	_ =	shalt  }
0x49: {  	_ =	shalt  }
0x4a: {  	_ =	shalt  }
0x4b: {  	_ =	shalt  }
0x4c: {  	_ =	shalt  }
0x4d: {  	_ =	shalt  }
0x4e: {  	_ =	shalt  }
0x4f: {  	_ =	shalt  }
0x50: {  	_ =	shalt  }
0x51: {  	_ =	shalt  }
0x52: {  	_ =	shalt  }
0x53: {  	_ =	shalt  }
0x54: {  	_ =	shalt  }
0x55: {  	_ =	shalt  }
0x56: {  	_ =	shalt  }
0x57: {  	_ =	shalt  }
0x58: {  	_ =	shalt  }
0x59: {  	_ =	shalt  }
0x5a: {  	_ =	shalt  }
0x5b: {  	_ =	shalt  }
0x5c: {  	_ =	shalt  }
0x5d: {  	_ =	shalt  }
0x5e: {  	_ =	shalt  }
0x5f: {  	_ =	shalt  }
0x60: {  	_ =	shalt  }
0x61: {  	_ =	shalt  }
0x62: {  	_ =	shalt  }
0x63: {  	_ =	shalt  }
0x64: {  	_ =	shalt  }
0x65: {  	_ =	shalt  }
0x66: {  	_ =	shalt  }
0x67: {  	_ =	shalt  }
0x68: {  	_ =	shalt  }
0x69: {  	_ =	shalt  }
0x6a: {  	_ =	shalt  }
0x6b: {  	_ =	shalt  }
0x6c: {  	_ =	shalt  }
0x6d: {  	_ =	shalt  }
0x6e: {  	_ =	shalt  }
0x6f: {  	_ =	shalt  }
0x70: {  	_ =	shalt  }
0x71: {  	_ =	shalt  }
0x72: {  	_ =	shalt  }
0x73: {  	_ =	shalt  }
0x74: {  	_ =	shalt  }
0x75: {  	_ =	shalt  }
0x76: {  	_ =	shalt  }
0x77: {  	_ =	shalt  }
0x78: {  	_ =	shalt  }
0x79: {  	_ =	shalt  }
0x7a: {  	_ =	shalt  }
0x7b: {  	_ =	shalt  }
0x7c: {  	_ =	shalt  }
0x7d: {  	_ =	shalt  }
0x7e: {  	_ =	shalt  }
0x7f: {  	_ =	shalt  }
0x80: {  	_ =	shalt  }
0x81: {  	_ =	shalt  }
0x82: {  	_ =	shalt  }
0x83: {  	_ =	shalt  }
0x84: {  	_ =	shalt  }
0x85: {  	_ =	shalt  }
0x86: {  	_ =	shalt  }
0x87: {  	_ =	shalt  }
.Lfunc_end0:
.L_simem_size_0:
called_computation.6_lowered:
.L_overlay_start_0:
0x88: {  	s2 =	sld [smem:$0x3FD9]  }
0x89: {  	s3 =	sld [smem:$0x3FFE];
	_ =	sdelay $0x1  }
0x8a: {  	s1 =	srdreg.scid  }
0x8b: {  	s0 =	sand.u32 $0x1, s1  }
0x8c: {  	s17 =	sshll.u32 s0, $0xA;
	s2 =	sadd.s32 s3, s2  }
0x8d: {  	s2 =	sadd.s32 s2, s17  }
0x8e: {  	[smem:$0x3F9E] =	sst s2  }
0x8f: {  	_ = 	snop  }
0x90: {  	(tm) =	ssettm $0x1  }
0x91: {  	s18 =	sld [smem:$0x3FFB];
	_ =	sdelay $0x3  }
0x92: {  	_ =	strace s18  }
0x93: {  	s2 =	sld [smem:$0x3FFC];
	_ =	sdelay $0x3  }
0x94: {  	_ =	strace s2  }
0x95: {  	s2 =	sld [smem:$0x3FFD];
	_ =	sdelay $0x3  }
0x96: {  	_ =	strace s2  }
0x97: {  	_ =	strace $0x8FFFFFFF  }
0x98: {  	s19 =	sld [smem:$0x3FDB];
	_ =	sdelay $0x1  }
0x99: {  	s20 =	simm.s32 $_scs_section_size  }
0x9a: {  	s4 =	simm.s32 $_size__tile_overlayer_lowered;
	s5 =	simm.s32 $_tile_overlayer_lowered  }
0x9b: {  	s6 =	simm.s32 $0x1BFF;
	s21 =	sshll.u32 s5, $0x1;
	s3 =	sadd.s32 s20, s19  }
0x9c: {  	s22 =	simm.s32 $0x0;
	s4 =	sshll.u32 s4, $0x1;
	s5 =	sadd.s32 s21, s3  }
0x9d: {  	[timem:s22], [sflag:s6] =	dma.local [hbm:s5], s4  }
0x9e: {  	_ =	swait.ge [sflag:s6], s4  }
0x9f: {  	s4 =	ssub.s32 $0x0, s4;
	[sflag:s6] =	ssyncset.done $0x0  }
0xa0: {  	[sflag:s6] =	ssyncadd.s32 s4;
	_ =	sdelay $0x1  }
0xa1: {  	s23 =	simm.s32 $0x1B8B  }
0xa2: {  	_ =	swait.ge [sflag:s23], $0x1  }
0xa3: {  	[sflag:s23] =	ssyncset.done $0x0  }
0xa4: {  	[sflag:s23] =	ssyncadd.s32 $0xFFFFFFFF  }
0xa5: {  	s4 =	sld [smem:$0x0]  }
0xa6: {  	s5 =	sand.u32 $0xFFFFFFFE, s1  }
0xa7: {  	p0 =	sne.s32 s1, s5  }
0xa8: {  	s5 =	sshll.u32 @p0 s5, $0xE  }
0xa9: {  	s5 =	sadd.s32 @p0 $0x11B8D, s5;
	s6 =	sshll.u32 @p0 s4, $0x11  }
0xaa: {  	s5 =	sor.u32 @p0 s6, s5  }
0xab: {  	[sflag:s5] =	ssyncadd.remote.s32 @p0 $0x1;
	_ =	sdelay $0x1  }
0xac: {  	s5 =	simm.s32 @p0 $0x1B8D  }
0xad: {  	_ =	swait.eq @p0 [sflag:s5], $0x1  }
0xae: {  	[sflag:s5] =	ssyncadd.s32 @p0 $0xFFFFFFFF  }
0xaf: {  	s6 =	sshll.u32 @!p0 s1, $0xE  }
0xb0: {  	s6 =	sor.u32 @!p0 $0x4000, s6;
	s5 =	simm.s32 @!p0 $0x1B8D  }
0xb1: {  	s4 =	sshll.u32 @!p0 s4, $0x11;
	s6 =	sadd.s32 @!p0 $0x11B8D, s6;
	_ =	swait.eq @!p0 [sflag:s5], $0x1  }
0xb2: {  	s4 =	sor.u32 @!p0 s4, s6;
	[sflag:s5] =	ssyncadd.s32 @!p0 $0xFFFFFFFF  }
0xb3: {  	s25 =	simm.s32 $0x1B8E;
	s24 =	sld [smem:$0x3FFE];
	[sflag:s4] =	ssyncadd.remote.s32 @!p0 $0x1  }
0xb4: {  	s26 =	simm.s32 $execute0_lowered;
	[smem:$0x3FD2] =	sst s25  }
0xb5: {  	s5 =	sshll.u32 s26, $0x1;
	_ =	strace $0x80000055;
	[dreg:$0x1] =	wrdreg $0xFFFFFFFF  }
0xb6: {  	s28 =	simm.s32 $_size_execute0_lowered;
	s3 =	sadd.s32 s3, s5;
	[dreg:$0x0] =	wrdreg $0x0  }
0xb7: {  	s5 =	sshll.u32 s28, $0x1;
	[dreg:$0x2] =	wrdreg s3  }
0xb8: {  	[dreg:$0x3] =	wrdreg s5  }
0xb9: {  	[dreg:$0x4] =	wrdreg $0xC0  }
0xba: {  	_ =	task [dreg:s22], $0x5FFFF  }
0xbb: {  	[dreg:$0x1] =	wrdreg $0xFFFFFFFF  }
0xbc: {  	[dreg:$0x0] =	wrdreg $0x60  }
0xbd: {  	[dreg:$0x2] =	wrdreg s24  }
0xbe: {  	[dreg:$0x3] =	wrdreg $0xB  }
0xbf: {  	_ =	task.clear_ibuf [dreg:s22], $0x4FFFF;
	_ =	strace $0x90000055  }
0xc0: {  	s29 =	simm.s32 $0xB;
	_ =	strace $0x80000057  }
0xc1: {  	_ =	swait.ge [sflag:s29], $0x1  }
0xc2: {  	[sflag:s29] =	ssyncadd.s32 $0xFFFFFFFF  }
0xc3: {  	_ =	strace $0x90000057  }
0xc4: {  	_ =	sfence  }
0xc5: {  	s30 =	sld [smem:$0x0];
	_ =	sdelay $0x2  }
0xc6: {  	s31 =	sshll.u32 s1, $0xD;
	s1 =	sshrl.u32 s1, $0x2  }
0xc7: {  	s4 =	sand.u32 $0x4000, s31;
	s1 =	sadd.s32 s1, s30  }
0xc8: {  	s0 =	sor.u32 s4, s0;
	s1 =	sshll.u32 s1, $0x11  }
0xc9: {  	s0 =	sor.u32 s1, s0  }
0xca: {  	s0 =	sadd.s32 $0x8F2B, s0  }
0xcb: {  	[sflag:s0] =	ssyncadd.remote.s32 $0x1  }
0xcc: {  	_ =	sfence.sel $0xFFFF  }
0xcd: {  	[dreg:$0x0] =	wrdreg $0xFFFFFFFF;
	(pc) =	sbr.abs _section_cstart, $3  }
0xce: {  	[dreg:$0x1] =	wrdreg $0xFFFFFFFF  }
0xcf: {  	_ =	task.clear_ibuf [dreg:s22], $0x2FFFF;
	_ =	strace $0x9FFFFFFF  }
0xd0: {  	(tm) =	ssettm $0x7FFFFFFF  }
0xd1: {  	_ =	shalt  }
tec
execute0_lowered:
.L_overlay_start_1:
0x0: {  	(tag) =	ssettag $0x1  }
0x1: {  	s5 =	rddreg [dreg:$0x0]  }
0x2: {  	s0 =	rddreg [dreg:$0x1];
	s2 =	simm.s32 $0x0;
	s3 =	srdreg.scid  }
0x3: {  	s1 =	stileid.u32;
	s12 =	simm.s32 $0x100;
	s13 =	simm.s32 $0x4100  }
0x4: {  	s14 =	simm.s32 $0x1;
	s15 =	simm.s32 $0x2;
	s7 =	smul.u32 $0x1400, s1  }
0x5: {  	s16 =	simm.s32 $0x0;
	s6 =	sand.u32 $0x1, s3;
	s9 =	smul.u32 $0x14000, s1  }
0x6: {  	[smem:$0x7FF] =	sst s2;
	s3 =	sadd.s32 $0x19A00, s5;
	s8 =	smul.u32 $0xA00, s6  }
0x7: {  	s4 =	sadd.s32 $0x40C00, s5;
	s29 =	ssub.s32 $0x2, s6;
	s6 =	smul.u32 $0xA000, s6  }
0x8: {  	_ =	strace $0x80000056;
	s9 =	sadd.s32 s9, s5;
	s10 =	sshrl.u32 s29, $0x1  }
0x9: {  	s7 =	sadd.s32 s8, s7;
	s30 =	ssub.s32 s29, s10;
	s31 =	sadd.s32 s6, s9  }
0xa: {  	s10 =	simm.s32 $0x3;
	s7 =	sshrl.u32 s7, $0x3;
	s6 =	sadd.s32 $0x2E7E00, s31  }
0xb: {  	s11 =	sadd.s32 s7, s5;
	s5 =	smax.u32 s30, $0x1;
	s7 =	sadd.s32 $0x427E00, s31  }
0xc: {  	s8 =	sadd.s32 $0x12200, s11;
	s9 =	sadd.s32 $0x14A00, s11;
	s11 =	simm.s32 $0x80  }
.LBB2_1:
0xd: {  	s17 =	sadd.s32 $0x0, s9  }
0xe: {  	[tilespmem:s2], [sflag:$0x3] =	stream.linear.gather [hbm4b:s17+s2], $0x80, $0x38;
	[tilespmem:$0x8100] =	vst v63  }
0xf: {  	_ =	swait.ge [sflag:s10], $0x80  }
0x10: {  	[sflag:s10] =	ssyncset.done $0x0  }
0x11: {  	s31 =	sadd.s32 $0x0, s8;
	[sflag:s10] =	ssyncadd.s32 $0xFFFFFF80  }
0x12: {  	[tilespmem:s11], [sflag:$0x3] =	stream.linear.gather [hbm4b:s31+s2], $0x80, $0x38;
	[tilespmem:$0x8100] =	vst v63  }
0x13: {  	_ =	swait.ge [sflag:s10], $0x80  }
0x14: {  	[sflag:s10] =	ssyncset.done $0x0  }
0x15: {  	[sflag:s10] =	ssyncadd.s32 $0xFFFFFF80  }
0x16: {  	[tilespmem:s12], [sflag:$0x1] =	stream.indirect.gather [hbm4b:s3+s11], $0x80, s2, s11, $0xb8;
	[tilespmem:$0x8100] =	vst v63  }
0x17: {  	_ = 	snop  }
0x18: {  	[tilespmem:s13], [sflag:$0x2] =	stream.indirect.gather [hbm4b:s4+s11], $0x80, s11, s11, $0xb8;
	[tilespmem:$0x8100] =	vst v63  }
0x19: {  	_ =	swait.ge [sflag:s14], $0x4000  }
0x1a: {  	[sflag:s14] =	ssyncset.done $0x0  }
0x1b: {  	[sflag:s14] =	ssyncadd.s32 $0xFFFFC000  }
0x1c: {  	_ =	swait.ge [sflag:s15], $0x4000  }
0x1d: {  	[sflag:s15] =	ssyncset.done $0x0  }
0x1e: {  	[sflag:s15] =	ssyncadd.s32 $0xFFFFC000  }
0x1f: {  	[hbm4b:s6+s2] =	stream.linear.scatter [tilespmem:s12], [sflag:$0x3], $0x4000, $0x38;
	[tilespmem:$0x8100] =	vst v63  }
0x20: {  	_ =	swait.ge [sflag:s10], $0x4000  }
0x21: {  	[sflag:s10] =	ssyncset.done $0x0  }
0x22: {  	[sflag:s10] =	ssyncadd.s32 $0xFFFFC000  }
0x23: {  	[hbm4b:s7+s2] =	stream.linear.scatter [tilespmem:s13], [sflag:$0x3], $0x4000, $0x38;
	[tilespmem:$0x8100] =	vst v63  }
0x24: {  	s19 =	simm.s32 $0x10;
	s20 =	simm.s32 $0x20;
	_ =	swait.ge [sflag:s10], $0x4000  }
0x25: {  	s18 =	sadd.s32 $0x800, s6;
	s17 =	sadd.s32 $0x800, s7;
	[sflag:s10] =	ssyncset.done $0x0  }
.LBB2_2:
0x26: {  	s21 =	sadd.s32 s19, s9  }
0x27: {  	[sflag:s10] =	ssyncadd.s32 $0xFFFFC000;
	s22 =	smov.u32 s20;
	s23 =	sadd.s32 $0x10, s20  }
0x28: {  	[tilespmem:s2], [sflag:$0x3] =	stream.linear.gather [hbm4b:s21+s2], $0x80, $0x38;
	[tilespmem:$0x8100] =	vst v63  }
0x29: {  	p0 =	sne.s32 s20, $0x130;
	_ =	swait.ge [sflag:s10], $0x80  }
0x2a: {  	[sflag:s10] =	ssyncset.done $0x0  }
0x2b: {  	s20 =	sadd.s32 s19, s8;
	s19 =	smov.u32 s22;
	[sflag:s10] =	ssyncadd.s32 $0xFFFFFF80  }
0x2c: {  	[tilespmem:s11], [sflag:$0x3] =	stream.linear.gather [hbm4b:s20+s2], $0x80, $0x38;
	[tilespmem:$0x8100] =	vst v63  }
0x2d: {  	_ =	swait.ge [sflag:s10], $0x80  }
0x2e: {  	[sflag:s10] =	ssyncset.done $0x0  }
0x2f: {  	[sflag:s10] =	ssyncadd.s32 $0xFFFFFF80  }
0x30: {  	[tilespmem:s12], [sflag:$0x1] =	stream.indirect.gather [hbm4b:s3+s11], $0x80, s2, s11, $0xb8;
	[tilespmem:$0x8100] =	vst v63  }
0x31: {  	_ = 	snop  }
0x32: {  	[tilespmem:s13], [sflag:$0x2] =	stream.indirect.gather [hbm4b:s4+s11], $0x80, s11, s11, $0xb8;
	[tilespmem:$0x8100] =	vst v63  }
0x33: {  	_ =	swait.ge [sflag:s14], $0x4000  }
0x34: {  	[sflag:s14] =	ssyncset.done $0x0  }
0x35: {  	[sflag:s14] =	ssyncadd.s32 $0xFFFFC000  }
0x36: {  	_ =	swait.ge [sflag:s15], $0x4000  }
0x37: {  	[sflag:s15] =	ssyncset.done $0x0  }
0x38: {  	[sflag:s15] =	ssyncadd.s32 $0xFFFFC000  }
0x39: {  	[hbm4b:s18+s2] =	stream.linear.scatter [tilespmem:s12], [sflag:$0x3], $0x4000, $0x38;
	[tilespmem:$0x8100] =	vst v63  }
0x3a: {  	_ =	swait.ge [sflag:s10], $0x4000  }
.Ltmp0:
0x3b: {  	[sflag:s10] =	ssyncset.done $0x0;
	(pc) =	sbr.rel @p0 .LBB2_2-.Ltmp0, $4  }
0x3c: {  	[sflag:s10] =	ssyncadd.s32 $0xFFFFC000  }
0x3d: {  	[hbm4b:s17+s2] =	stream.linear.scatter [tilespmem:s13], [sflag:$0x3], $0x4000, $0x38;
	[tilespmem:$0x8100] =	vst v63  }
0x3e: {  	s20 =	smov.u32 s23;
	_ =	swait.ge [sflag:s10], $0x4000  }
0x3f: {  	s18 =	sadd.s32 $0x800, s18;
	s17 =	sadd.s32 $0x800, s17;
	[sflag:s10] =	ssyncset.done $0x0  }
0x40: {  	s20 =	sadd.s32 s19, s9;
	[sflag:s10] =	ssyncadd.s32 $0xFFFFC000  }
0x41: {  	[tilespmem:s2], [sflag:$0x3] =	stream.linear.gather [hbm4b:s20+s2], $0x80, $0x38;
	[tilespmem:$0x8100] =	vst v63  }
0x42: {  	_ =	swait.ge [sflag:s10], $0x80  }
0x43: {  	[sflag:s10] =	ssyncset.done $0x0  }
0x44: {  	s31 =	sadd.s32 s19, s8;
	[sflag:s10] =	ssyncadd.s32 $0xFFFFFF80  }
0x45: {  	[tilespmem:s11], [sflag:$0x3] =	stream.linear.gather [hbm4b:s31+s2], $0x80, $0x38;
	[tilespmem:$0x8100] =	vst v63  }
0x46: {  	_ =	swait.ge [sflag:s10], $0x80  }
0x47: {  	[sflag:s10] =	ssyncset.done $0x0  }
0x48: {  	[sflag:s10] =	ssyncadd.s32 $0xFFFFFF80  }
0x49: {  	[tilespmem:s12], [sflag:$0x1] =	stream.indirect.gather [hbm4b:s3+s11], $0x80, s2, s11, $0xb8;
	[tilespmem:$0x8100] =	vst v63  }
0x4a: {  	_ = 	snop  }
0x4b: {  	[tilespmem:s13], [sflag:$0x2] =	stream.indirect.gather [hbm4b:s4+s11], $0x80, s11, s11, $0xb8;
	[tilespmem:$0x8100] =	vst v63  }
0x4c: {  	_ =	swait.ge [sflag:s14], $0x4000  }
0x4d: {  	[sflag:s14] =	ssyncset.done $0x0  }
0x4e: {  	[sflag:s14] =	ssyncadd.s32 $0xFFFFC000  }
0x4f: {  	_ =	swait.ge [sflag:s15], $0x4000  }
0x50: {  	[sflag:s15] =	ssyncset.done $0x0  }
0x51: {  	[sflag:s15] =	ssyncadd.s32 $0xFFFFC000  }
0x52: {  	[hbm4b:s18+s2] =	stream.linear.scatter [tilespmem:s12], [sflag:$0x3], $0x4000, $0x38;
	[tilespmem:$0x8100] =	vst v63  }
0x53: {  	s16 =	sadd.s32 $0x1, s16;
	_ =	swait.ge [sflag:s10], $0x4000  }
0x54: {  	p0 =	sne.s32 s16, s5;
	[sflag:s10] =	ssyncset.done $0x0  }
.Ltmp1:
0x55: {  	[sflag:s10] =	ssyncadd.s32 $0xFFFFC000;
	(pc) =	sbr.rel @p0 .LBB2_1-.Ltmp1, $4  }
0x56: {  	[hbm4b:s17+s2] =	stream.linear.scatter [tilespmem:s13], [sflag:$0x3], $0x4000, $0x38;
	[tilespmem:$0x8100] =	vst v63  }
0x57: {  	_ =	swait.ge [sflag:s10], $0x4000  }
0x58: {  	[sflag:s10] =	ssyncset.done $0x0  }
0x59: {  	[sflag:s10] =	ssyncadd.s32 $0xFFFFC000  }
0x5a: {  	_ =	sfence.sel $0x180000  }
0x5b: {  	[bflag:$0x0] =	sbarrier.arrive $0xFFFF  }
0x5c: {  	p0 =	sne.s32 s1, $0x0;
	_ =	strace $0x90000056  }
0x5d: {  	s0 =	sadd.s32 @!p0 $0x100000, s0;
	[bflag:$0x2] =	sbarrier.arrive $0xFFFF  }
0x5e: {  	[sflag:s0] =	ssyncadd.tile.s32 @!p0 $0x1;
	_ =	shalt  }
.Lfunc_end2:
_tile_overlayer_lowered:
.L_overlay_start_2:
0x5f: {  	(tag) =	ssettag $0x2  }
0x60: {  	s0 =	rddreg [dreg:$0x0];
	s2 =	stileid.u32  }
0x61: {  	s1 =	rddreg [dreg:$0x1];
	p0 =	sne.s32 s2, $0x0  }
0x62: {  	s3 =	rddreg [dreg:$0x2];
	[bflag:$0x3] =	sbarrier.arrive $0xFFFF;
	s2 =	simm.s32 @!p0 $0x1C03  }
0x63: {  	[timem:s3], [sflag:s2] =	dma.local @!p0 [hbm:s0], s1  }
0x64: {  	s0 =	simm.s32 @!p0 $0x3  }
0x65: {  	_ =	swait.ge @!p0 [sflag:s0], s1  }
0x66: {  	s1 =	ssub.s32 @!p0 $0x0, s1;
	[sflag:s0] =	ssyncset.done @!p0 $0x0  }
0x67: {  	[sflag:s0] =	ssyncadd.s32 @!p0 s1  }
0x68: {  	[bflag:$0x3] =	sbarrier.arrive $0xFFFF  }
0x69: {  	_ =	shalt  }

// kernel: kernel.39.cloned.1.call-start
scs
__scs_entry_jumppad:
0x0: {  	(pc) =	sbr.rel $0x88, $3  }
0x1: {  	(tag) =	ssettag $0x0;
	lr =	simm.s32 $0x1  }
0x2: {  	[smem:$0x3F77] =	sst lr;
	_ =	strace $0xD0000000  }
0x3: {  	_ = 	snop  }
0x4: {  	_ = 	snop  }
0x5: {  	_ = 	snop  }
0x6: {  	_ = 	snop  }
0x7: {  	_ = 	snop  }
__scs_overlays_trampoline_lowered:
0x8: {  	[smem:$0x3F86] =	sst s0  }
0x9: {  	[smem:$0x3F87] =	sst s1  }
0xa: {  	[smem:$0x3F88] =	sst s2  }
0xb: {  	[smem:$0x3F89] =	sst s3  }
0xc: {  	[smem:$0x3F8A] =	sst s4  }
0xd: {  	[smem:$0x3F8B] =	sst s5  }
0xe: {  	[smem:$0x3F8C] =	sst s6  }
0xf: {  	[smem:$0x3F8D] =	sst s7  }
0x10: {  	[smem:$0x3F8E] =	sst s8  }
0x11: {  	[smem:$0x3F8F] =	sst s9;
	s0 =	simm.s32 @!p0 $0x0  }
0x12: {  	s1 =	sld [smem:$0x3F75];
	s0 =	simm.s32 @p0 $0x1  }
0x13: {  	[smem:$0x3F90] =	sst s0;
	s0 =	simm.s32 @!p1 $0x0  }
0x14: {  	s2 =	sld [smem:$0x3F74];
	s0 =	simm.s32 @p1 $0x1  }
0x15: {  	[smem:$0x3F91] =	sst s0;
	s0 =	simm.s32 @!p2 $0x0  }
0x16: {  	s3 =	sld [smem:$0x3FDB];
	s0 =	simm.s32 @p2 $0x1  }
0x17: {  	s4 =	simm.s32 $0x1BF5;
	[smem:$0x3F93] =	sst s0  }
0x18: {  	s0 =	sld [smem:$0x3F76];
	_ =	swait.ge [sflag:s4], $0x0  }
0x19: {  	s7 =	sld [smem:$0x3F77]  }
0x1a: {  	s8 =	sadd.s32 $0xFFFFE003, lr  }
0x1b: {  	s9 =	sadd.s32 $0xFFFFFEF7, lr;
	s5 =	simm.s32 $0xFFFFFFFF;
	p2 =	slt.u32 s8, $0xFFFFF086  }
0x1c: {  	p1 =	slt.u32 s9, $0xF7A;
	s5 =	simm.s32 @!p2 $0x0  }
0x1d: {  	s5 =	simm.s32 @p1 $0x1;
	p0 =	seq.s32 s7, s2  }
0x1e: {  	s7 =	smul.u32 @!p0 $0xF7A, s2;
	p2 =	seq.s32 @!p0 s5, $0x0  }
0x1f: {  	s9 =	smul.u32 $0xF7A, s1;
	s8 =	simm.s32 @!p0 $0x1BF5;
	p2 =	por !p2, p0  }
0x20: {  	[sflag:s8] =	ssyncset.s32 @!p0 $0xFFFFF086;
	s6 =	sadd.s32 @!p0 s3, s7;
	s7 =	simm.s32 @!p0 $0x108  }
0x21: {  	s3 =	sadd.s32 s3, s9;
	s6 =	sadd.s32 @!p0 $0x88, s6;
	s7 =	simm.s32 @p2 $0x1082  }
0x22: {  	[simem:s7], [sflag:s8] =	dma.local @!p0 [hbm:s6], $0xF7A  }
0x23: {  	s9 =	sor.u32 $0xD0000000, s2;
	s6 =	simm.s32 $0x108;
	_ =	swait.ge @!p0 [sflag:s8], $0x0  }
0x24: {  	s3 =	sadd.s32 $0x88, s3;
	s6 =	simm.s32 @!p1 $0x1082;
	[sflag:s4] =	ssyncset.s32 $0xFFFFF086  }
0x25: {  	[simem:s6], [sflag:s4] =	dma.local [hbm:s3], $0xF7A  }
0x26: {  	[smem:$0x3F77] =	sst s1;
	(tag) =	ssettag s2;
	_ =	strace s9  }
0x27: {  	s1 =	sld [smem:$0x3F87]  }
0x28: {  	s2 =	sld [smem:$0x3F88]  }
0x29: {  	s4 =	sld [smem:$0x3F8A]  }
0x2a: {  	p0 =	seq.s32 s5, $0x0;
	s5 =	sld [smem:$0x3F8B]  }
0x2b: {  	s6 =	sld [smem:$0x3F8C]  }
0x2c: {  	s7 =	sld [smem:$0x3F8D]  }
0x2d: {  	s3 =	simm.s32 $0x108;
	s8 =	sld [smem:$0x3F8E]  }
0x2e: {  	s3 =	simm.s32 @!p0 $0x1082;
	s9 =	sld [smem:$0x3F8F]  }
0x2f: {  	lr =	sadd.s32 s0, s3;
	s0 =	sld [smem:$0x3F86]  }
0x30: {  	s3 =	sld [smem:$0x3F89]  }
0x31: {  	[smem:$0x3F92] =	sst s10  }
0x32: {  	s10 =	sld [smem:$0x3F90];
	_ =	sdelay $0x3  }
0x33: {  	p0 =	seq.s32 s10, $0x1;
	s10 =	sld [smem:$0x3F92];
	_ =	sdelay $0x3  }
0x34: {  	[smem:$0x3F92] =	sst s10  }
0x35: {  	s10 =	sld [smem:$0x3F91];
	_ =	sdelay $0x3  }
0x36: {  	p1 =	seq.s32 s10, $0x1;
	s10 =	sld [smem:$0x3F92];
	_ =	sdelay $0x3  }
0x37: {  	[smem:$0x3F92] =	sst s10  }
0x38: {  	s10 =	sld [smem:$0x3F93]  }
0x39: {  	_ = 	snop;
	(pc) =	sbr.ind lr, $3  }
0x3a: {  	_ = 	snop  }
0x3b: {  	_ = 	snop  }
0x3c: {  	p2 =	seq.s32 s10, $0x1;
	s10 =	sld [smem:$0x3F92]  }
0x3d: {  	_ =	shalt  }
0x3e: {  	_ =	shalt  }
0x3f: {  	_ =	shalt  }
0x40: {  	_ =	shalt  }
0x41: {  	_ =	shalt  }
0x42: {  	_ =	shalt  }
0x43: {  	_ =	shalt  }
0x44: {  	_ =	shalt  }
0x45: {  	_ =	shalt  }
0x46: {  	_ =	shalt  }
0x47: {  	_ =	shalt  }
0x48: {  	_ =	shalt  }
0x49: {  	_ =	shalt  }
0x4a: {  	_ =	shalt  }
0x4b: {  	_ =	shalt  }
0x4c: {  	_ =	shalt  }
0x4d: {  	_ =	shalt  }
0x4e: {  	_ =	shalt  }
0x4f: {  	_ =	shalt  }
0x50: {  	_ =	shalt  }
0x51: {  	_ =	shalt  }
0x52: {  	_ =	shalt  }
0x53: {  	_ =	shalt  }
0x54: {  	_ =	shalt  }
0x55: {  	_ =	shalt  }
0x56: {  	_ =	shalt  }
0x57: {  	_ =	shalt  }
0x58: {  	_ =	shalt  }
0x59: {  	_ =	shalt  }
0x5a: {  	_ =	shalt  }
0x5b: {  	_ =	shalt  }
0x5c: {  	_ =	shalt  }
0x5d: {  	_ =	shalt  }
0x5e: {  	_ =	shalt  }
0x5f: {  	_ =	shalt  }
0x60: {  	_ =	shalt  }
0x61: {  	_ =	shalt  }
0x62: {  	_ =	shalt  }
0x63: {  	_ =	shalt  }
0x64: {  	_ =	shalt  }
0x65: {  	_ =	shalt  }
0x66: {  	_ =	shalt  }
0x67: {  	_ =	shalt  }
0x68: {  	_ =	shalt  }
0x69: {  	_ =	shalt  }
0x6a: {  	_ =	shalt  }
0x6b: {  	_ =	shalt  }
0x6c: {  	_ =	shalt  }
0x6d: {  	_ =	shalt  }
0x6e: {  	_ =	shalt  }
0x6f: {  	_ =	shalt  }
0x70: {  	_ =	shalt  }
0x71: {  	_ =	shalt  }
0x72: {  	_ =	shalt  }
0x73: {  	_ =	shalt  }
0x74: {  	_ =	shalt  }
0x75: {  	_ =	shalt  }
0x76: {  	_ =	shalt  }
0x77: {  	_ =	shalt  }
0x78: {  	_ =	shalt  }
0x79: {  	_ =	shalt  }
0x7a: {  	_ =	shalt  }
0x7b: {  	_ =	shalt  }
0x7c: {  	_ =	shalt  }
0x7d: {  	_ =	shalt  }
0x7e: {  	_ =	shalt  }
0x7f: {  	_ =	shalt  }
0x80: {  	_ =	shalt  }
0x81: {  	_ =	shalt  }
0x82: {  	_ =	shalt  }
0x83: {  	_ =	shalt  }
0x84: {  	_ =	shalt  }
0x85: {  	_ =	shalt  }
0x86: {  	_ =	shalt  }
0x87: {  	_ =	shalt  }
.Lfunc_end0:
.L_simem_size_0:
called_computation.7_lowered:
.L_overlay_start_0:
0x88: {  	s2 =	sld [smem:$0x3FD9]  }
0x89: {  	s3 =	sld [smem:$0x3FFE];
	_ =	sdelay $0x1  }
0x8a: {  	s1 =	srdreg.scid  }
0x8b: {  	s0 =	sand.u32 $0x1, s1  }
0x8c: {  	s16 =	sshll.u32 s0, $0xA;
	s2 =	sadd.s32 s3, s2  }
0x8d: {  	s2 =	sadd.s32 s2, s16  }
0x8e: {  	[smem:$0x3F9E] =	sst s2  }
0x8f: {  	_ = 	snop  }
0x90: {  	(tm) =	ssettm $0x1  }
0x91: {  	s17 =	sld [smem:$0x3FFB];
	_ =	sdelay $0x3  }
0x92: {  	_ =	strace s17  }
0x93: {  	s2 =	sld [smem:$0x3FFC];
	_ =	sdelay $0x3  }
0x94: {  	_ =	strace s2  }
0x95: {  	s2 =	sld [smem:$0x3FFD];
	_ =	sdelay $0x3  }
0x96: {  	_ =	strace s2  }
0x97: {  	_ =	strace $0x8FFFFFFF  }
0x98: {  	s18 =	sld [smem:$0x3FDB];
	_ =	sdelay $0x1  }
0x99: {  	s19 =	simm.s32 $_scs_section_size  }
0x9a: {  	s4 =	simm.s32 $_size__tile_overlayer_lowered;
	s5 =	simm.s32 $_tile_overlayer_lowered  }
0x9b: {  	s22 =	simm.s32 $0x1BFF;
	s21 =	sshll.u32 s5, $0x1;
	s2 =	sadd.s32 s19, s18  }
0x9c: {  	s6 =	simm.s32 $0x0;
	s20 =	sshll.u32 s4, $0x1;
	s4 =	sadd.s32 s21, s2  }
0x9d: {  	[timem:s6], [sflag:s22] =	dma.local [hbm:s4], s20  }
0x9e: {  	_ =	swait.ge [sflag:s22], s20  }
0x9f: {  	s3 =	ssub.s32 $0x0, s20;
	[sflag:s22] =	ssyncset.done $0x0  }
0xa0: {  	[sflag:s22] =	ssyncadd.s32 s3;
	_ =	sdelay $0x1  }
0xa1: {  	s23 =	simm.s32 $0x1B8B  }
0xa2: {  	_ =	swait.ge [sflag:s23], $0x1  }
0xa3: {  	[sflag:s23] =	ssyncset.done $0x0  }
0xa4: {  	s25 =	simm.s32 $0x1B8E;
	s24 =	sld [smem:$0x3FFE];
	[sflag:s23] =	ssyncadd.s32 $0xFFFFFFFF  }
0xa5: {  	s26 =	simm.s32 $execute0_lowered;
	[smem:$0x3FD2] =	sst s25  }
0xa6: {  	s4 =	sshll.u32 s26, $0x1;
	_ =	strace $0x80000052;
	[dreg:$0x1] =	wrdreg $0xFFFFFFFF  }
0xa7: {  	s28 =	simm.s32 $_size_execute0_lowered;
	s2 =	sadd.s32 s2, s4;
	[dreg:$0x0] =	wrdreg $0x0  }
0xa8: {  	s4 =	sshll.u32 s28, $0x1;
	[dreg:$0x2] =	wrdreg s2  }
0xa9: {  	[dreg:$0x3] =	wrdreg s4  }
0xaa: {  	[dreg:$0x4] =	wrdreg $0xC0  }
0xab: {  	_ =	task [dreg:s6], $0x5FFFF  }
0xac: {  	[dreg:$0x1] =	wrdreg $0xFFFFFFFF  }
0xad: {  	[dreg:$0x0] =	wrdreg $0x60  }
0xae: {  	[dreg:$0x2] =	wrdreg s24  }
0xaf: {  	[dreg:$0x3] =	wrdreg $0xC  }
0xb0: {  	_ =	task.clear_ibuf [dreg:s6], $0x4FFFF;
	_ =	strace $0x90000052  }
0xb1: {  	s29 =	simm.s32 $0xC;
	_ =	strace $0x80000054  }
0xb2: {  	_ =	swait.ge [sflag:s29], $0x1  }
0xb3: {  	[sflag:s29] =	ssyncadd.s32 $0xFFFFFFFF  }
0xb4: {  	_ =	strace $0x90000054  }
0xb5: {  	_ =	sfence  }
0xb6: {  	s30 =	sld [smem:$0x0];
	_ =	sdelay $0x2  }
0xb7: {  	s31 =	sshll.u32 s1, $0xD;
	s1 =	sshrl.u32 s1, $0x2  }
0xb8: {  	s3 =	sand.u32 $0x4000, s31;
	s1 =	sadd.s32 s1, s30  }
0xb9: {  	s0 =	sor.u32 s3, s0;
	s1 =	sshll.u32 s1, $0x11  }
0xba: {  	s0 =	sor.u32 s1, s0  }
0xbb: {  	s0 =	sadd.s32 $0x8F2B, s0  }
0xbc: {  	[sflag:s0] =	ssyncadd.remote.s32 $0x1  }
0xbd: {  	_ =	sfence.sel $0xFFFF  }
0xbe: {  	[dreg:$0x0] =	wrdreg $0xFFFFFFFF;
	(pc) =	sbr.abs _section_cstart, $3  }
0xbf: {  	[dreg:$0x1] =	wrdreg $0xFFFFFFFF  }
0xc0: {  	_ =	task.clear_ibuf [dreg:s6], $0x2FFFF;
	_ =	strace $0x9FFFFFFF  }
0xc1: {  	(tm) =	ssettm $0x7FFFFFFF  }
tec
execute0_lowered:
.L_overlay_start_1:
0x0: {  	(tag) =	ssettag $0x1  }
0x1: {  	s5 =	rddreg [dreg:$0x0]  }
0x2: {  	s0 =	rddreg [dreg:$0x1];
	s2 =	simm.s32 $0x0;
	s3 =	srdreg.scid  }
0x3: {  	s1 =	stileid.u32;
	s12 =	simm.s32 $0x100;
	s13 =	simm.s32 $0x4100  }
0x4: {  	s14 =	simm.s32 $0x1;
	s15 =	simm.s32 $0x2;
	s7 =	smul.u32 $0x1400, s1  }
0x5: {  	s16 =	simm.s32 $0x0;
	s6 =	sand.u32 $0x1, s3;
	s9 =	smul.u32 $0x14000, s1  }
0x6: {  	[smem:$0x7FF] =	sst s2;
	s3 =	sadd.s32 $0x19A00, s5;
	s8 =	smul.u32 $0xA00, s6  }
0x7: {  	s4 =	sadd.s32 $0x40C00, s5;
	s29 =	ssub.s32 $0x2, s6;
	s6 =	smul.u32 $0xA000, s6  }
0x8: {  	_ =	strace $0x80000053;
	s9 =	sadd.s32 s9, s5;
	s10 =	sshrl.u32 s29, $0x1  }
0x9: {  	s7 =	sadd.s32 s8, s7;
	s30 =	ssub.s32 s29, s10;
	s31 =	sadd.s32 s6, s9  }
0xa: {  	s10 =	simm.s32 $0x3;
	s7 =	sshrl.u32 s7, $0x3;
	s6 =	sadd.s32 $0x67E00, s31  }
0xb: {  	s11 =	sadd.s32 s7, s5;
	s5 =	smax.u32 s30, $0x1;
	s7 =	sadd.s32 $0x1A7E00, s31  }
0xc: {  	s8 =	sadd.s32 $0xD200, s11;
	s9 =	sadd.s32 $0xFA00, s11;
	s11 =	simm.s32 $0x80  }
.LBB2_1:
0xd: {  	s17 =	sadd.s32 $0x0, s9  }
0xe: {  	[tilespmem:s2], [sflag:$0x3] =	stream.linear.gather [hbm4b:s17+s2], $0x80, $0x38;
	[tilespmem:$0x8100] =	vst v63  }
0xf: {  	_ =	swait.ge [sflag:s10], $0x80  }
0x10: {  	[sflag:s10] =	ssyncset.done $0x0  }
0x11: {  	s31 =	sadd.s32 $0x0, s8;
	[sflag:s10] =	ssyncadd.s32 $0xFFFFFF80  }
0x12: {  	[tilespmem:s11], [sflag:$0x3] =	stream.linear.gather [hbm4b:s31+s2], $0x80, $0x38;
	[tilespmem:$0x8100] =	vst v63  }
0x13: {  	_ =	swait.ge [sflag:s10], $0x80  }
0x14: {  	[sflag:s10] =	ssyncset.done $0x0  }
0x15: {  	[sflag:s10] =	ssyncadd.s32 $0xFFFFFF80  }
0x16: {  	[tilespmem:s12], [sflag:$0x1] =	stream.indirect.gather [hbm4b:s3+s11], $0x80, s2, s11, $0xb8;
	[tilespmem:$0x8100] =	vst v63  }
0x17: {  	_ = 	snop  }
0x18: {  	[tilespmem:s13], [sflag:$0x2] =	stream.indirect.gather [hbm4b:s4+s11], $0x80, s11, s11, $0xb8;
	[tilespmem:$0x8100] =	vst v63  }
0x19: {  	_ =	swait.ge [sflag:s14], $0x4000  }
0x1a: {  	[sflag:s14] =	ssyncset.done $0x0  }
0x1b: {  	[sflag:s14] =	ssyncadd.s32 $0xFFFFC000  }
0x1c: {  	_ =	swait.ge [sflag:s15], $0x4000  }
0x1d: {  	[sflag:s15] =	ssyncset.done $0x0  }
0x1e: {  	[sflag:s15] =	ssyncadd.s32 $0xFFFFC000  }
0x1f: {  	[hbm4b:s6+s2] =	stream.linear.scatter [tilespmem:s12], [sflag:$0x3], $0x4000, $0x38;
	[tilespmem:$0x8100] =	vst v63  }
0x20: {  	_ =	swait.ge [sflag:s10], $0x4000  }
0x21: {  	[sflag:s10] =	ssyncset.done $0x0  }
0x22: {  	[sflag:s10] =	ssyncadd.s32 $0xFFFFC000  }
0x23: {  	[hbm4b:s7+s2] =	stream.linear.scatter [tilespmem:s13], [sflag:$0x3], $0x4000, $0x38;
	[tilespmem:$0x8100] =	vst v63  }
0x24: {  	s19 =	simm.s32 $0x10;
	s20 =	simm.s32 $0x20;
	_ =	swait.ge [sflag:s10], $0x4000  }
0x25: {  	s18 =	sadd.s32 $0x800, s6;
	s17 =	sadd.s32 $0x800, s7;
	[sflag:s10] =	ssyncset.done $0x0  }
.LBB2_2:
0x26: {  	s21 =	sadd.s32 s19, s9  }
0x27: {  	[sflag:s10] =	ssyncadd.s32 $0xFFFFC000;
	s22 =	smov.u32 s20;
	s23 =	sadd.s32 $0x10, s20  }
0x28: {  	[tilespmem:s2], [sflag:$0x3] =	stream.linear.gather [hbm4b:s21+s2], $0x80, $0x38;
	[tilespmem:$0x8100] =	vst v63  }
0x29: {  	p0 =	sne.s32 s20, $0x130;
	_ =	swait.ge [sflag:s10], $0x80  }
0x2a: {  	[sflag:s10] =	ssyncset.done $0x0  }
0x2b: {  	s20 =	sadd.s32 s19, s8;
	s19 =	smov.u32 s22;
	[sflag:s10] =	ssyncadd.s32 $0xFFFFFF80  }
0x2c: {  	[tilespmem:s11], [sflag:$0x3] =	stream.linear.gather [hbm4b:s20+s2], $0x80, $0x38;
	[tilespmem:$0x8100] =	vst v63  }
0x2d: {  	_ =	swait.ge [sflag:s10], $0x80  }
0x2e: {  	[sflag:s10] =	ssyncset.done $0x0  }
0x2f: {  	[sflag:s10] =	ssyncadd.s32 $0xFFFFFF80  }
0x30: {  	[tilespmem:s12], [sflag:$0x1] =	stream.indirect.gather [hbm4b:s3+s11], $0x80, s2, s11, $0xb8;
	[tilespmem:$0x8100] =	vst v63  }
0x31: {  	_ = 	snop  }
0x32: {  	[tilespmem:s13], [sflag:$0x2] =	stream.indirect.gather [hbm4b:s4+s11], $0x80, s11, s11, $0xb8;
	[tilespmem:$0x8100] =	vst v63  }
0x33: {  	_ =	swait.ge [sflag:s14], $0x4000  }
0x34: {  	[sflag:s14] =	ssyncset.done $0x0  }
0x35: {  	[sflag:s14] =	ssyncadd.s32 $0xFFFFC000  }
0x36: {  	_ =	swait.ge [sflag:s15], $0x4000  }
0x37: {  	[sflag:s15] =	ssyncset.done $0x0  }
0x38: {  	[sflag:s15] =	ssyncadd.s32 $0xFFFFC000  }
0x39: {  	[hbm4b:s18+s2] =	stream.linear.scatter [tilespmem:s12], [sflag:$0x3], $0x4000, $0x38;
	[tilespmem:$0x8100] =	vst v63  }
0x3a: {  	_ =	swait.ge [sflag:s10], $0x4000  }
.Ltmp0:
0x3b: {  	[sflag:s10] =	ssyncset.done $0x0;
	(pc) =	sbr.rel @p0 .LBB2_2-.Ltmp0, $4  }
0x3c: {  	[sflag:s10] =	ssyncadd.s32 $0xFFFFC000  }
0x3d: {  	[hbm4b:s17+s2] =	stream.linear.scatter [tilespmem:s13], [sflag:$0x3], $0x4000, $0x38;
	[tilespmem:$0x8100] =	vst v63  }
0x3e: {  	s20 =	smov.u32 s23;
	_ =	swait.ge [sflag:s10], $0x4000  }
0x3f: {  	s18 =	sadd.s32 $0x800, s18;
	s17 =	sadd.s32 $0x800, s17;
	[sflag:s10] =	ssyncset.done $0x0  }
0x40: {  	s20 =	sadd.s32 s19, s9;
	[sflag:s10] =	ssyncadd.s32 $0xFFFFC000  }
0x41: {  	[tilespmem:s2], [sflag:$0x3] =	stream.linear.gather [hbm4b:s20+s2], $0x80, $0x38;
	[tilespmem:$0x8100] =	vst v63  }
0x42: {  	_ =	swait.ge [sflag:s10], $0x80  }
0x43: {  	[sflag:s10] =	ssyncset.done $0x0  }
0x44: {  	s31 =	sadd.s32 s19, s8;
	[sflag:s10] =	ssyncadd.s32 $0xFFFFFF80  }
0x45: {  	[tilespmem:s11], [sflag:$0x3] =	stream.linear.gather [hbm4b:s31+s2], $0x80, $0x38;
	[tilespmem:$0x8100] =	vst v63  }
0x46: {  	_ =	swait.ge [sflag:s10], $0x80  }
0x47: {  	[sflag:s10] =	ssyncset.done $0x0  }
0x48: {  	[sflag:s10] =	ssyncadd.s32 $0xFFFFFF80  }
0x49: {  	[tilespmem:s12], [sflag:$0x1] =	stream.indirect.gather [hbm4b:s3+s11], $0x80, s2, s11, $0xb8;
	[tilespmem:$0x8100] =	vst v63  }
0x4a: {  	_ = 	snop  }
0x4b: {  	[tilespmem:s13], [sflag:$0x2] =	stream.indirect.gather [hbm4b:s4+s11], $0x80, s11, s11, $0xb8;
	[tilespmem:$0x8100] =	vst v63  }
0x4c: {  	_ =	swait.ge [sflag:s14], $0x4000  }
0x4d: {  	[sflag:s14] =	ssyncset.done $0x0  }
0x4e: {  	[sflag:s14] =	ssyncadd.s32 $0xFFFFC000  }
0x4f: {  	_ =	swait.ge [sflag:s15], $0x4000  }
0x50: {  	[sflag:s15] =	ssyncset.done $0x0  }
0x51: {  	[sflag:s15] =	ssyncadd.s32 $0xFFFFC000  }
0x52: {  	[hbm4b:s18+s2] =	stream.linear.scatter [tilespmem:s12], [sflag:$0x3], $0x4000, $0x38;
	[tilespmem:$0x8100] =	vst v63  }
0x53: {  	s16 =	sadd.s32 $0x1, s16;
	_ =	swait.ge [sflag:s10], $0x4000  }
0x54: {  	p0 =	sne.s32 s16, s5;
	[sflag:s10] =	ssyncset.done $0x0  }
.Ltmp1:
0x55: {  	[sflag:s10] =	ssyncadd.s32 $0xFFFFC000;
	(pc) =	sbr.rel @p0 .LBB2_1-.Ltmp1, $4  }
0x56: {  	[hbm4b:s17+s2] =	stream.linear.scatter [tilespmem:s13], [sflag:$0x3], $0x4000, $0x38;
	[tilespmem:$0x8100] =	vst v63  }
0x57: {  	_ =	swait.ge [sflag:s10], $0x4000  }
0x58: {  	[sflag:s10] =	ssyncset.done $0x0  }
0x59: {  	[sflag:s10] =	ssyncadd.s32 $0xFFFFC000  }
0x5a: {  	_ =	sfence.sel $0x180000  }
0x5b: {  	[bflag:$0x0] =	sbarrier.arrive $0xFFFF  }
0x5c: {  	p0 =	sne.s32 s1, $0x0;
	_ =	strace $0x90000053  }
0x5d: {  	s0 =	sadd.s32 @!p0 $0x100000, s0;
	[bflag:$0x2] =	sbarrier.arrive $0xFFFF  }
0x5e: {  	[sflag:s0] =	ssyncadd.tile.s32 @!p0 $0x1;
	_ =	shalt  }
.Lfunc_end2:
_tile_overlayer_lowered:
.L_overlay_start_2:
0x5f: {  	(tag) =	ssettag $0x2  }
0x60: {  	s0 =	rddreg [dreg:$0x0];
	s2 =	stileid.u32  }
0x61: {  	s1 =	rddreg [dreg:$0x1];
	p0 =	sne.s32 s2, $0x0  }
0x62: {  	s3 =	rddreg [dreg:$0x2];
	[bflag:$0x3] =	sbarrier.arrive $0xFFFF;
	s2 =	simm.s32 @!p0 $0x1C03  }
0x63: {  	[timem:s3], [sflag:s2] =	dma.local @!p0 [hbm:s0], s1  }
0x64: {  	s0 =	simm.s32 @!p0 $0x3  }
0x65: {  	_ =	swait.ge @!p0 [sflag:s0], s1  }
0x66: {  	s1 =	ssub.s32 @!p0 $0x0, s1;
	[sflag:s0] =	ssyncset.done @!p0 $0x0  }
0x67: {  	[sflag:s0] =	ssyncadd.s32 @!p0 s1  }
0x68: {  	[bflag:$0x3] =	sbarrier.arrive $0xFFFF  }
0x69: {  	_ =	shalt  }

</sc_bundles>
